<compile_context>
chip_gen: v7x
topology: tpu7x:2x2x1
jax: 0.10.2.dev20260603
libtpu: 0.0.44.dev20260713+nightly
codegen_flags: <defaults>
</compile_context>

<pallas_src>
import functools

import jax
import jax.numpy as jnp
from jax import lax
from jax.experimental import pallas as pl
from jax.experimental.pallas import tpu as pltpu
from jax.experimental.pallas import tpu_sc as plsc

_N = 10000
_E = 320000
_B = 256
_D = 128

_NC = 2
_NS = 16
_NW = _NC * _NS

_CHUNK = 80


def _sc_gather(emb, xv):
    n = xv.shape[0]
    chunks = n // _CHUNK
    per_w = -(-chunks // _NW)

    mesh = plsc.VectorSubcoreMesh(core_axis_name="c", subcore_axis_name="s")

    @functools.partial(
        pl.kernel,
        out_type=jax.ShapeDtypeStruct((n + 8, _D), jnp.float32),
        mesh=mesh,
        scratch_types=[
            pltpu.VMEM((_CHUNK,), jnp.int32),
            pltpu.VMEM((_CHUNK, _D), jnp.float32),
            pltpu.SemaphoreType.DMA,
        ],
    )
    def k(emb_hbm, xv_hbm, out_hbm, idx_v, rows_v, sem):
        c = lax.axis_index("c")
        s = lax.axis_index("s")
        wid = s * _NC + c
        for i in range(per_w):
            cid = wid * per_w + i

            @pl.when(cid < chunks)
            def _():
                base = cid * _CHUNK
                pltpu.sync_copy(xv_hbm.at[pl.ds(base, _CHUNK)], idx_v)
                pltpu.async_copy(emb_hbm.at[idx_v], rows_v, sem).wait()
                pltpu.sync_copy(rows_v, out_hbm.at[pl.ds(base, _CHUNK)])

    return k(emb, xv)


def _sc_edges(h, src, dst):
    e = src.shape[0]
    per_w = e // _NW
    n_ch = per_w // _CHUNK
    rch = _N // _CHUNK
    rch_per_tile = -(-rch // _NS)

    mesh = plsc.VectorSubcoreMesh(core_axis_name="c", subcore_axis_name="s")

    @functools.partial(
        pl.kernel,
        out_type=jax.ShapeDtypeStruct((2 * _N, _D), jnp.float32),
        mesh=mesh,
        scratch_types=[
            pltpu.VMEM((_CHUNK,), jnp.int32),
            pltpu.VMEM((_CHUNK,), jnp.int32),
            pltpu.VMEM((_CHUNK,), jnp.int32),
            pltpu.VMEM((_CHUNK,), jnp.int32),
            pltpu.VMEM((_CHUNK, _D), jnp.float32),
            pltpu.VMEM((_CHUNK, _D), jnp.float32),
            pltpu.VMEM((_CHUNK, _D), jnp.float32),
            pltpu.VMEM_SHARED((_N, _D), jnp.float32),
            pltpu.SemaphoreType.DMA,
            pltpu.SemaphoreType.DMA,
        ],
    )
    def k(h_hbm, src_hbm, dst_hbm, out_hbm, isrc0, isrc1, idst0, idst1,
          rows0, rows1, zbuf, agg_sh, sem0, sem1):
        c = lax.axis_index("c")
        s = lax.axis_index("s")
        wid = c * _NS + s

        zero16 = jnp.zeros((16,), jnp.float32)

        def zr(i, carry):
            for j in range(_D // 16):
                zbuf[i, pl.ds(j * 16, 16)] = zero16
            return carry

        lax.fori_loop(0, _CHUNK, zr, 0)
        for i in range(rch_per_tile):
            ch = s + i * _NS

            @pl.when(ch < rch)
            def _():
                pltpu.sync_copy(zbuf, agg_sh.at[pl.ds(ch * _CHUNK, _CHUNK)])
        plsc.subcore_barrier()

        base_e = wid * per_w
        isrc = (isrc0, isrc1)
        idst = (idst0, idst1)
        rows = (rows0, rows1)
        sems = (sem0, sem1)

        pltpu.sync_copy(src_hbm.at[pl.ds(base_e, _CHUNK)], isrc0)
        pltpu.sync_copy(dst_hbm.at[pl.ds(base_e, _CHUNK)], idst0)
        pltpu.async_copy(h_hbm.at[isrc0], rows0, sem0)

        def body(i, carry):
            cur = lax.rem(i, 2)
            for b in range(2):
                @pl.when(cur == b)
                def _():
                    @pl.when(i + 1 < n_ch)
                    def _():
                        off = base_e + (i + 1) * _CHUNK
                        pltpu.sync_copy(src_hbm.at[pl.ds(off, _CHUNK)],
                                        isrc[1 - b])
                        pltpu.sync_copy(dst_hbm.at[pl.ds(off, _CHUNK)],
                                        idst[1 - b])
                        pltpu.async_copy(h_hbm.at[isrc[1 - b]], rows[1 - b],
                                         sems[1 - b])
                    pltpu.make_async_copy(
                        h_hbm.at[isrc[b]], rows[b], sems[b]).wait()
                    pltpu.sync_copy(rows[b], agg_sh.at[idst[b]], add=True)
            return carry

        lax.fori_loop(0, n_ch, body, 0)
        plsc.subcore_barrier()
        for i in range(rch_per_tile):
            ch = s + i * _NS

            @pl.when(ch < rch)
            def _():
                pltpu.sync_copy(
                    agg_sh.at[pl.ds(ch * _CHUNK, _CHUNK)],
                    out_hbm.at[pl.ds(c * _N + ch * _CHUNK, _CHUNK)])

    return k(h, src, dst)


def _tc_layer(aggp, h, Wrel, brel2d, Wroot, pcol, pnrm, off):

    def body(aggp_ref, h_ref, wr_ref, br_ref, wo_ref, p_ref, nrm_ref, off_ref,
             hn_ref, xl_ref):
        a = aggp_ref[...]
        agg = a[:_N] + a[_N:]
        hh = h_ref[...][:_N]
        bf = jnp.bfloat16
        t = (jnp.dot(agg.astype(bf), wr_ref[...].astype(bf),
                     preferred_element_type=jnp.float32)
             + br_ref[...]
             + jnp.dot(hh.astype(bf), wo_ref[...].astype(bf),
                       preferred_element_type=jnp.float32))
        t = jnp.where(t > 0, t, 0.01 * t)
        p = p_ref[...]
        nrm = nrm_ref[...]
        score = jnp.dot(t.astype(bf), p.astype(bf),
                        preferred_element_type=jnp.float32) / (nrm + 1e-16)
        hn = t * jnp.tanh(score)
        hn_ref[:_N, :] = hn
        hn_ref[_N:, :] = jnp.zeros((8, _D), jnp.float32)

        neg = jnp.full((8, _D), -jnp.inf, jnp.float32)
        zero8 = jnp.zeros((8, _D), jnp.float32)

        def seg(g, carry):
            rows_out = []
            for u in range(8):
                b = g * 8 + u
                st = off_ref[b]
                en = off_ref[b + 1]
                nblk = lax.div(en - st + 7, 8)

                def inner(j, mxsm, st=st, en=en):
                    mx, sm = mxsm
                    k0 = st + j * 8
                    rows = hn_ref[pl.ds(k0, 8), :]
                    ridx = k0 + lax.broadcasted_iota(jnp.int32, (8, 1), 0)
                    m = ridx < en
                    mx = jnp.maximum(mx, jnp.where(m, rows, -jnp.inf))
                    sm = sm + jnp.where(m, rows, 0.0)
                    return mx, sm

                mx, sm = lax.fori_loop(0, nblk, inner, (neg, zero8))
                mx1 = jnp.max(mx, axis=0, keepdims=True)
                sm1 = jnp.sum(sm, axis=0, keepdims=True)
                cnt = (en - st).astype(jnp.float32)
                rows_out.append(jnp.concatenate(
                    [jnp.where(cnt > 0, mx1, 0.0),
                     sm1 / jnp.maximum(cnt, 1.0)], axis=1))
            block = jnp.concatenate(rows_out, axis=0)
            xl_ref[pl.ds(pl.multiple_of(g * 8, 8), 8), :] = block
            return carry

        lax.fori_loop(0, _B // 8, seg, 0)

    vm = pl.BlockSpec(memory_space=pltpu.VMEM)
    return pl.pallas_call(
        body,
        in_specs=[vm, vm, vm, vm, vm, vm, vm,
                  pl.BlockSpec(memory_space=pltpu.SMEM)],
        out_specs=(vm, vm),
        out_shape=(jax.ShapeDtypeStruct((_N + 8, _D), jnp.float32),
                   jax.ShapeDtypeStruct((_B, 2 * _D), jnp.float32)),
    )(aggp, h, Wrel, brel2d, Wroot, pcol, pnrm, off)


def _tc_mlp(x1, x2, x3, Wl1, bl1, g1, be1, Wl2, bl2, g2, be2, Wl3, bl3):
    def body(x1r, x2r, x3r, w1r, b1r, g1r, e1r, w2r, b2r, g2r, e2r, w3r, b3r,
             out_ref):
        bf = jnp.bfloat16
        z = x1r[...] + x2r[...] + x3r[...]
        z = jnp.dot(z.astype(bf), w1r[...].astype(bf),
                    preferred_element_type=jnp.float32) + b1r[...]
        z = jnp.where(z > 0, z, 0.01 * z)
        mu = jnp.mean(z, axis=0, keepdims=True)
        d = z - mu
        var = jnp.mean(d * d, axis=0, keepdims=True)
        z = d / jnp.sqrt(var + 1e-5) * g1r[...] + e1r[...]
        z = jnp.dot(z.astype(bf), w2r[...].astype(bf),
                    preferred_element_type=jnp.float32) + b2r[...]
        z = jnp.where(z > 0, z, 0.01 * z)
        mu = jnp.mean(z, axis=0, keepdims=True)
        d = z - mu
        var = jnp.mean(d * d, axis=0, keepdims=True)
        z = d / jnp.sqrt(var + 1e-5) * g2r[...] + e2r[...]
        z = jnp.dot(z.astype(bf), w3r[...].astype(bf),
                    preferred_element_type=jnp.float32) + b3r[...]
        out_ref[...] = z

    vm = pl.BlockSpec(memory_space=pltpu.VMEM)
    return pl.pallas_call(
        body,
        in_specs=[vm] * 13,
        out_specs=vm,
        out_shape=jax.ShapeDtypeStruct((_B, 1), jnp.float32),
    )(x1, x2, x3, Wl1, bl1, g1, be1, Wl2, bl2, g2, be2, Wl3, bl3)


def kernel(x, edge_index, batch, emb, Wrel1, brel1, Wroot1, p1, Wrel2, brel2,
           Wroot2, p2, Wrel3, brel3, Wroot3, p3, Wl1, bl1, g1, be1, Wl2, bl2,
           g2, be2, Wl3, bl3):
    xv = x[:, 0]
    src = edge_index[0]
    dst = edge_index[1]
    perm = jnp.argsort(dst, stable=True)
    src_s = src[perm]
    dst_s = dst[perm]
    off = jnp.searchsorted(
        batch, jnp.arange(_B + 1, dtype=jnp.int32), side="left"
    ).astype(jnp.int32)

    h = _sc_gather(emb, xv)

    xls = []
    for Wrel, brel, Wroot, p in ((Wrel1, brel1, Wroot1, p1),
                                 (Wrel2, brel2, Wroot2, p2),
                                 (Wrel3, brel3, Wroot3, p3)):
        aggp = _sc_edges(h, src_s, dst_s)
        pnrm = jnp.linalg.norm(p).reshape(1, 1)
        h, xl = _tc_layer(aggp, h, Wrel, brel.reshape(1, _D), Wroot,
                          p.reshape(_D, 1), pnrm, off)
        xls.append(xl)

    z = _tc_mlp(xls[0], xls[1], xls[2],
                Wl1, bl1.reshape(1, -1), g1.reshape(1, -1), be1.reshape(1, -1),
                Wl2, bl2.reshape(1, -1), g2.reshape(1, -1), be2.reshape(1, -1),
                Wl3, bl3.reshape(1, -1))
    return z[:, 0]

# --- scband reference (transcript-rebuilt; emitter-appended) ---
"""Pipeline reference for scband-sweet-net-8022998909110 (READ-ONLY COPY).

The authoritative reference and input builder live on the scoring server;
editing this copy changes nothing except your own understanding.
"""

import jax, jax.numpy as jnp
import numpy as np

N = 10000
E = 320000
B = 256
LIB = 1000
D = 128


def setup_inputs(seed: int = 0) -> dict:
    key = jax.random.key(seed)
    ks = jax.random.split(key, 32)
    inp = {}
    inp['x'] = jax.random.randint(ks[0], (N, 1), 0, LIB + 1, dtype=jnp.int32)
    inp['edge_index'] = jax.random.randint(ks[1], (2, E), 0, N, dtype=jnp.int32)
    inp['batch'] = jnp.sort(jax.random.randint(ks[2], (N,), 0, B, dtype=jnp.int32))
    inp['emb'] = jax.random.normal(ks[3], (LIB + 1, D), dtype=jnp.float32) * 0.05

    def lin(k, i, o):
        return jax.random.normal(k, (i, o), dtype=jnp.float32) * (1.0 / np.sqrt(i))

    inp['Wrel1'] = lin(ks[4], D, D)
    inp['brel1'] = jnp.zeros((D,), jnp.float32)
    inp['Wroot1'] = lin(ks[5], D, D)
    inp['p1'] = jax.random.normal(ks[6], (D,), jnp.float32)
    inp['Wrel2'] = lin(ks[7], D, D)
    inp['brel2'] = jnp.zeros((D,), jnp.float32)
    inp['Wroot2'] = lin(ks[8], D, D)
    inp['p2'] = jax.random.normal(ks[9], (D,), jnp.float32)
    inp['Wrel3'] = lin(ks[10], D, D)
    inp['brel3'] = jnp.zeros((D,), jnp.float32)
    inp['Wroot3'] = lin(ks[11], D, D)
    inp['p3'] = jax.random.normal(ks[12], (D,), jnp.float32)
    inp['Wl1'] = lin(ks[13], 2 * D, 1024)
    inp['bl1'] = jnp.zeros((1024,), jnp.float32)
    inp['g1'] = jnp.ones((1024,), jnp.float32)
    inp['be1'] = jnp.zeros((1024,), jnp.float32)
    inp['Wl2'] = lin(ks[14], 1024, 64)
    inp['bl2'] = jnp.zeros((64,), jnp.float32)
    inp['g2'] = jnp.ones((64,), jnp.float32)
    inp['be2'] = jnp.zeros((64,), jnp.float32)
    inp['Wl3'] = lin(ks[15], 64, 1)
    inp['bl3'] = jnp.zeros((1,), jnp.float32)
    return inp


def _graph_conv(h, src, dst, Wrel, brel, Wroot):
    agg = jax.ops.segment_sum(h[src], dst, num_segments=h.shape[0])
    return agg @ Wrel + brel + h @ Wroot


def _gate(h, p):
    score = h @ p / (jnp.linalg.norm(p) + 1e-16)
    return h * jnp.tanh(score)[:, None]


def _gmp(h, batch):
    m = jax.ops.segment_max(h, batch, num_segments=B)
    return jnp.where(jnp.isfinite(m), m, 0.0)


def _gap(h, batch):
    s = jax.ops.segment_sum(h, batch, num_segments=B)
    c = jax.ops.segment_sum(jnp.ones((h.shape[0], 1), jnp.float32), batch, num_segments=B)
    return s / jnp.maximum(c, 1.0)


def _bn(h, g, b):
    mu = jnp.mean(h, axis=0)
    var = jnp.var(h, axis=0)
    return (h - mu) / jnp.sqrt(var + 1e-5) * g + b


def _lrelu(h):
    return jax.nn.leaky_relu(h, 0.01)


def reference(x, edge_index, batch, emb, Wrel1, brel1, Wroot1, p1, Wrel2, brel2, Wroot2, p2, Wrel3, brel3, Wroot3, p3, Wl1, bl1, g1, be1, Wl2, bl2, g2, be2, Wl3, bl3):
    src, dst = edge_index[0], edge_index[1]
    h = emb[x[:, 0]]
    h = _lrelu(_graph_conv(h, src, dst, Wrel1, brel1, Wroot1))
    h = _gate(h, p1)
    x1 = jnp.concatenate([_gmp(h, batch), _gap(h, batch)], axis=1)
    h = _lrelu(_graph_conv(h, src, dst, Wrel2, brel2, Wroot2))
    h = _gate(h, p2)
    x2 = jnp.concatenate([_gmp(h, batch), _gap(h, batch)], axis=1)
    h = _lrelu(_graph_conv(h, src, dst, Wrel3, brel3, Wroot3))
    h = _gate(h, p3)
    x3 = jnp.concatenate([_gmp(h, batch), _gap(h, batch)], axis=1)
    z = x1 + x2 + x3
    z = z @ Wl1 + bl1
    z = _bn(_lrelu(z), g1, be1)
    z = z @ Wl2 + bl2
    z = _bn(_lrelu(z), g2, be2)
    z = z @ Wl3 + bl3
    return z[:, 0]

if __name__ == "__main__":
    import jax
    _d = setup_inputs()
    print(jax.jit(kernel)(*tuple(_d.values())))

</pallas_src>

<mosaic_0001>
#map = affine_map<(d0, d1) -> (0, 0)>
#map1 = affine_map<(d0, d1) -> (0)>
module attributes {stable_mosaic.version = 14 : i64} {
  func.func @k(%arg0: i32, %arg1: i32, %arg2: memref<10008x128xf32, #tpu.memory_space<hbm>>, %arg3: memref<320000xi32, #tpu.memory_space<hbm>>, %arg4: memref<320000xi32, #tpu.memory_space<hbm>>, %arg5: memref<20000x128xf32, #tpu.memory_space<hbm>>, %arg6: memref<80xi32, #tpu.memory_space<vmem>>, %arg7: memref<80xi32, #tpu.memory_space<vmem>>, %arg8: memref<80xi32, #tpu.memory_space<vmem>>, %arg9: memref<80xi32, #tpu.memory_space<vmem>>, %arg10: memref<80x128xf32, #tpu.memory_space<vmem>>, %arg11: memref<80x128xf32, #tpu.memory_space<vmem>>, %arg12: memref<80x128xf32, #tpu.memory_space<vmem>>, %arg13: memref<10000x128xf32, #tpu.memory_space<vmem_shared>>, %arg14: memref<!tpu.dma_semaphore, #tpu.memory_space<semaphore_mem>>, %arg15: memref<!tpu.dma_semaphore, #tpu.memory_space<semaphore_mem>>) attributes {dimension_semantics = [#tpu.dimension_semantics<core_parallel>, #tpu.dimension_semantics<subcore_parallel>], iteration_bounds = array<i64: 2, 16>, scalar_prefetch = 0 : i64, scratch_operands = 10 : i64, tpu.core_type = #tpu.core_type<sc_vector_subcore>, window_params = [{transform_indices = #map}, {transform_indices = #map1}, {transform_indices = #map1}, {transform_indices = #map}]} {
    %mul3A = arith.constant 16 : i32
    %mul3A_0 = arith.muli %arg0, %mul3A : i32
    %add3A = arith.addi %mul3A_0, %arg1 : i32
    %broadcast_in_dim3A = arith.constant 0.000000e+00 : f32
    %broadcast_in_dim3A_1 = vector.broadcast %broadcast_in_dim3A : f32 to vector<16xf32>
    %scan3A = arith.constant 0 : i32
    %scan3A_2 = arith.constant 0 : i32
    %scan3A_3 = arith.constant 80 : i32
    %scan3A_4 = arith.addi %scan3A_2, %scan3A_3 : i32
    %scan3A_5 = arith.constant 1 : i32
    scf.for %scan3A_127 = %scan3A_2 to %scan3A_4 step %scan3A_5  : i32 {
      %swap3A = arith.index_cast %scan3A_127 : i32 to index
      %swap3A_128 = arith.constant 0 : index
      %swap3A_129 = tpu.vector_load %arg12[%swap3A, %swap3A_128] {strides = array<i32>} : memref<80x128xf32, #tpu.memory_space<vmem>>, vector<1x16xf32>,
      %swap3A_130 = vector.shape_cast %swap3A_129 : vector<1x16xf32> to vector<16xf32>
      %swap3A_131 = vector.shape_cast %broadcast_in_dim3A_1 : vector<16xf32> to vector<1x16xf32>
      tpu.vector_store %arg12[%swap3A, %swap3A_128], %swap3A_131 {strides = array<i32>} : memref<80x128xf32, #tpu.memory_space<vmem>>, vector<1x16xf32>,
      %swap3A_132 = arith.index_cast %scan3A_127 : i32 to index
      %swap3A_133 = arith.constant 16 : index
      %swap3A_134 = tpu.vector_load %arg12[%swap3A_132, %swap3A_133] {strides = array<i32>} : memref<80x128xf32, #tpu.memory_space<vmem>>, vector<1x16xf32>,
      %swap3A_135 = vector.shape_cast %swap3A_134 : vector<1x16xf32> to vector<16xf32>
      %swap3A_136 = vector.shape_cast %broadcast_in_dim3A_1 : vector<16xf32> to vector<1x16xf32>
      tpu.vector_store %arg12[%swap3A_132, %swap3A_133], %swap3A_136 {strides = array<i32>} : memref<80x128xf32, #tpu.memory_space<vmem>>, vector<1x16xf32>,
      %swap3A_137 = arith.index_cast %scan3A_127 : i32 to index
      %swap3A_138 = arith.constant 32 : index
      %swap3A_139 = tpu.vector_load %arg12[%swap3A_137, %swap3A_138] {strides = array<i32>} : memref<80x128xf32, #tpu.memory_space<vmem>>, vector<1x16xf32>,
      %swap3A_140 = vector.shape_cast %swap3A_139 : vector<1x16xf32> to vector<16xf32>
      %swap3A_141 = vector.shape_cast %broadcast_in_dim3A_1 : vector<16xf32> to vector<1x16xf32>
      tpu.vector_store %arg12[%swap3A_137, %swap3A_138], %swap3A_141 {strides = array<i32>} : memref<80x128xf32, #tpu.memory_space<vmem>>, vector<1x16xf32>,
      %swap3A_142 = arith.index_cast %scan3A_127 : i32 to index
      %swap3A_143 = arith.constant 48 : index
      %swap3A_144 = tpu.vector_load %arg12[%swap3A_142, %swap3A_143] {strides = array<i32>} : memref<80x128xf32, #tpu.memory_space<vmem>>, vector<1x16xf32>,
      %swap3A_145 = vector.shape_cast %swap3A_144 : vector<1x16xf32> to vector<16xf32>
      %swap3A_146 = vector.shape_cast %broadcast_in_dim3A_1 : vector<16xf32> to vector<1x16xf32>
      tpu.vector_store %arg12[%swap3A_142, %swap3A_143], %swap3A_146 {strides = array<i32>} : memref<80x128xf32, #tpu.memory_space<vmem>>, vector<1x16xf32>,
      %swap3A_147 = arith.index_cast %scan3A_127 : i32 to index
      %swap3A_148 = arith.constant 64 : index
      %swap3A_149 = tpu.vector_load %arg12[%swap3A_147, %swap3A_148] {strides = array<i32>} : memref<80x128xf32, #tpu.memory_space<vmem>>, vector<1x16xf32>,
      %swap3A_150 = vector.shape_cast %swap3A_149 : vector<1x16xf32> to vector<16xf32>
      %swap3A_151 = vector.shape_cast %broadcast_in_dim3A_1 : vector<16xf32> to vector<1x16xf32>
      tpu.vector_store %arg12[%swap3A_147, %swap3A_148], %swap3A_151 {strides = array<i32>} : memref<80x128xf32, #tpu.memory_space<vmem>>, vector<1x16xf32>,
      %swap3A_152 = arith.index_cast %scan3A_127 : i32 to index
      %swap3A_153 = arith.constant 80 : index
      %swap3A_154 = tpu.vector_load %arg12[%swap3A_152, %swap3A_153] {strides = array<i32>} : memref<80x128xf32, #tpu.memory_space<vmem>>, vector<1x16xf32>,
      %swap3A_155 = vector.shape_cast %swap3A_154 : vector<1x16xf32> to vector<16xf32>
      %swap3A_156 = vector.shape_cast %broadcast_in_dim3A_1 : vector<16xf32> to vector<1x16xf32>
      tpu.vector_store %arg12[%swap3A_152, %swap3A_153], %swap3A_156 {strides = array<i32>} : memref<80x128xf32, #tpu.memory_space<vmem>>, vector<1x16xf32>,
      %swap3A_157 = arith.index_cast %scan3A_127 : i32 to index
      %swap3A_158 = arith.constant 96 : index
      %swap3A_159 = tpu.vector_load %arg12[%swap3A_157, %swap3A_158] {strides = array<i32>} : memref<80x128xf32, #tpu.memory_space<vmem>>, vector<1x16xf32>,
      %swap3A_160 = vector.shape_cast %swap3A_159 : vector<1x16xf32> to vector<16xf32>
      %swap3A_161 = vector.shape_cast %broadcast_in_dim3A_1 : vector<16xf32> to vector<1x16xf32>
      tpu.vector_store %arg12[%swap3A_157, %swap3A_158], %swap3A_161 {strides = array<i32>} : memref<80x128xf32, #tpu.memory_space<vmem>>, vector<1x16xf32>,
      %swap3A_162 = arith.index_cast %scan3A_127 : i32 to index
      %swap3A_163 = arith.constant 112 : index
      %swap3A_164 = tpu.vector_load %arg12[%swap3A_162, %swap3A_163] {strides = array<i32>} : memref<80x128xf32, #tpu.memory_space<vmem>>, vector<1x16xf32>,
      %swap3A_165 = vector.shape_cast %swap3A_164 : vector<1x16xf32> to vector<16xf32>
      %swap3A_166 = vector.shape_cast %broadcast_in_dim3A_1 : vector<16xf32> to vector<1x16xf32>
      tpu.vector_store %arg12[%swap3A_162, %swap3A_163], %swap3A_166 {strides = array<i32>} : memref<80x128xf32, #tpu.memory_space<vmem>>, vector<1x16xf32>,
    }
    %scan3A_6 = arith.constant 80 : i32
    %add3A_7 = arith.constant 0 : i32
    %add3A_8 = arith.addi %arg1, %add3A_7 : i32
    %lt3A = arith.constant 125 : i32
    %lt3A_9 = arith.cmpi slt, %add3A_8, %lt3A : i32
    %convert_element_type3A = arith.extui %lt3A_9 : i1 to i32
    %cond3A = arith.constant 0 : i32
    %cond3A_10 = arith.cmpi ne, %convert_element_type3A, %cond3A : i32
    scf.if %cond3A_10 {
      %mul3A_127 = arith.constant 80 : i32
      %mul3A_128 = arith.muli %add3A_8, %mul3A_127 : i32
      "tpu.region"() ({
        %run_scoped3A = tpu.sem_alloc : memref<!tpu.dma_semaphore, #tpu.memory_space<semaphore_mem>>
        %dma_start3A_129 = arith.constant 0 : i32
        %dma_start3A_130 = tpu.memref_slice %arg13[%mul3A_128, %dma_start3A_129] : memref<10000x128xf32, #tpu.memory_space<vmem_shared>> -> memref<80x128xf32, #tpu.memory_space<vmem_shared>>
        %dma_start3A_131 = arith.constant 0 : i32
        %dma_start3A_132 = tpu.memref_slice %arg13[%mul3A_128, %dma_start3A_131] : memref<10000x128xf32, #tpu.memory_space<vmem_shared>> -> memref<80x128xf32, #tpu.memory_space<vmem_shared>>
        tpu.enqueue_dma source(%arg12 : memref<80x128xf32, #tpu.memory_space<vmem>>) target(%dma_start3A_132 : memref<80x128xf32, #tpu.memory_space<vmem_shared>>) target_semaphore(%run_scoped3A : memref<!tpu.dma_semaphore, #tpu.memory_space<semaphore_mem>>)
        %dma_wait3A = arith.constant 0 : i32
        %dma_wait3A_133 = tpu.memref_slice %arg13[%mul3A_128, %dma_wait3A] : memref<10000x128xf32, #tpu.memory_space<vmem_shared>> -> memref<80x128xf32, #tpu.memory_space<vmem_shared>>
        %dma_wait3A_134 = arith.constant 0 : i32
        %dma_wait3A_135 = tpu.memref_slice %arg13[%mul3A_128, %dma_wait3A_134] : memref<10000x128xf32, #tpu.memory_space<vmem_shared>> -> memref<80x128xf32, #tpu.memory_space<vmem_shared>>
        tpu.wait_dma2 semaphore(%run_scoped3A : memref<!tpu.dma_semaphore, #tpu.memory_space<semaphore_mem>>) src(%arg12 : memref<80x128xf32, #tpu.memory_space<vmem>>) dst(%dma_wait3A_135 : memref<80x128xf32, #tpu.memory_space<vmem_shared>>)
        tpu.yield
      }) : () -> ()
    } else {
    }
    %add3A_11 = arith.constant 16 : i32
    %add3A_12 = arith.addi %arg1, %add3A_11 : i32
    %lt3A_13 = arith.constant 125 : i32
    %lt3A_14 = arith.cmpi slt, %add3A_12, %lt3A_13 : i32
    %convert_element_type3A_15 = arith.extui %lt3A_14 : i1 to i32
    %cond3A_16 = arith.constant 0 : i32
    %cond3A_17 = arith.cmpi ne, %convert_element_type3A_15, %cond3A_16 : i32
    scf.if %cond3A_17 {
      %mul3A_127 = arith.constant 80 : i32
      %mul3A_128 = arith.muli %add3A_12, %mul3A_127 : i32
      "tpu.region"() ({
        %run_scoped3A = tpu.sem_alloc : memref<!tpu.dma_semaphore, #tpu.memory_space<semaphore_mem>>
        %dma_start3A_129 = arith.constant 0 : i32
        %dma_start3A_130 = tpu.memref_slice %arg13[%mul3A_128, %dma_start3A_129] : memref<10000x128xf32, #tpu.memory_space<vmem_shared>> -> memref<80x128xf32, #tpu.memory_space<vmem_shared>>
        %dma_start3A_131 = arith.constant 0 : i32
        %dma_start3A_132 = tpu.memref_slice %arg13[%mul3A_128, %dma_start3A_131] : memref<10000x128xf32, #tpu.memory_space<vmem_shared>> -> memref<80x128xf32, #tpu.memory_space<vmem_shared>>
        tpu.enqueue_dma source(%arg12 : memref<80x128xf32, #tpu.memory_space<vmem>>) target(%dma_start3A_132 : memref<80x128xf32, #tpu.memory_space<vmem_shared>>) target_semaphore(%run_scoped3A : memref<!tpu.dma_semaphore, #tpu.memory_space<semaphore_mem>>)
        %dma_wait3A = arith.constant 0 : i32
        %dma_wait3A_133 = tpu.memref_slice %arg13[%mul3A_128, %dma_wait3A] : memref<10000x128xf32, #tpu.memory_space<vmem_shared>> -> memref<80x128xf32, #tpu.memory_space<vmem_shared>>
        %dma_wait3A_134 = arith.constant 0 : i32
        %dma_wait3A_135 = tpu.memref_slice %arg13[%mul3A_128, %dma_wait3A_134] : memref<10000x128xf32, #tpu.memory_space<vmem_shared>> -> memref<80x128xf32, #tpu.memory_space<vmem_shared>>
        tpu.wait_dma2 semaphore(%run_scoped3A : memref<!tpu.dma_semaphore, #tpu.memory_space<semaphore_mem>>) src(%arg12 : memref<80x128xf32, #tpu.memory_space<vmem>>) dst(%dma_wait3A_135 : memref<80x128xf32, #tpu.memory_space<vmem_shared>>)
        tpu.yield
      }) : () -> ()
    } else {
    }
    %add3A_18 = arith.constant 32 : i32
    %add3A_19 = arith.addi %arg1, %add3A_18 : i32
    %lt3A_20 = arith.constant 125 : i32
    %lt3A_21 = arith.cmpi slt, %add3A_19, %lt3A_20 : i32
    %convert_element_type3A_22 = arith.extui %lt3A_21 : i1 to i32
    %cond3A_23 = arith.constant 0 : i32
    %cond3A_24 = arith.cmpi ne, %convert_element_type3A_22, %cond3A_23 : i32
    scf.if %cond3A_24 {
      %mul3A_127 = arith.constant 80 : i32
      %mul3A_128 = arith.muli %add3A_19, %mul3A_127 : i32
      "tpu.region"() ({
        %run_scoped3A = tpu.sem_alloc : memref<!tpu.dma_semaphore, #tpu.memory_space<semaphore_mem>>
        %dma_start3A_129 = arith.constant 0 : i32
        %dma_start3A_130 = tpu.memref_slice %arg13[%mul3A_128, %dma_start3A_129] : memref<10000x128xf32, #tpu.memory_space<vmem_shared>> -> memref<80x128xf32, #tpu.memory_space<vmem_shared>>
        %dma_start3A_131 = arith.constant 0 : i32
        %dma_start3A_132 = tpu.memref_slice %arg13[%mul3A_128, %dma_start3A_131] : memref<10000x128xf32, #tpu.memory_space<vmem_shared>> -> memref<80x128xf32, #tpu.memory_space<vmem_shared>>
        tpu.enqueue_dma source(%arg12 : memref<80x128xf32, #tpu.memory_space<vmem>>) target(%dma_start3A_132 : memref<80x128xf32, #tpu.memory_space<vmem_shared>>) target_semaphore(%run_scoped3A : memref<!tpu.dma_semaphore, #tpu.memory_space<semaphore_mem>>)
        %dma_wait3A = arith.constant 0 : i32
        %dma_wait3A_133 = tpu.memref_slice %arg13[%mul3A_128, %dma_wait3A] : memref<10000x128xf32, #tpu.memory_space<vmem_shared>> -> memref<80x128xf32, #tpu.memory_space<vmem_shared>>
        %dma_wait3A_134 = arith.constant 0 : i32
        %dma_wait3A_135 = tpu.memref_slice %arg13[%mul3A_128, %dma_wait3A_134] : memref<10000x128xf32, #tpu.memory_space<vmem_shared>> -> memref<80x128xf32, #tpu.memory_space<vmem_shared>>
        tpu.wait_dma2 semaphore(%run_scoped3A : memref<!tpu.dma_semaphore, #tpu.memory_space<semaphore_mem>>) src(%arg12 : memref<80x128xf32, #tpu.memory_space<vmem>>) dst(%dma_wait3A_135 : memref<80x128xf32, #tpu.memory_space<vmem_shared>>)
        tpu.yield
      }) : () -> ()
    } else {
    }
    %add3A_25 = arith.constant 48 : i32
    %add3A_26 = arith.addi %arg1, %add3A_25 : i32
    %lt3A_27 = arith.constant 125 : i32
    %lt3A_28 = arith.cmpi slt, %add3A_26, %lt3A_27 : i32
    %convert_element_type3A_29 = arith.extui %lt3A_28 : i1 to i32
    %cond3A_30 = arith.constant 0 : i32
    %cond3A_31 = arith.cmpi ne, %convert_element_type3A_29, %cond3A_30 : i32
    scf.if %cond3A_31 {
      %mul3A_127 = arith.constant 80 : i32
      %mul3A_128 = arith.muli %add3A_26, %mul3A_127 : i32
      "tpu.region"() ({
        %run_scoped3A = tpu.sem_alloc : memref<!tpu.dma_semaphore, #tpu.memory_space<semaphore_mem>>
        %dma_start3A_129 = arith.constant 0 : i32
        %dma_start3A_130 = tpu.memref_slice %arg13[%mul3A_128, %dma_start3A_129] : memref<10000x128xf32, #tpu.memory_space<vmem_shared>> -> memref<80x128xf32, #tpu.memory_space<vmem_shared>>
        %dma_start3A_131 = arith.constant 0 : i32
        %dma_start3A_132 = tpu.memref_slice %arg13[%mul3A_128, %dma_start3A_131] : memref<10000x128xf32, #tpu.memory_space<vmem_shared>> -> memref<80x128xf32, #tpu.memory_space<vmem_shared>>
        tpu.enqueue_dma source(%arg12 : memref<80x128xf32, #tpu.memory_space<vmem>>) target(%dma_start3A_132 : memref<80x128xf32, #tpu.memory_space<vmem_shared>>) target_semaphore(%run_scoped3A : memref<!tpu.dma_semaphore, #tpu.memory_space<semaphore_mem>>)
        %dma_wait3A = arith.constant 0 : i32
        %dma_wait3A_133 = tpu.memref_slice %arg13[%mul3A_128, %dma_wait3A] : memref<10000x128xf32, #tpu.memory_space<vmem_shared>> -> memref<80x128xf32, #tpu.memory_space<vmem_shared>>
        %dma_wait3A_134 = arith.constant 0 : i32
        %dma_wait3A_135 = tpu.memref_slice %arg13[%mul3A_128, %dma_wait3A_134] : memref<10000x128xf32, #tpu.memory_space<vmem_shared>> -> memref<80x128xf32, #tpu.memory_space<vmem_shared>>
        tpu.wait_dma2 semaphore(%run_scoped3A : memref<!tpu.dma_semaphore, #tpu.memory_space<semaphore_mem>>) src(%arg12 : memref<80x128xf32, #tpu.memory_space<vmem>>) dst(%dma_wait3A_135 : memref<80x128xf32, #tpu.memory_space<vmem_shared>>)
        tpu.yield
      }) : () -> ()
    } else {
    }
    %add3A_32 = arith.constant 64 : i32
    %add3A_33 = arith.addi %arg1, %add3A_32 : i32
    %lt3A_34 = arith.constant 125 : i32
    %lt3A_35 = arith.cmpi slt, %add3A_33, %lt3A_34 : i32
    %convert_element_type3A_36 = arith.extui %lt3A_35 : i1 to i32
    %cond3A_37 = arith.constant 0 : i32
    %cond3A_38 = arith.cmpi ne, %convert_element_type3A_36, %cond3A_37 : i32
    scf.if %cond3A_38 {
      %mul3A_127 = arith.constant 80 : i32
      %mul3A_128 = arith.muli %add3A_33, %mul3A_127 : i32
      "tpu.region"() ({
        %run_scoped3A = tpu.sem_alloc : memref<!tpu.dma_semaphore, #tpu.memory_space<semaphore_mem>>
        %dma_start3A_129 = arith.constant 0 : i32
        %dma_start3A_130 = tpu.memref_slice %arg13[%mul3A_128, %dma_start3A_129] : memref<10000x128xf32, #tpu.memory_space<vmem_shared>> -> memref<80x128xf32, #tpu.memory_space<vmem_shared>>
        %dma_start3A_131 = arith.constant 0 : i32
        %dma_start3A_132 = tpu.memref_slice %arg13[%mul3A_128, %dma_start3A_131] : memref<10000x128xf32, #tpu.memory_space<vmem_shared>> -> memref<80x128xf32, #tpu.memory_space<vmem_shared>>
        tpu.enqueue_dma source(%arg12 : memref<80x128xf32, #tpu.memory_space<vmem>>) target(%dma_start3A_132 : memref<80x128xf32, #tpu.memory_space<vmem_shared>>) target_semaphore(%run_scoped3A : memref<!tpu.dma_semaphore, #tpu.memory_space<semaphore_mem>>)
        %dma_wait3A = arith.constant 0 : i32
        %dma_wait3A_133 = tpu.memref_slice %arg13[%mul3A_128, %dma_wait3A] : memref<10000x128xf32, #tpu.memory_space<vmem_shared>> -> memref<80x128xf32, #tpu.memory_space<vmem_shared>>
        %dma_wait3A_134 = arith.constant 0 : i32
        %dma_wait3A_135 = tpu.memref_slice %arg13[%mul3A_128, %dma_wait3A_134] : memref<10000x128xf32, #tpu.memory_space<vmem_shared>> -> memref<80x128xf32, #tpu.memory_space<vmem_shared>>
        tpu.wait_dma2 semaphore(%run_scoped3A : memref<!tpu.dma_semaphore, #tpu.memory_space<semaphore_mem>>) src(%arg12 : memref<80x128xf32, #tpu.memory_space<vmem>>) dst(%dma_wait3A_135 : memref<80x128xf32, #tpu.memory_space<vmem_shared>>)
        tpu.yield
      }) : () -> ()
    } else {
    }
    %add3A_39 = arith.constant 80 : i32
    %add3A_40 = arith.addi %arg1, %add3A_39 : i32
    %lt3A_41 = arith.constant 125 : i32
    %lt3A_42 = arith.cmpi slt, %add3A_40, %lt3A_41 : i32
    %convert_element_type3A_43 = arith.extui %lt3A_42 : i1 to i32
    %cond3A_44 = arith.constant 0 : i32
    %cond3A_45 = arith.cmpi ne, %convert_element_type3A_43, %cond3A_44 : i32
    scf.if %cond3A_45 {
      %mul3A_127 = arith.constant 80 : i32
      %mul3A_128 = arith.muli %add3A_40, %mul3A_127 : i32
      "tpu.region"() ({
        %run_scoped3A = tpu.sem_alloc : memref<!tpu.dma_semaphore, #tpu.memory_space<semaphore_mem>>
        %dma_start3A_129 = arith.constant 0 : i32
        %dma_start3A_130 = tpu.memref_slice %arg13[%mul3A_128, %dma_start3A_129] : memref<10000x128xf32, #tpu.memory_space<vmem_shared>> -> memref<80x128xf32, #tpu.memory_space<vmem_shared>>
        %dma_start3A_131 = arith.constant 0 : i32
        %dma_start3A_132 = tpu.memref_slice %arg13[%mul3A_128, %dma_start3A_131] : memref<10000x128xf32, #tpu.memory_space<vmem_shared>> -> memref<80x128xf32, #tpu.memory_space<vmem_shared>>
        tpu.enqueue_dma source(%arg12 : memref<80x128xf32, #tpu.memory_space<vmem>>) target(%dma_start3A_132 : memref<80x128xf32, #tpu.memory_space<vmem_shared>>) target_semaphore(%run_scoped3A : memref<!tpu.dma_semaphore, #tpu.memory_space<semaphore_mem>>)
        %dma_wait3A = arith.constant 0 : i32
        %dma_wait3A_133 = tpu.memref_slice %arg13[%mul3A_128, %dma_wait3A] : memref<10000x128xf32, #tpu.memory_space<vmem_shared>> -> memref<80x128xf32, #tpu.memory_space<vmem_shared>>
        %dma_wait3A_134 = arith.constant 0 : i32
        %dma_wait3A_135 = tpu.memref_slice %arg13[%mul3A_128, %dma_wait3A_134] : memref<10000x128xf32, #tpu.memory_space<vmem_shared>> -> memref<80x128xf32, #tpu.memory_space<vmem_shared>>
        tpu.wait_dma2 semaphore(%run_scoped3A : memref<!tpu.dma_semaphore, #tpu.memory_space<semaphore_mem>>) src(%arg12 : memref<80x128xf32, #tpu.memory_space<vmem>>) dst(%dma_wait3A_135 : memref<80x128xf32, #tpu.memory_space<vmem_shared>>)
        tpu.yield
      }) : () -> ()
    } else {
    }
    %add3A_46 = arith.constant 96 : i32
    %add3A_47 = arith.addi %arg1, %add3A_46 : i32
    %lt3A_48 = arith.constant 125 : i32
    %lt3A_49 = arith.cmpi slt, %add3A_47, %lt3A_48 : i32
    %convert_element_type3A_50 = arith.extui %lt3A_49 : i1 to i32
    %cond3A_51 = arith.constant 0 : i32
    %cond3A_52 = arith.cmpi ne, %convert_element_type3A_50, %cond3A_51 : i32
    scf.if %cond3A_52 {
      %mul3A_127 = arith.constant 80 : i32
      %mul3A_128 = arith.muli %add3A_47, %mul3A_127 : i32
      "tpu.region"() ({
        %run_scoped3A = tpu.sem_alloc : memref<!tpu.dma_semaphore, #tpu.memory_space<semaphore_mem>>
        %dma_start3A_129 = arith.constant 0 : i32
        %dma_start3A_130 = tpu.memref_slice %arg13[%mul3A_128, %dma_start3A_129] : memref<10000x128xf32, #tpu.memory_space<vmem_shared>> -> memref<80x128xf32, #tpu.memory_space<vmem_shared>>
        %dma_start3A_131 = arith.constant 0 : i32
        %dma_start3A_132 = tpu.memref_slice %arg13[%mul3A_128, %dma_start3A_131] : memref<10000x128xf32, #tpu.memory_space<vmem_shared>> -> memref<80x128xf32, #tpu.memory_space<vmem_shared>>
        tpu.enqueue_dma source(%arg12 : memref<80x128xf32, #tpu.memory_space<vmem>>) target(%dma_start3A_132 : memref<80x128xf32, #tpu.memory_space<vmem_shared>>) target_semaphore(%run_scoped3A : memref<!tpu.dma_semaphore, #tpu.memory_space<semaphore_mem>>)
        %dma_wait3A = arith.constant 0 : i32
        %dma_wait3A_133 = tpu.memref_slice %arg13[%mul3A_128, %dma_wait3A] : memref<10000x128xf32, #tpu.memory_space<vmem_shared>> -> memref<80x128xf32, #tpu.memory_space<vmem_shared>>
        %dma_wait3A_134 = arith.constant 0 : i32
        %dma_wait3A_135 = tpu.memref_slice %arg13[%mul3A_128, %dma_wait3A_134] : memref<10000x128xf32, #tpu.memory_space<vmem_shared>> -> memref<80x128xf32, #tpu.memory_space<vmem_shared>>
        tpu.wait_dma2 semaphore(%run_scoped3A : memref<!tpu.dma_semaphore, #tpu.memory_space<semaphore_mem>>) src(%arg12 : memref<80x128xf32, #tpu.memory_space<vmem>>) dst(%dma_wait3A_135 : memref<80x128xf32, #tpu.memory_space<vmem_shared>>)
        tpu.yield
      }) : () -> ()
    } else {
    }
    %add3A_53 = arith.constant 112 : i32
    %add3A_54 = arith.addi %arg1, %add3A_53 : i32
    %lt3A_55 = arith.constant 125 : i32
    %lt3A_56 = arith.cmpi slt, %add3A_54, %lt3A_55 : i32
    %convert_element_type3A_57 = arith.extui %lt3A_56 : i1 to i32
    %cond3A_58 = arith.constant 0 : i32
    %cond3A_59 = arith.cmpi ne, %convert_element_type3A_57, %cond3A_58 : i32
    scf.if %cond3A_59 {
      %mul3A_127 = arith.constant 80 : i32
      %mul3A_128 = arith.muli %add3A_54, %mul3A_127 : i32
      "tpu.region"() ({
        %run_scoped3A = tpu.sem_alloc : memref<!tpu.dma_semaphore, #tpu.memory_space<semaphore_mem>>
        %dma_start3A_129 = arith.constant 0 : i32
        %dma_start3A_130 = tpu.memref_slice %arg13[%mul3A_128, %dma_start3A_129] : memref<10000x128xf32, #tpu.memory_space<vmem_shared>> -> memref<80x128xf32, #tpu.memory_space<vmem_shared>>
        %dma_start3A_131 = arith.constant 0 : i32
        %dma_start3A_132 = tpu.memref_slice %arg13[%mul3A_128, %dma_start3A_131] : memref<10000x128xf32, #tpu.memory_space<vmem_shared>> -> memref<80x128xf32, #tpu.memory_space<vmem_shared>>
        tpu.enqueue_dma source(%arg12 : memref<80x128xf32, #tpu.memory_space<vmem>>) target(%dma_start3A_132 : memref<80x128xf32, #tpu.memory_space<vmem_shared>>) target_semaphore(%run_scoped3A : memref<!tpu.dma_semaphore, #tpu.memory_space<semaphore_mem>>)
        %dma_wait3A = arith.constant 0 : i32
        %dma_wait3A_133 = tpu.memref_slice %arg13[%mul3A_128, %dma_wait3A] : memref<10000x128xf32, #tpu.memory_space<vmem_shared>> -> memref<80x128xf32, #tpu.memory_space<vmem_shared>>
        %dma_wait3A_134 = arith.constant 0 : i32
        %dma_wait3A_135 = tpu.memref_slice %arg13[%mul3A_128, %dma_wait3A_134] : memref<10000x128xf32, #tpu.memory_space<vmem_shared>> -> memref<80x128xf32, #tpu.memory_space<vmem_shared>>
        tpu.wait_dma2 semaphore(%run_scoped3A : memref<!tpu.dma_semaphore, #tpu.memory_space<semaphore_mem>>) src(%arg12 : memref<80x128xf32, #tpu.memory_space<vmem>>) dst(%dma_wait3A_135 : memref<80x128xf32, #tpu.memory_space<vmem_shared>>)
        tpu.yield
      }) : () -> ()
    } else {
    }
    %barrier3A = arith.constant 0 : index
    tpu.barrier barrier_id(%barrier3A)
    %mul3A_60 = arith.constant 10000 : i32
    %mul3A_61 = arith.muli %add3A, %mul3A_60 : i32
    "tpu.region"() ({
      %run_scoped3A = tpu.sem_alloc : memref<!tpu.dma_semaphore, #tpu.memory_space<semaphore_mem>>
      %dma_start3A_127 = tpu.memref_slice %arg3[%mul3A_61] : memref<320000xi32, #tpu.memory_space<hbm>> -> memref<80xi32, #tpu.memory_space<hbm>>
      %dma_start3A_128 = tpu.memref_slice %arg3[%mul3A_61] : memref<320000xi32, #tpu.memory_space<hbm>> -> memref<80xi32, #tpu.memory_space<hbm>>
      tpu.enqueue_dma source(%dma_start3A_128 : memref<80xi32, #tpu.memory_space<hbm>>) target(%arg6 : memref<80xi32, #tpu.memory_space<vmem>>) target_semaphore(%run_scoped3A : memref<!tpu.dma_semaphore, #tpu.memory_space<semaphore_mem>>)
      %dma_wait3A = tpu.memref_slice %arg3[%mul3A_61] : memref<320000xi32, #tpu.memory_space<hbm>> -> memref<80xi32, #tpu.memory_space<hbm>>
      %dma_wait3A_129 = tpu.memref_slice %arg3[%mul3A_61] : memref<320000xi32, #tpu.memory_space<hbm>> -> memref<80xi32, #tpu.memory_space<hbm>>
      tpu.wait_dma2 semaphore(%run_scoped3A : memref<!tpu.dma_semaphore, #tpu.memory_space<semaphore_mem>>) src(%dma_wait3A_129 : memref<80xi32, #tpu.memory_space<hbm>>) dst(%arg6 : memref<80xi32, #tpu.memory_space<vmem>>)
      tpu.yield
    }) : () -> ()
    "tpu.region"() ({
      %run_scoped3A = tpu.sem_alloc : memref<!tpu.dma_semaphore, #tpu.memory_space<semaphore_mem>>
      %dma_start3A_127 = tpu.memref_slice %arg4[%mul3A_61] : memref<320000xi32, #tpu.memory_space<hbm>> -> memref<80xi32, #tpu.memory_space<hbm>>
      %dma_start3A_128 = tpu.memref_slice %arg4[%mul3A_61] : memref<320000xi32, #tpu.memory_space<hbm>> -> memref<80xi32, #tpu.memory_space<hbm>>
      tpu.enqueue_dma source(%dma_start3A_128 : memref<80xi32, #tpu.memory_space<hbm>>) target(%arg8 : memref<80xi32, #tpu.memory_space<vmem>>) target_semaphore(%run_scoped3A : memref<!tpu.dma_semaphore, #tpu.memory_space<semaphore_mem>>)
      %dma_wait3A = tpu.memref_slice %arg4[%mul3A_61] : memref<320000xi32, #tpu.memory_space<hbm>> -> memref<80xi32, #tpu.memory_space<hbm>>
      %dma_wait3A_129 = tpu.memref_slice %arg4[%mul3A_61] : memref<320000xi32, #tpu.memory_space<hbm>> -> memref<80xi32, #tpu.memory_space<hbm>>
      tpu.wait_dma2 semaphore(%run_scoped3A : memref<!tpu.dma_semaphore, #tpu.memory_space<semaphore_mem>>) src(%dma_wait3A_129 : memref<80xi32, #tpu.memory_space<hbm>>) dst(%arg8 : memref<80xi32, #tpu.memory_space<vmem>>)
      tpu.yield
    }) : () -> ()
    %dma_start3A = arith.constant 0 : i32
    %dma_start3A_62 = arith.constant 0 : i32
    %dma_start3A_63 = tpu.memref_slice %arg2[%dma_start3A, %dma_start3A_62] : memref<10008x128xf32, #tpu.memory_space<hbm>> -> memref<10008x128xf32, #tpu.memory_space<hbm>>
    tpu.enqueue_indirect_dma source(%dma_start3A_63 : memref<10008x128xf32, #tpu.memory_space<hbm>>) target(%arg10 : memref<80x128xf32, #tpu.memory_space<vmem>>) offsets(%arg6 : memref<80xi32, #tpu.memory_space<vmem>>) semaphore(%arg14 : memref<!tpu.dma_semaphore, #tpu.memory_space<semaphore_mem>>)
    %scan3A_64 = arith.constant 0 : i32
    %scan3A_65 = arith.constant 0 : i32
    %scan3A_66 = arith.constant 125 : i32
    %scan3A_67 = arith.addi %scan3A_65, %scan3A_66 : i32
    %scan3A_68 = arith.constant 1 : i32
    scf.for %scan3A_127 = %scan3A_65 to %scan3A_67 step %scan3A_68  : i32 {
      %rem3A = arith.constant 2 : i32
      %rem3A_128 = arith.remsi %scan3A_127, %rem3A : i32
      %eq3A = arith.constant 0 : i32
      %eq3A_129 = arith.cmpi eq, %rem3A_128, %eq3A : i32
      %convert_element_type3A_130 = arith.extui %eq3A_129 : i1 to i32
      %cond3A_131 = arith.constant 0 : i32
      %cond3A_132 = arith.cmpi ne, %convert_element_type3A_130, %cond3A_131 : i32
      scf.if %cond3A_132 {
        %add3A_138 = arith.constant 1 : i32
        %add3A_139 = arith.addi %scan3A_127, %add3A_138 : i32
        %lt3A_140 = arith.constant 125 : i32
        %lt3A_141 = arith.cmpi slt, %add3A_139, %lt3A_140 : i32
        %convert_element_type3A_142 = arith.extui %lt3A_141 : i1 to i32
        %cond3A_143 = arith.constant 0 : i32
        %cond3A_144 = arith.cmpi ne, %convert_element_type3A_142, %cond3A_143 : i32
        scf.if %cond3A_144 {
          %add3A_147 = arith.constant 1 : i32
          %add3A_148 = arith.addi %scan3A_127, %add3A_147 : i32
          %mul3A_149 = arith.constant 80 : i32
          %mul3A_150 = arith.muli %add3A_148, %mul3A_149 : i32
          %add3A_151 = arith.addi %mul3A_61, %mul3A_150 : i32
          "tpu.region"() ({
            %run_scoped3A = tpu.sem_alloc : memref<!tpu.dma_semaphore, #tpu.memory_space<semaphore_mem>>
            %dma_start3A_155 = tpu.memref_slice %arg3[%add3A_151] : memref<320000xi32, #tpu.memory_space<hbm>> -> memref<80xi32, #tpu.memory_space<hbm>>
            %dma_start3A_156 = tpu.memref_slice %arg3[%add3A_151] : memref<320000xi32, #tpu.memory_space<hbm>> -> memref<80xi32, #tpu.memory_space<hbm>>
            tpu.enqueue_dma source(%dma_start3A_156 : memref<80xi32, #tpu.memory_space<hbm>>) target(%arg7 : memref<80xi32, #tpu.memory_space<vmem>>) target_semaphore(%run_scoped3A : memref<!tpu.dma_semaphore, #tpu.memory_space<semaphore_mem>>)
            %dma_wait3A_157 = tpu.memref_slice %arg3[%add3A_151] : memref<320000xi32, #tpu.memory_space<hbm>> -> memref<80xi32, #tpu.memory_space<hbm>>
            %dma_wait3A_158 = tpu.memref_slice %arg3[%add3A_151] : memref<320000xi32, #tpu.memory_space<hbm>> -> memref<80xi32, #tpu.memory_space<hbm>>
            tpu.wait_dma2 semaphore(%run_scoped3A : memref<!tpu.dma_semaphore, #tpu.memory_space<semaphore_mem>>) src(%dma_wait3A_158 : memref<80xi32, #tpu.memory_space<hbm>>) dst(%arg7 : memref<80xi32, #tpu.memory_space<vmem>>)
            tpu.yield
          }) : () -> ()
          "tpu.region"() ({
            %run_scoped3A = tpu.sem_alloc : memref<!tpu.dma_semaphore, #tpu.memory_space<semaphore_mem>>
            %dma_start3A_155 = tpu.memref_slice %arg4[%add3A_151] : memref<320000xi32, #tpu.memory_space<hbm>> -> memref<80xi32, #tpu.memory_space<hbm>>
            %dma_start3A_156 = tpu.memref_slice %arg4[%add3A_151] : memref<320000xi32, #tpu.memory_space<hbm>> -> memref<80xi32, #tpu.memory_space<hbm>>
            tpu.enqueue_dma source(%dma_start3A_156 : memref<80xi32, #tpu.memory_space<hbm>>) target(%arg9 : memref<80xi32, #tpu.memory_space<vmem>>) target_semaphore(%run_scoped3A : memref<!tpu.dma_semaphore, #tpu.memory_space<semaphore_mem>>)
            %dma_wait3A_157 = tpu.memref_slice %arg4[%add3A_151] : memref<320000xi32, #tpu.memory_space<hbm>> -> memref<80xi32, #tpu.memory_space<hbm>>
            %dma_wait3A_158 = tpu.memref_slice %arg4[%add3A_151] : memref<320000xi32, #tpu.memory_space<hbm>> -> memref<80xi32, #tpu.memory_space<hbm>>
            tpu.wait_dma2 semaphore(%run_scoped3A : memref<!tpu.dma_semaphore, #tpu.memory_space<semaphore_mem>>) src(%dma_wait3A_158 : memref<80xi32, #tpu.memory_space<hbm>>) dst(%arg9 : memref<80xi32, #tpu.memory_space<vmem>>)
            tpu.yield
          }) : () -> ()
          %dma_start3A_152 = arith.constant 0 : i32
          %dma_start3A_153 = arith.constant 0 : i32
          %dma_start3A_154 = tpu.memref_slice %arg2[%dma_start3A_152, %dma_start3A_153] : memref<10008x128xf32, #tpu.memory_space<hbm>> -> memref<10008x128xf32, #tpu.memory_space<hbm>>
          tpu.enqueue_indirect_dma source(%dma_start3A_154 : memref<10008x128xf32, #tpu.memory_space<hbm>>) target(%arg11 : memref<80x128xf32, #tpu.memory_space<vmem>>) offsets(%arg7 : memref<80xi32, #tpu.memory_space<vmem>>) semaphore(%arg15 : memref<!tpu.dma_semaphore, #tpu.memory_space<semaphore_mem>>)
        } else {
        }
        %dma_wait3A = arith.constant 0 : i32
        %dma_wait3A_145 = arith.constant 0 : i32
        %dma_wait3A_146 = tpu.memref_slice %arg2[%dma_wait3A, %dma_wait3A_145] : memref<10008x128xf32, #tpu.memory_space<hbm>> -> memref<10008x128xf32, #tpu.memory_space<hbm>>
        tpu.wait_indirect_dma semaphore(%arg14 : memref<!tpu.dma_semaphore, #tpu.memory_space<semaphore_mem>>) src(%dma_wait3A_146 : memref<10008x128xf32, #tpu.memory_space<hbm>>) dst(%arg10 : memref<80x128xf32, #tpu.memory_space<vmem>>)
        "tpu.region"() ({
          %run_scoped3A = tpu.sem_alloc : memref<!tpu.dma_semaphore, #tpu.memory_space<semaphore_mem>>
          %dma_start3A_147 = arith.constant 0 : i32
          %dma_start3A_148 = arith.constant 0 : i32
          %dma_start3A_149 = tpu.memref_slice %arg13[%dma_start3A_147, %dma_start3A_148] : memref<10000x128xf32, #tpu.memory_space<vmem_shared>> -> memref<10000x128xf32, #tpu.memory_space<vmem_shared>>
          tpu.enqueue_indirect_dma source(%arg10 : memref<80x128xf32, #tpu.memory_space<vmem>>) target(%dma_start3A_149 : memref<10000x128xf32, #tpu.memory_space<vmem_shared>>) offsets(%arg8 : memref<80xi32, #tpu.memory_space<vmem>>) semaphore(%run_scoped3A : memref<!tpu.dma_semaphore, #tpu.memory_space<semaphore_mem>>) {add = true}
          %dma_wait3A_150 = arith.constant 0 : i32
          %dma_wait3A_151 = arith.constant 0 : i32
          %dma_wait3A_152 = tpu.memref_slice %arg13[%dma_wait3A_150, %dma_wait3A_151] : memref<10000x128xf32, #tpu.memory_space<vmem_shared>> -> memref<10000x128xf32, #tpu.memory_space<vmem_shared>>
          tpu.wait_indirect_dma semaphore(%run_scoped3A : memref<!tpu.dma_semaphore, #tpu.memory_space<semaphore_mem>>) src(%arg10 : memref<80x128xf32, #tpu.memory_space<vmem>>) dst(%dma_wait3A_152 : memref<10000x128xf32, #tpu.memory_space<vmem_shared>>)
          tpu.yield
        }) : () -> ()
      } else {
      }
      %eq3A_133 = arith.constant 1 : i32
      %eq3A_134 = arith.cmpi eq, %rem3A_128, %eq3A_133 : i32
      %convert_element_type3A_135 = arith.extui %eq3A_134 : i1 to i32
      %cond3A_136 = arith.constant 0 : i32
      %cond3A_137 = arith.cmpi ne, %convert_element_type3A_135, %cond3A_136 : i32
      scf.if %cond3A_137 {
        %add3A_138 = arith.constant 1 : i32
        %add3A_139 = arith.addi %scan3A_127, %add3A_138 : i32
        %lt3A_140 = arith.constant 125 : i32
        %lt3A_141 = arith.cmpi slt, %add3A_139, %lt3A_140 : i32
        %convert_element_type3A_142 = arith.extui %lt3A_141 : i1 to i32
        %cond3A_143 = arith.constant 0 : i32
        %cond3A_144 = arith.cmpi ne, %convert_element_type3A_142, %cond3A_143 : i32
        scf.if %cond3A_144 {
          %add3A_147 = arith.constant 1 : i32
          %add3A_148 = arith.addi %scan3A_127, %add3A_147 : i32
          %mul3A_149 = arith.constant 80 : i32
          %mul3A_150 = arith.muli %add3A_148, %mul3A_149 : i32
          %add3A_151 = arith.addi %mul3A_61, %mul3A_150 : i32
          "tpu.region"() ({
            %run_scoped3A = tpu.sem_alloc : memref<!tpu.dma_semaphore, #tpu.memory_space<semaphore_mem>>
            %dma_start3A_155 = tpu.memref_slice %arg3[%add3A_151] : memref<320000xi32, #tpu.memory_space<hbm>> -> memref<80xi32, #tpu.memory_space<hbm>>
            %dma_start3A_156 = tpu.memref_slice %arg3[%add3A_151] : memref<320000xi32, #tpu.memory_space<hbm>> -> memref<80xi32, #tpu.memory_space<hbm>>
            tpu.enqueue_dma source(%dma_start3A_156 : memref<80xi32, #tpu.memory_space<hbm>>) target(%arg6 : memref<80xi32, #tpu.memory_space<vmem>>) target_semaphore(%run_scoped3A : memref<!tpu.dma_semaphore, #tpu.memory_space<semaphore_mem>>)
            %dma_wait3A_157 = tpu.memref_slice %arg3[%add3A_151] : memref<320000xi32, #tpu.memory_space<hbm>> -> memref<80xi32, #tpu.memory_space<hbm>>
            %dma_wait3A_158 = tpu.memref_slice %arg3[%add3A_151] : memref<320000xi32, #tpu.memory_space<hbm>> -> memref<80xi32, #tpu.memory_space<hbm>>
            tpu.wait_dma2 semaphore(%run_scoped3A : memref<!tpu.dma_semaphore, #tpu.memory_space<semaphore_mem>>) src(%dma_wait3A_158 : memref<80xi32, #tpu.memory_space<hbm>>) dst(%arg6 : memref<80xi32, #tpu.memory_space<vmem>>)
            tpu.yield
          }) : () -> ()
          "tpu.region"() ({
            %run_scoped3A = tpu.sem_alloc : memref<!tpu.dma_semaphore, #tpu.memory_space<semaphore_mem>>
            %dma_start3A_155 = tpu.memref_slice %arg4[%add3A_151] : memref<320000xi32, #tpu.memory_space<hbm>> -> memref<80xi32, #tpu.memory_space<hbm>>
            %dma_start3A_156 = tpu.memref_slice %arg4[%add3A_151] : memref<320000xi32, #tpu.memory_space<hbm>> -> memref<80xi32, #tpu.memory_space<hbm>>
            tpu.enqueue_dma source(%dma_start3A_156 : memref<80xi32, #tpu.memory_space<hbm>>) target(%arg8 : memref<80xi32, #tpu.memory_space<vmem>>) target_semaphore(%run_scoped3A : memref<!tpu.dma_semaphore, #tpu.memory_space<semaphore_mem>>)
            %dma_wait3A_157 = tpu.memref_slice %arg4[%add3A_151] : memref<320000xi32, #tpu.memory_space<hbm>> -> memref<80xi32, #tpu.memory_space<hbm>>
            %dma_wait3A_158 = tpu.memref_slice %arg4[%add3A_151] : memref<320000xi32, #tpu.memory_space<hbm>> -> memref<80xi32, #tpu.memory_space<hbm>>
            tpu.wait_dma2 semaphore(%run_scoped3A : memref<!tpu.dma_semaphore, #tpu.memory_space<semaphore_mem>>) src(%dma_wait3A_158 : memref<80xi32, #tpu.memory_space<hbm>>) dst(%arg8 : memref<80xi32, #tpu.memory_space<vmem>>)
            tpu.yield
          }) : () -> ()
          %dma_start3A_152 = arith.constant 0 : i32
          %dma_start3A_153 = arith.constant 0 : i32
          %dma_start3A_154 = tpu.memref_slice %arg2[%dma_start3A_152, %dma_start3A_153] : memref<10008x128xf32, #tpu.memory_space<hbm>> -> memref<10008x128xf32, #tpu.memory_space<hbm>>
          tpu.enqueue_indirect_dma source(%dma_start3A_154 : memref<10008x128xf32, #tpu.memory_space<hbm>>) target(%arg10 : memref<80x128xf32, #tpu.memory_space<vmem>>) offsets(%arg6 : memref<80xi32, #tpu.memory_space<vmem>>) semaphore(%arg14 : memref<!tpu.dma_semaphore, #tpu.memory_space<semaphore_mem>>)
        } else {
        }
        %dma_wait3A = arith.constant 0 : i32
        %dma_wait3A_145 = arith.constant 0 : i32
        %dma_wait3A_146 = tpu.memref_slice %arg2[%dma_wait3A, %dma_wait3A_145] : memref<10008x128xf32, #tpu.memory_space<hbm>> -> memref<10008x128xf32, #tpu.memory_space<hbm>>
        tpu.wait_indirect_dma semaphore(%arg15 : memref<!tpu.dma_semaphore, #tpu.memory_space<semaphore_mem>>) src(%dma_wait3A_146 : memref<10008x128xf32, #tpu.memory_space<hbm>>) dst(%arg11 : memref<80x128xf32, #tpu.memory_space<vmem>>)
        "tpu.region"() ({
          %run_scoped3A = tpu.sem_alloc : memref<!tpu.dma_semaphore, #tpu.memory_space<semaphore_mem>>
          %dma_start3A_147 = arith.constant 0 : i32
          %dma_start3A_148 = arith.constant 0 : i32
          %dma_start3A_149 = tpu.memref_slice %arg13[%dma_start3A_147, %dma_start3A_148] : memref<10000x128xf32, #tpu.memory_space<vmem_shared>> -> memref<10000x128xf32, #tpu.memory_space<vmem_shared>>
          tpu.enqueue_indirect_dma source(%arg11 : memref<80x128xf32, #tpu.memory_space<vmem>>) target(%dma_start3A_149 : memref<10000x128xf32, #tpu.memory_space<vmem_shared>>) offsets(%arg9 : memref<80xi32, #tpu.memory_space<vmem>>) semaphore(%run_scoped3A : memref<!tpu.dma_semaphore, #tpu.memory_space<semaphore_mem>>) {add = true}
          %dma_wait3A_150 = arith.constant 0 : i32
          %dma_wait3A_151 = arith.constant 0 : i32
          %dma_wait3A_152 = tpu.memref_slice %arg13[%dma_wait3A_150, %dma_wait3A_151] : memref<10000x128xf32, #tpu.memory_space<vmem_shared>> -> memref<10000x128xf32, #tpu.memory_space<vmem_shared>>
          tpu.wait_indirect_dma semaphore(%run_scoped3A : memref<!tpu.dma_semaphore, #tpu.memory_space<semaphore_mem>>) src(%arg11 : memref<80x128xf32, #tpu.memory_space<vmem>>) dst(%dma_wait3A_152 : memref<10000x128xf32, #tpu.memory_space<vmem_shared>>)
          tpu.yield
        }) : () -> ()
      } else {
      }
    }
    %scan3A_69 = arith.constant 125 : i32
    %barrier3A_70 = arith.constant 0 : index
    tpu.barrier barrier_id(%barrier3A_70)
    %add3A_71 = arith.constant 0 : i32
    %add3A_72 = arith.addi %arg1, %add3A_71 : i32
    %lt3A_73 = arith.constant 125 : i32
    %lt3A_74 = arith.cmpi slt, %add3A_72, %lt3A_73 : i32
    %convert_element_type3A_75 = arith.extui %lt3A_74 : i1 to i32
    %cond3A_76 = arith.constant 0 : i32
    %cond3A_77 = arith.cmpi ne, %convert_element_type3A_75, %cond3A_76 : i32
    scf.if %cond3A_77 {
      %mul3A_127 = arith.constant 80 : i32
      %mul3A_128 = arith.muli %add3A_72, %mul3A_127 : i32
      %mul3A_129 = arith.constant 10000 : i32
      %mul3A_130 = arith.muli %arg0, %mul3A_129 : i32
      %mul3A_131 = arith.constant 80 : i32
      %mul3A_132 = arith.muli %add3A_72, %mul3A_131 : i32
      %add3A_133 = arith.addi %mul3A_130, %mul3A_132 : i32
      "tpu.region"() ({
        %run_scoped3A = tpu.sem_alloc : memref<!tpu.dma_semaphore, #tpu.memory_space<semaphore_mem>>
        %dma_start3A_134 = arith.constant 0 : i32
        %dma_start3A_135 = tpu.memref_slice %arg5[%add3A_133, %dma_start3A_134] : memref<20000x128xf32, #tpu.memory_space<hbm>> -> memref<80x128xf32, #tpu.memory_space<hbm>>
        %dma_start3A_136 = arith.constant 0 : i32
        %dma_start3A_137 = tpu.memref_slice %arg13[%mul3A_128, %dma_start3A_136] : memref<10000x128xf32, #tpu.memory_space<vmem_shared>> -> memref<80x128xf32, #tpu.memory_space<vmem_shared>>
        tpu.enqueue_dma source(%dma_start3A_137 : memref<80x128xf32, #tpu.memory_space<vmem_shared>>) target(%dma_start3A_135 : memref<80x128xf32, #tpu.memory_space<hbm>>) target_semaphore(%run_scoped3A : memref<!tpu.dma_semaphore, #tpu.memory_space<semaphore_mem>>)
        %dma_wait3A = arith.constant 0 : i32
        %dma_wait3A_138 = tpu.memref_slice %arg5[%add3A_133, %dma_wait3A] : memref<20000x128xf32, #tpu.memory_space<hbm>> -> memref<80x128xf32, #tpu.memory_space<hbm>>
        %dma_wait3A_139 = arith.constant 0 : i32
        %dma_wait3A_140 = tpu.memref_slice %arg13[%mul3A_128, %dma_wait3A_139] : memref<10000x128xf32, #tpu.memory_space<vmem_shared>> -> memref<80x128xf32, #tpu.memory_space<vmem_shared>>
        tpu.wait_dma2 semaphore(%run_scoped3A : memref<!tpu.dma_semaphore, #tpu.memory_space<semaphore_mem>>) src(%dma_wait3A_140 : memref<80x128xf32, #tpu.memory_space<vmem_shared>>) dst(%dma_wait3A_138 : memref<80x128xf32, #tpu.memory_space<hbm>>)
        tpu.yield
      }) : () -> ()
    } else {
    }
    %add3A_78 = arith.constant 16 : i32
    %add3A_79 = arith.addi %arg1, %add3A_78 : i32
    %lt3A_80 = arith.constant 125 : i32
    %lt3A_81 = arith.cmpi slt, %add3A_79, %lt3A_80 : i32
    %convert_element_type3A_82 = arith.extui %lt3A_81 : i1 to i32
    %cond3A_83 = arith.constant 0 : i32
    %cond3A_84 = arith.cmpi ne, %convert_element_type3A_82, %cond3A_83 : i32
    scf.if %cond3A_84 {
      %mul3A_127 = arith.constant 80 : i32
      %mul3A_128 = arith.muli %add3A_79, %mul3A_127 : i32
      %mul3A_129 = arith.constant 10000 : i32
      %mul3A_130 = arith.muli %arg0, %mul3A_129 : i32
      %mul3A_131 = arith.constant 80 : i32
      %mul3A_132 = arith.muli %add3A_79, %mul3A_131 : i32
      %add3A_133 = arith.addi %mul3A_130, %mul3A_132 : i32
      "tpu.region"() ({
        %run_scoped3A = tpu.sem_alloc : memref<!tpu.dma_semaphore, #tpu.memory_space<semaphore_mem>>
        %dma_start3A_134 = arith.constant 0 : i32
        %dma_start3A_135 = tpu.memref_slice %arg5[%add3A_133, %dma_start3A_134] : memref<20000x128xf32, #tpu.memory_space<hbm>> -> memref<80x128xf32, #tpu.memory_space<hbm>>
        %dma_start3A_136 = arith.constant 0 : i32
        %dma_start3A_137 = tpu.memref_slice %arg13[%mul3A_128, %dma_start3A_136] : memref<10000x128xf32, #tpu.memory_space<vmem_shared>> -> memref<80x128xf32, #tpu.memory_space<vmem_shared>>
        tpu.enqueue_dma source(%dma_start3A_137 : memref<80x128xf32, #tpu.memory_space<vmem_shared>>) target(%dma_start3A_135 : memref<80x128xf32, #tpu.memory_space<hbm>>) target_semaphore(%run_scoped3A : memref<!tpu.dma_semaphore, #tpu.memory_space<semaphore_mem>>)
        %dma_wait3A = arith.constant 0 : i32
        %dma_wait3A_138 = tpu.memref_slice %arg5[%add3A_133, %dma_wait3A] : memref<20000x128xf32, #tpu.memory_space<hbm>> -> memref<80x128xf32, #tpu.memory_space<hbm>>
        %dma_wait3A_139 = arith.constant 0 : i32
        %dma_wait3A_140 = tpu.memref_slice %arg13[%mul3A_128, %dma_wait3A_139] : memref<10000x128xf32, #tpu.memory_space<vmem_shared>> -> memref<80x128xf32, #tpu.memory_space<vmem_shared>>
        tpu.wait_dma2 semaphore(%run_scoped3A : memref<!tpu.dma_semaphore, #tpu.memory_space<semaphore_mem>>) src(%dma_wait3A_140 : memref<80x128xf32, #tpu.memory_space<vmem_shared>>) dst(%dma_wait3A_138 : memref<80x128xf32, #tpu.memory_space<hbm>>)
        tpu.yield
      }) : () -> ()
    } else {
    }
    %add3A_85 = arith.constant 32 : i32
    %add3A_86 = arith.addi %arg1, %add3A_85 : i32
    %lt3A_87 = arith.constant 125 : i32
    %lt3A_88 = arith.cmpi slt, %add3A_86, %lt3A_87 : i32
    %convert_element_type3A_89 = arith.extui %lt3A_88 : i1 to i32
    %cond3A_90 = arith.constant 0 : i32
    %cond3A_91 = arith.cmpi ne, %convert_element_type3A_89, %cond3A_90 : i32
    scf.if %cond3A_91 {
      %mul3A_127 = arith.constant 80 : i32
      %mul3A_128 = arith.muli %add3A_86, %mul3A_127 : i32
      %mul3A_129 = arith.constant 10000 : i32
      %mul3A_130 = arith.muli %arg0, %mul3A_129 : i32
      %mul3A_131 = arith.constant 80 : i32
      %mul3A_132 = arith.muli %add3A_86, %mul3A_131 : i32
      %add3A_133 = arith.addi %mul3A_130, %mul3A_132 : i32
      "tpu.region"() ({
        %run_scoped3A = tpu.sem_alloc : memref<!tpu.dma_semaphore, #tpu.memory_space<semaphore_mem>>
        %dma_start3A_134 = arith.constant 0 : i32
        %dma_start3A_135 = tpu.memref_slice %arg5[%add3A_133, %dma_start3A_134] : memref<20000x128xf32, #tpu.memory_space<hbm>> -> memref<80x128xf32, #tpu.memory_space<hbm>>
        %dma_start3A_136 = arith.constant 0 : i32
        %dma_start3A_137 = tpu.memref_slice %arg13[%mul3A_128, %dma_start3A_136] : memref<10000x128xf32, #tpu.memory_space<vmem_shared>> -> memref<80x128xf32, #tpu.memory_space<vmem_shared>>
        tpu.enqueue_dma source(%dma_start3A_137 : memref<80x128xf32, #tpu.memory_space<vmem_shared>>) target(%dma_start3A_135 : memref<80x128xf32, #tpu.memory_space<hbm>>) target_semaphore(%run_scoped3A : memref<!tpu.dma_semaphore, #tpu.memory_space<semaphore_mem>>)
        %dma_wait3A = arith.constant 0 : i32
        %dma_wait3A_138 = tpu.memref_slice %arg5[%add3A_133, %dma_wait3A] : memref<20000x128xf32, #tpu.memory_space<hbm>> -> memref<80x128xf32, #tpu.memory_space<hbm>>
        %dma_wait3A_139 = arith.constant 0 : i32
        %dma_wait3A_140 = tpu.memref_slice %arg13[%mul3A_128, %dma_wait3A_139] : memref<10000x128xf32, #tpu.memory_space<vmem_shared>> -> memref<80x128xf32, #tpu.memory_space<vmem_shared>>
        tpu.wait_dma2 semaphore(%run_scoped3A : memref<!tpu.dma_semaphore, #tpu.memory_space<semaphore_mem>>) src(%dma_wait3A_140 : memref<80x128xf32, #tpu.memory_space<vmem_shared>>) dst(%dma_wait3A_138 : memref<80x128xf32, #tpu.memory_space<hbm>>)
        tpu.yield
      }) : () -> ()
    } else {
    }
    %add3A_92 = arith.constant 48 : i32
    %add3A_93 = arith.addi %arg1, %add3A_92 : i32
    %lt3A_94 = arith.constant 125 : i32
    %lt3A_95 = arith.cmpi slt, %add3A_93, %lt3A_94 : i32
    %convert_element_type3A_96 = arith.extui %lt3A_95 : i1 to i32
    %cond3A_97 = arith.constant 0 : i32
    %cond3A_98 = arith.cmpi ne, %convert_element_type3A_96, %cond3A_97 : i32
    scf.if %cond3A_98 {
      %mul3A_127 = arith.constant 80 : i32
      %mul3A_128 = arith.muli %add3A_93, %mul3A_127 : i32
      %mul3A_129 = arith.constant 10000 : i32
      %mul3A_130 = arith.muli %arg0, %mul3A_129 : i32
      %mul3A_131 = arith.constant 80 : i32
      %mul3A_132 = arith.muli %add3A_93, %mul3A_131 : i32
      %add3A_133 = arith.addi %mul3A_130, %mul3A_132 : i32
      "tpu.region"() ({
        %run_scoped3A = tpu.sem_alloc : memref<!tpu.dma_semaphore, #tpu.memory_space<semaphore_mem>>
        %dma_start3A_134 = arith.constant 0 : i32
        %dma_start3A_135 = tpu.memref_slice %arg5[%add3A_133, %dma_start3A_134] : memref<20000x128xf32, #tpu.memory_space<hbm>> -> memref<80x128xf32, #tpu.memory_space<hbm>>
        %dma_start3A_136 = arith.constant 0 : i32
        %dma_start3A_137 = tpu.memref_slice %arg13[%mul3A_128, %dma_start3A_136] : memref<10000x128xf32, #tpu.memory_space<vmem_shared>> -> memref<80x128xf32, #tpu.memory_space<vmem_shared>>
        tpu.enqueue_dma source(%dma_start3A_137 : memref<80x128xf32, #tpu.memory_space<vmem_shared>>) target(%dma_start3A_135 : memref<80x128xf32, #tpu.memory_space<hbm>>) target_semaphore(%run_scoped3A : memref<!tpu.dma_semaphore, #tpu.memory_space<semaphore_mem>>)
        %dma_wait3A = arith.constant 0 : i32
        %dma_wait3A_138 = tpu.memref_slice %arg5[%add3A_133, %dma_wait3A] : memref<20000x128xf32, #tpu.memory_space<hbm>> -> memref<80x128xf32, #tpu.memory_space<hbm>>
        %dma_wait3A_139 = arith.constant 0 : i32
        %dma_wait3A_140 = tpu.memref_slice %arg13[%mul3A_128, %dma_wait3A_139] : memref<10000x128xf32, #tpu.memory_space<vmem_shared>> -> memref<80x128xf32, #tpu.memory_space<vmem_shared>>
        tpu.wait_dma2 semaphore(%run_scoped3A : memref<!tpu.dma_semaphore, #tpu.memory_space<semaphore_mem>>) src(%dma_wait3A_140 : memref<80x128xf32, #tpu.memory_space<vmem_shared>>) dst(%dma_wait3A_138 : memref<80x128xf32, #tpu.memory_space<hbm>>)
        tpu.yield
      }) : () -> ()
    } else {
    }
    %add3A_99 = arith.constant 64 : i32
    %add3A_100 = arith.addi %arg1, %add3A_99 : i32
    %lt3A_101 = arith.constant 125 : i32
    %lt3A_102 = arith.cmpi slt, %add3A_100, %lt3A_101 : i32
    %convert_element_type3A_103 = arith.extui %lt3A_102 : i1 to i32
    %cond3A_104 = arith.constant 0 : i32
    %cond3A_105 = arith.cmpi ne, %convert_element_type3A_103, %cond3A_104 : i32
    scf.if %cond3A_105 {
      %mul3A_127 = arith.constant 80 : i32
      %mul3A_128 = arith.muli %add3A_100, %mul3A_127 : i32
      %mul3A_129 = arith.constant 10000 : i32
      %mul3A_130 = arith.muli %arg0, %mul3A_129 : i32
      %mul3A_131 = arith.constant 80 : i32
      %mul3A_132 = arith.muli %add3A_100, %mul3A_131 : i32
      %add3A_133 = arith.addi %mul3A_130, %mul3A_132 : i32
      "tpu.region"() ({
        %run_scoped3A = tpu.sem_alloc : memref<!tpu.dma_semaphore, #tpu.memory_space<semaphore_mem>>
        %dma_start3A_134 = arith.constant 0 : i32
        %dma_start3A_135 = tpu.memref_slice %arg5[%add3A_133, %dma_start3A_134] : memref<20000x128xf32, #tpu.memory_space<hbm>> -> memref<80x128xf32, #tpu.memory_space<hbm>>
        %dma_start3A_136 = arith.constant 0 : i32
        %dma_start3A_137 = tpu.memref_slice %arg13[%mul3A_128, %dma_start3A_136] : memref<10000x128xf32, #tpu.memory_space<vmem_shared>> -> memref<80x128xf32, #tpu.memory_space<vmem_shared>>
        tpu.enqueue_dma source(%dma_start3A_137 : memref<80x128xf32, #tpu.memory_space<vmem_shared>>) target(%dma_start3A_135 : memref<80x128xf32, #tpu.memory_space<hbm>>) target_semaphore(%run_scoped3A : memref<!tpu.dma_semaphore, #tpu.memory_space<semaphore_mem>>)
        %dma_wait3A = arith.constant 0 : i32
        %dma_wait3A_138 = tpu.memref_slice %arg5[%add3A_133, %dma_wait3A] : memref<20000x128xf32, #tpu.memory_space<hbm>> -> memref<80x128xf32, #tpu.memory_space<hbm>>
        %dma_wait3A_139 = arith.constant 0 : i32
        %dma_wait3A_140 = tpu.memref_slice %arg13[%mul3A_128, %dma_wait3A_139] : memref<10000x128xf32, #tpu.memory_space<vmem_shared>> -> memref<80x128xf32, #tpu.memory_space<vmem_shared>>
        tpu.wait_dma2 semaphore(%run_scoped3A : memref<!tpu.dma_semaphore, #tpu.memory_space<semaphore_mem>>) src(%dma_wait3A_140 : memref<80x128xf32, #tpu.memory_space<vmem_shared>>) dst(%dma_wait3A_138 : memref<80x128xf32, #tpu.memory_space<hbm>>)
        tpu.yield
      }) : () -> ()
    } else {
    }
    %add3A_106 = arith.constant 80 : i32
    %add3A_107 = arith.addi %arg1, %add3A_106 : i32
    %lt3A_108 = arith.constant 125 : i32
    %lt3A_109 = arith.cmpi slt, %add3A_107, %lt3A_108 : i32
    %convert_element_type3A_110 = arith.extui %lt3A_109 : i1 to i32
    %cond3A_111 = arith.constant 0 : i32
    %cond3A_112 = arith.cmpi ne, %convert_element_type3A_110, %cond3A_111 : i32
    scf.if %cond3A_112 {
      %mul3A_127 = arith.constant 80 : i32
      %mul3A_128 = arith.muli %add3A_107, %mul3A_127 : i32
      %mul3A_129 = arith.constant 10000 : i32
      %mul3A_130 = arith.muli %arg0, %mul3A_129 : i32
      %mul3A_131 = arith.constant 80 : i32
      %mul3A_132 = arith.muli %add3A_107, %mul3A_131 : i32
      %add3A_133 = arith.addi %mul3A_130, %mul3A_132 : i32
      "tpu.region"() ({
        %run_scoped3A = tpu.sem_alloc : memref<!tpu.dma_semaphore, #tpu.memory_space<semaphore_mem>>
        %dma_start3A_134 = arith.constant 0 : i32
        %dma_start3A_135 = tpu.memref_slice %arg5[%add3A_133, %dma_start3A_134] : memref<20000x128xf32, #tpu.memory_space<hbm>> -> memref<80x128xf32, #tpu.memory_space<hbm>>
        %dma_start3A_136 = arith.constant 0 : i32
        %dma_start3A_137 = tpu.memref_slice %arg13[%mul3A_128, %dma_start3A_136] : memref<10000x128xf32, #tpu.memory_space<vmem_shared>> -> memref<80x128xf32, #tpu.memory_space<vmem_shared>>
        tpu.enqueue_dma source(%dma_start3A_137 : memref<80x128xf32, #tpu.memory_space<vmem_shared>>) target(%dma_start3A_135 : memref<80x128xf32, #tpu.memory_space<hbm>>) target_semaphore(%run_scoped3A : memref<!tpu.dma_semaphore, #tpu.memory_space<semaphore_mem>>)
        %dma_wait3A = arith.constant 0 : i32
        %dma_wait3A_138 = tpu.memref_slice %arg5[%add3A_133, %dma_wait3A] : memref<20000x128xf32, #tpu.memory_space<hbm>> -> memref<80x128xf32, #tpu.memory_space<hbm>>
        %dma_wait3A_139 = arith.constant 0 : i32
        %dma_wait3A_140 = tpu.memref_slice %arg13[%mul3A_128, %dma_wait3A_139] : memref<10000x128xf32, #tpu.memory_space<vmem_shared>> -> memref<80x128xf32, #tpu.memory_space<vmem_shared>>
        tpu.wait_dma2 semaphore(%run_scoped3A : memref<!tpu.dma_semaphore, #tpu.memory_space<semaphore_mem>>) src(%dma_wait3A_140 : memref<80x128xf32, #tpu.memory_space<vmem_shared>>) dst(%dma_wait3A_138 : memref<80x128xf32, #tpu.memory_space<hbm>>)
        tpu.yield
      }) : () -> ()
    } else {
    }
    %add3A_113 = arith.constant 96 : i32
    %add3A_114 = arith.addi %arg1, %add3A_113 : i32
    %lt3A_115 = arith.constant 125 : i32
    %lt3A_116 = arith.cmpi slt, %add3A_114, %lt3A_115 : i32
    %convert_element_type3A_117 = arith.extui %lt3A_116 : i1 to i32
    %cond3A_118 = arith.constant 0 : i32
    %cond3A_119 = arith.cmpi ne, %convert_element_type3A_117, %cond3A_118 : i32
    scf.if %cond3A_119 {
      %mul3A_127 = arith.constant 80 : i32
      %mul3A_128 = arith.muli %add3A_114, %mul3A_127 : i32
      %mul3A_129 = arith.constant 10000 : i32
      %mul3A_130 = arith.muli %arg0, %mul3A_129 : i32
      %mul3A_131 = arith.constant 80 : i32
      %mul3A_132 = arith.muli %add3A_114, %mul3A_131 : i32
      %add3A_133 = arith.addi %mul3A_130, %mul3A_132 : i32
      "tpu.region"() ({
        %run_scoped3A = tpu.sem_alloc : memref<!tpu.dma_semaphore, #tpu.memory_space<semaphore_mem>>
        %dma_start3A_134 = arith.constant 0 : i32
        %dma_start3A_135 = tpu.memref_slice %arg5[%add3A_133, %dma_start3A_134] : memref<20000x128xf32, #tpu.memory_space<hbm>> -> memref<80x128xf32, #tpu.memory_space<hbm>>
        %dma_start3A_136 = arith.constant 0 : i32
        %dma_start3A_137 = tpu.memref_slice %arg13[%mul3A_128, %dma_start3A_136] : memref<10000x128xf32, #tpu.memory_space<vmem_shared>> -> memref<80x128xf32, #tpu.memory_space<vmem_shared>>
        tpu.enqueue_dma source(%dma_start3A_137 : memref<80x128xf32, #tpu.memory_space<vmem_shared>>) target(%dma_start3A_135 : memref<80x128xf32, #tpu.memory_space<hbm>>) target_semaphore(%run_scoped3A : memref<!tpu.dma_semaphore, #tpu.memory_space<semaphore_mem>>)
        %dma_wait3A = arith.constant 0 : i32
        %dma_wait3A_138 = tpu.memref_slice %arg5[%add3A_133, %dma_wait3A] : memref<20000x128xf32, #tpu.memory_space<hbm>> -> memref<80x128xf32, #tpu.memory_space<hbm>>
        %dma_wait3A_139 = arith.constant 0 : i32
        %dma_wait3A_140 = tpu.memref_slice %arg13[%mul3A_128, %dma_wait3A_139] : memref<10000x128xf32, #tpu.memory_space<vmem_shared>> -> memref<80x128xf32, #tpu.memory_space<vmem_shared>>
        tpu.wait_dma2 semaphore(%run_scoped3A : memref<!tpu.dma_semaphore, #tpu.memory_space<semaphore_mem>>) src(%dma_wait3A_140 : memref<80x128xf32, #tpu.memory_space<vmem_shared>>) dst(%dma_wait3A_138 : memref<80x128xf32, #tpu.memory_space<hbm>>)
        tpu.yield
      }) : () -> ()
    } else {
    }
    %add3A_120 = arith.constant 112 : i32
    %add3A_121 = arith.addi %arg1, %add3A_120 : i32
    %lt3A_122 = arith.constant 125 : i32
    %lt3A_123 = arith.cmpi slt, %add3A_121, %lt3A_122 : i32
    %convert_element_type3A_124 = arith.extui %lt3A_123 : i1 to i32
    %cond3A_125 = arith.constant 0 : i32
    %cond3A_126 = arith.cmpi ne, %convert_element_type3A_124, %cond3A_125 : i32
    scf.if %cond3A_126 {
      %mul3A_127 = arith.constant 80 : i32
      %mul3A_128 = arith.muli %add3A_121, %mul3A_127 : i32
      %mul3A_129 = arith.constant 10000 : i32
      %mul3A_130 = arith.muli %arg0, %mul3A_129 : i32
      %mul3A_131 = arith.constant 80 : i32
      %mul3A_132 = arith.muli %add3A_121, %mul3A_131 : i32
      %add3A_133 = arith.addi %mul3A_130, %mul3A_132 : i32
      "tpu.region"() ({
        %run_scoped3A = tpu.sem_alloc : memref<!tpu.dma_semaphore, #tpu.memory_space<semaphore_mem>>
        %dma_start3A_134 = arith.constant 0 : i32
        %dma_start3A_135 = tpu.memref_slice %arg5[%add3A_133, %dma_start3A_134] : memref<20000x128xf32, #tpu.memory_space<hbm>> -> memref<80x128xf32, #tpu.memory_space<hbm>>
        %dma_start3A_136 = arith.constant 0 : i32
        %dma_start3A_137 = tpu.memref_slice %arg13[%mul3A_128, %dma_start3A_136] : memref<10000x128xf32, #tpu.memory_space<vmem_shared>> -> memref<80x128xf32, #tpu.memory_space<vmem_shared>>
        tpu.enqueue_dma source(%dma_start3A_137 : memref<80x128xf32, #tpu.memory_space<vmem_shared>>) target(%dma_start3A_135 : memref<80x128xf32, #tpu.memory_space<hbm>>) target_semaphore(%run_scoped3A : memref<!tpu.dma_semaphore, #tpu.memory_space<semaphore_mem>>)
        %dma_wait3A = arith.constant 0 : i32
        %dma_wait3A_138 = tpu.memref_slice %arg5[%add3A_133, %dma_wait3A] : memref<20000x128xf32, #tpu.memory_space<hbm>> -> memref<80x128xf32, #tpu.memory_space<hbm>>
        %dma_wait3A_139 = arith.constant 0 : i32
        %dma_wait3A_140 = tpu.memref_slice %arg13[%mul3A_128, %dma_wait3A_139] : memref<10000x128xf32, #tpu.memory_space<vmem_shared>> -> memref<80x128xf32, #tpu.memory_space<vmem_shared>>
        tpu.wait_dma2 semaphore(%run_scoped3A : memref<!tpu.dma_semaphore, #tpu.memory_space<semaphore_mem>>) src(%dma_wait3A_140 : memref<80x128xf32, #tpu.memory_space<vmem_shared>>) dst(%dma_wait3A_138 : memref<80x128xf32, #tpu.memory_space<hbm>>)
        tpu.yield
      }) : () -> ()
    } else {
    }
    return
  }
}

#map = affine_map<(d0, d1) -> (0, 0)>
#map1 = affine_map<(d0, d1) -> (0)>
module attributes {stable_mosaic.version = 14 : i64} {
  func.func @k(%arg0: i32, %arg1: i32, %arg2: memref<1001x128xf32, #tpu.memory_space<hbm>>, %arg3: memref<10000xi32, #tpu.memory_space<hbm>>, %arg4: memref<10008x128xf32, #tpu.memory_space<hbm>>, %arg5: memref<80xi32, #tpu.memory_space<vmem>>, %arg6: memref<80x128xf32, #tpu.memory_space<vmem>>, %arg7: memref<!tpu.dma_semaphore, #tpu.memory_space<semaphore_mem>>) attributes {dimension_semantics = [#tpu.dimension_semantics<core_parallel>, #tpu.dimension_semantics<subcore_parallel>], iteration_bounds = array<i64: 2, 16>, scalar_prefetch = 0 : i64, scratch_operands = 3 : i64, tpu.core_type = #tpu.core_type<sc_vector_subcore>, window_params = [{transform_indices = #map}, {transform_indices = #map1}, {transform_indices = #map}]} {
    %mul3A = arith.constant 2 : i32
    %mul3A_0 = arith.muli %arg1, %mul3A : i32
    %add3A = arith.addi %mul3A_0, %arg0 : i32
    %mul3A_1 = arith.constant 4 : i32
    %mul3A_2 = arith.muli %add3A, %mul3A_1 : i32
    %add3A_3 = arith.constant 0 : i32
    %add3A_4 = arith.addi %mul3A_2, %add3A_3 : i32
    %lt3A = arith.constant 125 : i32
    %lt3A_5 = arith.cmpi slt, %add3A_4, %lt3A : i32
    %convert_element_type3A = arith.extui %lt3A_5 : i1 to i32
    %cond3A = arith.constant 0 : i32
    %cond3A_6 = arith.cmpi ne, %convert_element_type3A, %cond3A : i32
    scf.if %cond3A_6 {
      %mul3A_34 = arith.constant 80 : i32
      %mul3A_35 = arith.muli %add3A_4, %mul3A_34 : i32
      "tpu.region"() ({
        %run_scoped3A = tpu.sem_alloc : memref<!tpu.dma_semaphore, #tpu.memory_space<semaphore_mem>>
        %dma_start3A_40 = tpu.memref_slice %arg3[%mul3A_35] : memref<10000xi32, #tpu.memory_space<hbm>> -> memref<80xi32, #tpu.memory_space<hbm>>
        %dma_start3A_41 = tpu.memref_slice %arg3[%mul3A_35] : memref<10000xi32, #tpu.memory_space<hbm>> -> memref<80xi32, #tpu.memory_space<hbm>>
        tpu.enqueue_dma source(%dma_start3A_41 : memref<80xi32, #tpu.memory_space<hbm>>) target(%arg5 : memref<80xi32, #tpu.memory_space<vmem>>) target_semaphore(%run_scoped3A : memref<!tpu.dma_semaphore, #tpu.memory_space<semaphore_mem>>)
        %dma_wait3A_42 = tpu.memref_slice %arg3[%mul3A_35] : memref<10000xi32, #tpu.memory_space<hbm>> -> memref<80xi32, #tpu.memory_space<hbm>>
        %dma_wait3A_43 = tpu.memref_slice %arg3[%mul3A_35] : memref<10000xi32, #tpu.memory_space<hbm>> -> memref<80xi32, #tpu.memory_space<hbm>>
        tpu.wait_dma2 semaphore(%run_scoped3A : memref<!tpu.dma_semaphore, #tpu.memory_space<semaphore_mem>>) src(%dma_wait3A_43 : memref<80xi32, #tpu.memory_space<hbm>>) dst(%arg5 : memref<80xi32, #tpu.memory_space<vmem>>)
        tpu.yield
      }) : () -> ()
      %dma_start3A = arith.constant 0 : i32
      %dma_start3A_36 = arith.constant 0 : i32
      %dma_start3A_37 = tpu.memref_slice %arg2[%dma_start3A, %dma_start3A_36] : memref<1001x128xf32, #tpu.memory_space<hbm>> -> memref<1001x128xf32, #tpu.memory_space<hbm>>
      tpu.enqueue_indirect_dma source(%dma_start3A_37 : memref<1001x128xf32, #tpu.memory_space<hbm>>) target(%arg6 : memref<80x128xf32, #tpu.memory_space<vmem>>) offsets(%arg5 : memref<80xi32, #tpu.memory_space<vmem>>) semaphore(%arg7 : memref<!tpu.dma_semaphore, #tpu.memory_space<semaphore_mem>>)
      %dma_wait3A = arith.constant 0 : i32
      %dma_wait3A_38 = arith.constant 0 : i32
      %dma_wait3A_39 = tpu.memref_slice %arg2[%dma_wait3A, %dma_wait3A_38] : memref<1001x128xf32, #tpu.memory_space<hbm>> -> memref<1001x128xf32, #tpu.memory_space<hbm>>
      tpu.wait_indirect_dma semaphore(%arg7 : memref<!tpu.dma_semaphore, #tpu.memory_space<semaphore_mem>>) src(%dma_wait3A_39 : memref<1001x128xf32, #tpu.memory_space<hbm>>) dst(%arg6 : memref<80x128xf32, #tpu.memory_space<vmem>>)
      "tpu.region"() ({
        %run_scoped3A = tpu.sem_alloc : memref<!tpu.dma_semaphore, #tpu.memory_space<semaphore_mem>>
        %dma_start3A_40 = arith.constant 0 : i32
        %dma_start3A_41 = tpu.memref_slice %arg4[%mul3A_35, %dma_start3A_40] : memref<10008x128xf32, #tpu.memory_space<hbm>> -> memref<80x128xf32, #tpu.memory_space<hbm>>
        %dma_start3A_42 = arith.constant 0 : i32
        %dma_start3A_43 = tpu.memref_slice %arg4[%mul3A_35, %dma_start3A_42] : memref<10008x128xf32, #tpu.memory_space<hbm>> -> memref<80x128xf32, #tpu.memory_space<hbm>>
        tpu.enqueue_dma source(%arg6 : memref<80x128xf32, #tpu.memory_space<vmem>>) target(%dma_start3A_43 : memref<80x128xf32, #tpu.memory_space<hbm>>) target_semaphore(%run_scoped3A : memref<!tpu.dma_semaphore, #tpu.memory_space<semaphore_mem>>)
        %dma_wait3A_44 = arith.constant 0 : i32
        %dma_wait3A_45 = tpu.memref_slice %arg4[%mul3A_35, %dma_wait3A_44] : memref<10008x128xf32, #tpu.memory_space<hbm>> -> memref<80x128xf32, #tpu.memory_space<hbm>>
        %dma_wait3A_46 = arith.constant 0 : i32
        %dma_wait3A_47 = tpu.memref_slice %arg4[%mul3A_35, %dma_wait3A_46] : memref<10008x128xf32, #tpu.memory_space<hbm>> -> memref<80x128xf32, #tpu.memory_space<hbm>>
        tpu.wait_dma2 semaphore(%run_scoped3A : memref<!tpu.dma_semaphore, #tpu.memory_space<semaphore_mem>>) src(%arg6 : memref<80x128xf32, #tpu.memory_space<vmem>>) dst(%dma_wait3A_47 : memref<80x128xf32, #tpu.memory_space<hbm>>)
        tpu.yield
      }) : () -> ()
    } else {
    }
    %mul3A_7 = arith.constant 4 : i32
    %mul3A_8 = arith.muli %add3A, %mul3A_7 : i32
    %add3A_9 = arith.constant 1 : i32
    %add3A_10 = arith.addi %mul3A_8, %add3A_9 : i32
    %lt3A_11 = arith.constant 125 : i32
    %lt3A_12 = arith.cmpi slt, %add3A_10, %lt3A_11 : i32
    %convert_element_type3A_13 = arith.extui %lt3A_12 : i1 to i32
    %cond3A_14 = arith.constant 0 : i32
    %cond3A_15 = arith.cmpi ne, %convert_element_type3A_13, %cond3A_14 : i32
    scf.if %cond3A_15 {
      %mul3A_34 = arith.constant 80 : i32
      %mul3A_35 = arith.muli %add3A_10, %mul3A_34 : i32
      "tpu.region"() ({
        %run_scoped3A = tpu.sem_alloc : memref<!tpu.dma_semaphore, #tpu.memory_space<semaphore_mem>>
        %dma_start3A_40 = tpu.memref_slice %arg3[%mul3A_35] : memref<10000xi32, #tpu.memory_space<hbm>> -> memref<80xi32, #tpu.memory_space<hbm>>
        %dma_start3A_41 = tpu.memref_slice %arg3[%mul3A_35] : memref<10000xi32, #tpu.memory_space<hbm>> -> memref<80xi32, #tpu.memory_space<hbm>>
        tpu.enqueue_dma source(%dma_start3A_41 : memref<80xi32, #tpu.memory_space<hbm>>) target(%arg5 : memref<80xi32, #tpu.memory_space<vmem>>) target_semaphore(%run_scoped3A : memref<!tpu.dma_semaphore, #tpu.memory_space<semaphore_mem>>)
        %dma_wait3A_42 = tpu.memref_slice %arg3[%mul3A_35] : memref<10000xi32, #tpu.memory_space<hbm>> -> memref<80xi32, #tpu.memory_space<hbm>>
        %dma_wait3A_43 = tpu.memref_slice %arg3[%mul3A_35] : memref<10000xi32, #tpu.memory_space<hbm>> -> memref<80xi32, #tpu.memory_space<hbm>>
        tpu.wait_dma2 semaphore(%run_scoped3A : memref<!tpu.dma_semaphore, #tpu.memory_space<semaphore_mem>>) src(%dma_wait3A_43 : memref<80xi32, #tpu.memory_space<hbm>>) dst(%arg5 : memref<80xi32, #tpu.memory_space<vmem>>)
        tpu.yield
      }) : () -> ()
      %dma_start3A = arith.constant 0 : i32
      %dma_start3A_36 = arith.constant 0 : i32
      %dma_start3A_37 = tpu.memref_slice %arg2[%dma_start3A, %dma_start3A_36] : memref<1001x128xf32, #tpu.memory_space<hbm>> -> memref<1001x128xf32, #tpu.memory_space<hbm>>
      tpu.enqueue_indirect_dma source(%dma_start3A_37 : memref<1001x128xf32, #tpu.memory_space<hbm>>) target(%arg6 : memref<80x128xf32, #tpu.memory_space<vmem>>) offsets(%arg5 : memref<80xi32, #tpu.memory_space<vmem>>) semaphore(%arg7 : memref<!tpu.dma_semaphore, #tpu.memory_space<semaphore_mem>>)
      %dma_wait3A = arith.constant 0 : i32
      %dma_wait3A_38 = arith.constant 0 : i32
      %dma_wait3A_39 = tpu.memref_slice %arg2[%dma_wait3A, %dma_wait3A_38] : memref<1001x128xf32, #tpu.memory_space<hbm>> -> memref<1001x128xf32, #tpu.memory_space<hbm>>
      tpu.wait_indirect_dma semaphore(%arg7 : memref<!tpu.dma_semaphore, #tpu.memory_space<semaphore_mem>>) src(%dma_wait3A_39 : memref<1001x128xf32, #tpu.memory_space<hbm>>) dst(%arg6 : memref<80x128xf32, #tpu.memory_space<vmem>>)
      "tpu.region"() ({
        %run_scoped3A = tpu.sem_alloc : memref<!tpu.dma_semaphore, #tpu.memory_space<semaphore_mem>>
        %dma_start3A_40 = arith.constant 0 : i32
        %dma_start3A_41 = tpu.memref_slice %arg4[%mul3A_35, %dma_start3A_40] : memref<10008x128xf32, #tpu.memory_space<hbm>> -> memref<80x128xf32, #tpu.memory_space<hbm>>
        %dma_start3A_42 = arith.constant 0 : i32
        %dma_start3A_43 = tpu.memref_slice %arg4[%mul3A_35, %dma_start3A_42] : memref<10008x128xf32, #tpu.memory_space<hbm>> -> memref<80x128xf32, #tpu.memory_space<hbm>>
        tpu.enqueue_dma source(%arg6 : memref<80x128xf32, #tpu.memory_space<vmem>>) target(%dma_start3A_43 : memref<80x128xf32, #tpu.memory_space<hbm>>) target_semaphore(%run_scoped3A : memref<!tpu.dma_semaphore, #tpu.memory_space<semaphore_mem>>)
        %dma_wait3A_44 = arith.constant 0 : i32
        %dma_wait3A_45 = tpu.memref_slice %arg4[%mul3A_35, %dma_wait3A_44] : memref<10008x128xf32, #tpu.memory_space<hbm>> -> memref<80x128xf32, #tpu.memory_space<hbm>>
        %dma_wait3A_46 = arith.constant 0 : i32
        %dma_wait3A_47 = tpu.memref_slice %arg4[%mul3A_35, %dma_wait3A_46] : memref<10008x128xf32, #tpu.memory_space<hbm>> -> memref<80x128xf32, #tpu.memory_space<hbm>>
        tpu.wait_dma2 semaphore(%run_scoped3A : memref<!tpu.dma_semaphore, #tpu.memory_space<semaphore_mem>>) src(%arg6 : memref<80x128xf32, #tpu.memory_space<vmem>>) dst(%dma_wait3A_47 : memref<80x128xf32, #tpu.memory_space<hbm>>)
        tpu.yield
      }) : () -> ()
    } else {
    }
    %mul3A_16 = arith.constant 4 : i32
    %mul3A_17 = arith.muli %add3A, %mul3A_16 : i32
    %add3A_18 = arith.constant 2 : i32
    %add3A_19 = arith.addi %mul3A_17, %add3A_18 : i32
    %lt3A_20 = arith.constant 125 : i32
    %lt3A_21 = arith.cmpi slt, %add3A_19, %lt3A_20 : i32
    %convert_element_type3A_22 = arith.extui %lt3A_21 : i1 to i32
    %cond3A_23 = arith.constant 0 : i32
    %cond3A_24 = arith.cmpi ne, %convert_element_type3A_22, %cond3A_23 : i32
    scf.if %cond3A_24 {
      %mul3A_34 = arith.constant 80 : i32
      %mul3A_35 = arith.muli %add3A_19, %mul3A_34 : i32
      "tpu.region"() ({
        %run_scoped3A = tpu.sem_alloc : memref<!tpu.dma_semaphore, #tpu.memory_space<semaphore_mem>>
        %dma_start3A_40 = tpu.memref_slice %arg3[%mul3A_35] : memref<10000xi32, #tpu.memory_space<hbm>> -> memref<80xi32, #tpu.memory_space<hbm>>
        %dma_start3A_41 = tpu.memref_slice %arg3[%mul3A_35] : memref<10000xi32, #tpu.memory_space<hbm>> -> memref<80xi32, #tpu.memory_space<hbm>>
        tpu.enqueue_dma source(%dma_start3A_41 : memref<80xi32, #tpu.memory_space<hbm>>) target(%arg5 : memref<80xi32, #tpu.memory_space<vmem>>) target_semaphore(%run_scoped3A : memref<!tpu.dma_semaphore, #tpu.memory_space<semaphore_mem>>)
        %dma_wait3A_42 = tpu.memref_slice %arg3[%mul3A_35] : memref<10000xi32, #tpu.memory_space<hbm>> -> memref<80xi32, #tpu.memory_space<hbm>>
        %dma_wait3A_43 = tpu.memref_slice %arg3[%mul3A_35] : memref<10000xi32, #tpu.memory_space<hbm>> -> memref<80xi32, #tpu.memory_space<hbm>>
        tpu.wait_dma2 semaphore(%run_scoped3A : memref<!tpu.dma_semaphore, #tpu.memory_space<semaphore_mem>>) src(%dma_wait3A_43 : memref<80xi32, #tpu.memory_space<hbm>>) dst(%arg5 : memref<80xi32, #tpu.memory_space<vmem>>)
        tpu.yield
      }) : () -> ()
      %dma_start3A = arith.constant 0 : i32
      %dma_start3A_36 = arith.constant 0 : i32
      %dma_start3A_37 = tpu.memref_slice %arg2[%dma_start3A, %dma_start3A_36] : memref<1001x128xf32, #tpu.memory_space<hbm>> -> memref<1001x128xf32, #tpu.memory_space<hbm>>
      tpu.enqueue_indirect_dma source(%dma_start3A_37 : memref<1001x128xf32, #tpu.memory_space<hbm>>) target(%arg6 : memref<80x128xf32, #tpu.memory_space<vmem>>) offsets(%arg5 : memref<80xi32, #tpu.memory_space<vmem>>) semaphore(%arg7 : memref<!tpu.dma_semaphore, #tpu.memory_space<semaphore_mem>>)
      %dma_wait3A = arith.constant 0 : i32
      %dma_wait3A_38 = arith.constant 0 : i32
      %dma_wait3A_39 = tpu.memref_slice %arg2[%dma_wait3A, %dma_wait3A_38] : memref<1001x128xf32, #tpu.memory_space<hbm>> -> memref<1001x128xf32, #tpu.memory_space<hbm>>
      tpu.wait_indirect_dma semaphore(%arg7 : memref<!tpu.dma_semaphore, #tpu.memory_space<semaphore_mem>>) src(%dma_wait3A_39 : memref<1001x128xf32, #tpu.memory_space<hbm>>) dst(%arg6 : memref<80x128xf32, #tpu.memory_space<vmem>>)
      "tpu.region"() ({
        %run_scoped3A = tpu.sem_alloc : memref<!tpu.dma_semaphore, #tpu.memory_space<semaphore_mem>>
        %dma_start3A_40 = arith.constant 0 : i32
        %dma_start3A_41 = tpu.memref_slice %arg4[%mul3A_35, %dma_start3A_40] : memref<10008x128xf32, #tpu.memory_space<hbm>> -> memref<80x128xf32, #tpu.memory_space<hbm>>
        %dma_start3A_42 = arith.constant 0 : i32
        %dma_start3A_43 = tpu.memref_slice %arg4[%mul3A_35, %dma_start3A_42] : memref<10008x128xf32, #tpu.memory_space<hbm>> -> memref<80x128xf32, #tpu.memory_space<hbm>>
        tpu.enqueue_dma source(%arg6 : memref<80x128xf32, #tpu.memory_space<vmem>>) target(%dma_start3A_43 : memref<80x128xf32, #tpu.memory_space<hbm>>) target_semaphore(%run_scoped3A : memref<!tpu.dma_semaphore, #tpu.memory_space<semaphore_mem>>)
        %dma_wait3A_44 = arith.constant 0 : i32
        %dma_wait3A_45 = tpu.memref_slice %arg4[%mul3A_35, %dma_wait3A_44] : memref<10008x128xf32, #tpu.memory_space<hbm>> -> memref<80x128xf32, #tpu.memory_space<hbm>>
        %dma_wait3A_46 = arith.constant 0 : i32
        %dma_wait3A_47 = tpu.memref_slice %arg4[%mul3A_35, %dma_wait3A_46] : memref<10008x128xf32, #tpu.memory_space<hbm>> -> memref<80x128xf32, #tpu.memory_space<hbm>>
        tpu.wait_dma2 semaphore(%run_scoped3A : memref<!tpu.dma_semaphore, #tpu.memory_space<semaphore_mem>>) src(%arg6 : memref<80x128xf32, #tpu.memory_space<vmem>>) dst(%dma_wait3A_47 : memref<80x128xf32, #tpu.memory_space<hbm>>)
        tpu.yield
      }) : () -> ()
    } else {
    }
    %mul3A_25 = arith.constant 4 : i32
    %mul3A_26 = arith.muli %add3A, %mul3A_25 : i32
    %add3A_27 = arith.constant 3 : i32
    %add3A_28 = arith.addi %mul3A_26, %add3A_27 : i32
    %lt3A_29 = arith.constant 125 : i32
    %lt3A_30 = arith.cmpi slt, %add3A_28, %lt3A_29 : i32
    %convert_element_type3A_31 = arith.extui %lt3A_30 : i1 to i32
    %cond3A_32 = arith.constant 0 : i32
    %cond3A_33 = arith.cmpi ne, %convert_element_type3A_31, %cond3A_32 : i32
    scf.if %cond3A_33 {
      %mul3A_34 = arith.constant 80 : i32
      %mul3A_35 = arith.muli %add3A_28, %mul3A_34 : i32
      "tpu.region"() ({
        %run_scoped3A = tpu.sem_alloc : memref<!tpu.dma_semaphore, #tpu.memory_space<semaphore_mem>>
        %dma_start3A_40 = tpu.memref_slice %arg3[%mul3A_35] : memref<10000xi32, #tpu.memory_space<hbm>> -> memref<80xi32, #tpu.memory_space<hbm>>
        %dma_start3A_41 = tpu.memref_slice %arg3[%mul3A_35] : memref<10000xi32, #tpu.memory_space<hbm>> -> memref<80xi32, #tpu.memory_space<hbm>>
        tpu.enqueue_dma source(%dma_start3A_41 : memref<80xi32, #tpu.memory_space<hbm>>) target(%arg5 : memref<80xi32, #tpu.memory_space<vmem>>) target_semaphore(%run_scoped3A : memref<!tpu.dma_semaphore, #tpu.memory_space<semaphore_mem>>)
        %dma_wait3A_42 = tpu.memref_slice %arg3[%mul3A_35] : memref<10000xi32, #tpu.memory_space<hbm>> -> memref<80xi32, #tpu.memory_space<hbm>>
        %dma_wait3A_43 = tpu.memref_slice %arg3[%mul3A_35] : memref<10000xi32, #tpu.memory_space<hbm>> -> memref<80xi32, #tpu.memory_space<hbm>>
        tpu.wait_dma2 semaphore(%run_scoped3A : memref<!tpu.dma_semaphore, #tpu.memory_space<semaphore_mem>>) src(%dma_wait3A_43 : memref<80xi32, #tpu.memory_space<hbm>>) dst(%arg5 : memref<80xi32, #tpu.memory_space<vmem>>)
        tpu.yield
      }) : () -> ()
      %dma_start3A = arith.constant 0 : i32
      %dma_start3A_36 = arith.constant 0 : i32
      %dma_start3A_37 = tpu.memref_slice %arg2[%dma_start3A, %dma_start3A_36] : memref<1001x128xf32, #tpu.memory_space<hbm>> -> memref<1001x128xf32, #tpu.memory_space<hbm>>
      tpu.enqueue_indirect_dma source(%dma_start3A_37 : memref<1001x128xf32, #tpu.memory_space<hbm>>) target(%arg6 : memref<80x128xf32, #tpu.memory_space<vmem>>) offsets(%arg5 : memref<80xi32, #tpu.memory_space<vmem>>) semaphore(%arg7 : memref<!tpu.dma_semaphore, #tpu.memory_space<semaphore_mem>>)
      %dma_wait3A = arith.constant 0 : i32
      %dma_wait3A_38 = arith.constant 0 : i32
      %dma_wait3A_39 = tpu.memref_slice %arg2[%dma_wait3A, %dma_wait3A_38] : memref<1001x128xf32, #tpu.memory_space<hbm>> -> memref<1001x128xf32, #tpu.memory_space<hbm>>
      tpu.wait_indirect_dma semaphore(%arg7 : memref<!tpu.dma_semaphore, #tpu.memory_space<semaphore_mem>>) src(%dma_wait3A_39 : memref<1001x128xf32, #tpu.memory_space<hbm>>) dst(%arg6 : memref<80x128xf32, #tpu.memory_space<vmem>>)
      "tpu.region"() ({
        %run_scoped3A = tpu.sem_alloc : memref<!tpu.dma_semaphore, #tpu.memory_space<semaphore_mem>>
        %dma_start3A_40 = arith.constant 0 : i32
        %dma_start3A_41 = tpu.memref_slice %arg4[%mul3A_35, %dma_start3A_40] : memref<10008x128xf32, #tpu.memory_space<hbm>> -> memref<80x128xf32, #tpu.memory_space<hbm>>
        %dma_start3A_42 = arith.constant 0 : i32
        %dma_start3A_43 = tpu.memref_slice %arg4[%mul3A_35, %dma_start3A_42] : memref<10008x128xf32, #tpu.memory_space<hbm>> -> memref<80x128xf32, #tpu.memory_space<hbm>>
        tpu.enqueue_dma source(%arg6 : memref<80x128xf32, #tpu.memory_space<vmem>>) target(%dma_start3A_43 : memref<80x128xf32, #tpu.memory_space<hbm>>) target_semaphore(%run_scoped3A : memref<!tpu.dma_semaphore, #tpu.memory_space<semaphore_mem>>)
        %dma_wait3A_44 = arith.constant 0 : i32
        %dma_wait3A_45 = tpu.memref_slice %arg4[%mul3A_35, %dma_wait3A_44] : memref<10008x128xf32, #tpu.memory_space<hbm>> -> memref<80x128xf32, #tpu.memory_space<hbm>>
        %dma_wait3A_46 = arith.constant 0 : i32
        %dma_wait3A_47 = tpu.memref_slice %arg4[%mul3A_35, %dma_wait3A_46] : memref<10008x128xf32, #tpu.memory_space<hbm>> -> memref<80x128xf32, #tpu.memory_space<hbm>>
        tpu.wait_dma2 semaphore(%run_scoped3A : memref<!tpu.dma_semaphore, #tpu.memory_space<semaphore_mem>>) src(%arg6 : memref<80x128xf32, #tpu.memory_space<vmem>>) dst(%dma_wait3A_47 : memref<80x128xf32, #tpu.memory_space<hbm>>)
        tpu.yield
      }) : () -> ()
    } else {
    }
    return
  }
}

#map = affine_map<(d0, d1) -> (0, 0)>
#map1 = affine_map<(d0, d1) -> (0)>
module attributes {stable_mosaic.version = 14 : i64} {
  func.func @k(%arg0: i32, %arg1: i32, %arg2: memref<10008x128xf32, #tpu.memory_space<hbm>>, %arg3: memref<320000xi32, #tpu.memory_space<hbm>>, %arg4: memref<320000xi32, #tpu.memory_space<hbm>>, %arg5: memref<20000x128xf32, #tpu.memory_space<hbm>>, %arg6: memref<80xi32, #tpu.memory_space<vmem>>, %arg7: memref<80xi32, #tpu.memory_space<vmem>>, %arg8: memref<80xi32, #tpu.memory_space<vmem>>, %arg9: memref<80xi32, #tpu.memory_space<vmem>>, %arg10: memref<80x128xf32, #tpu.memory_space<vmem>>, %arg11: memref<80x128xf32, #tpu.memory_space<vmem>>, %arg12: memref<80x128xf32, #tpu.memory_space<vmem>>, %arg13: memref<10000x128xf32, #tpu.memory_space<vmem_shared>>, %arg14: memref<!tpu.dma_semaphore, #tpu.memory_space<semaphore_mem>>, %arg15: memref<!tpu.dma_semaphore, #tpu.memory_space<semaphore_mem>>) attributes {dimension_semantics = [#tpu.dimension_semantics<core_parallel>, #tpu.dimension_semantics<subcore_parallel>], iteration_bounds = array<i64: 2, 16>, scalar_prefetch = 0 : i64, scratch_operands = 10 : i64, tpu.core_type = #tpu.core_type<sc_vector_subcore>, window_params = [{transform_indices = #map}, {transform_indices = #map1}, {transform_indices = #map1}, {transform_indices = #map}]} {
    %mul3A = arith.constant 16 : i32
    %mul3A_0 = arith.muli %arg0, %mul3A : i32
    %add3A = arith.addi %mul3A_0, %arg1 : i32
    %broadcast_in_dim3A = arith.constant 0.000000e+00 : f32
    %broadcast_in_dim3A_1 = vector.broadcast %broadcast_in_dim3A : f32 to vector<16xf32>
    %scan3A = arith.constant 0 : i32
    %scan3A_2 = arith.constant 0 : i32
    %scan3A_3 = arith.constant 80 : i32
    %scan3A_4 = arith.addi %scan3A_2, %scan3A_3 : i32
    %scan3A_5 = arith.constant 1 : i32
    scf.for %scan3A_127 = %scan3A_2 to %scan3A_4 step %scan3A_5  : i32 {
      %swap3A = arith.index_cast %scan3A_127 : i32 to index
      %swap3A_128 = arith.constant 0 : index
      %swap3A_129 = tpu.vector_load %arg12[%swap3A, %swap3A_128] {strides = array<i32>} : memref<80x128xf32, #tpu.memory_space<vmem>>, vector<1x16xf32>,
      %swap3A_130 = vector.shape_cast %swap3A_129 : vector<1x16xf32> to vector<16xf32>
      %swap3A_131 = vector.shape_cast %broadcast_in_dim3A_1 : vector<16xf32> to vector<1x16xf32>
      tpu.vector_store %arg12[%swap3A, %swap3A_128], %swap3A_131 {strides = array<i32>} : memref<80x128xf32, #tpu.memory_space<vmem>>, vector<1x16xf32>,
      %swap3A_132 = arith.index_cast %scan3A_127 : i32 to index
      %swap3A_133 = arith.constant 16 : index
      %swap3A_134 = tpu.vector_load %arg12[%swap3A_132, %swap3A_133] {strides = array<i32>} : memref<80x128xf32, #tpu.memory_space<vmem>>, vector<1x16xf32>,
      %swap3A_135 = vector.shape_cast %swap3A_134 : vector<1x16xf32> to vector<16xf32>
      %swap3A_136 = vector.shape_cast %broadcast_in_dim3A_1 : vector<16xf32> to vector<1x16xf32>
      tpu.vector_store %arg12[%swap3A_132, %swap3A_133], %swap3A_136 {strides = array<i32>} : memref<80x128xf32, #tpu.memory_space<vmem>>, vector<1x16xf32>,
      %swap3A_137 = arith.index_cast %scan3A_127 : i32 to index
      %swap3A_138 = arith.constant 32 : index
      %swap3A_139 = tpu.vector_load %arg12[%swap3A_137, %swap3A_138] {strides = array<i32>} : memref<80x128xf32, #tpu.memory_space<vmem>>, vector<1x16xf32>,
      %swap3A_140 = vector.shape_cast %swap3A_139 : vector<1x16xf32> to vector<16xf32>
      %swap3A_141 = vector.shape_cast %broadcast_in_dim3A_1 : vector<16xf32> to vector<1x16xf32>
      tpu.vector_store %arg12[%swap3A_137, %swap3A_138], %swap3A_141 {strides = array<i32>} : memref<80x128xf32, #tpu.memory_space<vmem>>, vector<1x16xf32>,
      %swap3A_142 = arith.index_cast %scan3A_127 : i32 to index
      %swap3A_143 = arith.constant 48 : index
      %swap3A_144 = tpu.vector_load %arg12[%swap3A_142, %swap3A_143] {strides = array<i32>} : memref<80x128xf32, #tpu.memory_space<vmem>>, vector<1x16xf32>,
      %swap3A_145 = vector.shape_cast %swap3A_144 : vector<1x16xf32> to vector<16xf32>
      %swap3A_146 = vector.shape_cast %broadcast_in_dim3A_1 : vector<16xf32> to vector<1x16xf32>
      tpu.vector_store %arg12[%swap3A_142, %swap3A_143], %swap3A_146 {strides = array<i32>} : memref<80x128xf32, #tpu.memory_space<vmem>>, vector<1x16xf32>,
      %swap3A_147 = arith.index_cast %scan3A_127 : i32 to index
      %swap3A_148 = arith.constant 64 : index
      %swap3A_149 = tpu.vector_load %arg12[%swap3A_147, %swap3A_148] {strides = array<i32>} : memref<80x128xf32, #tpu.memory_space<vmem>>, vector<1x16xf32>,
      %swap3A_150 = vector.shape_cast %swap3A_149 : vector<1x16xf32> to vector<16xf32>
      %swap3A_151 = vector.shape_cast %broadcast_in_dim3A_1 : vector<16xf32> to vector<1x16xf32>
      tpu.vector_store %arg12[%swap3A_147, %swap3A_148], %swap3A_151 {strides = array<i32>} : memref<80x128xf32, #tpu.memory_space<vmem>>, vector<1x16xf32>,
      %swap3A_152 = arith.index_cast %scan3A_127 : i32 to index
      %swap3A_153 = arith.constant 80 : index
      %swap3A_154 = tpu.vector_load %arg12[%swap3A_152, %swap3A_153] {strides = array<i32>} : memref<80x128xf32, #tpu.memory_space<vmem>>, vector<1x16xf32>,
      %swap3A_155 = vector.shape_cast %swap3A_154 : vector<1x16xf32> to vector<16xf32>
      %swap3A_156 = vector.shape_cast %broadcast_in_dim3A_1 : vector<16xf32> to vector<1x16xf32>
      tpu.vector_store %arg12[%swap3A_152, %swap3A_153], %swap3A_156 {strides = array<i32>} : memref<80x128xf32, #tpu.memory_space<vmem>>, vector<1x16xf32>,
      %swap3A_157 = arith.index_cast %scan3A_127 : i32 to index
      %swap3A_158 = arith.constant 96 : index
      %swap3A_159 = tpu.vector_load %arg12[%swap3A_157, %swap3A_158] {strides = array<i32>} : memref<80x128xf32, #tpu.memory_space<vmem>>, vector<1x16xf32>,
      %swap3A_160 = vector.shape_cast %swap3A_159 : vector<1x16xf32> to vector<16xf32>
      %swap3A_161 = vector.shape_cast %broadcast_in_dim3A_1 : vector<16xf32> to vector<1x16xf32>
      tpu.vector_store %arg12[%swap3A_157, %swap3A_158], %swap3A_161 {strides = array<i32>} : memref<80x128xf32, #tpu.memory_space<vmem>>, vector<1x16xf32>,
      %swap3A_162 = arith.index_cast %scan3A_127 : i32 to index
      %swap3A_163 = arith.constant 112 : index
      %swap3A_164 = tpu.vector_load %arg12[%swap3A_162, %swap3A_163] {strides = array<i32>} : memref<80x128xf32, #tpu.memory_space<vmem>>, vector<1x16xf32>,
      %swap3A_165 = vector.shape_cast %swap3A_164 : vector<1x16xf32> to vector<16xf32>
      %swap3A_166 = vector.shape_cast %broadcast_in_dim3A_1 : vector<16xf32> to vector<1x16xf32>
      tpu.vector_store %arg12[%swap3A_162, %swap3A_163], %swap3A_166 {strides = array<i32>} : memref<80x128xf32, #tpu.memory_space<vmem>>, vector<1x16xf32>,
    }
    %scan3A_6 = arith.constant 80 : i32
    %add3A_7 = arith.constant 0 : i32
    %add3A_8 = arith.addi %arg1, %add3A_7 : i32
    %lt3A = arith.constant 125 : i32
    %lt3A_9 = arith.cmpi slt, %add3A_8, %lt3A : i32
    %convert_element_type3A = arith.extui %lt3A_9 : i1 to i32
    %cond3A = arith.constant 0 : i32
    %cond3A_10 = arith.cmpi ne, %convert_element_type3A, %cond3A : i32
    scf.if %cond3A_10 {
      %mul3A_127 = arith.constant 80 : i32
      %mul3A_128 = arith.muli %add3A_8, %mul3A_127 : i32
      "tpu.region"() ({
        %run_scoped3A = tpu.sem_alloc : memref<!tpu.dma_semaphore, #tpu.memory_space<semaphore_mem>>
        %dma_start3A_129 = arith.constant 0 : i32
        %dma_start3A_130 = tpu.memref_slice %arg13[%mul3A_128, %dma_start3A_129] : memref<10000x128xf32, #tpu.memory_space<vmem_shared>> -> memref<80x128xf32, #tpu.memory_space<vmem_shared>>
        %dma_start3A_131 = arith.constant 0 : i32
        %dma_start3A_132 = tpu.memref_slice %arg13[%mul3A_128, %dma_start3A_131] : memref<10000x128xf32, #tpu.memory_space<vmem_shared>> -> memref<80x128xf32, #tpu.memory_space<vmem_shared>>
        tpu.enqueue_dma source(%arg12 : memref<80x128xf32, #tpu.memory_space<vmem>>) target(%dma_start3A_132 : memref<80x128xf32, #tpu.memory_space<vmem_shared>>) target_semaphore(%run_scoped3A : memref<!tpu.dma_semaphore, #tpu.memory_space<semaphore_mem>>)
        %dma_wait3A = arith.constant 0 : i32
        %dma_wait3A_133 = tpu.memref_slice %arg13[%mul3A_128, %dma_wait3A] : memref<10000x128xf32, #tpu.memory_space<vmem_shared>> -> memref<80x128xf32, #tpu.memory_space<vmem_shared>>
        %dma_wait3A_134 = arith.constant 0 : i32
        %dma_wait3A_135 = tpu.memref_slice %arg13[%mul3A_128, %dma_wait3A_134] : memref<10000x128xf32, #tpu.memory_space<vmem_shared>> -> memref<80x128xf32, #tpu.memory_space<vmem_shared>>
        tpu.wait_dma2 semaphore(%run_scoped3A : memref<!tpu.dma_semaphore, #tpu.memory_space<semaphore_mem>>) src(%arg12 : memref<80x128xf32, #tpu.memory_space<vmem>>) dst(%dma_wait3A_135 : memref<80x128xf32, #tpu.memory_space<vmem_shared>>)
        tpu.yield
      }) : () -> ()
    } else {
    }
    %add3A_11 = arith.constant 16 : i32
    %add3A_12 = arith.addi %arg1, %add3A_11 : i32
    %lt3A_13 = arith.constant 125 : i32
    %lt3A_14 = arith.cmpi slt, %add3A_12, %lt3A_13 : i32
    %convert_element_type3A_15 = arith.extui %lt3A_14 : i1 to i32
    %cond3A_16 = arith.constant 0 : i32
    %cond3A_17 = arith.cmpi ne, %convert_element_type3A_15, %cond3A_16 : i32
    scf.if %cond3A_17 {
      %mul3A_127 = arith.constant 80 : i32
      %mul3A_128 = arith.muli %add3A_12, %mul3A_127 : i32
      "tpu.region"() ({
        %run_scoped3A = tpu.sem_alloc : memref<!tpu.dma_semaphore, #tpu.memory_space<semaphore_mem>>
        %dma_start3A_129 = arith.constant 0 : i32
        %dma_start3A_130 = tpu.memref_slice %arg13[%mul3A_128, %dma_start3A_129] : memref<10000x128xf32, #tpu.memory_space<vmem_shared>> -> memref<80x128xf32, #tpu.memory_space<vmem_shared>>
        %dma_start3A_131 = arith.constant 0 : i32
        %dma_start3A_132 = tpu.memref_slice %arg13[%mul3A_128, %dma_start3A_131] : memref<10000x128xf32, #tpu.memory_space<vmem_shared>> -> memref<80x128xf32, #tpu.memory_space<vmem_shared>>
        tpu.enqueue_dma source(%arg12 : memref<80x128xf32, #tpu.memory_space<vmem>>) target(%dma_start3A_132 : memref<80x128xf32, #tpu.memory_space<vmem_shared>>) target_semaphore(%run_scoped3A : memref<!tpu.dma_semaphore, #tpu.memory_space<semaphore_mem>>)
        %dma_wait3A = arith.constant 0 : i32
        %dma_wait3A_133 = tpu.memref_slice %arg13[%mul3A_128, %dma_wait3A] : memref<10000x128xf32, #tpu.memory_space<vmem_shared>> -> memref<80x128xf32, #tpu.memory_space<vmem_shared>>
        %dma_wait3A_134 = arith.constant 0 : i32
        %dma_wait3A_135 = tpu.memref_slice %arg13[%mul3A_128, %dma_wait3A_134] : memref<10000x128xf32, #tpu.memory_space<vmem_shared>> -> memref<80x128xf32, #tpu.memory_space<vmem_shared>>
        tpu.wait_dma2 semaphore(%run_scoped3A : memref<!tpu.dma_semaphore, #tpu.memory_space<semaphore_mem>>) src(%arg12 : memref<80x128xf32, #tpu.memory_space<vmem>>) dst(%dma_wait3A_135 : memref<80x128xf32, #tpu.memory_space<vmem_shared>>)
        tpu.yield
      }) : () -> ()
    } else {
    }
    %add3A_18 = arith.constant 32 : i32
    %add3A_19 = arith.addi %arg1, %add3A_18 : i32
    %lt3A_20 = arith.constant 125 : i32
    %lt3A_21 = arith.cmpi slt, %add3A_19, %lt3A_20 : i32
    %convert_element_type3A_22 = arith.extui %lt3A_21 : i1 to i32
    %cond3A_23 = arith.constant 0 : i32
    %cond3A_24 = arith.cmpi ne, %convert_element_type3A_22, %cond3A_23 : i32
    scf.if %cond3A_24 {
      %mul3A_127 = arith.constant 80 : i32
      %mul3A_128 = arith.muli %add3A_19, %mul3A_127 : i32
      "tpu.region"() ({
        %run_scoped3A = tpu.sem_alloc : memref<!tpu.dma_semaphore, #tpu.memory_space<semaphore_mem>>
        %dma_start3A_129 = arith.constant 0 : i32
        %dma_start3A_130 = tpu.memref_slice %arg13[%mul3A_128, %dma_start3A_129] : memref<10000x128xf32, #tpu.memory_space<vmem_shared>> -> memref<80x128xf32, #tpu.memory_space<vmem_shared>>
        %dma_start3A_131 = arith.constant 0 : i32
        %dma_start3A_132 = tpu.memref_slice %arg13[%mul3A_128, %dma_start3A_131] : memref<10000x128xf32, #tpu.memory_space<vmem_shared>> -> memref<80x128xf32, #tpu.memory_space<vmem_shared>>
        tpu.enqueue_dma source(%arg12 : memref<80x128xf32, #tpu.memory_space<vmem>>) target(%dma_start3A_132 : memref<80x128xf32, #tpu.memory_space<vmem_shared>>) target_semaphore(%run_scoped3A : memref<!tpu.dma_semaphore, #tpu.memory_space<semaphore_mem>>)
        %dma_wait3A = arith.constant 0 : i32
        %dma_wait3A_133 = tpu.memref_slice %arg13[%mul3A_128, %dma_wait3A] : memref<10000x128xf32, #tpu.memory_space<vmem_shared>> -> memref<80x128xf32, #tpu.memory_space<vmem_shared>>
        %dma_wait3A_134 = arith.constant 0 : i32
        %dma_wait3A_135 = tpu.memref_slice %arg13[%mul3A_128, %dma_wait3A_134] : memref<10000x128xf32, #tpu.memory_space<vmem_shared>> -> memref<80x128xf32, #tpu.memory_space<vmem_shared>>
        tpu.wait_dma2 semaphore(%run_scoped3A : memref<!tpu.dma_semaphore, #tpu.memory_space<semaphore_mem>>) src(%arg12 : memref<80x128xf32, #tpu.memory_space<vmem>>) dst(%dma_wait3A_135 : memref<80x128xf32, #tpu.memory_space<vmem_shared>>)
        tpu.yield
      }) : () -> ()
    } else {
    }
    %add3A_25 = arith.constant 48 : i32
    %add3A_26 = arith.addi %arg1, %add3A_25 : i32
    %lt3A_27 = arith.constant 125 : i32
    %lt3A_28 = arith.cmpi slt, %add3A_26, %lt3A_27 : i32
    %convert_element_type3A_29 = arith.extui %lt3A_28 : i1 to i32
    %cond3A_30 = arith.constant 0 : i32
    %cond3A_31 = arith.cmpi ne, %convert_element_type3A_29, %cond3A_30 : i32
    scf.if %cond3A_31 {
      %mul3A_127 = arith.constant 80 : i32
      %mul3A_128 = arith.muli %add3A_26, %mul3A_127 : i32
      "tpu.region"() ({
        %run_scoped3A = tpu.sem_alloc : memref<!tpu.dma_semaphore, #tpu.memory_space<semaphore_mem>>
        %dma_start3A_129 = arith.constant 0 : i32
        %dma_start3A_130 = tpu.memref_slice %arg13[%mul3A_128, %dma_start3A_129] : memref<10000x128xf32, #tpu.memory_space<vmem_shared>> -> memref<80x128xf32, #tpu.memory_space<vmem_shared>>
        %dma_start3A_131 = arith.constant 0 : i32
        %dma_start3A_132 = tpu.memref_slice %arg13[%mul3A_128, %dma_start3A_131] : memref<10000x128xf32, #tpu.memory_space<vmem_shared>> -> memref<80x128xf32, #tpu.memory_space<vmem_shared>>
        tpu.enqueue_dma source(%arg12 : memref<80x128xf32, #tpu.memory_space<vmem>>) target(%dma_start3A_132 : memref<80x128xf32, #tpu.memory_space<vmem_shared>>) target_semaphore(%run_scoped3A : memref<!tpu.dma_semaphore, #tpu.memory_space<semaphore_mem>>)
        %dma_wait3A = arith.constant 0 : i32
        %dma_wait3A_133 = tpu.memref_slice %arg13[%mul3A_128, %dma_wait3A] : memref<10000x128xf32, #tpu.memory_space<vmem_shared>> -> memref<80x128xf32, #tpu.memory_space<vmem_shared>>
        %dma_wait3A_134 = arith.constant 0 : i32
        %dma_wait3A_135 = tpu.memref_slice %arg13[%mul3A_128, %dma_wait3A_134] : memref<10000x128xf32, #tpu.memory_space<vmem_shared>> -> memref<80x128xf32, #tpu.memory_space<vmem_shared>>
        tpu.wait_dma2 semaphore(%run_scoped3A : memref<!tpu.dma_semaphore, #tpu.memory_space<semaphore_mem>>) src(%arg12 : memref<80x128xf32, #tpu.memory_space<vmem>>) dst(%dma_wait3A_135 : memref<80x128xf32, #tpu.memory_space<vmem_shared>>)
        tpu.yield
      }) : () -> ()
    } else {
    }
    %add3A_32 = arith.constant 64 : i32
    %add3A_33 = arith.addi %arg1, %add3A_32 : i32
    %lt3A_34 = arith.constant 125 : i32
    %lt3A_35 = arith.cmpi slt, %add3A_33, %lt3A_34 : i32
    %convert_element_type3A_36 = arith.extui %lt3A_35 : i1 to i32
    %cond3A_37 = arith.constant 0 : i32
    %cond3A_38 = arith.cmpi ne, %convert_element_type3A_36, %cond3A_37 : i32
    scf.if %cond3A_38 {
      %mul3A_127 = arith.constant 80 : i32
      %mul3A_128 = arith.muli %add3A_33, %mul3A_127 : i32
      "tpu.region"() ({
        %run_scoped3A = tpu.sem_alloc : memref<!tpu.dma_semaphore, #tpu.memory_space<semaphore_mem>>
        %dma_start3A_129 = arith.constant 0 : i32
        %dma_start3A_130 = tpu.memref_slice %arg13[%mul3A_128, %dma_start3A_129] : memref<10000x128xf32, #tpu.memory_space<vmem_shared>> -> memref<80x128xf32, #tpu.memory_space<vmem_shared>>
        %dma_start3A_131 = arith.constant 0 : i32
        %dma_start3A_132 = tpu.memref_slice %arg13[%mul3A_128, %dma_start3A_131] : memref<10000x128xf32, #tpu.memory_space<vmem_shared>> -> memref<80x128xf32, #tpu.memory_space<vmem_shared>>
        tpu.enqueue_dma source(%arg12 : memref<80x128xf32, #tpu.memory_space<vmem>>) target(%dma_start3A_132 : memref<80x128xf32, #tpu.memory_space<vmem_shared>>) target_semaphore(%run_scoped3A : memref<!tpu.dma_semaphore, #tpu.memory_space<semaphore_mem>>)
        %dma_wait3A = arith.constant 0 : i32
        %dma_wait3A_133 = tpu.memref_slice %arg13[%mul3A_128, %dma_wait3A] : memref<10000x128xf32, #tpu.memory_space<vmem_shared>> -> memref<80x128xf32, #tpu.memory_space<vmem_shared>>
        %dma_wait3A_134 = arith.constant 0 : i32
        %dma_wait3A_135 = tpu.memref_slice %arg13[%mul3A_128, %dma_wait3A_134] : memref<10000x128xf32, #tpu.memory_space<vmem_shared>> -> memref<80x128xf32, #tpu.memory_space<vmem_shared>>
        tpu.wait_dma2 semaphore(%run_scoped3A : memref<!tpu.dma_semaphore, #tpu.memory_space<semaphore_mem>>) src(%arg12 : memref<80x128xf32, #tpu.memory_space<vmem>>) dst(%dma_wait3A_135 : memref<80x128xf32, #tpu.memory_space<vmem_shared>>)
        tpu.yield
      }) : () -> ()
    } else {
    }
    %add3A_39 = arith.constant 80 : i32
    %add3A_40 = arith.addi %arg1, %add3A_39 : i32
    %lt3A_41 = arith.constant 125 : i32
    %lt3A_42 = arith.cmpi slt, %add3A_40, %lt3A_41 : i32
    %convert_element_type3A_43 = arith.extui %lt3A_42 : i1 to i32
    %cond3A_44 = arith.constant 0 : i32
    %cond3A_45 = arith.cmpi ne, %convert_element_type3A_43, %cond3A_44 : i32
    scf.if %cond3A_45 {
      %mul3A_127 = arith.constant 80 : i32
      %mul3A_128 = arith.muli %add3A_40, %mul3A_127 : i32
      "tpu.region"() ({
        %run_scoped3A = tpu.sem_alloc : memref<!tpu.dma_semaphore, #tpu.memory_space<semaphore_mem>>
        %dma_start3A_129 = arith.constant 0 : i32
        %dma_start3A_130 = tpu.memref_slice %arg13[%mul3A_128, %dma_start3A_129] : memref<10000x128xf32, #tpu.memory_space<vmem_shared>> -> memref<80x128xf32, #tpu.memory_space<vmem_shared>>
        %dma_start3A_131 = arith.constant 0 : i32
        %dma_start3A_132 = tpu.memref_slice %arg13[%mul3A_128, %dma_start3A_131] : memref<10000x128xf32, #tpu.memory_space<vmem_shared>> -> memref<80x128xf32, #tpu.memory_space<vmem_shared>>
        tpu.enqueue_dma source(%arg12 : memref<80x128xf32, #tpu.memory_space<vmem>>) target(%dma_start3A_132 : memref<80x128xf32, #tpu.memory_space<vmem_shared>>) target_semaphore(%run_scoped3A : memref<!tpu.dma_semaphore, #tpu.memory_space<semaphore_mem>>)
        %dma_wait3A = arith.constant 0 : i32
        %dma_wait3A_133 = tpu.memref_slice %arg13[%mul3A_128, %dma_wait3A] : memref<10000x128xf32, #tpu.memory_space<vmem_shared>> -> memref<80x128xf32, #tpu.memory_space<vmem_shared>>
        %dma_wait3A_134 = arith.constant 0 : i32
        %dma_wait3A_135 = tpu.memref_slice %arg13[%mul3A_128, %dma_wait3A_134] : memref<10000x128xf32, #tpu.memory_space<vmem_shared>> -> memref<80x128xf32, #tpu.memory_space<vmem_shared>>
        tpu.wait_dma2 semaphore(%run_scoped3A : memref<!tpu.dma_semaphore, #tpu.memory_space<semaphore_mem>>) src(%arg12 : memref<80x128xf32, #tpu.memory_space<vmem>>) dst(%dma_wait3A_135 : memref<80x128xf32, #tpu.memory_space<vmem_shared>>)
        tpu.yield
      }) : () -> ()
    } else {
    }
    %add3A_46 = arith.constant 96 : i32
    %add3A_47 = arith.addi %arg1, %add3A_46 : i32
    %lt3A_48 = arith.constant 125 : i32
    %lt3A_49 = arith.cmpi slt, %add3A_47, %lt3A_48 : i32
    %convert_element_type3A_50 = arith.extui %lt3A_49 : i1 to i32
    %cond3A_51 = arith.constant 0 : i32
    %cond3A_52 = arith.cmpi ne, %convert_element_type3A_50, %cond3A_51 : i32
    scf.if %cond3A_52 {
      %mul3A_127 = arith.constant 80 : i32
      %mul3A_128 = arith.muli %add3A_47, %mul3A_127 : i32
      "tpu.region"() ({
        %run_scoped3A = tpu.sem_alloc : memref<!tpu.dma_semaphore, #tpu.memory_space<semaphore_mem>>
        %dma_start3A_129 = arith.constant 0 : i32
        %dma_start3A_130 = tpu.memref_slice %arg13[%mul3A_128, %dma_start3A_129] : memref<10000x128xf32, #tpu.memory_space<vmem_shared>> -> memref<80x128xf32, #tpu.memory_space<vmem_shared>>
        %dma_start3A_131 = arith.constant 0 : i32
        %dma_start3A_132 = tpu.memref_slice %arg13[%mul3A_128, %dma_start3A_131] : memref<10000x128xf32, #tpu.memory_space<vmem_shared>> -> memref<80x128xf32, #tpu.memory_space<vmem_shared>>
        tpu.enqueue_dma source(%arg12 : memref<80x128xf32, #tpu.memory_space<vmem>>) target(%dma_start3A_132 : memref<80x128xf32, #tpu.memory_space<vmem_shared>>) target_semaphore(%run_scoped3A : memref<!tpu.dma_semaphore, #tpu.memory_space<semaphore_mem>>)
        %dma_wait3A = arith.constant 0 : i32
        %dma_wait3A_133 = tpu.memref_slice %arg13[%mul3A_128, %dma_wait3A] : memref<10000x128xf32, #tpu.memory_space<vmem_shared>> -> memref<80x128xf32, #tpu.memory_space<vmem_shared>>
        %dma_wait3A_134 = arith.constant 0 : i32
        %dma_wait3A_135 = tpu.memref_slice %arg13[%mul3A_128, %dma_wait3A_134] : memref<10000x128xf32, #tpu.memory_space<vmem_shared>> -> memref<80x128xf32, #tpu.memory_space<vmem_shared>>
        tpu.wait_dma2 semaphore(%run_scoped3A : memref<!tpu.dma_semaphore, #tpu.memory_space<semaphore_mem>>) src(%arg12 : memref<80x128xf32, #tpu.memory_space<vmem>>) dst(%dma_wait3A_135 : memref<80x128xf32, #tpu.memory_space<vmem_shared>>)
        tpu.yield
      }) : () -> ()
    } else {
    }
    %add3A_53 = arith.constant 112 : i32
    %add3A_54 = arith.addi %arg1, %add3A_53 : i32
    %lt3A_55 = arith.constant 125 : i32
    %lt3A_56 = arith.cmpi slt, %add3A_54, %lt3A_55 : i32
    %convert_element_type3A_57 = arith.extui %lt3A_56 : i1 to i32
    %cond3A_58 = arith.constant 0 : i32
    %cond3A_59 = arith.cmpi ne, %convert_element_type3A_57, %cond3A_58 : i32
    scf.if %cond3A_59 {
      %mul3A_127 = arith.constant 80 : i32
      %mul3A_128 = arith.muli %add3A_54, %mul3A_127 : i32
      "tpu.region"() ({
        %run_scoped3A = tpu.sem_alloc : memref<!tpu.dma_semaphore, #tpu.memory_space<semaphore_mem>>
        %dma_start3A_129 = arith.constant 0 : i32
        %dma_start3A_130 = tpu.memref_slice %arg13[%mul3A_128, %dma_start3A_129] : memref<10000x128xf32, #tpu.memory_space<vmem_shared>> -> memref<80x128xf32, #tpu.memory_space<vmem_shared>>
        %dma_start3A_131 = arith.constant 0 : i32
        %dma_start3A_132 = tpu.memref_slice %arg13[%mul3A_128, %dma_start3A_131] : memref<10000x128xf32, #tpu.memory_space<vmem_shared>> -> memref<80x128xf32, #tpu.memory_space<vmem_shared>>
        tpu.enqueue_dma source(%arg12 : memref<80x128xf32, #tpu.memory_space<vmem>>) target(%dma_start3A_132 : memref<80x128xf32, #tpu.memory_space<vmem_shared>>) target_semaphore(%run_scoped3A : memref<!tpu.dma_semaphore, #tpu.memory_space<semaphore_mem>>)
        %dma_wait3A = arith.constant 0 : i32
        %dma_wait3A_133 = tpu.memref_slice %arg13[%mul3A_128, %dma_wait3A] : memref<10000x128xf32, #tpu.memory_space<vmem_shared>> -> memref<80x128xf32, #tpu.memory_space<vmem_shared>>
        %dma_wait3A_134 = arith.constant 0 : i32
        %dma_wait3A_135 = tpu.memref_slice %arg13[%mul3A_128, %dma_wait3A_134] : memref<10000x128xf32, #tpu.memory_space<vmem_shared>> -> memref<80x128xf32, #tpu.memory_space<vmem_shared>>
        tpu.wait_dma2 semaphore(%run_scoped3A : memref<!tpu.dma_semaphore, #tpu.memory_space<semaphore_mem>>) src(%arg12 : memref<80x128xf32, #tpu.memory_space<vmem>>) dst(%dma_wait3A_135 : memref<80x128xf32, #tpu.memory_space<vmem_shared>>)
        tpu.yield
      }) : () -> ()
    } else {
    }
    %barrier3A = arith.constant 0 : index
    tpu.barrier barrier_id(%barrier3A)
    %mul3A_60 = arith.constant 10000 : i32
    %mul3A_61 = arith.muli %add3A, %mul3A_60 : i32
    "tpu.region"() ({
      %run_scoped3A = tpu.sem_alloc : memref<!tpu.dma_semaphore, #tpu.memory_space<semaphore_mem>>
      %dma_start3A_127 = tpu.memref_slice %arg3[%mul3A_61] : memref<320000xi32, #tpu.memory_space<hbm>> -> memref<80xi32, #tpu.memory_space<hbm>>
      %dma_start3A_128 = tpu.memref_slice %arg3[%mul3A_61] : memref<320000xi32, #tpu.memory_space<hbm>> -> memref<80xi32, #tpu.memory_space<hbm>>
      tpu.enqueue_dma source(%dma_start3A_128 : memref<80xi32, #tpu.memory_space<hbm>>) target(%arg6 : memref<80xi32, #tpu.memory_space<vmem>>) target_semaphore(%run_scoped3A : memref<!tpu.dma_semaphore, #tpu.memory_space<semaphore_mem>>)
      %dma_wait3A = tpu.memref_slice %arg3[%mul3A_61] : memref<320000xi32, #tpu.memory_space<hbm>> -> memref<80xi32, #tpu.memory_space<hbm>>
      %dma_wait3A_129 = tpu.memref_slice %arg3[%mul3A_61] : memref<320000xi32, #tpu.memory_space<hbm>> -> memref<80xi32, #tpu.memory_space<hbm>>
      tpu.wait_dma2 semaphore(%run_scoped3A : memref<!tpu.dma_semaphore, #tpu.memory_space<semaphore_mem>>) src(%dma_wait3A_129 : memref<80xi32, #tpu.memory_space<hbm>>) dst(%arg6 : memref<80xi32, #tpu.memory_space<vmem>>)
      tpu.yield
    }) : () -> ()
    "tpu.region"() ({
      %run_scoped3A = tpu.sem_alloc : memref<!tpu.dma_semaphore, #tpu.memory_space<semaphore_mem>>
      %dma_start3A_127 = tpu.memref_slice %arg4[%mul3A_61] : memref<320000xi32, #tpu.memory_space<hbm>> -> memref<80xi32, #tpu.memory_space<hbm>>
      %dma_start3A_128 = tpu.memref_slice %arg4[%mul3A_61] : memref<320000xi32, #tpu.memory_space<hbm>> -> memref<80xi32, #tpu.memory_space<hbm>>
      tpu.enqueue_dma source(%dma_start3A_128 : memref<80xi32, #tpu.memory_space<hbm>>) target(%arg8 : memref<80xi32, #tpu.memory_space<vmem>>) target_semaphore(%run_scoped3A : memref<!tpu.dma_semaphore, #tpu.memory_space<semaphore_mem>>)
      %dma_wait3A = tpu.memref_slice %arg4[%mul3A_61] : memref<320000xi32, #tpu.memory_space<hbm>> -> memref<80xi32, #tpu.memory_space<hbm>>
      %dma_wait3A_129 = tpu.memref_slice %arg4[%mul3A_61] : memref<320000xi32, #tpu.memory_space<hbm>> -> memref<80xi32, #tpu.memory_space<hbm>>
      tpu.wait_dma2 semaphore(%run_scoped3A : memref<!tpu.dma_semaphore, #tpu.memory_space<semaphore_mem>>) src(%dma_wait3A_129 : memref<80xi32, #tpu.memory_space<hbm>>) dst(%arg8 : memref<80xi32, #tpu.memory_space<vmem>>)
      tpu.yield
    }) : () -> ()
    %dma_start3A = arith.constant 0 : i32
    %dma_start3A_62 = arith.constant 0 : i32
    %dma_start3A_63 = tpu.memref_slice %arg2[%dma_start3A, %dma_start3A_62] : memref<10008x128xf32, #tpu.memory_space<hbm>> -> memref<10008x128xf32, #tpu.memory_space<hbm>>
    tpu.enqueue_indirect_dma source(%dma_start3A_63 : memref<10008x128xf32, #tpu.memory_space<hbm>>) target(%arg10 : memref<80x128xf32, #tpu.memory_space<vmem>>) offsets(%arg6 : memref<80xi32, #tpu.memory_space<vmem>>) semaphore(%arg14 : memref<!tpu.dma_semaphore, #tpu.memory_space<semaphore_mem>>)
    %scan3A_64 = arith.constant 0 : i32
    %scan3A_65 = arith.constant 0 : i32
    %scan3A_66 = arith.constant 125 : i32
    %scan3A_67 = arith.addi %scan3A_65, %scan3A_66 : i32
    %scan3A_68 = arith.constant 1 : i32
    scf.for %scan3A_127 = %scan3A_65 to %scan3A_67 step %scan3A_68  : i32 {
      %rem3A = arith.constant 2 : i32
      %rem3A_128 = arith.remsi %scan3A_127, %rem3A : i32
      %eq3A = arith.constant 0 : i32
      %eq3A_129 = arith.cmpi eq, %rem3A_128, %eq3A : i32
      %convert_element_type3A_130 = arith.extui %eq3A_129 : i1 to i32
      %cond3A_131 = arith.constant 0 : i32
      %cond3A_132 = arith.cmpi ne, %convert_element_type3A_130, %cond3A_131 : i32
      scf.if %cond3A_132 {
        %add3A_138 = arith.constant 1 : i32
        %add3A_139 = arith.addi %scan3A_127, %add3A_138 : i32
        %lt3A_140 = arith.constant 125 : i32
        %lt3A_141 = arith.cmpi slt, %add3A_139, %lt3A_140 : i32
        %convert_element_type3A_142 = arith.extui %lt3A_141 : i1 to i32
        %cond3A_143 = arith.constant 0 : i32
        %cond3A_144 = arith.cmpi ne, %convert_element_type3A_142, %cond3A_143 : i32
        scf.if %cond3A_144 {
          %add3A_147 = arith.constant 1 : i32
          %add3A_148 = arith.addi %scan3A_127, %add3A_147 : i32
          %mul3A_149 = arith.constant 80 : i32
          %mul3A_150 = arith.muli %add3A_148, %mul3A_149 : i32
          %add3A_151 = arith.addi %mul3A_61, %mul3A_150 : i32
          "tpu.region"() ({
            %run_scoped3A = tpu.sem_alloc : memref<!tpu.dma_semaphore, #tpu.memory_space<semaphore_mem>>
            %dma_start3A_155 = tpu.memref_slice %arg3[%add3A_151] : memref<320000xi32, #tpu.memory_space<hbm>> -> memref<80xi32, #tpu.memory_space<hbm>>
            %dma_start3A_156 = tpu.memref_slice %arg3[%add3A_151] : memref<320000xi32, #tpu.memory_space<hbm>> -> memref<80xi32, #tpu.memory_space<hbm>>
            tpu.enqueue_dma source(%dma_start3A_156 : memref<80xi32, #tpu.memory_space<hbm>>) target(%arg7 : memref<80xi32, #tpu.memory_space<vmem>>) target_semaphore(%run_scoped3A : memref<!tpu.dma_semaphore, #tpu.memory_space<semaphore_mem>>)
            %dma_wait3A_157 = tpu.memref_slice %arg3[%add3A_151] : memref<320000xi32, #tpu.memory_space<hbm>> -> memref<80xi32, #tpu.memory_space<hbm>>
            %dma_wait3A_158 = tpu.memref_slice %arg3[%add3A_151] : memref<320000xi32, #tpu.memory_space<hbm>> -> memref<80xi32, #tpu.memory_space<hbm>>
            tpu.wait_dma2 semaphore(%run_scoped3A : memref<!tpu.dma_semaphore, #tpu.memory_space<semaphore_mem>>) src(%dma_wait3A_158 : memref<80xi32, #tpu.memory_space<hbm>>) dst(%arg7 : memref<80xi32, #tpu.memory_space<vmem>>)
            tpu.yield
          }) : () -> ()
          "tpu.region"() ({
            %run_scoped3A = tpu.sem_alloc : memref<!tpu.dma_semaphore, #tpu.memory_space<semaphore_mem>>
            %dma_start3A_155 = tpu.memref_slice %arg4[%add3A_151] : memref<320000xi32, #tpu.memory_space<hbm>> -> memref<80xi32, #tpu.memory_space<hbm>>
            %dma_start3A_156 = tpu.memref_slice %arg4[%add3A_151] : memref<320000xi32, #tpu.memory_space<hbm>> -> memref<80xi32, #tpu.memory_space<hbm>>
            tpu.enqueue_dma source(%dma_start3A_156 : memref<80xi32, #tpu.memory_space<hbm>>) target(%arg9 : memref<80xi32, #tpu.memory_space<vmem>>) target_semaphore(%run_scoped3A : memref<!tpu.dma_semaphore, #tpu.memory_space<semaphore_mem>>)
            %dma_wait3A_157 = tpu.memref_slice %arg4[%add3A_151] : memref<320000xi32, #tpu.memory_space<hbm>> -> memref<80xi32, #tpu.memory_space<hbm>>
            %dma_wait3A_158 = tpu.memref_slice %arg4[%add3A_151] : memref<320000xi32, #tpu.memory_space<hbm>> -> memref<80xi32, #tpu.memory_space<hbm>>
            tpu.wait_dma2 semaphore(%run_scoped3A : memref<!tpu.dma_semaphore, #tpu.memory_space<semaphore_mem>>) src(%dma_wait3A_158 : memref<80xi32, #tpu.memory_space<hbm>>) dst(%arg9 : memref<80xi32, #tpu.memory_space<vmem>>)
            tpu.yield
          }) : () -> ()
          %dma_start3A_152 = arith.constant 0 : i32
          %dma_start3A_153 = arith.constant 0 : i32
          %dma_start3A_154 = tpu.memref_slice %arg2[%dma_start3A_152, %dma_start3A_153] : memref<10008x128xf32, #tpu.memory_space<hbm>> -> memref<10008x128xf32, #tpu.memory_space<hbm>>
          tpu.enqueue_indirect_dma source(%dma_start3A_154 : memref<10008x128xf32, #tpu.memory_space<hbm>>) target(%arg11 : memref<80x128xf32, #tpu.memory_space<vmem>>) offsets(%arg7 : memref<80xi32, #tpu.memory_space<vmem>>) semaphore(%arg15 : memref<!tpu.dma_semaphore, #tpu.memory_space<semaphore_mem>>)
        } else {
        }
        %dma_wait3A = arith.constant 0 : i32
        %dma_wait3A_145 = arith.constant 0 : i32
        %dma_wait3A_146 = tpu.memref_slice %arg2[%dma_wait3A, %dma_wait3A_145] : memref<10008x128xf32, #tpu.memory_space<hbm>> -> memref<10008x128xf32, #tpu.memory_space<hbm>>
        tpu.wait_indirect_dma semaphore(%arg14 : memref<!tpu.dma_semaphore, #tpu.memory_space<semaphore_mem>>) src(%dma_wait3A_146 : memref<10008x128xf32, #tpu.memory_space<hbm>>) dst(%arg10 : memref<80x128xf32, #tpu.memory_space<vmem>>)
        "tpu.region"() ({
          %run_scoped3A = tpu.sem_alloc : memref<!tpu.dma_semaphore, #tpu.memory_space<semaphore_mem>>
          %dma_start3A_147 = arith.constant 0 : i32
          %dma_start3A_148 = arith.constant 0 : i32
          %dma_start3A_149 = tpu.memref_slice %arg13[%dma_start3A_147, %dma_start3A_148] : memref<10000x128xf32, #tpu.memory_space<vmem_shared>> -> memref<10000x128xf32, #tpu.memory_space<vmem_shared>>
          tpu.enqueue_indirect_dma source(%arg10 : memref<80x128xf32, #tpu.memory_space<vmem>>) target(%dma_start3A_149 : memref<10000x128xf32, #tpu.memory_space<vmem_shared>>) offsets(%arg8 : memref<80xi32, #tpu.memory_space<vmem>>) semaphore(%run_scoped3A : memref<!tpu.dma_semaphore, #tpu.memory_space<semaphore_mem>>) {add = true}
          %dma_wait3A_150 = arith.constant 0 : i32
          %dma_wait3A_151 = arith.constant 0 : i32
          %dma_wait3A_152 = tpu.memref_slice %arg13[%dma_wait3A_150, %dma_wait3A_151] : memref<10000x128xf32, #tpu.memory_space<vmem_shared>> -> memref<10000x128xf32, #tpu.memory_space<vmem_shared>>
          tpu.wait_indirect_dma semaphore(%run_scoped3A : memref<!tpu.dma_semaphore, #tpu.memory_space<semaphore_mem>>) src(%arg10 : memref<80x128xf32, #tpu.memory_space<vmem>>) dst(%dma_wait3A_152 : memref<10000x128xf32, #tpu.memory_space<vmem_shared>>)
          tpu.yield
        }) : () -> ()
      } else {
      }
      %eq3A_133 = arith.constant 1 : i32
      %eq3A_134 = arith.cmpi eq, %rem3A_128, %eq3A_133 : i32
      %convert_element_type3A_135 = arith.extui %eq3A_134 : i1 to i32
      %cond3A_136 = arith.constant 0 : i32
      %cond3A_137 = arith.cmpi ne, %convert_element_type3A_135, %cond3A_136 : i32
      scf.if %cond3A_137 {
        %add3A_138 = arith.constant 1 : i32
        %add3A_139 = arith.addi %scan3A_127, %add3A_138 : i32
        %lt3A_140 = arith.constant 125 : i32
        %lt3A_141 = arith.cmpi slt, %add3A_139, %lt3A_140 : i32
        %convert_element_type3A_142 = arith.extui %lt3A_141 : i1 to i32
        %cond3A_143 = arith.constant 0 : i32
        %cond3A_144 = arith.cmpi ne, %convert_element_type3A_142, %cond3A_143 : i32
        scf.if %cond3A_144 {
          %add3A_147 = arith.constant 1 : i32
          %add3A_148 = arith.addi %scan3A_127, %add3A_147 : i32
          %mul3A_149 = arith.constant 80 : i32
          %mul3A_150 = arith.muli %add3A_148, %mul3A_149 : i32
          %add3A_151 = arith.addi %mul3A_61, %mul3A_150 : i32
          "tpu.region"() ({
            %run_scoped3A = tpu.sem_alloc : memref<!tpu.dma_semaphore, #tpu.memory_space<semaphore_mem>>
            %dma_start3A_155 = tpu.memref_slice %arg3[%add3A_151] : memref<320000xi32, #tpu.memory_space<hbm>> -> memref<80xi32, #tpu.memory_space<hbm>>
            %dma_start3A_156 = tpu.memref_slice %arg3[%add3A_151] : memref<320000xi32, #tpu.memory_space<hbm>> -> memref<80xi32, #tpu.memory_space<hbm>>
            tpu.enqueue_dma source(%dma_start3A_156 : memref<80xi32, #tpu.memory_space<hbm>>) target(%arg6 : memref<80xi32, #tpu.memory_space<vmem>>) target_semaphore(%run_scoped3A : memref<!tpu.dma_semaphore, #tpu.memory_space<semaphore_mem>>)
            %dma_wait3A_157 = tpu.memref_slice %arg3[%add3A_151] : memref<320000xi32, #tpu.memory_space<hbm>> -> memref<80xi32, #tpu.memory_space<hbm>>
            %dma_wait3A_158 = tpu.memref_slice %arg3[%add3A_151] : memref<320000xi32, #tpu.memory_space<hbm>> -> memref<80xi32, #tpu.memory_space<hbm>>
            tpu.wait_dma2 semaphore(%run_scoped3A : memref<!tpu.dma_semaphore, #tpu.memory_space<semaphore_mem>>) src(%dma_wait3A_158 : memref<80xi32, #tpu.memory_space<hbm>>) dst(%arg6 : memref<80xi32, #tpu.memory_space<vmem>>)
            tpu.yield
          }) : () -> ()
          "tpu.region"() ({
            %run_scoped3A = tpu.sem_alloc : memref<!tpu.dma_semaphore, #tpu.memory_space<semaphore_mem>>
            %dma_start3A_155 = tpu.memref_slice %arg4[%add3A_151] : memref<320000xi32, #tpu.memory_space<hbm>> -> memref<80xi32, #tpu.memory_space<hbm>>
            %dma_start3A_156 = tpu.memref_slice %arg4[%add3A_151] : memref<320000xi32, #tpu.memory_space<hbm>> -> memref<80xi32, #tpu.memory_space<hbm>>
            tpu.enqueue_dma source(%dma_start3A_156 : memref<80xi32, #tpu.memory_space<hbm>>) target(%arg8 : memref<80xi32, #tpu.memory_space<vmem>>) target_semaphore(%run_scoped3A : memref<!tpu.dma_semaphore, #tpu.memory_space<semaphore_mem>>)
            %dma_wait3A_157 = tpu.memref_slice %arg4[%add3A_151] : memref<320000xi32, #tpu.memory_space<hbm>> -> memref<80xi32, #tpu.memory_space<hbm>>
            %dma_wait3A_158 = tpu.memref_slice %arg4[%add3A_151] : memref<320000xi32, #tpu.memory_space<hbm>> -> memref<80xi32, #tpu.memory_space<hbm>>
            tpu.wait_dma2 semaphore(%run_scoped3A : memref<!tpu.dma_semaphore, #tpu.memory_space<semaphore_mem>>) src(%dma_wait3A_158 : memref<80xi32, #tpu.memory_space<hbm>>) dst(%arg8 : memref<80xi32, #tpu.memory_space<vmem>>)
            tpu.yield
          }) : () -> ()
          %dma_start3A_152 = arith.constant 0 : i32
          %dma_start3A_153 = arith.constant 0 : i32
          %dma_start3A_154 = tpu.memref_slice %arg2[%dma_start3A_152, %dma_start3A_153] : memref<10008x128xf32, #tpu.memory_space<hbm>> -> memref<10008x128xf32, #tpu.memory_space<hbm>>
          tpu.enqueue_indirect_dma source(%dma_start3A_154 : memref<10008x128xf32, #tpu.memory_space<hbm>>) target(%arg10 : memref<80x128xf32, #tpu.memory_space<vmem>>) offsets(%arg6 : memref<80xi32, #tpu.memory_space<vmem>>) semaphore(%arg14 : memref<!tpu.dma_semaphore, #tpu.memory_space<semaphore_mem>>)
        } else {
        }
        %dma_wait3A = arith.constant 0 : i32
        %dma_wait3A_145 = arith.constant 0 : i32
        %dma_wait3A_146 = tpu.memref_slice %arg2[%dma_wait3A, %dma_wait3A_145] : memref<10008x128xf32, #tpu.memory_space<hbm>> -> memref<10008x128xf32, #tpu.memory_space<hbm>>
        tpu.wait_indirect_dma semaphore(%arg15 : memref<!tpu.dma_semaphore, #tpu.memory_space<semaphore_mem>>) src(%dma_wait3A_146 : memref<10008x128xf32, #tpu.memory_space<hbm>>) dst(%arg11 : memref<80x128xf32, #tpu.memory_space<vmem>>)
        "tpu.region"() ({
          %run_scoped3A = tpu.sem_alloc : memref<!tpu.dma_semaphore, #tpu.memory_space<semaphore_mem>>
          %dma_start3A_147 = arith.constant 0 : i32
          %dma_start3A_148 = arith.constant 0 : i32
          %dma_start3A_149 = tpu.memref_slice %arg13[%dma_start3A_147, %dma_start3A_148] : memref<10000x128xf32, #tpu.memory_space<vmem_shared>> -> memref<10000x128xf32, #tpu.memory_space<vmem_shared>>
          tpu.enqueue_indirect_dma source(%arg11 : memref<80x128xf32, #tpu.memory_space<vmem>>) target(%dma_start3A_149 : memref<10000x128xf32, #tpu.memory_space<vmem_shared>>) offsets(%arg9 : memref<80xi32, #tpu.memory_space<vmem>>) semaphore(%run_scoped3A : memref<!tpu.dma_semaphore, #tpu.memory_space<semaphore_mem>>) {add = true}
          %dma_wait3A_150 = arith.constant 0 : i32
          %dma_wait3A_151 = arith.constant 0 : i32
          %dma_wait3A_152 = tpu.memref_slice %arg13[%dma_wait3A_150, %dma_wait3A_151] : memref<10000x128xf32, #tpu.memory_space<vmem_shared>> -> memref<10000x128xf32, #tpu.memory_space<vmem_shared>>
          tpu.wait_indirect_dma semaphore(%run_scoped3A : memref<!tpu.dma_semaphore, #tpu.memory_space<semaphore_mem>>) src(%arg11 : memref<80x128xf32, #tpu.memory_space<vmem>>) dst(%dma_wait3A_152 : memref<10000x128xf32, #tpu.memory_space<vmem_shared>>)
          tpu.yield
        }) : () -> ()
      } else {
      }
    }
    %scan3A_69 = arith.constant 125 : i32
    %barrier3A_70 = arith.constant 0 : index
    tpu.barrier barrier_id(%barrier3A_70)
    %add3A_71 = arith.constant 0 : i32
    %add3A_72 = arith.addi %arg1, %add3A_71 : i32
    %lt3A_73 = arith.constant 125 : i32
    %lt3A_74 = arith.cmpi slt, %add3A_72, %lt3A_73 : i32
    %convert_element_type3A_75 = arith.extui %lt3A_74 : i1 to i32
    %cond3A_76 = arith.constant 0 : i32
    %cond3A_77 = arith.cmpi ne, %convert_element_type3A_75, %cond3A_76 : i32
    scf.if %cond3A_77 {
      %mul3A_127 = arith.constant 80 : i32
      %mul3A_128 = arith.muli %add3A_72, %mul3A_127 : i32
      %mul3A_129 = arith.constant 10000 : i32
      %mul3A_130 = arith.muli %arg0, %mul3A_129 : i32
      %mul3A_131 = arith.constant 80 : i32
      %mul3A_132 = arith.muli %add3A_72, %mul3A_131 : i32
      %add3A_133 = arith.addi %mul3A_130, %mul3A_132 : i32
      "tpu.region"() ({
        %run_scoped3A = tpu.sem_alloc : memref<!tpu.dma_semaphore, #tpu.memory_space<semaphore_mem>>
        %dma_start3A_134 = arith.constant 0 : i32
        %dma_start3A_135 = tpu.memref_slice %arg5[%add3A_133, %dma_start3A_134] : memref<20000x128xf32, #tpu.memory_space<hbm>> -> memref<80x128xf32, #tpu.memory_space<hbm>>
        %dma_start3A_136 = arith.constant 0 : i32
        %dma_start3A_137 = tpu.memref_slice %arg13[%mul3A_128, %dma_start3A_136] : memref<10000x128xf32, #tpu.memory_space<vmem_shared>> -> memref<80x128xf32, #tpu.memory_space<vmem_shared>>
        tpu.enqueue_dma source(%dma_start3A_137 : memref<80x128xf32, #tpu.memory_space<vmem_shared>>) target(%dma_start3A_135 : memref<80x128xf32, #tpu.memory_space<hbm>>) target_semaphore(%run_scoped3A : memref<!tpu.dma_semaphore, #tpu.memory_space<semaphore_mem>>)
        %dma_wait3A = arith.constant 0 : i32
        %dma_wait3A_138 = tpu.memref_slice %arg5[%add3A_133, %dma_wait3A] : memref<20000x128xf32, #tpu.memory_space<hbm>> -> memref<80x128xf32, #tpu.memory_space<hbm>>
        %dma_wait3A_139 = arith.constant 0 : i32
        %dma_wait3A_140 = tpu.memref_slice %arg13[%mul3A_128, %dma_wait3A_139] : memref<10000x128xf32, #tpu.memory_space<vmem_shared>> -> memref<80x128xf32, #tpu.memory_space<vmem_shared>>
        tpu.wait_dma2 semaphore(%run_scoped3A : memref<!tpu.dma_semaphore, #tpu.memory_space<semaphore_mem>>) src(%dma_wait3A_140 : memref<80x128xf32, #tpu.memory_space<vmem_shared>>) dst(%dma_wait3A_138 : memref<80x128xf32, #tpu.memory_space<hbm>>)
        tpu.yield
      }) : () -> ()
    } else {
    }
    %add3A_78 = arith.constant 16 : i32
    %add3A_79 = arith.addi %arg1, %add3A_78 : i32
    %lt3A_80 = arith.constant 125 : i32
    %lt3A_81 = arith.cmpi slt, %add3A_79, %lt3A_80 : i32
    %convert_element_type3A_82 = arith.extui %lt3A_81 : i1 to i32
    %cond3A_83 = arith.constant 0 : i32
    %cond3A_84 = arith.cmpi ne, %convert_element_type3A_82, %cond3A_83 : i32
    scf.if %cond3A_84 {
      %mul3A_127 = arith.constant 80 : i32
      %mul3A_128 = arith.muli %add3A_79, %mul3A_127 : i32
      %mul3A_129 = arith.constant 10000 : i32
      %mul3A_130 = arith.muli %arg0, %mul3A_129 : i32
      %mul3A_131 = arith.constant 80 : i32
      %mul3A_132 = arith.muli %add3A_79, %mul3A_131 : i32
      %add3A_133 = arith.addi %mul3A_130, %mul3A_132 : i32
      "tpu.region"() ({
        %run_scoped3A = tpu.sem_alloc : memref<!tpu.dma_semaphore, #tpu.memory_space<semaphore_mem>>
        %dma_start3A_134 = arith.constant 0 : i32
        %dma_start3A_135 = tpu.memref_slice %arg5[%add3A_133, %dma_start3A_134] : memref<20000x128xf32, #tpu.memory_space<hbm>> -> memref<80x128xf32, #tpu.memory_space<hbm>>
        %dma_start3A_136 = arith.constant 0 : i32
        %dma_start3A_137 = tpu.memref_slice %arg13[%mul3A_128, %dma_start3A_136] : memref<10000x128xf32, #tpu.memory_space<vmem_shared>> -> memref<80x128xf32, #tpu.memory_space<vmem_shared>>
        tpu.enqueue_dma source(%dma_start3A_137 : memref<80x128xf32, #tpu.memory_space<vmem_shared>>) target(%dma_start3A_135 : memref<80x128xf32, #tpu.memory_space<hbm>>) target_semaphore(%run_scoped3A : memref<!tpu.dma_semaphore, #tpu.memory_space<semaphore_mem>>)
        %dma_wait3A = arith.constant 0 : i32
        %dma_wait3A_138 = tpu.memref_slice %arg5[%add3A_133, %dma_wait3A] : memref<20000x128xf32, #tpu.memory_space<hbm>> -> memref<80x128xf32, #tpu.memory_space<hbm>>
        %dma_wait3A_139 = arith.constant 0 : i32
        %dma_wait3A_140 = tpu.memref_slice %arg13[%mul3A_128, %dma_wait3A_139] : memref<10000x128xf32, #tpu.memory_space<vmem_shared>> -> memref<80x128xf32, #tpu.memory_space<vmem_shared>>
        tpu.wait_dma2 semaphore(%run_scoped3A : memref<!tpu.dma_semaphore, #tpu.memory_space<semaphore_mem>>) src(%dma_wait3A_140 : memref<80x128xf32, #tpu.memory_space<vmem_shared>>) dst(%dma_wait3A_138 : memref<80x128xf32, #tpu.memory_space<hbm>>)
        tpu.yield
      }) : () -> ()
    } else {
    }
    %add3A_85 = arith.constant 32 : i32
    %add3A_86 = arith.addi %arg1, %add3A_85 : i32
    %lt3A_87 = arith.constant 125 : i32
    %lt3A_88 = arith.cmpi slt, %add3A_86, %lt3A_87 : i32
    %convert_element_type3A_89 = arith.extui %lt3A_88 : i1 to i32
    %cond3A_90 = arith.constant 0 : i32
    %cond3A_91 = arith.cmpi ne, %convert_element_type3A_89, %cond3A_90 : i32
    scf.if %cond3A_91 {
      %mul3A_127 = arith.constant 80 : i32
      %mul3A_128 = arith.muli %add3A_86, %mul3A_127 : i32
      %mul3A_129 = arith.constant 10000 : i32
      %mul3A_130 = arith.muli %arg0, %mul3A_129 : i32
      %mul3A_131 = arith.constant 80 : i32
      %mul3A_132 = arith.muli %add3A_86, %mul3A_131 : i32
      %add3A_133 = arith.addi %mul3A_130, %mul3A_132 : i32
      "tpu.region"() ({
        %run_scoped3A = tpu.sem_alloc : memref<!tpu.dma_semaphore, #tpu.memory_space<semaphore_mem>>
        %dma_start3A_134 = arith.constant 0 : i32
        %dma_start3A_135 = tpu.memref_slice %arg5[%add3A_133, %dma_start3A_134] : memref<20000x128xf32, #tpu.memory_space<hbm>> -> memref<80x128xf32, #tpu.memory_space<hbm>>
        %dma_start3A_136 = arith.constant 0 : i32
        %dma_start3A_137 = tpu.memref_slice %arg13[%mul3A_128, %dma_start3A_136] : memref<10000x128xf32, #tpu.memory_space<vmem_shared>> -> memref<80x128xf32, #tpu.memory_space<vmem_shared>>
        tpu.enqueue_dma source(%dma_start3A_137 : memref<80x128xf32, #tpu.memory_space<vmem_shared>>) target(%dma_start3A_135 : memref<80x128xf32, #tpu.memory_space<hbm>>) target_semaphore(%run_scoped3A : memref<!tpu.dma_semaphore, #tpu.memory_space<semaphore_mem>>)
        %dma_wait3A = arith.constant 0 : i32
        %dma_wait3A_138 = tpu.memref_slice %arg5[%add3A_133, %dma_wait3A] : memref<20000x128xf32, #tpu.memory_space<hbm>> -> memref<80x128xf32, #tpu.memory_space<hbm>>
        %dma_wait3A_139 = arith.constant 0 : i32
        %dma_wait3A_140 = tpu.memref_slice %arg13[%mul3A_128, %dma_wait3A_139] : memref<10000x128xf32, #tpu.memory_space<vmem_shared>> -> memref<80x128xf32, #tpu.memory_space<vmem_shared>>
        tpu.wait_dma2 semaphore(%run_scoped3A : memref<!tpu.dma_semaphore, #tpu.memory_space<semaphore_mem>>) src(%dma_wait3A_140 : memref<80x128xf32, #tpu.memory_space<vmem_shared>>) dst(%dma_wait3A_138 : memref<80x128xf32, #tpu.memory_space<hbm>>)
        tpu.yield
      }) : () -> ()
    } else {
    }
    %add3A_92 = arith.constant 48 : i32
    %add3A_93 = arith.addi %arg1, %add3A_92 : i32
    %lt3A_94 = arith.constant 125 : i32
    %lt3A_95 = arith.cmpi slt, %add3A_93, %lt3A_94 : i32
    %convert_element_type3A_96 = arith.extui %lt3A_95 : i1 to i32
    %cond3A_97 = arith.constant 0 : i32
    %cond3A_98 = arith.cmpi ne, %convert_element_type3A_96, %cond3A_97 : i32
    scf.if %cond3A_98 {
      %mul3A_127 = arith.constant 80 : i32
      %mul3A_128 = arith.muli %add3A_93, %mul3A_127 : i32
      %mul3A_129 = arith.constant 10000 : i32
      %mul3A_130 = arith.muli %arg0, %mul3A_129 : i32
      %mul3A_131 = arith.constant 80 : i32
      %mul3A_132 = arith.muli %add3A_93, %mul3A_131 : i32
      %add3A_133 = arith.addi %mul3A_130, %mul3A_132 : i32
      "tpu.region"() ({
        %run_scoped3A = tpu.sem_alloc : memref<!tpu.dma_semaphore, #tpu.memory_space<semaphore_mem>>
        %dma_start3A_134 = arith.constant 0 : i32
        %dma_start3A_135 = tpu.memref_slice %arg5[%add3A_133, %dma_start3A_134] : memref<20000x128xf32, #tpu.memory_space<hbm>> -> memref<80x128xf32, #tpu.memory_space<hbm>>
        %dma_start3A_136 = arith.constant 0 : i32
        %dma_start3A_137 = tpu.memref_slice %arg13[%mul3A_128, %dma_start3A_136] : memref<10000x128xf32, #tpu.memory_space<vmem_shared>> -> memref<80x128xf32, #tpu.memory_space<vmem_shared>>
        tpu.enqueue_dma source(%dma_start3A_137 : memref<80x128xf32, #tpu.memory_space<vmem_shared>>) target(%dma_start3A_135 : memref<80x128xf32, #tpu.memory_space<hbm>>) target_semaphore(%run_scoped3A : memref<!tpu.dma_semaphore, #tpu.memory_space<semaphore_mem>>)
        %dma_wait3A = arith.constant 0 : i32
        %dma_wait3A_138 = tpu.memref_slice %arg5[%add3A_133, %dma_wait3A] : memref<20000x128xf32, #tpu.memory_space<hbm>> -> memref<80x128xf32, #tpu.memory_space<hbm>>
        %dma_wait3A_139 = arith.constant 0 : i32
        %dma_wait3A_140 = tpu.memref_slice %arg13[%mul3A_128, %dma_wait3A_139] : memref<10000x128xf32, #tpu.memory_space<vmem_shared>> -> memref<80x128xf32, #tpu.memory_space<vmem_shared>>
        tpu.wait_dma2 semaphore(%run_scoped3A : memref<!tpu.dma_semaphore, #tpu.memory_space<semaphore_mem>>) src(%dma_wait3A_140 : memref<80x128xf32, #tpu.memory_space<vmem_shared>>) dst(%dma_wait3A_138 : memref<80x128xf32, #tpu.memory_space<hbm>>)
        tpu.yield
      }) : () -> ()
    } else {
    }
    %add3A_99 = arith.constant 64 : i32
    %add3A_100 = arith.addi %arg1, %add3A_99 : i32
    %lt3A_101 = arith.constant 125 : i32
    %lt3A_102 = arith.cmpi slt, %add3A_100, %lt3A_101 : i32
    %convert_element_type3A_103 = arith.extui %lt3A_102 : i1 to i32
    %cond3A_104 = arith.constant 0 : i32
    %cond3A_105 = arith.cmpi ne, %convert_element_type3A_103, %cond3A_104 : i32
    scf.if %cond3A_105 {
      %mul3A_127 = arith.constant 80 : i32
      %mul3A_128 = arith.muli %add3A_100, %mul3A_127 : i32
      %mul3A_129 = arith.constant 10000 : i32
      %mul3A_130 = arith.muli %arg0, %mul3A_129 : i32
      %mul3A_131 = arith.constant 80 : i32
      %mul3A_132 = arith.muli %add3A_100, %mul3A_131 : i32
      %add3A_133 = arith.addi %mul3A_130, %mul3A_132 : i32
      "tpu.region"() ({
        %run_scoped3A = tpu.sem_alloc : memref<!tpu.dma_semaphore, #tpu.memory_space<semaphore_mem>>
        %dma_start3A_134 = arith.constant 0 : i32
        %dma_start3A_135 = tpu.memref_slice %arg5[%add3A_133, %dma_start3A_134] : memref<20000x128xf32, #tpu.memory_space<hbm>> -> memref<80x128xf32, #tpu.memory_space<hbm>>
        %dma_start3A_136 = arith.constant 0 : i32
        %dma_start3A_137 = tpu.memref_slice %arg13[%mul3A_128, %dma_start3A_136] : memref<10000x128xf32, #tpu.memory_space<vmem_shared>> -> memref<80x128xf32, #tpu.memory_space<vmem_shared>>
        tpu.enqueue_dma source(%dma_start3A_137 : memref<80x128xf32, #tpu.memory_space<vmem_shared>>) target(%dma_start3A_135 : memref<80x128xf32, #tpu.memory_space<hbm>>) target_semaphore(%run_scoped3A : memref<!tpu.dma_semaphore, #tpu.memory_space<semaphore_mem>>)
        %dma_wait3A = arith.constant 0 : i32
        %dma_wait3A_138 = tpu.memref_slice %arg5[%add3A_133, %dma_wait3A] : memref<20000x128xf32, #tpu.memory_space<hbm>> -> memref<80x128xf32, #tpu.memory_space<hbm>>
        %dma_wait3A_139 = arith.constant 0 : i32
        %dma_wait3A_140 = tpu.memref_slice %arg13[%mul3A_128, %dma_wait3A_139] : memref<10000x128xf32, #tpu.memory_space<vmem_shared>> -> memref<80x128xf32, #tpu.memory_space<vmem_shared>>
        tpu.wait_dma2 semaphore(%run_scoped3A : memref<!tpu.dma_semaphore, #tpu.memory_space<semaphore_mem>>) src(%dma_wait3A_140 : memref<80x128xf32, #tpu.memory_space<vmem_shared>>) dst(%dma_wait3A_138 : memref<80x128xf32, #tpu.memory_space<hbm>>)
        tpu.yield
      }) : () -> ()
    } else {
    }
    %add3A_106 = arith.constant 80 : i32
    %add3A_107 = arith.addi %arg1, %add3A_106 : i32
    %lt3A_108 = arith.constant 125 : i32
    %lt3A_109 = arith.cmpi slt, %add3A_107, %lt3A_108 : i32
    %convert_element_type3A_110 = arith.extui %lt3A_109 : i1 to i32
    %cond3A_111 = arith.constant 0 : i32
    %cond3A_112 = arith.cmpi ne, %convert_element_type3A_110, %cond3A_111 : i32
    scf.if %cond3A_112 {
      %mul3A_127 = arith.constant 80 : i32
      %mul3A_128 = arith.muli %add3A_107, %mul3A_127 : i32
      %mul3A_129 = arith.constant 10000 : i32
      %mul3A_130 = arith.muli %arg0, %mul3A_129 : i32
      %mul3A_131 = arith.constant 80 : i32
      %mul3A_132 = arith.muli %add3A_107, %mul3A_131 : i32
      %add3A_133 = arith.addi %mul3A_130, %mul3A_132 : i32
      "tpu.region"() ({
        %run_scoped3A = tpu.sem_alloc : memref<!tpu.dma_semaphore, #tpu.memory_space<semaphore_mem>>
        %dma_start3A_134 = arith.constant 0 : i32
        %dma_start3A_135 = tpu.memref_slice %arg5[%add3A_133, %dma_start3A_134] : memref<20000x128xf32, #tpu.memory_space<hbm>> -> memref<80x128xf32, #tpu.memory_space<hbm>>
        %dma_start3A_136 = arith.constant 0 : i32
        %dma_start3A_137 = tpu.memref_slice %arg13[%mul3A_128, %dma_start3A_136] : memref<10000x128xf32, #tpu.memory_space<vmem_shared>> -> memref<80x128xf32, #tpu.memory_space<vmem_shared>>
        tpu.enqueue_dma source(%dma_start3A_137 : memref<80x128xf32, #tpu.memory_space<vmem_shared>>) target(%dma_start3A_135 : memref<80x128xf32, #tpu.memory_space<hbm>>) target_semaphore(%run_scoped3A : memref<!tpu.dma_semaphore, #tpu.memory_space<semaphore_mem>>)
        %dma_wait3A = arith.constant 0 : i32
        %dma_wait3A_138 = tpu.memref_slice %arg5[%add3A_133, %dma_wait3A] : memref<20000x128xf32, #tpu.memory_space<hbm>> -> memref<80x128xf32, #tpu.memory_space<hbm>>
        %dma_wait3A_139 = arith.constant 0 : i32
        %dma_wait3A_140 = tpu.memref_slice %arg13[%mul3A_128, %dma_wait3A_139] : memref<10000x128xf32, #tpu.memory_space<vmem_shared>> -> memref<80x128xf32, #tpu.memory_space<vmem_shared>>
        tpu.wait_dma2 semaphore(%run_scoped3A : memref<!tpu.dma_semaphore, #tpu.memory_space<semaphore_mem>>) src(%dma_wait3A_140 : memref<80x128xf32, #tpu.memory_space<vmem_shared>>) dst(%dma_wait3A_138 : memref<80x128xf32, #tpu.memory_space<hbm>>)
        tpu.yield
      }) : () -> ()
    } else {
    }
    %add3A_113 = arith.constant 96 : i32
    %add3A_114 = arith.addi %arg1, %add3A_113 : i32
    %lt3A_115 = arith.constant 125 : i32
    %lt3A_116 = arith.cmpi slt, %add3A_114, %lt3A_115 : i32
    %convert_element_type3A_117 = arith.extui %lt3A_116 : i1 to i32
    %cond3A_118 = arith.constant 0 : i32
    %cond3A_119 = arith.cmpi ne, %convert_element_type3A_117, %cond3A_118 : i32
    scf.if %cond3A_119 {
      %mul3A_127 = arith.constant 80 : i32
      %mul3A_128 = arith.muli %add3A_114, %mul3A_127 : i32
      %mul3A_129 = arith.constant 10000 : i32
      %mul3A_130 = arith.muli %arg0, %mul3A_129 : i32
      %mul3A_131 = arith.constant 80 : i32
      %mul3A_132 = arith.muli %add3A_114, %mul3A_131 : i32
      %add3A_133 = arith.addi %mul3A_130, %mul3A_132 : i32
      "tpu.region"() ({
        %run_scoped3A = tpu.sem_alloc : memref<!tpu.dma_semaphore, #tpu.memory_space<semaphore_mem>>
        %dma_start3A_134 = arith.constant 0 : i32
        %dma_start3A_135 = tpu.memref_slice %arg5[%add3A_133, %dma_start3A_134] : memref<20000x128xf32, #tpu.memory_space<hbm>> -> memref<80x128xf32, #tpu.memory_space<hbm>>
        %dma_start3A_136 = arith.constant 0 : i32
        %dma_start3A_137 = tpu.memref_slice %arg13[%mul3A_128, %dma_start3A_136] : memref<10000x128xf32, #tpu.memory_space<vmem_shared>> -> memref<80x128xf32, #tpu.memory_space<vmem_shared>>
        tpu.enqueue_dma source(%dma_start3A_137 : memref<80x128xf32, #tpu.memory_space<vmem_shared>>) target(%dma_start3A_135 : memref<80x128xf32, #tpu.memory_space<hbm>>) target_semaphore(%run_scoped3A : memref<!tpu.dma_semaphore, #tpu.memory_space<semaphore_mem>>)
        %dma_wait3A = arith.constant 0 : i32
        %dma_wait3A_138 = tpu.memref_slice %arg5[%add3A_133, %dma_wait3A] : memref<20000x128xf32, #tpu.memory_space<hbm>> -> memref<80x128xf32, #tpu.memory_space<hbm>>
        %dma_wait3A_139 = arith.constant 0 : i32
        %dma_wait3A_140 = tpu.memref_slice %arg13[%mul3A_128, %dma_wait3A_139] : memref<10000x128xf32, #tpu.memory_space<vmem_shared>> -> memref<80x128xf32, #tpu.memory_space<vmem_shared>>
        tpu.wait_dma2 semaphore(%run_scoped3A : memref<!tpu.dma_semaphore, #tpu.memory_space<semaphore_mem>>) src(%dma_wait3A_140 : memref<80x128xf32, #tpu.memory_space<vmem_shared>>) dst(%dma_wait3A_138 : memref<80x128xf32, #tpu.memory_space<hbm>>)
        tpu.yield
      }) : () -> ()
    } else {
    }
    %add3A_120 = arith.constant 112 : i32
    %add3A_121 = arith.addi %arg1, %add3A_120 : i32
    %lt3A_122 = arith.constant 125 : i32
    %lt3A_123 = arith.cmpi slt, %add3A_121, %lt3A_122 : i32
    %convert_element_type3A_124 = arith.extui %lt3A_123 : i1 to i32
    %cond3A_125 = arith.constant 0 : i32
    %cond3A_126 = arith.cmpi ne, %convert_element_type3A_124, %cond3A_125 : i32
    scf.if %cond3A_126 {
      %mul3A_127 = arith.constant 80 : i32
      %mul3A_128 = arith.muli %add3A_121, %mul3A_127 : i32
      %mul3A_129 = arith.constant 10000 : i32
      %mul3A_130 = arith.muli %arg0, %mul3A_129 : i32
      %mul3A_131 = arith.constant 80 : i32
      %mul3A_132 = arith.muli %add3A_121, %mul3A_131 : i32
      %add3A_133 = arith.addi %mul3A_130, %mul3A_132 : i32
      "tpu.region"() ({
        %run_scoped3A = tpu.sem_alloc : memref<!tpu.dma_semaphore, #tpu.memory_space<semaphore_mem>>
        %dma_start3A_134 = arith.constant 0 : i32
        %dma_start3A_135 = tpu.memref_slice %arg5[%add3A_133, %dma_start3A_134] : memref<20000x128xf32, #tpu.memory_space<hbm>> -> memref<80x128xf32, #tpu.memory_space<hbm>>
        %dma_start3A_136 = arith.constant 0 : i32
        %dma_start3A_137 = tpu.memref_slice %arg13[%mul3A_128, %dma_start3A_136] : memref<10000x128xf32, #tpu.memory_space<vmem_shared>> -> memref<80x128xf32, #tpu.memory_space<vmem_shared>>
        tpu.enqueue_dma source(%dma_start3A_137 : memref<80x128xf32, #tpu.memory_space<vmem_shared>>) target(%dma_start3A_135 : memref<80x128xf32, #tpu.memory_space<hbm>>) target_semaphore(%run_scoped3A : memref<!tpu.dma_semaphore, #tpu.memory_space<semaphore_mem>>)
        %dma_wait3A = arith.constant 0 : i32
        %dma_wait3A_138 = tpu.memref_slice %arg5[%add3A_133, %dma_wait3A] : memref<20000x128xf32, #tpu.memory_space<hbm>> -> memref<80x128xf32, #tpu.memory_space<hbm>>
        %dma_wait3A_139 = arith.constant 0 : i32
        %dma_wait3A_140 = tpu.memref_slice %arg13[%mul3A_128, %dma_wait3A_139] : memref<10000x128xf32, #tpu.memory_space<vmem_shared>> -> memref<80x128xf32, #tpu.memory_space<vmem_shared>>
        tpu.wait_dma2 semaphore(%run_scoped3A : memref<!tpu.dma_semaphore, #tpu.memory_space<semaphore_mem>>) src(%dma_wait3A_140 : memref<80x128xf32, #tpu.memory_space<vmem_shared>>) dst(%dma_wait3A_138 : memref<80x128xf32, #tpu.memory_space<hbm>>)
        tpu.yield
      }) : () -> ()
    } else {
    }
    return
  }
}

#map = affine_map<(d0, d1) -> (0, 0)>
#map1 = affine_map<(d0, d1) -> (0)>
module attributes {stable_mosaic.version = 14 : i64} {
  func.func @k(%arg0: i32, %arg1: i32, %arg2: memref<10008x128xf32, #tpu.memory_space<hbm>>, %arg3: memref<320000xi32, #tpu.memory_space<hbm>>, %arg4: memref<320000xi32, #tpu.memory_space<hbm>>, %arg5: memref<20000x128xf32, #tpu.memory_space<hbm>>, %arg6: memref<80xi32, #tpu.memory_space<vmem>>, %arg7: memref<80xi32, #tpu.memory_space<vmem>>, %arg8: memref<80xi32, #tpu.memory_space<vmem>>, %arg9: memref<80xi32, #tpu.memory_space<vmem>>, %arg10: memref<80x128xf32, #tpu.memory_space<vmem>>, %arg11: memref<80x128xf32, #tpu.memory_space<vmem>>, %arg12: memref<80x128xf32, #tpu.memory_space<vmem>>, %arg13: memref<10000x128xf32, #tpu.memory_space<vmem_shared>>, %arg14: memref<!tpu.dma_semaphore, #tpu.memory_space<semaphore_mem>>, %arg15: memref<!tpu.dma_semaphore, #tpu.memory_space<semaphore_mem>>) attributes {dimension_semantics = [#tpu.dimension_semantics<core_parallel>, #tpu.dimension_semantics<subcore_parallel>], iteration_bounds = array<i64: 2, 16>, scalar_prefetch = 0 : i64, scratch_operands = 10 : i64, tpu.core_type = #tpu.core_type<sc_vector_subcore>, window_params = [{transform_indices = #map}, {transform_indices = #map1}, {transform_indices = #map1}, {transform_indices = #map}]} {
    %mul3A = arith.constant 16 : i32
    %mul3A_0 = arith.muli %arg0, %mul3A : i32
    %add3A = arith.addi %mul3A_0, %arg1 : i32
    %broadcast_in_dim3A = arith.constant 0.000000e+00 : f32
    %broadcast_in_dim3A_1 = vector.broadcast %broadcast_in_dim3A : f32 to vector<16xf32>
    %scan3A = arith.constant 0 : i32
    %scan3A_2 = arith.constant 0 : i32
    %scan3A_3 = arith.constant 80 : i32
    %scan3A_4 = arith.addi %scan3A_2, %scan3A_3 : i32
    %scan3A_5 = arith.constant 1 : i32
    scf.for %scan3A_127 = %scan3A_2 to %scan3A_4 step %scan3A_5  : i32 {
      %swap3A = arith.index_cast %scan3A_127 : i32 to index
      %swap3A_128 = arith.constant 0 : index
      %swap3A_129 = tpu.vector_load %arg12[%swap3A, %swap3A_128] {strides = array<i32>} : memref<80x128xf32, #tpu.memory_space<vmem>>, vector<1x16xf32>,
      %swap3A_130 = vector.shape_cast %swap3A_129 : vector<1x16xf32> to vector<16xf32>
      %swap3A_131 = vector.shape_cast %broadcast_in_dim3A_1 : vector<16xf32> to vector<1x16xf32>
      tpu.vector_store %arg12[%swap3A, %swap3A_128], %swap3A_131 {strides = array<i32>} : memref<80x128xf32, #tpu.memory_space<vmem>>, vector<1x16xf32>,
      %swap3A_132 = arith.index_cast %scan3A_127 : i32 to index
      %swap3A_133 = arith.constant 16 : index
      %swap3A_134 = tpu.vector_load %arg12[%swap3A_132, %swap3A_133] {strides = array<i32>} : memref<80x128xf32, #tpu.memory_space<vmem>>, vector<1x16xf32>,
      %swap3A_135 = vector.shape_cast %swap3A_134 : vector<1x16xf32> to vector<16xf32>
      %swap3A_136 = vector.shape_cast %broadcast_in_dim3A_1 : vector<16xf32> to vector<1x16xf32>
      tpu.vector_store %arg12[%swap3A_132, %swap3A_133], %swap3A_136 {strides = array<i32>} : memref<80x128xf32, #tpu.memory_space<vmem>>, vector<1x16xf32>,
      %swap3A_137 = arith.index_cast %scan3A_127 : i32 to index
      %swap3A_138 = arith.constant 32 : index
      %swap3A_139 = tpu.vector_load %arg12[%swap3A_137, %swap3A_138] {strides = array<i32>} : memref<80x128xf32, #tpu.memory_space<vmem>>, vector<1x16xf32>,
      %swap3A_140 = vector.shape_cast %swap3A_139 : vector<1x16xf32> to vector<16xf32>
      %swap3A_141 = vector.shape_cast %broadcast_in_dim3A_1 : vector<16xf32> to vector<1x16xf32>
      tpu.vector_store %arg12[%swap3A_137, %swap3A_138], %swap3A_141 {strides = array<i32>} : memref<80x128xf32, #tpu.memory_space<vmem>>, vector<1x16xf32>,
      %swap3A_142 = arith.index_cast %scan3A_127 : i32 to index
      %swap3A_143 = arith.constant 48 : index
      %swap3A_144 = tpu.vector_load %arg12[%swap3A_142, %swap3A_143] {strides = array<i32>} : memref<80x128xf32, #tpu.memory_space<vmem>>, vector<1x16xf32>,
      %swap3A_145 = vector.shape_cast %swap3A_144 : vector<1x16xf32> to vector<16xf32>
      %swap3A_146 = vector.shape_cast %broadcast_in_dim3A_1 : vector<16xf32> to vector<1x16xf32>
      tpu.vector_store %arg12[%swap3A_142, %swap3A_143], %swap3A_146 {strides = array<i32>} : memref<80x128xf32, #tpu.memory_space<vmem>>, vector<1x16xf32>,
      %swap3A_147 = arith.index_cast %scan3A_127 : i32 to index
      %swap3A_148 = arith.constant 64 : index
      %swap3A_149 = tpu.vector_load %arg12[%swap3A_147, %swap3A_148] {strides = array<i32>} : memref<80x128xf32, #tpu.memory_space<vmem>>, vector<1x16xf32>,
      %swap3A_150 = vector.shape_cast %swap3A_149 : vector<1x16xf32> to vector<16xf32>
      %swap3A_151 = vector.shape_cast %broadcast_in_dim3A_1 : vector<16xf32> to vector<1x16xf32>
      tpu.vector_store %arg12[%swap3A_147, %swap3A_148], %swap3A_151 {strides = array<i32>} : memref<80x128xf32, #tpu.memory_space<vmem>>, vector<1x16xf32>,
      %swap3A_152 = arith.index_cast %scan3A_127 : i32 to index
      %swap3A_153 = arith.constant 80 : index
      %swap3A_154 = tpu.vector_load %arg12[%swap3A_152, %swap3A_153] {strides = array<i32>} : memref<80x128xf32, #tpu.memory_space<vmem>>, vector<1x16xf32>,
      %swap3A_155 = vector.shape_cast %swap3A_154 : vector<1x16xf32> to vector<16xf32>
      %swap3A_156 = vector.shape_cast %broadcast_in_dim3A_1 : vector<16xf32> to vector<1x16xf32>
      tpu.vector_store %arg12[%swap3A_152, %swap3A_153], %swap3A_156 {strides = array<i32>} : memref<80x128xf32, #tpu.memory_space<vmem>>, vector<1x16xf32>,
      %swap3A_157 = arith.index_cast %scan3A_127 : i32 to index
      %swap3A_158 = arith.constant 96 : index
      %swap3A_159 = tpu.vector_load %arg12[%swap3A_157, %swap3A_158] {strides = array<i32>} : memref<80x128xf32, #tpu.memory_space<vmem>>, vector<1x16xf32>,
      %swap3A_160 = vector.shape_cast %swap3A_159 : vector<1x16xf32> to vector<16xf32>
      %swap3A_161 = vector.shape_cast %broadcast_in_dim3A_1 : vector<16xf32> to vector<1x16xf32>
      tpu.vector_store %arg12[%swap3A_157, %swap3A_158], %swap3A_161 {strides = array<i32>} : memref<80x128xf32, #tpu.memory_space<vmem>>, vector<1x16xf32>,
      %swap3A_162 = arith.index_cast %scan3A_127 : i32 to index
      %swap3A_163 = arith.constant 112 : index
      %swap3A_164 = tpu.vector_load %arg12[%swap3A_162, %swap3A_163] {strides = array<i32>} : memref<80x128xf32, #tpu.memory_space<vmem>>, vector<1x16xf32>,
      %swap3A_165 = vector.shape_cast %swap3A_164 : vector<1x16xf32> to vector<16xf32>
      %swap3A_166 = vector.shape_cast %broadcast_in_dim3A_1 : vector<16xf32> to vector<1x16xf32>
      tpu.vector_store %arg12[%swap3A_162, %swap3A_163], %swap3A_166 {strides = array<i32>} : memref<80x128xf32, #tpu.memory_space<vmem>>, vector<1x16xf32>,
    }
    %scan3A_6 = arith.constant 80 : i32
    %add3A_7 = arith.constant 0 : i32
    %add3A_8 = arith.addi %arg1, %add3A_7 : i32
    %lt3A = arith.constant 125 : i32
    %lt3A_9 = arith.cmpi slt, %add3A_8, %lt3A : i32
    %convert_element_type3A = arith.extui %lt3A_9 : i1 to i32
    %cond3A = arith.constant 0 : i32
    %cond3A_10 = arith.cmpi ne, %convert_element_type3A, %cond3A : i32
    scf.if %cond3A_10 {
      %mul3A_127 = arith.constant 80 : i32
      %mul3A_128 = arith.muli %add3A_8, %mul3A_127 : i32
      "tpu.region"() ({
        %run_scoped3A = tpu.sem_alloc : memref<!tpu.dma_semaphore, #tpu.memory_space<semaphore_mem>>
        %dma_start3A_129 = arith.constant 0 : i32
        %dma_start3A_130 = tpu.memref_slice %arg13[%mul3A_128, %dma_start3A_129] : memref<10000x128xf32, #tpu.memory_space<vmem_shared>> -> memref<80x128xf32, #tpu.memory_space<vmem_shared>>
        %dma_start3A_131 = arith.constant 0 : i32
        %dma_start3A_132 = tpu.memref_slice %arg13[%mul3A_128, %dma_start3A_131] : memref<10000x128xf32, #tpu.memory_space<vmem_shared>> -> memref<80x128xf32, #tpu.memory_space<vmem_shared>>
        tpu.enqueue_dma source(%arg12 : memref<80x128xf32, #tpu.memory_space<vmem>>) target(%dma_start3A_132 : memref<80x128xf32, #tpu.memory_space<vmem_shared>>) target_semaphore(%run_scoped3A : memref<!tpu.dma_semaphore, #tpu.memory_space<semaphore_mem>>)
        %dma_wait3A = arith.constant 0 : i32
        %dma_wait3A_133 = tpu.memref_slice %arg13[%mul3A_128, %dma_wait3A] : memref<10000x128xf32, #tpu.memory_space<vmem_shared>> -> memref<80x128xf32, #tpu.memory_space<vmem_shared>>
        %dma_wait3A_134 = arith.constant 0 : i32
        %dma_wait3A_135 = tpu.memref_slice %arg13[%mul3A_128, %dma_wait3A_134] : memref<10000x128xf32, #tpu.memory_space<vmem_shared>> -> memref<80x128xf32, #tpu.memory_space<vmem_shared>>
        tpu.wait_dma2 semaphore(%run_scoped3A : memref<!tpu.dma_semaphore, #tpu.memory_space<semaphore_mem>>) src(%arg12 : memref<80x128xf32, #tpu.memory_space<vmem>>) dst(%dma_wait3A_135 : memref<80x128xf32, #tpu.memory_space<vmem_shared>>)
        tpu.yield
      }) : () -> ()
    } else {
    }
    %add3A_11 = arith.constant 16 : i32
    %add3A_12 = arith.addi %arg1, %add3A_11 : i32
    %lt3A_13 = arith.constant 125 : i32
    %lt3A_14 = arith.cmpi slt, %add3A_12, %lt3A_13 : i32
    %convert_element_type3A_15 = arith.extui %lt3A_14 : i1 to i32
    %cond3A_16 = arith.constant 0 : i32
    %cond3A_17 = arith.cmpi ne, %convert_element_type3A_15, %cond3A_16 : i32
    scf.if %cond3A_17 {
      %mul3A_127 = arith.constant 80 : i32
      %mul3A_128 = arith.muli %add3A_12, %mul3A_127 : i32
      "tpu.region"() ({
        %run_scoped3A = tpu.sem_alloc : memref<!tpu.dma_semaphore, #tpu.memory_space<semaphore_mem>>
        %dma_start3A_129 = arith.constant 0 : i32
        %dma_start3A_130 = tpu.memref_slice %arg13[%mul3A_128, %dma_start3A_129] : memref<10000x128xf32, #tpu.memory_space<vmem_shared>> -> memref<80x128xf32, #tpu.memory_space<vmem_shared>>
        %dma_start3A_131 = arith.constant 0 : i32
        %dma_start3A_132 = tpu.memref_slice %arg13[%mul3A_128, %dma_start3A_131] : memref<10000x128xf32, #tpu.memory_space<vmem_shared>> -> memref<80x128xf32, #tpu.memory_space<vmem_shared>>
        tpu.enqueue_dma source(%arg12 : memref<80x128xf32, #tpu.memory_space<vmem>>) target(%dma_start3A_132 : memref<80x128xf32, #tpu.memory_space<vmem_shared>>) target_semaphore(%run_scoped3A : memref<!tpu.dma_semaphore, #tpu.memory_space<semaphore_mem>>)
        %dma_wait3A = arith.constant 0 : i32
        %dma_wait3A_133 = tpu.memref_slice %arg13[%mul3A_128, %dma_wait3A] : memref<10000x128xf32, #tpu.memory_space<vmem_shared>> -> memref<80x128xf32, #tpu.memory_space<vmem_shared>>
        %dma_wait3A_134 = arith.constant 0 : i32
        %dma_wait3A_135 = tpu.memref_slice %arg13[%mul3A_128, %dma_wait3A_134] : memref<10000x128xf32, #tpu.memory_space<vmem_shared>> -> memref<80x128xf32, #tpu.memory_space<vmem_shared>>
        tpu.wait_dma2 semaphore(%run_scoped3A : memref<!tpu.dma_semaphore, #tpu.memory_space<semaphore_mem>>) src(%arg12 : memref<80x128xf32, #tpu.memory_space<vmem>>) dst(%dma_wait3A_135 : memref<80x128xf32, #tpu.memory_space<vmem_shared>>)
        tpu.yield
      }) : () -> ()
    } else {
    }
    %add3A_18 = arith.constant 32 : i32
    %add3A_19 = arith.addi %arg1, %add3A_18 : i32
    %lt3A_20 = arith.constant 125 : i32
    %lt3A_21 = arith.cmpi slt, %add3A_19, %lt3A_20 : i32
    %convert_element_type3A_22 = arith.extui %lt3A_21 : i1 to i32
    %cond3A_23 = arith.constant 0 : i32
    %cond3A_24 = arith.cmpi ne, %convert_element_type3A_22, %cond3A_23 : i32
    scf.if %cond3A_24 {
      %mul3A_127 = arith.constant 80 : i32
      %mul3A_128 = arith.muli %add3A_19, %mul3A_127 : i32
      "tpu.region"() ({
        %run_scoped3A = tpu.sem_alloc : memref<!tpu.dma_semaphore, #tpu.memory_space<semaphore_mem>>
        %dma_start3A_129 = arith.constant 0 : i32
        %dma_start3A_130 = tpu.memref_slice %arg13[%mul3A_128, %dma_start3A_129] : memref<10000x128xf32, #tpu.memory_space<vmem_shared>> -> memref<80x128xf32, #tpu.memory_space<vmem_shared>>
        %dma_start3A_131 = arith.constant 0 : i32
        %dma_start3A_132 = tpu.memref_slice %arg13[%mul3A_128, %dma_start3A_131] : memref<10000x128xf32, #tpu.memory_space<vmem_shared>> -> memref<80x128xf32, #tpu.memory_space<vmem_shared>>
        tpu.enqueue_dma source(%arg12 : memref<80x128xf32, #tpu.memory_space<vmem>>) target(%dma_start3A_132 : memref<80x128xf32, #tpu.memory_space<vmem_shared>>) target_semaphore(%run_scoped3A : memref<!tpu.dma_semaphore, #tpu.memory_space<semaphore_mem>>)
        %dma_wait3A = arith.constant 0 : i32
        %dma_wait3A_133 = tpu.memref_slice %arg13[%mul3A_128, %dma_wait3A] : memref<10000x128xf32, #tpu.memory_space<vmem_shared>> -> memref<80x128xf32, #tpu.memory_space<vmem_shared>>
        %dma_wait3A_134 = arith.constant 0 : i32
        %dma_wait3A_135 = tpu.memref_slice %arg13[%mul3A_128, %dma_wait3A_134] : memref<10000x128xf32, #tpu.memory_space<vmem_shared>> -> memref<80x128xf32, #tpu.memory_space<vmem_shared>>
        tpu.wait_dma2 semaphore(%run_scoped3A : memref<!tpu.dma_semaphore, #tpu.memory_space<semaphore_mem>>) src(%arg12 : memref<80x128xf32, #tpu.memory_space<vmem>>) dst(%dma_wait3A_135 : memref<80x128xf32, #tpu.memory_space<vmem_shared>>)
        tpu.yield
      }) : () -> ()
    } else {
    }
    %add3A_25 = arith.constant 48 : i32
    %add3A_26 = arith.addi %arg1, %add3A_25 : i32
    %lt3A_27 = arith.constant 125 : i32
    %lt3A_28 = arith.cmpi slt, %add3A_26, %lt3A_27 : i32
    %convert_element_type3A_29 = arith.extui %lt3A_28 : i1 to i32
    %cond3A_30 = arith.constant 0 : i32
    %cond3A_31 = arith.cmpi ne, %convert_element_type3A_29, %cond3A_30 : i32
    scf.if %cond3A_31 {
      %mul3A_127 = arith.constant 80 : i32
      %mul3A_128 = arith.muli %add3A_26, %mul3A_127 : i32
      "tpu.region"() ({
        %run_scoped3A = tpu.sem_alloc : memref<!tpu.dma_semaphore, #tpu.memory_space<semaphore_mem>>
        %dma_start3A_129 = arith.constant 0 : i32
        %dma_start3A_130 = tpu.memref_slice %arg13[%mul3A_128, %dma_start3A_129] : memref<10000x128xf32, #tpu.memory_space<vmem_shared>> -> memref<80x128xf32, #tpu.memory_space<vmem_shared>>
        %dma_start3A_131 = arith.constant 0 : i32
        %dma_start3A_132 = tpu.memref_slice %arg13[%mul3A_128, %dma_start3A_131] : memref<10000x128xf32, #tpu.memory_space<vmem_shared>> -> memref<80x128xf32, #tpu.memory_space<vmem_shared>>
        tpu.enqueue_dma source(%arg12 : memref<80x128xf32, #tpu.memory_space<vmem>>) target(%dma_start3A_132 : memref<80x128xf32, #tpu.memory_space<vmem_shared>>) target_semaphore(%run_scoped3A : memref<!tpu.dma_semaphore, #tpu.memory_space<semaphore_mem>>)
        %dma_wait3A = arith.constant 0 : i32
        %dma_wait3A_133 = tpu.memref_slice %arg13[%mul3A_128, %dma_wait3A] : memref<10000x128xf32, #tpu.memory_space<vmem_shared>> -> memref<80x128xf32, #tpu.memory_space<vmem_shared>>
        %dma_wait3A_134 = arith.constant 0 : i32
        %dma_wait3A_135 = tpu.memref_slice %arg13[%mul3A_128, %dma_wait3A_134] : memref<10000x128xf32, #tpu.memory_space<vmem_shared>> -> memref<80x128xf32, #tpu.memory_space<vmem_shared>>
        tpu.wait_dma2 semaphore(%run_scoped3A : memref<!tpu.dma_semaphore, #tpu.memory_space<semaphore_mem>>) src(%arg12 : memref<80x128xf32, #tpu.memory_space<vmem>>) dst(%dma_wait3A_135 : memref<80x128xf32, #tpu.memory_space<vmem_shared>>)
        tpu.yield
      }) : () -> ()
    } else {
    }
    %add3A_32 = arith.constant 64 : i32
    %add3A_33 = arith.addi %arg1, %add3A_32 : i32
    %lt3A_34 = arith.constant 125 : i32
    %lt3A_35 = arith.cmpi slt, %add3A_33, %lt3A_34 : i32
    %convert_element_type3A_36 = arith.extui %lt3A_35 : i1 to i32
    %cond3A_37 = arith.constant 0 : i32
    %cond3A_38 = arith.cmpi ne, %convert_element_type3A_36, %cond3A_37 : i32
    scf.if %cond3A_38 {
      %mul3A_127 = arith.constant 80 : i32
      %mul3A_128 = arith.muli %add3A_33, %mul3A_127 : i32
      "tpu.region"() ({
        %run_scoped3A = tpu.sem_alloc : memref<!tpu.dma_semaphore, #tpu.memory_space<semaphore_mem>>
        %dma_start3A_129 = arith.constant 0 : i32
        %dma_start3A_130 = tpu.memref_slice %arg13[%mul3A_128, %dma_start3A_129] : memref<10000x128xf32, #tpu.memory_space<vmem_shared>> -> memref<80x128xf32, #tpu.memory_space<vmem_shared>>
        %dma_start3A_131 = arith.constant 0 : i32
        %dma_start3A_132 = tpu.memref_slice %arg13[%mul3A_128, %dma_start3A_131] : memref<10000x128xf32, #tpu.memory_space<vmem_shared>> -> memref<80x128xf32, #tpu.memory_space<vmem_shared>>
        tpu.enqueue_dma source(%arg12 : memref<80x128xf32, #tpu.memory_space<vmem>>) target(%dma_start3A_132 : memref<80x128xf32, #tpu.memory_space<vmem_shared>>) target_semaphore(%run_scoped3A : memref<!tpu.dma_semaphore, #tpu.memory_space<semaphore_mem>>)
        %dma_wait3A = arith.constant 0 : i32
        %dma_wait3A_133 = tpu.memref_slice %arg13[%mul3A_128, %dma_wait3A] : memref<10000x128xf32, #tpu.memory_space<vmem_shared>> -> memref<80x128xf32, #tpu.memory_space<vmem_shared>>
        %dma_wait3A_134 = arith.constant 0 : i32
        %dma_wait3A_135 = tpu.memref_slice %arg13[%mul3A_128, %dma_wait3A_134] : memref<10000x128xf32, #tpu.memory_space<vmem_shared>> -> memref<80x128xf32, #tpu.memory_space<vmem_shared>>
        tpu.wait_dma2 semaphore(%run_scoped3A : memref<!tpu.dma_semaphore, #tpu.memory_space<semaphore_mem>>) src(%arg12 : memref<80x128xf32, #tpu.memory_space<vmem>>) dst(%dma_wait3A_135 : memref<80x128xf32, #tpu.memory_space<vmem_shared>>)
        tpu.yield
      }) : () -> ()
    } else {
    }
    %add3A_39 = arith.constant 80 : i32
    %add3A_40 = arith.addi %arg1, %add3A_39 : i32
    %lt3A_41 = arith.constant 125 : i32
    %lt3A_42 = arith.cmpi slt, %add3A_40, %lt3A_41 : i32
    %convert_element_type3A_43 = arith.extui %lt3A_42 : i1 to i32
    %cond3A_44 = arith.constant 0 : i32
    %cond3A_45 = arith.cmpi ne, %convert_element_type3A_43, %cond3A_44 : i32
    scf.if %cond3A_45 {
      %mul3A_127 = arith.constant 80 : i32
      %mul3A_128 = arith.muli %add3A_40, %mul3A_127 : i32
      "tpu.region"() ({
        %run_scoped3A = tpu.sem_alloc : memref<!tpu.dma_semaphore, #tpu.memory_space<semaphore_mem>>
        %dma_start3A_129 = arith.constant 0 : i32
        %dma_start3A_130 = tpu.memref_slice %arg13[%mul3A_128, %dma_start3A_129] : memref<10000x128xf32, #tpu.memory_space<vmem_shared>> -> memref<80x128xf32, #tpu.memory_space<vmem_shared>>
        %dma_start3A_131 = arith.constant 0 : i32
        %dma_start3A_132 = tpu.memref_slice %arg13[%mul3A_128, %dma_start3A_131] : memref<10000x128xf32, #tpu.memory_space<vmem_shared>> -> memref<80x128xf32, #tpu.memory_space<vmem_shared>>
        tpu.enqueue_dma source(%arg12 : memref<80x128xf32, #tpu.memory_space<vmem>>) target(%dma_start3A_132 : memref<80x128xf32, #tpu.memory_space<vmem_shared>>) target_semaphore(%run_scoped3A : memref<!tpu.dma_semaphore, #tpu.memory_space<semaphore_mem>>)
        %dma_wait3A = arith.constant 0 : i32
        %dma_wait3A_133 = tpu.memref_slice %arg13[%mul3A_128, %dma_wait3A] : memref<10000x128xf32, #tpu.memory_space<vmem_shared>> -> memref<80x128xf32, #tpu.memory_space<vmem_shared>>
        %dma_wait3A_134 = arith.constant 0 : i32
        %dma_wait3A_135 = tpu.memref_slice %arg13[%mul3A_128, %dma_wait3A_134] : memref<10000x128xf32, #tpu.memory_space<vmem_shared>> -> memref<80x128xf32, #tpu.memory_space<vmem_shared>>
        tpu.wait_dma2 semaphore(%run_scoped3A : memref<!tpu.dma_semaphore, #tpu.memory_space<semaphore_mem>>) src(%arg12 : memref<80x128xf32, #tpu.memory_space<vmem>>) dst(%dma_wait3A_135 : memref<80x128xf32, #tpu.memory_space<vmem_shared>>)
        tpu.yield
      }) : () -> ()
    } else {
    }
    %add3A_46 = arith.constant 96 : i32
    %add3A_47 = arith.addi %arg1, %add3A_46 : i32
    %lt3A_48 = arith.constant 125 : i32
    %lt3A_49 = arith.cmpi slt, %add3A_47, %lt3A_48 : i32
    %convert_element_type3A_50 = arith.extui %lt3A_49 : i1 to i32
    %cond3A_51 = arith.constant 0 : i32
    %cond3A_52 = arith.cmpi ne, %convert_element_type3A_50, %cond3A_51 : i32
    scf.if %cond3A_52 {
      %mul3A_127 = arith.constant 80 : i32
      %mul3A_128 = arith.muli %add3A_47, %mul3A_127 : i32
      "tpu.region"() ({
        %run_scoped3A = tpu.sem_alloc : memref<!tpu.dma_semaphore, #tpu.memory_space<semaphore_mem>>
        %dma_start3A_129 = arith.constant 0 : i32
        %dma_start3A_130 = tpu.memref_slice %arg13[%mul3A_128, %dma_start3A_129] : memref<10000x128xf32, #tpu.memory_space<vmem_shared>> -> memref<80x128xf32, #tpu.memory_space<vmem_shared>>
        %dma_start3A_131 = arith.constant 0 : i32
        %dma_start3A_132 = tpu.memref_slice %arg13[%mul3A_128, %dma_start3A_131] : memref<10000x128xf32, #tpu.memory_space<vmem_shared>> -> memref<80x128xf32, #tpu.memory_space<vmem_shared>>
        tpu.enqueue_dma source(%arg12 : memref<80x128xf32, #tpu.memory_space<vmem>>) target(%dma_start3A_132 : memref<80x128xf32, #tpu.memory_space<vmem_shared>>) target_semaphore(%run_scoped3A : memref<!tpu.dma_semaphore, #tpu.memory_space<semaphore_mem>>)
        %dma_wait3A = arith.constant 0 : i32
        %dma_wait3A_133 = tpu.memref_slice %arg13[%mul3A_128, %dma_wait3A] : memref<10000x128xf32, #tpu.memory_space<vmem_shared>> -> memref<80x128xf32, #tpu.memory_space<vmem_shared>>
        %dma_wait3A_134 = arith.constant 0 : i32
        %dma_wait3A_135 = tpu.memref_slice %arg13[%mul3A_128, %dma_wait3A_134] : memref<10000x128xf32, #tpu.memory_space<vmem_shared>> -> memref<80x128xf32, #tpu.memory_space<vmem_shared>>
        tpu.wait_dma2 semaphore(%run_scoped3A : memref<!tpu.dma_semaphore, #tpu.memory_space<semaphore_mem>>) src(%arg12 : memref<80x128xf32, #tpu.memory_space<vmem>>) dst(%dma_wait3A_135 : memref<80x128xf32, #tpu.memory_space<vmem_shared>>)
        tpu.yield
      }) : () -> ()
    } else {
    }
    %add3A_53 = arith.constant 112 : i32
    %add3A_54 = arith.addi %arg1, %add3A_53 : i32
    %lt3A_55 = arith.constant 125 : i32
    %lt3A_56 = arith.cmpi slt, %add3A_54, %lt3A_55 : i32
    %convert_element_type3A_57 = arith.extui %lt3A_56 : i1 to i32
    %cond3A_58 = arith.constant 0 : i32
    %cond3A_59 = arith.cmpi ne, %convert_element_type3A_57, %cond3A_58 : i32
    scf.if %cond3A_59 {
      %mul3A_127 = arith.constant 80 : i32
      %mul3A_128 = arith.muli %add3A_54, %mul3A_127 : i32
      "tpu.region"() ({
        %run_scoped3A = tpu.sem_alloc : memref<!tpu.dma_semaphore, #tpu.memory_space<semaphore_mem>>
        %dma_start3A_129 = arith.constant 0 : i32
        %dma_start3A_130 = tpu.memref_slice %arg13[%mul3A_128, %dma_start3A_129] : memref<10000x128xf32, #tpu.memory_space<vmem_shared>> -> memref<80x128xf32, #tpu.memory_space<vmem_shared>>
        %dma_start3A_131 = arith.constant 0 : i32
        %dma_start3A_132 = tpu.memref_slice %arg13[%mul3A_128, %dma_start3A_131] : memref<10000x128xf32, #tpu.memory_space<vmem_shared>> -> memref<80x128xf32, #tpu.memory_space<vmem_shared>>
        tpu.enqueue_dma source(%arg12 : memref<80x128xf32, #tpu.memory_space<vmem>>) target(%dma_start3A_132 : memref<80x128xf32, #tpu.memory_space<vmem_shared>>) target_semaphore(%run_scoped3A : memref<!tpu.dma_semaphore, #tpu.memory_space<semaphore_mem>>)
        %dma_wait3A = arith.constant 0 : i32
        %dma_wait3A_133 = tpu.memref_slice %arg13[%mul3A_128, %dma_wait3A] : memref<10000x128xf32, #tpu.memory_space<vmem_shared>> -> memref<80x128xf32, #tpu.memory_space<vmem_shared>>
        %dma_wait3A_134 = arith.constant 0 : i32
        %dma_wait3A_135 = tpu.memref_slice %arg13[%mul3A_128, %dma_wait3A_134] : memref<10000x128xf32, #tpu.memory_space<vmem_shared>> -> memref<80x128xf32, #tpu.memory_space<vmem_shared>>
        tpu.wait_dma2 semaphore(%run_scoped3A : memref<!tpu.dma_semaphore, #tpu.memory_space<semaphore_mem>>) src(%arg12 : memref<80x128xf32, #tpu.memory_space<vmem>>) dst(%dma_wait3A_135 : memref<80x128xf32, #tpu.memory_space<vmem_shared>>)
        tpu.yield
      }) : () -> ()
    } else {
    }
    %barrier3A = arith.constant 0 : index
    tpu.barrier barrier_id(%barrier3A)
    %mul3A_60 = arith.constant 10000 : i32
    %mul3A_61 = arith.muli %add3A, %mul3A_60 : i32
    "tpu.region"() ({
      %run_scoped3A = tpu.sem_alloc : memref<!tpu.dma_semaphore, #tpu.memory_space<semaphore_mem>>
      %dma_start3A_127 = tpu.memref_slice %arg3[%mul3A_61] : memref<320000xi32, #tpu.memory_space<hbm>> -> memref<80xi32, #tpu.memory_space<hbm>>
      %dma_start3A_128 = tpu.memref_slice %arg3[%mul3A_61] : memref<320000xi32, #tpu.memory_space<hbm>> -> memref<80xi32, #tpu.memory_space<hbm>>
      tpu.enqueue_dma source(%dma_start3A_128 : memref<80xi32, #tpu.memory_space<hbm>>) target(%arg6 : memref<80xi32, #tpu.memory_space<vmem>>) target_semaphore(%run_scoped3A : memref<!tpu.dma_semaphore, #tpu.memory_space<semaphore_mem>>)
      %dma_wait3A = tpu.memref_slice %arg3[%mul3A_61] : memref<320000xi32, #tpu.memory_space<hbm>> -> memref<80xi32, #tpu.memory_space<hbm>>
      %dma_wait3A_129 = tpu.memref_slice %arg3[%mul3A_61] : memref<320000xi32, #tpu.memory_space<hbm>> -> memref<80xi32, #tpu.memory_space<hbm>>
      tpu.wait_dma2 semaphore(%run_scoped3A : memref<!tpu.dma_semaphore, #tpu.memory_space<semaphore_mem>>) src(%dma_wait3A_129 : memref<80xi32, #tpu.memory_space<hbm>>) dst(%arg6 : memref<80xi32, #tpu.memory_space<vmem>>)
      tpu.yield
    }) : () -> ()
    "tpu.region"() ({
      %run_scoped3A = tpu.sem_alloc : memref<!tpu.dma_semaphore, #tpu.memory_space<semaphore_mem>>
      %dma_start3A_127 = tpu.memref_slice %arg4[%mul3A_61] : memref<320000xi32, #tpu.memory_space<hbm>> -> memref<80xi32, #tpu.memory_space<hbm>>
      %dma_start3A_128 = tpu.memref_slice %arg4[%mul3A_61] : memref<320000xi32, #tpu.memory_space<hbm>> -> memref<80xi32, #tpu.memory_space<hbm>>
      tpu.enqueue_dma source(%dma_start3A_128 : memref<80xi32, #tpu.memory_space<hbm>>) target(%arg8 : memref<80xi32, #tpu.memory_space<vmem>>) target_semaphore(%run_scoped3A : memref<!tpu.dma_semaphore, #tpu.memory_space<semaphore_mem>>)
      %dma_wait3A = tpu.memref_slice %arg4[%mul3A_61] : memref<320000xi32, #tpu.memory_space<hbm>> -> memref<80xi32, #tpu.memory_space<hbm>>
      %dma_wait3A_129 = tpu.memref_slice %arg4[%mul3A_61] : memref<320000xi32, #tpu.memory_space<hbm>> -> memref<80xi32, #tpu.memory_space<hbm>>
      tpu.wait_dma2 semaphore(%run_scoped3A : memref<!tpu.dma_semaphore, #tpu.memory_space<semaphore_mem>>) src(%dma_wait3A_129 : memref<80xi32, #tpu.memory_space<hbm>>) dst(%arg8 : memref<80xi32, #tpu.memory_space<vmem>>)
      tpu.yield
    }) : () -> ()
    %dma_start3A = arith.constant 0 : i32
    %dma_start3A_62 = arith.constant 0 : i32
    %dma_start3A_63 = tpu.memref_slice %arg2[%dma_start3A, %dma_start3A_62] : memref<10008x128xf32, #tpu.memory_space<hbm>> -> memref<10008x128xf32, #tpu.memory_space<hbm>>
    tpu.enqueue_indirect_dma source(%dma_start3A_63 : memref<10008x128xf32, #tpu.memory_space<hbm>>) target(%arg10 : memref<80x128xf32, #tpu.memory_space<vmem>>) offsets(%arg6 : memref<80xi32, #tpu.memory_space<vmem>>) semaphore(%arg14 : memref<!tpu.dma_semaphore, #tpu.memory_space<semaphore_mem>>)
    %scan3A_64 = arith.constant 0 : i32
    %scan3A_65 = arith.constant 0 : i32
    %scan3A_66 = arith.constant 125 : i32
    %scan3A_67 = arith.addi %scan3A_65, %scan3A_66 : i32
    %scan3A_68 = arith.constant 1 : i32
    scf.for %scan3A_127 = %scan3A_65 to %scan3A_67 step %scan3A_68  : i32 {
      %rem3A = arith.constant 2 : i32
      %rem3A_128 = arith.remsi %scan3A_127, %rem3A : i32
      %eq3A = arith.constant 0 : i32
      %eq3A_129 = arith.cmpi eq, %rem3A_128, %eq3A : i32
      %convert_element_type3A_130 = arith.extui %eq3A_129 : i1 to i32
      %cond3A_131 = arith.constant 0 : i32
      %cond3A_132 = arith.cmpi ne, %convert_element_type3A_130, %cond3A_131 : i32
      scf.if %cond3A_132 {
        %add3A_138 = arith.constant 1 : i32
        %add3A_139 = arith.addi %scan3A_127, %add3A_138 : i32
        %lt3A_140 = arith.constant 125 : i32
        %lt3A_141 = arith.cmpi slt, %add3A_139, %lt3A_140 : i32
        %convert_element_type3A_142 = arith.extui %lt3A_141 : i1 to i32
        %cond3A_143 = arith.constant 0 : i32
        %cond3A_144 = arith.cmpi ne, %convert_element_type3A_142, %cond3A_143 : i32
        scf.if %cond3A_144 {
          %add3A_147 = arith.constant 1 : i32
          %add3A_148 = arith.addi %scan3A_127, %add3A_147 : i32
          %mul3A_149 = arith.constant 80 : i32
          %mul3A_150 = arith.muli %add3A_148, %mul3A_149 : i32
          %add3A_151 = arith.addi %mul3A_61, %mul3A_150 : i32
          "tpu.region"() ({
            %run_scoped3A = tpu.sem_alloc : memref<!tpu.dma_semaphore, #tpu.memory_space<semaphore_mem>>
            %dma_start3A_155 = tpu.memref_slice %arg3[%add3A_151] : memref<320000xi32, #tpu.memory_space<hbm>> -> memref<80xi32, #tpu.memory_space<hbm>>
            %dma_start3A_156 = tpu.memref_slice %arg3[%add3A_151] : memref<320000xi32, #tpu.memory_space<hbm>> -> memref<80xi32, #tpu.memory_space<hbm>>
            tpu.enqueue_dma source(%dma_start3A_156 : memref<80xi32, #tpu.memory_space<hbm>>) target(%arg7 : memref<80xi32, #tpu.memory_space<vmem>>) target_semaphore(%run_scoped3A : memref<!tpu.dma_semaphore, #tpu.memory_space<semaphore_mem>>)
            %dma_wait3A_157 = tpu.memref_slice %arg3[%add3A_151] : memref<320000xi32, #tpu.memory_space<hbm>> -> memref<80xi32, #tpu.memory_space<hbm>>
            %dma_wait3A_158 = tpu.memref_slice %arg3[%add3A_151] : memref<320000xi32, #tpu.memory_space<hbm>> -> memref<80xi32, #tpu.memory_space<hbm>>
            tpu.wait_dma2 semaphore(%run_scoped3A : memref<!tpu.dma_semaphore, #tpu.memory_space<semaphore_mem>>) src(%dma_wait3A_158 : memref<80xi32, #tpu.memory_space<hbm>>) dst(%arg7 : memref<80xi32, #tpu.memory_space<vmem>>)
            tpu.yield
          }) : () -> ()
          "tpu.region"() ({
            %run_scoped3A = tpu.sem_alloc : memref<!tpu.dma_semaphore, #tpu.memory_space<semaphore_mem>>
            %dma_start3A_155 = tpu.memref_slice %arg4[%add3A_151] : memref<320000xi32, #tpu.memory_space<hbm>> -> memref<80xi32, #tpu.memory_space<hbm>>
            %dma_start3A_156 = tpu.memref_slice %arg4[%add3A_151] : memref<320000xi32, #tpu.memory_space<hbm>> -> memref<80xi32, #tpu.memory_space<hbm>>
            tpu.enqueue_dma source(%dma_start3A_156 : memref<80xi32, #tpu.memory_space<hbm>>) target(%arg9 : memref<80xi32, #tpu.memory_space<vmem>>) target_semaphore(%run_scoped3A : memref<!tpu.dma_semaphore, #tpu.memory_space<semaphore_mem>>)
            %dma_wait3A_157 = tpu.memref_slice %arg4[%add3A_151] : memref<320000xi32, #tpu.memory_space<hbm>> -> memref<80xi32, #tpu.memory_space<hbm>>
            %dma_wait3A_158 = tpu.memref_slice %arg4[%add3A_151] : memref<320000xi32, #tpu.memory_space<hbm>> -> memref<80xi32, #tpu.memory_space<hbm>>
            tpu.wait_dma2 semaphore(%run_scoped3A : memref<!tpu.dma_semaphore, #tpu.memory_space<semaphore_mem>>) src(%dma_wait3A_158 : memref<80xi32, #tpu.memory_space<hbm>>) dst(%arg9 : memref<80xi32, #tpu.memory_space<vmem>>)
            tpu.yield
          }) : () -> ()
          %dma_start3A_152 = arith.constant 0 : i32
          %dma_start3A_153 = arith.constant 0 : i32
          %dma_start3A_154 = tpu.memref_slice %arg2[%dma_start3A_152, %dma_start3A_153] : memref<10008x128xf32, #tpu.memory_space<hbm>> -> memref<10008x128xf32, #tpu.memory_space<hbm>>
          tpu.enqueue_indirect_dma source(%dma_start3A_154 : memref<10008x128xf32, #tpu.memory_space<hbm>>) target(%arg11 : memref<80x128xf32, #tpu.memory_space<vmem>>) offsets(%arg7 : memref<80xi32, #tpu.memory_space<vmem>>) semaphore(%arg15 : memref<!tpu.dma_semaphore, #tpu.memory_space<semaphore_mem>>)
        } else {
        }
        %dma_wait3A = arith.constant 0 : i32
        %dma_wait3A_145 = arith.constant 0 : i32
        %dma_wait3A_146 = tpu.memref_slice %arg2[%dma_wait3A, %dma_wait3A_145] : memref<10008x128xf32, #tpu.memory_space<hbm>> -> memref<10008x128xf32, #tpu.memory_space<hbm>>
        tpu.wait_indirect_dma semaphore(%arg14 : memref<!tpu.dma_semaphore, #tpu.memory_space<semaphore_mem>>) src(%dma_wait3A_146 : memref<10008x128xf32, #tpu.memory_space<hbm>>) dst(%arg10 : memref<80x128xf32, #tpu.memory_space<vmem>>)
        "tpu.region"() ({
          %run_scoped3A = tpu.sem_alloc : memref<!tpu.dma_semaphore, #tpu.memory_space<semaphore_mem>>
          %dma_start3A_147 = arith.constant 0 : i32
          %dma_start3A_148 = arith.constant 0 : i32
          %dma_start3A_149 = tpu.memref_slice %arg13[%dma_start3A_147, %dma_start3A_148] : memref<10000x128xf32, #tpu.memory_space<vmem_shared>> -> memref<10000x128xf32, #tpu.memory_space<vmem_shared>>
          tpu.enqueue_indirect_dma source(%arg10 : memref<80x128xf32, #tpu.memory_space<vmem>>) target(%dma_start3A_149 : memref<10000x128xf32, #tpu.memory_space<vmem_shared>>) offsets(%arg8 : memref<80xi32, #tpu.memory_space<vmem>>) semaphore(%run_scoped3A : memref<!tpu.dma_semaphore, #tpu.memory_space<semaphore_mem>>) {add = true}
          %dma_wait3A_150 = arith.constant 0 : i32
          %dma_wait3A_151 = arith.constant 0 : i32
          %dma_wait3A_152 = tpu.memref_slice %arg13[%dma_wait3A_150, %dma_wait3A_151] : memref<10000x128xf32, #tpu.memory_space<vmem_shared>> -> memref<10000x128xf32, #tpu.memory_space<vmem_shared>>
          tpu.wait_indirect_dma semaphore(%run_scoped3A : memref<!tpu.dma_semaphore, #tpu.memory_space<semaphore_mem>>) src(%arg10 : memref<80x128xf32, #tpu.memory_space<vmem>>) dst(%dma_wait3A_152 : memref<10000x128xf32, #tpu.memory_space<vmem_shared>>)
          tpu.yield
        }) : () -> ()
      } else {
      }
      %eq3A_133 = arith.constant 1 : i32
      %eq3A_134 = arith.cmpi eq, %rem3A_128, %eq3A_133 : i32
      %convert_element_type3A_135 = arith.extui %eq3A_134 : i1 to i32
      %cond3A_136 = arith.constant 0 : i32
      %cond3A_137 = arith.cmpi ne, %convert_element_type3A_135, %cond3A_136 : i32
      scf.if %cond3A_137 {
        %add3A_138 = arith.constant 1 : i32
        %add3A_139 = arith.addi %scan3A_127, %add3A_138 : i32
        %lt3A_140 = arith.constant 125 : i32
        %lt3A_141 = arith.cmpi slt, %add3A_139, %lt3A_140 : i32
        %convert_element_type3A_142 = arith.extui %lt3A_141 : i1 to i32
        %cond3A_143 = arith.constant 0 : i32
        %cond3A_144 = arith.cmpi ne, %convert_element_type3A_142, %cond3A_143 : i32
        scf.if %cond3A_144 {
          %add3A_147 = arith.constant 1 : i32
          %add3A_148 = arith.addi %scan3A_127, %add3A_147 : i32
          %mul3A_149 = arith.constant 80 : i32
          %mul3A_150 = arith.muli %add3A_148, %mul3A_149 : i32
          %add3A_151 = arith.addi %mul3A_61, %mul3A_150 : i32
          "tpu.region"() ({
            %run_scoped3A = tpu.sem_alloc : memref<!tpu.dma_semaphore, #tpu.memory_space<semaphore_mem>>
            %dma_start3A_155 = tpu.memref_slice %arg3[%add3A_151] : memref<320000xi32, #tpu.memory_space<hbm>> -> memref<80xi32, #tpu.memory_space<hbm>>
            %dma_start3A_156 = tpu.memref_slice %arg3[%add3A_151] : memref<320000xi32, #tpu.memory_space<hbm>> -> memref<80xi32, #tpu.memory_space<hbm>>
            tpu.enqueue_dma source(%dma_start3A_156 : memref<80xi32, #tpu.memory_space<hbm>>) target(%arg6 : memref<80xi32, #tpu.memory_space<vmem>>) target_semaphore(%run_scoped3A : memref<!tpu.dma_semaphore, #tpu.memory_space<semaphore_mem>>)
            %dma_wait3A_157 = tpu.memref_slice %arg3[%add3A_151] : memref<320000xi32, #tpu.memory_space<hbm>> -> memref<80xi32, #tpu.memory_space<hbm>>
            %dma_wait3A_158 = tpu.memref_slice %arg3[%add3A_151] : memref<320000xi32, #tpu.memory_space<hbm>> -> memref<80xi32, #tpu.memory_space<hbm>>
            tpu.wait_dma2 semaphore(%run_scoped3A : memref<!tpu.dma_semaphore, #tpu.memory_space<semaphore_mem>>) src(%dma_wait3A_158 : memref<80xi32, #tpu.memory_space<hbm>>) dst(%arg6 : memref<80xi32, #tpu.memory_space<vmem>>)
            tpu.yield
          }) : () -> ()
          "tpu.region"() ({
            %run_scoped3A = tpu.sem_alloc : memref<!tpu.dma_semaphore, #tpu.memory_space<semaphore_mem>>
            %dma_start3A_155 = tpu.memref_slice %arg4[%add3A_151] : memref<320000xi32, #tpu.memory_space<hbm>> -> memref<80xi32, #tpu.memory_space<hbm>>
            %dma_start3A_156 = tpu.memref_slice %arg4[%add3A_151] : memref<320000xi32, #tpu.memory_space<hbm>> -> memref<80xi32, #tpu.memory_space<hbm>>
            tpu.enqueue_dma source(%dma_start3A_156 : memref<80xi32, #tpu.memory_space<hbm>>) target(%arg8 : memref<80xi32, #tpu.memory_space<vmem>>) target_semaphore(%run_scoped3A : memref<!tpu.dma_semaphore, #tpu.memory_space<semaphore_mem>>)
            %dma_wait3A_157 = tpu.memref_slice %arg4[%add3A_151] : memref<320000xi32, #tpu.memory_space<hbm>> -> memref<80xi32, #tpu.memory_space<hbm>>
            %dma_wait3A_158 = tpu.memref_slice %arg4[%add3A_151] : memref<320000xi32, #tpu.memory_space<hbm>> -> memref<80xi32, #tpu.memory_space<hbm>>
            tpu.wait_dma2 semaphore(%run_scoped3A : memref<!tpu.dma_semaphore, #tpu.memory_space<semaphore_mem>>) src(%dma_wait3A_158 : memref<80xi32, #tpu.memory_space<hbm>>) dst(%arg8 : memref<80xi32, #tpu.memory_space<vmem>>)
            tpu.yield
          }) : () -> ()
          %dma_start3A_152 = arith.constant 0 : i32
          %dma_start3A_153 = arith.constant 0 : i32
          %dma_start3A_154 = tpu.memref_slice %arg2[%dma_start3A_152, %dma_start3A_153] : memref<10008x128xf32, #tpu.memory_space<hbm>> -> memref<10008x128xf32, #tpu.memory_space<hbm>>
          tpu.enqueue_indirect_dma source(%dma_start3A_154 : memref<10008x128xf32, #tpu.memory_space<hbm>>) target(%arg10 : memref<80x128xf32, #tpu.memory_space<vmem>>) offsets(%arg6 : memref<80xi32, #tpu.memory_space<vmem>>) semaphore(%arg14 : memref<!tpu.dma_semaphore, #tpu.memory_space<semaphore_mem>>)
        } else {
        }
        %dma_wait3A = arith.constant 0 : i32
        %dma_wait3A_145 = arith.constant 0 : i32
        %dma_wait3A_146 = tpu.memref_slice %arg2[%dma_wait3A, %dma_wait3A_145] : memref<10008x128xf32, #tpu.memory_space<hbm>> -> memref<10008x128xf32, #tpu.memory_space<hbm>>
        tpu.wait_indirect_dma semaphore(%arg15 : memref<!tpu.dma_semaphore, #tpu.memory_space<semaphore_mem>>) src(%dma_wait3A_146 : memref<10008x128xf32, #tpu.memory_space<hbm>>) dst(%arg11 : memref<80x128xf32, #tpu.memory_space<vmem>>)
        "tpu.region"() ({
          %run_scoped3A = tpu.sem_alloc : memref<!tpu.dma_semaphore, #tpu.memory_space<semaphore_mem>>
          %dma_start3A_147 = arith.constant 0 : i32
          %dma_start3A_148 = arith.constant 0 : i32
          %dma_start3A_149 = tpu.memref_slice %arg13[%dma_start3A_147, %dma_start3A_148] : memref<10000x128xf32, #tpu.memory_space<vmem_shared>> -> memref<10000x128xf32, #tpu.memory_space<vmem_shared>>
          tpu.enqueue_indirect_dma source(%arg11 : memref<80x128xf32, #tpu.memory_space<vmem>>) target(%dma_start3A_149 : memref<10000x128xf32, #tpu.memory_space<vmem_shared>>) offsets(%arg9 : memref<80xi32, #tpu.memory_space<vmem>>) semaphore(%run_scoped3A : memref<!tpu.dma_semaphore, #tpu.memory_space<semaphore_mem>>) {add = true}
          %dma_wait3A_150 = arith.constant 0 : i32
          %dma_wait3A_151 = arith.constant 0 : i32
          %dma_wait3A_152 = tpu.memref_slice %arg13[%dma_wait3A_150, %dma_wait3A_151] : memref<10000x128xf32, #tpu.memory_space<vmem_shared>> -> memref<10000x128xf32, #tpu.memory_space<vmem_shared>>
          tpu.wait_indirect_dma semaphore(%run_scoped3A : memref<!tpu.dma_semaphore, #tpu.memory_space<semaphore_mem>>) src(%arg11 : memref<80x128xf32, #tpu.memory_space<vmem>>) dst(%dma_wait3A_152 : memref<10000x128xf32, #tpu.memory_space<vmem_shared>>)
          tpu.yield
        }) : () -> ()
      } else {
      }
    }
    %scan3A_69 = arith.constant 125 : i32
    %barrier3A_70 = arith.constant 0 : index
    tpu.barrier barrier_id(%barrier3A_70)
    %add3A_71 = arith.constant 0 : i32
    %add3A_72 = arith.addi %arg1, %add3A_71 : i32
    %lt3A_73 = arith.constant 125 : i32
    %lt3A_74 = arith.cmpi slt, %add3A_72, %lt3A_73 : i32
    %convert_element_type3A_75 = arith.extui %lt3A_74 : i1 to i32
    %cond3A_76 = arith.constant 0 : i32
    %cond3A_77 = arith.cmpi ne, %convert_element_type3A_75, %cond3A_76 : i32
    scf.if %cond3A_77 {
      %mul3A_127 = arith.constant 80 : i32
      %mul3A_128 = arith.muli %add3A_72, %mul3A_127 : i32
      %mul3A_129 = arith.constant 10000 : i32
      %mul3A_130 = arith.muli %arg0, %mul3A_129 : i32
      %mul3A_131 = arith.constant 80 : i32
      %mul3A_132 = arith.muli %add3A_72, %mul3A_131 : i32
      %add3A_133 = arith.addi %mul3A_130, %mul3A_132 : i32
      "tpu.region"() ({
        %run_scoped3A = tpu.sem_alloc : memref<!tpu.dma_semaphore, #tpu.memory_space<semaphore_mem>>
        %dma_start3A_134 = arith.constant 0 : i32
        %dma_start3A_135 = tpu.memref_slice %arg5[%add3A_133, %dma_start3A_134] : memref<20000x128xf32, #tpu.memory_space<hbm>> -> memref<80x128xf32, #tpu.memory_space<hbm>>
        %dma_start3A_136 = arith.constant 0 : i32
        %dma_start3A_137 = tpu.memref_slice %arg13[%mul3A_128, %dma_start3A_136] : memref<10000x128xf32, #tpu.memory_space<vmem_shared>> -> memref<80x128xf32, #tpu.memory_space<vmem_shared>>
        tpu.enqueue_dma source(%dma_start3A_137 : memref<80x128xf32, #tpu.memory_space<vmem_shared>>) target(%dma_start3A_135 : memref<80x128xf32, #tpu.memory_space<hbm>>) target_semaphore(%run_scoped3A : memref<!tpu.dma_semaphore, #tpu.memory_space<semaphore_mem>>)
        %dma_wait3A = arith.constant 0 : i32
        %dma_wait3A_138 = tpu.memref_slice %arg5[%add3A_133, %dma_wait3A] : memref<20000x128xf32, #tpu.memory_space<hbm>> -> memref<80x128xf32, #tpu.memory_space<hbm>>
        %dma_wait3A_139 = arith.constant 0 : i32
        %dma_wait3A_140 = tpu.memref_slice %arg13[%mul3A_128, %dma_wait3A_139] : memref<10000x128xf32, #tpu.memory_space<vmem_shared>> -> memref<80x128xf32, #tpu.memory_space<vmem_shared>>
        tpu.wait_dma2 semaphore(%run_scoped3A : memref<!tpu.dma_semaphore, #tpu.memory_space<semaphore_mem>>) src(%dma_wait3A_140 : memref<80x128xf32, #tpu.memory_space<vmem_shared>>) dst(%dma_wait3A_138 : memref<80x128xf32, #tpu.memory_space<hbm>>)
        tpu.yield
      }) : () -> ()
    } else {
    }
    %add3A_78 = arith.constant 16 : i32
    %add3A_79 = arith.addi %arg1, %add3A_78 : i32
    %lt3A_80 = arith.constant 125 : i32
    %lt3A_81 = arith.cmpi slt, %add3A_79, %lt3A_80 : i32
    %convert_element_type3A_82 = arith.extui %lt3A_81 : i1 to i32
    %cond3A_83 = arith.constant 0 : i32
    %cond3A_84 = arith.cmpi ne, %convert_element_type3A_82, %cond3A_83 : i32
    scf.if %cond3A_84 {
      %mul3A_127 = arith.constant 80 : i32
      %mul3A_128 = arith.muli %add3A_79, %mul3A_127 : i32
      %mul3A_129 = arith.constant 10000 : i32
      %mul3A_130 = arith.muli %arg0, %mul3A_129 : i32
      %mul3A_131 = arith.constant 80 : i32
      %mul3A_132 = arith.muli %add3A_79, %mul3A_131 : i32
      %add3A_133 = arith.addi %mul3A_130, %mul3A_132 : i32
      "tpu.region"() ({
        %run_scoped3A = tpu.sem_alloc : memref<!tpu.dma_semaphore, #tpu.memory_space<semaphore_mem>>
        %dma_start3A_134 = arith.constant 0 : i32
        %dma_start3A_135 = tpu.memref_slice %arg5[%add3A_133, %dma_start3A_134] : memref<20000x128xf32, #tpu.memory_space<hbm>> -> memref<80x128xf32, #tpu.memory_space<hbm>>
        %dma_start3A_136 = arith.constant 0 : i32
        %dma_start3A_137 = tpu.memref_slice %arg13[%mul3A_128, %dma_start3A_136] : memref<10000x128xf32, #tpu.memory_space<vmem_shared>> -> memref<80x128xf32, #tpu.memory_space<vmem_shared>>
        tpu.enqueue_dma source(%dma_start3A_137 : memref<80x128xf32, #tpu.memory_space<vmem_shared>>) target(%dma_start3A_135 : memref<80x128xf32, #tpu.memory_space<hbm>>) target_semaphore(%run_scoped3A : memref<!tpu.dma_semaphore, #tpu.memory_space<semaphore_mem>>)
        %dma_wait3A = arith.constant 0 : i32
        %dma_wait3A_138 = tpu.memref_slice %arg5[%add3A_133, %dma_wait3A] : memref<20000x128xf32, #tpu.memory_space<hbm>> -> memref<80x128xf32, #tpu.memory_space<hbm>>
        %dma_wait3A_139 = arith.constant 0 : i32
        %dma_wait3A_140 = tpu.memref_slice %arg13[%mul3A_128, %dma_wait3A_139] : memref<10000x128xf32, #tpu.memory_space<vmem_shared>> -> memref<80x128xf32, #tpu.memory_space<vmem_shared>>
        tpu.wait_dma2 semaphore(%run_scoped3A : memref<!tpu.dma_semaphore, #tpu.memory_space<semaphore_mem>>) src(%dma_wait3A_140 : memref<80x128xf32, #tpu.memory_space<vmem_shared>>) dst(%dma_wait3A_138 : memref<80x128xf32, #tpu.memory_space<hbm>>)
        tpu.yield
      }) : () -> ()
    } else {
    }
    %add3A_85 = arith.constant 32 : i32
    %add3A_86 = arith.addi %arg1, %add3A_85 : i32
    %lt3A_87 = arith.constant 125 : i32
    %lt3A_88 = arith.cmpi slt, %add3A_86, %lt3A_87 : i32
    %convert_element_type3A_89 = arith.extui %lt3A_88 : i1 to i32
    %cond3A_90 = arith.constant 0 : i32
    %cond3A_91 = arith.cmpi ne, %convert_element_type3A_89, %cond3A_90 : i32
    scf.if %cond3A_91 {
      %mul3A_127 = arith.constant 80 : i32
      %mul3A_128 = arith.muli %add3A_86, %mul3A_127 : i32
      %mul3A_129 = arith.constant 10000 : i32
      %mul3A_130 = arith.muli %arg0, %mul3A_129 : i32
      %mul3A_131 = arith.constant 80 : i32
      %mul3A_132 = arith.muli %add3A_86, %mul3A_131 : i32
      %add3A_133 = arith.addi %mul3A_130, %mul3A_132 : i32
      "tpu.region"() ({
        %run_scoped3A = tpu.sem_alloc : memref<!tpu.dma_semaphore, #tpu.memory_space<semaphore_mem>>
        %dma_start3A_134 = arith.constant 0 : i32
        %dma_start3A_135 = tpu.memref_slice %arg5[%add3A_133, %dma_start3A_134] : memref<20000x128xf32, #tpu.memory_space<hbm>> -> memref<80x128xf32, #tpu.memory_space<hbm>>
        %dma_start3A_136 = arith.constant 0 : i32
        %dma_start3A_137 = tpu.memref_slice %arg13[%mul3A_128, %dma_start3A_136] : memref<10000x128xf32, #tpu.memory_space<vmem_shared>> -> memref<80x128xf32, #tpu.memory_space<vmem_shared>>
        tpu.enqueue_dma source(%dma_start3A_137 : memref<80x128xf32, #tpu.memory_space<vmem_shared>>) target(%dma_start3A_135 : memref<80x128xf32, #tpu.memory_space<hbm>>) target_semaphore(%run_scoped3A : memref<!tpu.dma_semaphore, #tpu.memory_space<semaphore_mem>>)
        %dma_wait3A = arith.constant 0 : i32
        %dma_wait3A_138 = tpu.memref_slice %arg5[%add3A_133, %dma_wait3A] : memref<20000x128xf32, #tpu.memory_space<hbm>> -> memref<80x128xf32, #tpu.memory_space<hbm>>
        %dma_wait3A_139 = arith.constant 0 : i32
        %dma_wait3A_140 = tpu.memref_slice %arg13[%mul3A_128, %dma_wait3A_139] : memref<10000x128xf32, #tpu.memory_space<vmem_shared>> -> memref<80x128xf32, #tpu.memory_space<vmem_shared>>
        tpu.wait_dma2 semaphore(%run_scoped3A : memref<!tpu.dma_semaphore, #tpu.memory_space<semaphore_mem>>) src(%dma_wait3A_140 : memref<80x128xf32, #tpu.memory_space<vmem_shared>>) dst(%dma_wait3A_138 : memref<80x128xf32, #tpu.memory_space<hbm>>)
        tpu.yield
      }) : () -> ()
    } else {
    }
    %add3A_92 = arith.constant 48 : i32
    %add3A_93 = arith.addi %arg1, %add3A_92 : i32
    %lt3A_94 = arith.constant 125 : i32
    %lt3A_95 = arith.cmpi slt, %add3A_93, %lt3A_94 : i32
    %convert_element_type3A_96 = arith.extui %lt3A_95 : i1 to i32
    %cond3A_97 = arith.constant 0 : i32
    %cond3A_98 = arith.cmpi ne, %convert_element_type3A_96, %cond3A_97 : i32
    scf.if %cond3A_98 {
      %mul3A_127 = arith.constant 80 : i32
      %mul3A_128 = arith.muli %add3A_93, %mul3A_127 : i32
      %mul3A_129 = arith.constant 10000 : i32
      %mul3A_130 = arith.muli %arg0, %mul3A_129 : i32
      %mul3A_131 = arith.constant 80 : i32
      %mul3A_132 = arith.muli %add3A_93, %mul3A_131 : i32
      %add3A_133 = arith.addi %mul3A_130, %mul3A_132 : i32
      "tpu.region"() ({
        %run_scoped3A = tpu.sem_alloc : memref<!tpu.dma_semaphore, #tpu.memory_space<semaphore_mem>>
        %dma_start3A_134 = arith.constant 0 : i32
        %dma_start3A_135 = tpu.memref_slice %arg5[%add3A_133, %dma_start3A_134] : memref<20000x128xf32, #tpu.memory_space<hbm>> -> memref<80x128xf32, #tpu.memory_space<hbm>>
        %dma_start3A_136 = arith.constant 0 : i32
        %dma_start3A_137 = tpu.memref_slice %arg13[%mul3A_128, %dma_start3A_136] : memref<10000x128xf32, #tpu.memory_space<vmem_shared>> -> memref<80x128xf32, #tpu.memory_space<vmem_shared>>
        tpu.enqueue_dma source(%dma_start3A_137 : memref<80x128xf32, #tpu.memory_space<vmem_shared>>) target(%dma_start3A_135 : memref<80x128xf32, #tpu.memory_space<hbm>>) target_semaphore(%run_scoped3A : memref<!tpu.dma_semaphore, #tpu.memory_space<semaphore_mem>>)
        %dma_wait3A = arith.constant 0 : i32
        %dma_wait3A_138 = tpu.memref_slice %arg5[%add3A_133, %dma_wait3A] : memref<20000x128xf32, #tpu.memory_space<hbm>> -> memref<80x128xf32, #tpu.memory_space<hbm>>
        %dma_wait3A_139 = arith.constant 0 : i32
        %dma_wait3A_140 = tpu.memref_slice %arg13[%mul3A_128, %dma_wait3A_139] : memref<10000x128xf32, #tpu.memory_space<vmem_shared>> -> memref<80x128xf32, #tpu.memory_space<vmem_shared>>
        tpu.wait_dma2 semaphore(%run_scoped3A : memref<!tpu.dma_semaphore, #tpu.memory_space<semaphore_mem>>) src(%dma_wait3A_140 : memref<80x128xf32, #tpu.memory_space<vmem_shared>>) dst(%dma_wait3A_138 : memref<80x128xf32, #tpu.memory_space<hbm>>)
        tpu.yield
      }) : () -> ()
    } else {
    }
    %add3A_99 = arith.constant 64 : i32
    %add3A_100 = arith.addi %arg1, %add3A_99 : i32
    %lt3A_101 = arith.constant 125 : i32
    %lt3A_102 = arith.cmpi slt, %add3A_100, %lt3A_101 : i32
    %convert_element_type3A_103 = arith.extui %lt3A_102 : i1 to i32
    %cond3A_104 = arith.constant 0 : i32
    %cond3A_105 = arith.cmpi ne, %convert_element_type3A_103, %cond3A_104 : i32
    scf.if %cond3A_105 {
      %mul3A_127 = arith.constant 80 : i32
      %mul3A_128 = arith.muli %add3A_100, %mul3A_127 : i32
      %mul3A_129 = arith.constant 10000 : i32
      %mul3A_130 = arith.muli %arg0, %mul3A_129 : i32
      %mul3A_131 = arith.constant 80 : i32
      %mul3A_132 = arith.muli %add3A_100, %mul3A_131 : i32
      %add3A_133 = arith.addi %mul3A_130, %mul3A_132 : i32
      "tpu.region"() ({
        %run_scoped3A = tpu.sem_alloc : memref<!tpu.dma_semaphore, #tpu.memory_space<semaphore_mem>>
        %dma_start3A_134 = arith.constant 0 : i32
        %dma_start3A_135 = tpu.memref_slice %arg5[%add3A_133, %dma_start3A_134] : memref<20000x128xf32, #tpu.memory_space<hbm>> -> memref<80x128xf32, #tpu.memory_space<hbm>>
        %dma_start3A_136 = arith.constant 0 : i32
        %dma_start3A_137 = tpu.memref_slice %arg13[%mul3A_128, %dma_start3A_136] : memref<10000x128xf32, #tpu.memory_space<vmem_shared>> -> memref<80x128xf32, #tpu.memory_space<vmem_shared>>
        tpu.enqueue_dma source(%dma_start3A_137 : memref<80x128xf32, #tpu.memory_space<vmem_shared>>) target(%dma_start3A_135 : memref<80x128xf32, #tpu.memory_space<hbm>>) target_semaphore(%run_scoped3A : memref<!tpu.dma_semaphore, #tpu.memory_space<semaphore_mem>>)
        %dma_wait3A = arith.constant 0 : i32
        %dma_wait3A_138 = tpu.memref_slice %arg5[%add3A_133, %dma_wait3A] : memref<20000x128xf32, #tpu.memory_space<hbm>> -> memref<80x128xf32, #tpu.memory_space<hbm>>
        %dma_wait3A_139 = arith.constant 0 : i32
        %dma_wait3A_140 = tpu.memref_slice %arg13[%mul3A_128, %dma_wait3A_139] : memref<10000x128xf32, #tpu.memory_space<vmem_shared>> -> memref<80x128xf32, #tpu.memory_space<vmem_shared>>
        tpu.wait_dma2 semaphore(%run_scoped3A : memref<!tpu.dma_semaphore, #tpu.memory_space<semaphore_mem>>) src(%dma_wait3A_140 : memref<80x128xf32, #tpu.memory_space<vmem_shared>>) dst(%dma_wait3A_138 : memref<80x128xf32, #tpu.memory_space<hbm>>)
        tpu.yield
      }) : () -> ()
    } else {
    }
    %add3A_106 = arith.constant 80 : i32
    %add3A_107 = arith.addi %arg1, %add3A_106 : i32
    %lt3A_108 = arith.constant 125 : i32
    %lt3A_109 = arith.cmpi slt, %add3A_107, %lt3A_108 : i32
    %convert_element_type3A_110 = arith.extui %lt3A_109 : i1 to i32
    %cond3A_111 = arith.constant 0 : i32
    %cond3A_112 = arith.cmpi ne, %convert_element_type3A_110, %cond3A_111 : i32
    scf.if %cond3A_112 {
      %mul3A_127 = arith.constant 80 : i32
      %mul3A_128 = arith.muli %add3A_107, %mul3A_127 : i32
      %mul3A_129 = arith.constant 10000 : i32
      %mul3A_130 = arith.muli %arg0, %mul3A_129 : i32
      %mul3A_131 = arith.constant 80 : i32
      %mul3A_132 = arith.muli %add3A_107, %mul3A_131 : i32
      %add3A_133 = arith.addi %mul3A_130, %mul3A_132 : i32
      "tpu.region"() ({
        %run_scoped3A = tpu.sem_alloc : memref<!tpu.dma_semaphore, #tpu.memory_space<semaphore_mem>>
        %dma_start3A_134 = arith.constant 0 : i32
        %dma_start3A_135 = tpu.memref_slice %arg5[%add3A_133, %dma_start3A_134] : memref<20000x128xf32, #tpu.memory_space<hbm>> -> memref<80x128xf32, #tpu.memory_space<hbm>>
        %dma_start3A_136 = arith.constant 0 : i32
        %dma_start3A_137 = tpu.memref_slice %arg13[%mul3A_128, %dma_start3A_136] : memref<10000x128xf32, #tpu.memory_space<vmem_shared>> -> memref<80x128xf32, #tpu.memory_space<vmem_shared>>
        tpu.enqueue_dma source(%dma_start3A_137 : memref<80x128xf32, #tpu.memory_space<vmem_shared>>) target(%dma_start3A_135 : memref<80x128xf32, #tpu.memory_space<hbm>>) target_semaphore(%run_scoped3A : memref<!tpu.dma_semaphore, #tpu.memory_space<semaphore_mem>>)
        %dma_wait3A = arith.constant 0 : i32
        %dma_wait3A_138 = tpu.memref_slice %arg5[%add3A_133, %dma_wait3A] : memref<20000x128xf32, #tpu.memory_space<hbm>> -> memref<80x128xf32, #tpu.memory_space<hbm>>
        %dma_wait3A_139 = arith.constant 0 : i32
        %dma_wait3A_140 = tpu.memref_slice %arg13[%mul3A_128, %dma_wait3A_139] : memref<10000x128xf32, #tpu.memory_space<vmem_shared>> -> memref<80x128xf32, #tpu.memory_space<vmem_shared>>
        tpu.wait_dma2 semaphore(%run_scoped3A : memref<!tpu.dma_semaphore, #tpu.memory_space<semaphore_mem>>) src(%dma_wait3A_140 : memref<80x128xf32, #tpu.memory_space<vmem_shared>>) dst(%dma_wait3A_138 : memref<80x128xf32, #tpu.memory_space<hbm>>)
        tpu.yield
      }) : () -> ()
    } else {
    }
    %add3A_113 = arith.constant 96 : i32
    %add3A_114 = arith.addi %arg1, %add3A_113 : i32
    %lt3A_115 = arith.constant 125 : i32
    %lt3A_116 = arith.cmpi slt, %add3A_114, %lt3A_115 : i32
    %convert_element_type3A_117 = arith.extui %lt3A_116 : i1 to i32
    %cond3A_118 = arith.constant 0 : i32
    %cond3A_119 = arith.cmpi ne, %convert_element_type3A_117, %cond3A_118 : i32
    scf.if %cond3A_119 {
      %mul3A_127 = arith.constant 80 : i32
      %mul3A_128 = arith.muli %add3A_114, %mul3A_127 : i32
      %mul3A_129 = arith.constant 10000 : i32
      %mul3A_130 = arith.muli %arg0, %mul3A_129 : i32
      %mul3A_131 = arith.constant 80 : i32
      %mul3A_132 = arith.muli %add3A_114, %mul3A_131 : i32
      %add3A_133 = arith.addi %mul3A_130, %mul3A_132 : i32
      "tpu.region"() ({
        %run_scoped3A = tpu.sem_alloc : memref<!tpu.dma_semaphore, #tpu.memory_space<semaphore_mem>>
        %dma_start3A_134 = arith.constant 0 : i32
        %dma_start3A_135 = tpu.memref_slice %arg5[%add3A_133, %dma_start3A_134] : memref<20000x128xf32, #tpu.memory_space<hbm>> -> memref<80x128xf32, #tpu.memory_space<hbm>>
        %dma_start3A_136 = arith.constant 0 : i32
        %dma_start3A_137 = tpu.memref_slice %arg13[%mul3A_128, %dma_start3A_136] : memref<10000x128xf32, #tpu.memory_space<vmem_shared>> -> memref<80x128xf32, #tpu.memory_space<vmem_shared>>
        tpu.enqueue_dma source(%dma_start3A_137 : memref<80x128xf32, #tpu.memory_space<vmem_shared>>) target(%dma_start3A_135 : memref<80x128xf32, #tpu.memory_space<hbm>>) target_semaphore(%run_scoped3A : memref<!tpu.dma_semaphore, #tpu.memory_space<semaphore_mem>>)
        %dma_wait3A = arith.constant 0 : i32
        %dma_wait3A_138 = tpu.memref_slice %arg5[%add3A_133, %dma_wait3A] : memref<20000x128xf32, #tpu.memory_space<hbm>> -> memref<80x128xf32, #tpu.memory_space<hbm>>
        %dma_wait3A_139 = arith.constant 0 : i32
        %dma_wait3A_140 = tpu.memref_slice %arg13[%mul3A_128, %dma_wait3A_139] : memref<10000x128xf32, #tpu.memory_space<vmem_shared>> -> memref<80x128xf32, #tpu.memory_space<vmem_shared>>
        tpu.wait_dma2 semaphore(%run_scoped3A : memref<!tpu.dma_semaphore, #tpu.memory_space<semaphore_mem>>) src(%dma_wait3A_140 : memref<80x128xf32, #tpu.memory_space<vmem_shared>>) dst(%dma_wait3A_138 : memref<80x128xf32, #tpu.memory_space<hbm>>)
        tpu.yield
      }) : () -> ()
    } else {
    }
    %add3A_120 = arith.constant 112 : i32
    %add3A_121 = arith.addi %arg1, %add3A_120 : i32
    %lt3A_122 = arith.constant 125 : i32
    %lt3A_123 = arith.cmpi slt, %add3A_121, %lt3A_122 : i32
    %convert_element_type3A_124 = arith.extui %lt3A_123 : i1 to i32
    %cond3A_125 = arith.constant 0 : i32
    %cond3A_126 = arith.cmpi ne, %convert_element_type3A_124, %cond3A_125 : i32
    scf.if %cond3A_126 {
      %mul3A_127 = arith.constant 80 : i32
      %mul3A_128 = arith.muli %add3A_121, %mul3A_127 : i32
      %mul3A_129 = arith.constant 10000 : i32
      %mul3A_130 = arith.muli %arg0, %mul3A_129 : i32
      %mul3A_131 = arith.constant 80 : i32
      %mul3A_132 = arith.muli %add3A_121, %mul3A_131 : i32
      %add3A_133 = arith.addi %mul3A_130, %mul3A_132 : i32
      "tpu.region"() ({
        %run_scoped3A = tpu.sem_alloc : memref<!tpu.dma_semaphore, #tpu.memory_space<semaphore_mem>>
        %dma_start3A_134 = arith.constant 0 : i32
        %dma_start3A_135 = tpu.memref_slice %arg5[%add3A_133, %dma_start3A_134] : memref<20000x128xf32, #tpu.memory_space<hbm>> -> memref<80x128xf32, #tpu.memory_space<hbm>>
        %dma_start3A_136 = arith.constant 0 : i32
        %dma_start3A_137 = tpu.memref_slice %arg13[%mul3A_128, %dma_start3A_136] : memref<10000x128xf32, #tpu.memory_space<vmem_shared>> -> memref<80x128xf32, #tpu.memory_space<vmem_shared>>
        tpu.enqueue_dma source(%dma_start3A_137 : memref<80x128xf32, #tpu.memory_space<vmem_shared>>) target(%dma_start3A_135 : memref<80x128xf32, #tpu.memory_space<hbm>>) target_semaphore(%run_scoped3A : memref<!tpu.dma_semaphore, #tpu.memory_space<semaphore_mem>>)
        %dma_wait3A = arith.constant 0 : i32
        %dma_wait3A_138 = tpu.memref_slice %arg5[%add3A_133, %dma_wait3A] : memref<20000x128xf32, #tpu.memory_space<hbm>> -> memref<80x128xf32, #tpu.memory_space<hbm>>
        %dma_wait3A_139 = arith.constant 0 : i32
        %dma_wait3A_140 = tpu.memref_slice %arg13[%mul3A_128, %dma_wait3A_139] : memref<10000x128xf32, #tpu.memory_space<vmem_shared>> -> memref<80x128xf32, #tpu.memory_space<vmem_shared>>
        tpu.wait_dma2 semaphore(%run_scoped3A : memref<!tpu.dma_semaphore, #tpu.memory_space<semaphore_mem>>) src(%dma_wait3A_140 : memref<80x128xf32, #tpu.memory_space<vmem_shared>>) dst(%dma_wait3A_138 : memref<80x128xf32, #tpu.memory_space<hbm>>)
        tpu.yield
      }) : () -> ()
    } else {
    }
    return
  }
}

module attributes {stable_mosaic.version = 14 : i64} {
  func.func @body(%arg0: memref<20000x128xf32, #tpu.memory_space<vmem>>, %arg1: memref<10008x128xf32, #tpu.memory_space<vmem>>, %arg2: memref<128x128xf32, #tpu.memory_space<vmem>>, %arg3: memref<1x128xf32, #tpu.memory_space<vmem>>, %arg4: memref<128x128xf32, #tpu.memory_space<vmem>>, %arg5: memref<128x1xf32, #tpu.memory_space<vmem>>, %arg6: memref<1x1xf32, #tpu.memory_space<vmem>>, %arg7: memref<257xi32, #tpu.memory_space<smem>>, %arg8: memref<10008x128xf32, #tpu.memory_space<vmem>>, %arg9: memref<256x256xf32, #tpu.memory_space<vmem>>) attributes {dimension_semantics = [], scalar_prefetch = 0 : i64, scratch_operands = 0 : i64, tpu.core_type = #tpu.core_type<tc>} {
    %get3A = arith.constant 0 : index
    %get3A_0 = arith.constant 0 : index
    %get3A_1 = vector.load %arg0[%get3A, %get3A_0] : memref<20000x128xf32, #tpu.memory_space<vmem>>, vector<20000x128xf32>
    %slice3A = vector.extract_strided_slice %get3A_1 {offsets = [0, 0], sizes = [10000, 128], strides = [1, 1]} : vector<20000x128xf32> to vector<10000x128xf32>
    %slice3A_2 = vector.extract_strided_slice %get3A_1 {offsets = [10000, 0], sizes = [10000, 128], strides = [1, 1]} : vector<20000x128xf32> to vector<10000x128xf32>
    %add3A = arith.addf %slice3A, %slice3A_2 : vector<10000x128xf32>
    %get3A_3 = arith.constant 0 : index
    %get3A_4 = arith.constant 0 : index
    %get3A_5 = vector.load %arg1[%get3A_3, %get3A_4] : memref<10008x128xf32, #tpu.memory_space<vmem>>, vector<10008x128xf32>
    %slice3A_6 = vector.extract_strided_slice %get3A_5 {offsets = [0, 0], sizes = [10000, 128], strides = [1, 1]} : vector<10008x128xf32> to vector<10000x128xf32>
    %convert_element_type3A = arith.truncf %add3A : vector<10000x128xf32> to vector<10000x128xbf16>
    %get3A_7 = arith.constant 0 : index
    %get3A_8 = arith.constant 0 : index
    %get3A_9 = vector.load %arg2[%get3A_7, %get3A_8] : memref<128x128xf32, #tpu.memory_space<vmem>>, vector<128x128xf32>
    %convert_element_type3A_10 = arith.truncf %get3A_9 : vector<128x128xf32> to vector<128x128xbf16>
    %dot_general3A = arith.constant dense<0.000000e+00> : vector<10000x128xf32>
    %dot_general3A_11 = tpu.matmul %convert_element_type3A, %convert_element_type3A_10, %dot_general3A {dimension_numbers = #tpu.dot_dimension_numbers<[1], [0], [0], [1], [0, 0, 1, 1], [], []>, transpose_lhs_hint = false} : vector<10000x128xbf16>, vector<128x128xbf16>, vector<10000x128xf32> -> vector<10000x128xf32>
    %get3A_12 = arith.constant 0 : index
    %get3A_13 = arith.constant 0 : index
    %get3A_14 = vector.load %arg3[%get3A_12, %get3A_13] : memref<1x128xf32, #tpu.memory_space<vmem>>, vector<1x128xf32>
    %add3A_15 = vector.broadcast %get3A_14 : vector<1x128xf32> to vector<10000x128xf32>
    %add3A_16 = arith.addf %dot_general3A_11, %add3A_15 : vector<10000x128xf32>
    %convert_element_type3A_17 = arith.truncf %slice3A_6 : vector<10000x128xf32> to vector<10000x128xbf16>
    %get3A_18 = arith.constant 0 : index
    %get3A_19 = arith.constant 0 : index
    %get3A_20 = vector.load %arg4[%get3A_18, %get3A_19] : memref<128x128xf32, #tpu.memory_space<vmem>>, vector<128x128xf32>
    %convert_element_type3A_21 = arith.truncf %get3A_20 : vector<128x128xf32> to vector<128x128xbf16>
    %dot_general3A_22 = arith.constant dense<0.000000e+00> : vector<10000x128xf32>
    %dot_general3A_23 = tpu.matmul %convert_element_type3A_17, %convert_element_type3A_21, %dot_general3A_22 {dimension_numbers = #tpu.dot_dimension_numbers<[1], [0], [0], [1], [0, 0, 1, 1], [], []>, transpose_lhs_hint = false} : vector<10000x128xbf16>, vector<128x128xbf16>, vector<10000x128xf32> -> vector<10000x128xf32>
    %add3A_24 = arith.addf %add3A_16, %dot_general3A_23 : vector<10000x128xf32>
    %gt3A = arith.constant 0.000000e+00 : f32
    %gt3A_25 = vector.broadcast %gt3A : f32 to vector<10000x128xf32>
    %gt3A_26 = arith.cmpf ogt, %add3A_24, %gt3A_25 : vector<10000x128xf32>
    %mul3A = arith.constant 0.00999999977 : f32
    %mul3A_27 = vector.broadcast %mul3A : f32 to vector<10000x128xf32>
    %mul3A_28 = arith.mulf %mul3A_27, %add3A_24 : vector<10000x128xf32>
    %select_n3A = arith.select %gt3A_26, %add3A_24, %mul3A_28 : vector<10000x128xi1>, vector<10000x128xf32>
    %get3A_29 = arith.constant 0 : index
    %get3A_30 = arith.constant 0 : index
    %get3A_31 = vector.load %arg5[%get3A_29, %get3A_30] : memref<128x1xf32, #tpu.memory_space<vmem>>, vector<128x1xf32>
    %get3A_32 = arith.constant 0 : index
    %get3A_33 = arith.constant 0 : index
    %get3A_34 = vector.load %arg6[%get3A_32, %get3A_33] : memref<1x1xf32, #tpu.memory_space<vmem>>, vector<1x1xf32>
    %convert_element_type3A_35 = arith.truncf %select_n3A : vector<10000x128xf32> to vector<10000x128xbf16>
    %convert_element_type3A_36 = arith.truncf %get3A_31 : vector<128x1xf32> to vector<128x1xbf16>
    %dot_general3A_37 = arith.constant dense<0.000000e+00> : vector<10000x1xf32>
    %dot_general3A_38 = tpu.matmul %convert_element_type3A_35, %convert_element_type3A_36, %dot_general3A_37 {dimension_numbers = #tpu.dot_dimension_numbers<[1], [0], [0], [1], [0, 0, 1, 1], [], []>, transpose_lhs_hint = false} : vector<10000x128xbf16>, vector<128x1xbf16>, vector<10000x1xf32> -> vector<10000x1xf32>
    %add3A_39 = arith.constant 1.000000e-16 : f32
    %add3A_40 = vector.broadcast %add3A_39 : f32 to vector<1x1xf32>
    %add3A_41 = arith.addf %get3A_34, %add3A_40 : vector<1x1xf32>
    %div3A = vector.broadcast %add3A_41 : vector<1x1xf32> to vector<10000x1xf32>
    %div3A_42 = arith.divf %dot_general3A_38, %div3A : vector<10000x1xf32>
    %tanh3A = math.tanh %div3A_42 : vector<10000x1xf32>
    %mul3A_43 = vector.broadcast %tanh3A : vector<10000x1xf32> to vector<10000x128xf32>
    %mul3A_44 = arith.mulf %select_n3A, %mul3A_43 : vector<10000x128xf32>
    %swap3A = arith.constant 0 : index
    %swap3A_45 = arith.constant 0 : index
    %swap3A_46 = vector.load %arg8[%swap3A, %swap3A_45] : memref<10008x128xf32, #tpu.memory_space<vmem>>, vector<10000x128xf32>
    tpu.vector_store %arg8[%swap3A, %swap3A_45], %mul3A_44 {strides = array<i32>} : memref<10008x128xf32, #tpu.memory_space<vmem>>, vector<10000x128xf32>,
    %broadcast_in_dim3A = arith.constant 0.000000e+00 : f32
    %broadcast_in_dim3A_47 = vector.broadcast %broadcast_in_dim3A : f32 to vector<8x128xf32>
    %swap3A_48 = arith.constant 10000 : index
    %swap3A_49 = arith.constant 0 : index
    %swap3A_50 = vector.load %arg8[%swap3A_48, %swap3A_49] : memref<10008x128xf32, #tpu.memory_space<vmem>>, vector<8x128xf32>
    tpu.vector_store %arg8[%swap3A_48, %swap3A_49], %broadcast_in_dim3A_47 {strides = array<i32>} : memref<10008x128xf32, #tpu.memory_space<vmem>>, vector<8x128xf32>,
    %broadcast_in_dim3A_51 = arith.constant 0xFF800000 : f32
    %broadcast_in_dim3A_52 = vector.broadcast %broadcast_in_dim3A_51 : f32 to vector<8x128xf32>
    %broadcast_in_dim3A_53 = arith.constant 0.000000e+00 : f32
    %broadcast_in_dim3A_54 = vector.broadcast %broadcast_in_dim3A_53 : f32 to vector<8x128xf32>
    %scan3A = arith.constant 0 : i32
    %scan3A_55 = arith.constant 32 : i32
    %scan3A_56 = arith.addi %scan3A, %scan3A_55 : i32
    %scan3A_57 = arith.constant 1 : i32
    scf.for %scan3A_59 = %scan3A to %scan3A_56 step %scan3A_57  : i32 {
      %mul3A_60 = arith.constant 8 : i32
      %mul3A_61 = arith.muli %scan3A_59, %mul3A_60 : i32
      %add3A_62 = arith.constant 0 : i32
      %add3A_63 = arith.addi %mul3A_61, %add3A_62 : i32
      %get3A_64 = arith.index_cast %add3A_63 : i32 to index
      %get3A_65 = memref.load %arg7[%get3A_64] : memref<257xi32, #tpu.memory_space<smem>>
      %add3A_66 = arith.constant 1 : i32
      %add3A_67 = arith.addi %add3A_63, %add3A_66 : i32
      %get3A_68 = arith.index_cast %add3A_67 : i32 to index
      %get3A_69 = memref.load %arg7[%get3A_68] : memref<257xi32, #tpu.memory_space<smem>>
      %sub3A = arith.subi %get3A_69, %get3A_65 : i32
      %add3A_70 = arith.constant 7 : i32
      %add3A_71 = arith.addi %sub3A, %add3A_70 : i32
      %div3A_72 = arith.constant 8 : i32
      %div3A_73 = arith.divsi %add3A_71, %div3A_72 : i32
      %while3A = arith.constant 0 : i32
      %while3A_74 = arith.subi %div3A_73, %while3A : i32
      %while3A_75 = arith.addi %while3A, %while3A_74 : i32
      %while3A_76 = arith.constant 1 : i32
      %while3A_77 = arith.divsi %while3A_74, %while3A_76 : i32
      %while3A_78 = arith.muli %while3A_77, %while3A_76 : i32
      %while3A_79 = arith.addi %while3A, %while3A_78 : i32
      %while3A_80 = arith.constant 1 : i32
      %while3A_81:2 = scf.for %while3A_411 = %while3A to %while3A_79 step %while3A_80 iter_args(%while3A_412 = %broadcast_in_dim3A_52, %while3A_413 = %broadcast_in_dim3A_54) -> (vector<8x128xf32>, vector<8x128xf32>)  : i32 {
        %mul3A_414 = arith.constant 8 : i32
        %mul3A_415 = arith.muli %while3A_411, %mul3A_414 : i32
        %add3A_416 = arith.addi %get3A_65, %mul3A_415 : i32
        %get3A_417 = arith.index_cast %add3A_416 : i32 to index
        %get3A_418 = arith.constant 0 : index
        %get3A_419 = vector.load %arg8[%get3A_417, %get3A_418] : memref<10008x128xf32, #tpu.memory_space<vmem>>, vector<8x128xf32>
        %iota3A = tpu.iota {dimensions = array<i32: 0>} : vector<8x1xi32>
        %add3A_420 = vector.broadcast %add3A_416 : i32 to vector<8x1xi32>
        %add3A_421 = arith.addi %add3A_420, %iota3A : vector<8x1xi32>
        %lt3A = vector.broadcast %get3A_69 : i32 to vector<8x1xi32>
        %lt3A_422 = arith.cmpi slt, %add3A_421, %lt3A : vector<8x1xi32>
        %jit3A_423 = arith.constant 0xFF800000 : f32
        %broadcast_in_dim3A_424 = vector.shape_cast %lt3A_422 : vector<8x1xi1> to vector<8x1xi1>
        %broadcast_in_dim3A_425 = vector.broadcast %broadcast_in_dim3A_424 : vector<8x1xi1> to vector<8x128xi1>
        %broadcast_in_dim3A_426 = vector.broadcast %jit3A_423 : f32 to vector<8x128xf32>
        %select_n3A_427 = arith.select %broadcast_in_dim3A_425, %get3A_419, %broadcast_in_dim3A_426 : vector<8x128xi1>, vector<8x128xf32>
        %max3A_428 = arith.maximumf %while3A_412, %select_n3A_427 : vector<8x128xf32>
        %jit3A_429 = arith.constant 0.000000e+00 : f32
        %broadcast_in_dim3A_430 = vector.shape_cast %lt3A_422 : vector<8x1xi1> to vector<8x1xi1>
        %broadcast_in_dim3A_431 = vector.broadcast %broadcast_in_dim3A_430 : vector<8x1xi1> to vector<8x128xi1>
        %broadcast_in_dim3A_432 = vector.broadcast %jit3A_429 : f32 to vector<8x128xf32>
        %select_n3A_433 = arith.select %broadcast_in_dim3A_431, %get3A_419, %broadcast_in_dim3A_432 : vector<8x128xi1>, vector<8x128xf32>
        %add3A_434 = arith.addf %while3A_413, %select_n3A_433 : vector<8x128xf32>
        scf.yield %max3A_428, %add3A_434 : vector<8x128xf32>, vector<8x128xf32>
      }
      %while3A_82 = arith.constant 1 : i32
      %while3A_83:2 = scf.for %while3A_411 = %while3A_79 to %while3A_75 step %while3A_82 iter_args(%while3A_412 = %while3A_81#0, %while3A_413 = %while3A_81#1) -> (vector<8x128xf32>, vector<8x128xf32>)  : i32 {
        %mul3A_414 = arith.constant 8 : i32
        %mul3A_415 = arith.muli %while3A_411, %mul3A_414 : i32
        %add3A_416 = arith.addi %get3A_65, %mul3A_415 : i32
        %get3A_417 = arith.index_cast %add3A_416 : i32 to index
        %get3A_418 = arith.constant 0 : index
        %get3A_419 = vector.load %arg8[%get3A_417, %get3A_418] : memref<10008x128xf32, #tpu.memory_space<vmem>>, vector<8x128xf32>
        %iota3A = tpu.iota {dimensions = array<i32: 0>} : vector<8x1xi32>
        %add3A_420 = vector.broadcast %add3A_416 : i32 to vector<8x1xi32>
        %add3A_421 = arith.addi %add3A_420, %iota3A : vector<8x1xi32>
        %lt3A = vector.broadcast %get3A_69 : i32 to vector<8x1xi32>
        %lt3A_422 = arith.cmpi slt, %add3A_421, %lt3A : vector<8x1xi32>
        %jit3A_423 = arith.constant 0xFF800000 : f32
        %broadcast_in_dim3A_424 = vector.shape_cast %lt3A_422 : vector<8x1xi1> to vector<8x1xi1>
        %broadcast_in_dim3A_425 = vector.broadcast %broadcast_in_dim3A_424 : vector<8x1xi1> to vector<8x128xi1>
        %broadcast_in_dim3A_426 = vector.broadcast %jit3A_423 : f32 to vector<8x128xf32>
        %select_n3A_427 = arith.select %broadcast_in_dim3A_425, %get3A_419, %broadcast_in_dim3A_426 : vector<8x128xi1>, vector<8x128xf32>
        %max3A_428 = arith.maximumf %while3A_412, %select_n3A_427 : vector<8x128xf32>
        %jit3A_429 = arith.constant 0.000000e+00 : f32
        %broadcast_in_dim3A_430 = vector.shape_cast %lt3A_422 : vector<8x1xi1> to vector<8x1xi1>
        %broadcast_in_dim3A_431 = vector.broadcast %broadcast_in_dim3A_430 : vector<8x1xi1> to vector<8x128xi1>
        %broadcast_in_dim3A_432 = vector.broadcast %jit3A_429 : f32 to vector<8x128xf32>
        %select_n3A_433 = arith.select %broadcast_in_dim3A_431, %get3A_419, %broadcast_in_dim3A_432 : vector<8x128xi1>, vector<8x128xf32>
        %add3A_434 = arith.addf %while3A_413, %select_n3A_433 : vector<8x128xf32>
        scf.yield %max3A_428, %add3A_434 : vector<8x128xf32>, vector<8x128xf32>
      }
      %reduce_max3A = arith.constant dense<0xFF800000> : vector<128xf32>
      %reduce_max3A_84 = vector.multi_reduction <maximumf>, %while3A_83#0, %reduce_max3A [0] : vector<8x128xf32> to vector<128xf32>
      %broadcast_in_dim3A_85 = vector.shape_cast %reduce_max3A_84 : vector<128xf32> to vector<1x128xf32>
      %reduce_sum3A = arith.constant dense<0.000000e+00> : vector<128xf32>
      %reduce_sum3A_86 = vector.multi_reduction <add>, %while3A_83#1, %reduce_sum3A [0] : vector<8x128xf32> to vector<128xf32>
      %broadcast_in_dim3A_87 = vector.shape_cast %reduce_sum3A_86 : vector<128xf32> to vector<1x128xf32>
      %sub3A_88 = arith.subi %get3A_69, %get3A_65 : i32
      %convert_element_type3A_89 = arith.sitofp %sub3A_88 : i32 to f32
      %gt3A_90 = arith.constant 0.000000e+00 : f32
      %gt3A_91 = arith.cmpf ogt, %convert_element_type3A_89, %gt3A_90 : f32
      %jit3A = arith.constant 0.000000e+00 : f32
      %broadcast_in_dim3A_92 = vector.broadcast %jit3A : f32 to vector<1x128xf32>
      %select_n3A_93 = arith.select %gt3A_91, %broadcast_in_dim3A_85, %broadcast_in_dim3A_92 : vector<1x128xf32>
      %max3A = arith.constant 1.000000e+00 : f32
      %max3A_94 = arith.maximumf %convert_element_type3A_89, %max3A : f32
      %div3A_95 = vector.broadcast %max3A_94 : f32 to vector<1x128xf32>
      %div3A_96 = arith.divf %broadcast_in_dim3A_87, %div3A_95 : vector<1x128xf32>
      %concatenate3A = tpu.concatenate %select_n3A_93, %div3A_96 in 1 : vector<1x128xf32>, vector<1x128xf32> -> vector<1x256xf32>
      %mul3A_97 = arith.constant 8 : i32
      %mul3A_98 = arith.muli %scan3A_59, %mul3A_97 : i32
      %add3A_99 = arith.constant 1 : i32
      %add3A_100 = arith.addi %mul3A_98, %add3A_99 : i32
      %get3A_101 = arith.index_cast %add3A_100 : i32 to index
      %get3A_102 = memref.load %arg7[%get3A_101] : memref<257xi32, #tpu.memory_space<smem>>
      %add3A_103 = arith.constant 1 : i32
      %add3A_104 = arith.addi %add3A_100, %add3A_103 : i32
      %get3A_105 = arith.index_cast %add3A_104 : i32 to index
      %get3A_106 = memref.load %arg7[%get3A_105] : memref<257xi32, #tpu.memory_space<smem>>
      %sub3A_107 = arith.subi %get3A_106, %get3A_102 : i32
      %add3A_108 = arith.constant 7 : i32
      %add3A_109 = arith.addi %sub3A_107, %add3A_108 : i32
      %div3A_110 = arith.constant 8 : i32
      %div3A_111 = arith.divsi %add3A_109, %div3A_110 : i32
      %while3A_112 = arith.constant 0 : i32
      %while3A_113 = arith.subi %div3A_111, %while3A_112 : i32
      %while3A_114 = arith.addi %while3A_112, %while3A_113 : i32
      %while3A_115 = arith.constant 1 : i32
      %while3A_116 = arith.divsi %while3A_113, %while3A_115 : i32
      %while3A_117 = arith.muli %while3A_116, %while3A_115 : i32
      %while3A_118 = arith.addi %while3A_112, %while3A_117 : i32
      %while3A_119 = arith.constant 1 : i32
      %while3A_120:2 = scf.for %while3A_411 = %while3A_112 to %while3A_118 step %while3A_119 iter_args(%while3A_412 = %broadcast_in_dim3A_52, %while3A_413 = %broadcast_in_dim3A_54) -> (vector<8x128xf32>, vector<8x128xf32>)  : i32 {
        %mul3A_414 = arith.constant 8 : i32
        %mul3A_415 = arith.muli %while3A_411, %mul3A_414 : i32
        %add3A_416 = arith.addi %get3A_102, %mul3A_415 : i32
        %get3A_417 = arith.index_cast %add3A_416 : i32 to index
        %get3A_418 = arith.constant 0 : index
        %get3A_419 = vector.load %arg8[%get3A_417, %get3A_418] : memref<10008x128xf32, #tpu.memory_space<vmem>>, vector<8x128xf32>
        %iota3A = tpu.iota {dimensions = array<i32: 0>} : vector<8x1xi32>
        %add3A_420 = vector.broadcast %add3A_416 : i32 to vector<8x1xi32>
        %add3A_421 = arith.addi %add3A_420, %iota3A : vector<8x1xi32>
        %lt3A = vector.broadcast %get3A_106 : i32 to vector<8x1xi32>
        %lt3A_422 = arith.cmpi slt, %add3A_421, %lt3A : vector<8x1xi32>
        %jit3A_423 = arith.constant 0xFF800000 : f32
        %broadcast_in_dim3A_424 = vector.shape_cast %lt3A_422 : vector<8x1xi1> to vector<8x1xi1>
        %broadcast_in_dim3A_425 = vector.broadcast %broadcast_in_dim3A_424 : vector<8x1xi1> to vector<8x128xi1>
        %broadcast_in_dim3A_426 = vector.broadcast %jit3A_423 : f32 to vector<8x128xf32>
        %select_n3A_427 = arith.select %broadcast_in_dim3A_425, %get3A_419, %broadcast_in_dim3A_426 : vector<8x128xi1>, vector<8x128xf32>
        %max3A_428 = arith.maximumf %while3A_412, %select_n3A_427 : vector<8x128xf32>
        %jit3A_429 = arith.constant 0.000000e+00 : f32
        %broadcast_in_dim3A_430 = vector.shape_cast %lt3A_422 : vector<8x1xi1> to vector<8x1xi1>
        %broadcast_in_dim3A_431 = vector.broadcast %broadcast_in_dim3A_430 : vector<8x1xi1> to vector<8x128xi1>
        %broadcast_in_dim3A_432 = vector.broadcast %jit3A_429 : f32 to vector<8x128xf32>
        %select_n3A_433 = arith.select %broadcast_in_dim3A_431, %get3A_419, %broadcast_in_dim3A_432 : vector<8x128xi1>, vector<8x128xf32>
        %add3A_434 = arith.addf %while3A_413, %select_n3A_433 : vector<8x128xf32>
        scf.yield %max3A_428, %add3A_434 : vector<8x128xf32>, vector<8x128xf32>
      }
      %while3A_121 = arith.constant 1 : i32
      %while3A_122:2 = scf.for %while3A_411 = %while3A_118 to %while3A_114 step %while3A_121 iter_args(%while3A_412 = %while3A_120#0, %while3A_413 = %while3A_120#1) -> (vector<8x128xf32>, vector<8x128xf32>)  : i32 {
        %mul3A_414 = arith.constant 8 : i32
        %mul3A_415 = arith.muli %while3A_411, %mul3A_414 : i32
        %add3A_416 = arith.addi %get3A_102, %mul3A_415 : i32
        %get3A_417 = arith.index_cast %add3A_416 : i32 to index
        %get3A_418 = arith.constant 0 : index
        %get3A_419 = vector.load %arg8[%get3A_417, %get3A_418] : memref<10008x128xf32, #tpu.memory_space<vmem>>, vector<8x128xf32>
        %iota3A = tpu.iota {dimensions = array<i32: 0>} : vector<8x1xi32>
        %add3A_420 = vector.broadcast %add3A_416 : i32 to vector<8x1xi32>
        %add3A_421 = arith.addi %add3A_420, %iota3A : vector<8x1xi32>
        %lt3A = vector.broadcast %get3A_106 : i32 to vector<8x1xi32>
        %lt3A_422 = arith.cmpi slt, %add3A_421, %lt3A : vector<8x1xi32>
        %jit3A_423 = arith.constant 0xFF800000 : f32
        %broadcast_in_dim3A_424 = vector.shape_cast %lt3A_422 : vector<8x1xi1> to vector<8x1xi1>
        %broadcast_in_dim3A_425 = vector.broadcast %broadcast_in_dim3A_424 : vector<8x1xi1> to vector<8x128xi1>
        %broadcast_in_dim3A_426 = vector.broadcast %jit3A_423 : f32 to vector<8x128xf32>
        %select_n3A_427 = arith.select %broadcast_in_dim3A_425, %get3A_419, %broadcast_in_dim3A_426 : vector<8x128xi1>, vector<8x128xf32>
        %max3A_428 = arith.maximumf %while3A_412, %select_n3A_427 : vector<8x128xf32>
        %jit3A_429 = arith.constant 0.000000e+00 : f32
        %broadcast_in_dim3A_430 = vector.shape_cast %lt3A_422 : vector<8x1xi1> to vector<8x1xi1>
        %broadcast_in_dim3A_431 = vector.broadcast %broadcast_in_dim3A_430 : vector<8x1xi1> to vector<8x128xi1>
        %broadcast_in_dim3A_432 = vector.broadcast %jit3A_429 : f32 to vector<8x128xf32>
        %select_n3A_433 = arith.select %broadcast_in_dim3A_431, %get3A_419, %broadcast_in_dim3A_432 : vector<8x128xi1>, vector<8x128xf32>
        %add3A_434 = arith.addf %while3A_413, %select_n3A_433 : vector<8x128xf32>
        scf.yield %max3A_428, %add3A_434 : vector<8x128xf32>, vector<8x128xf32>
      }
      %reduce_max3A_123 = arith.constant dense<0xFF800000> : vector<128xf32>
      %reduce_max3A_124 = vector.multi_reduction <maximumf>, %while3A_122#0, %reduce_max3A_123 [0] : vector<8x128xf32> to vector<128xf32>
      %broadcast_in_dim3A_125 = vector.shape_cast %reduce_max3A_124 : vector<128xf32> to vector<1x128xf32>
      %reduce_sum3A_126 = arith.constant dense<0.000000e+00> : vector<128xf32>
      %reduce_sum3A_127 = vector.multi_reduction <add>, %while3A_122#1, %reduce_sum3A_126 [0] : vector<8x128xf32> to vector<128xf32>
      %broadcast_in_dim3A_128 = vector.shape_cast %reduce_sum3A_127 : vector<128xf32> to vector<1x128xf32>
      %sub3A_129 = arith.subi %get3A_106, %get3A_102 : i32
      %convert_element_type3A_130 = arith.sitofp %sub3A_129 : i32 to f32
      %gt3A_131 = arith.constant 0.000000e+00 : f32
      %gt3A_132 = arith.cmpf ogt, %convert_element_type3A_130, %gt3A_131 : f32
      %jit3A_133 = arith.constant 0.000000e+00 : f32
      %broadcast_in_dim3A_134 = vector.broadcast %jit3A_133 : f32 to vector<1x128xf32>
      %select_n3A_135 = arith.select %gt3A_132, %broadcast_in_dim3A_125, %broadcast_in_dim3A_134 : vector<1x128xf32>
      %max3A_136 = arith.constant 1.000000e+00 : f32
      %max3A_137 = arith.maximumf %convert_element_type3A_130, %max3A_136 : f32
      %div3A_138 = vector.broadcast %max3A_137 : f32 to vector<1x128xf32>
      %div3A_139 = arith.divf %broadcast_in_dim3A_128, %div3A_138 : vector<1x128xf32>
      %concatenate3A_140 = tpu.concatenate %select_n3A_135, %div3A_139 in 1 : vector<1x128xf32>, vector<1x128xf32> -> vector<1x256xf32>
      %mul3A_141 = arith.constant 8 : i32
      %mul3A_142 = arith.muli %scan3A_59, %mul3A_141 : i32
      %add3A_143 = arith.constant 2 : i32
      %add3A_144 = arith.addi %mul3A_142, %add3A_143 : i32
      %get3A_145 = arith.index_cast %add3A_144 : i32 to index
      %get3A_146 = memref.load %arg7[%get3A_145] : memref<257xi32, #tpu.memory_space<smem>>
      %add3A_147 = arith.constant 1 : i32
      %add3A_148 = arith.addi %add3A_144, %add3A_147 : i32
      %get3A_149 = arith.index_cast %add3A_148 : i32 to index
      %get3A_150 = memref.load %arg7[%get3A_149] : memref<257xi32, #tpu.memory_space<smem>>
      %sub3A_151 = arith.subi %get3A_150, %get3A_146 : i32
      %add3A_152 = arith.constant 7 : i32
      %add3A_153 = arith.addi %sub3A_151, %add3A_152 : i32
      %div3A_154 = arith.constant 8 : i32
      %div3A_155 = arith.divsi %add3A_153, %div3A_154 : i32
      %while3A_156 = arith.constant 0 : i32
      %while3A_157 = arith.subi %div3A_155, %while3A_156 : i32
      %while3A_158 = arith.addi %while3A_156, %while3A_157 : i32
      %while3A_159 = arith.constant 1 : i32
      %while3A_160 = arith.divsi %while3A_157, %while3A_159 : i32
      %while3A_161 = arith.muli %while3A_160, %while3A_159 : i32
      %while3A_162 = arith.addi %while3A_156, %while3A_161 : i32
      %while3A_163 = arith.constant 1 : i32
      %while3A_164:2 = scf.for %while3A_411 = %while3A_156 to %while3A_162 step %while3A_163 iter_args(%while3A_412 = %broadcast_in_dim3A_52, %while3A_413 = %broadcast_in_dim3A_54) -> (vector<8x128xf32>, vector<8x128xf32>)  : i32 {
        %mul3A_414 = arith.constant 8 : i32
        %mul3A_415 = arith.muli %while3A_411, %mul3A_414 : i32
        %add3A_416 = arith.addi %get3A_146, %mul3A_415 : i32
        %get3A_417 = arith.index_cast %add3A_416 : i32 to index
        %get3A_418 = arith.constant 0 : index
        %get3A_419 = vector.load %arg8[%get3A_417, %get3A_418] : memref<10008x128xf32, #tpu.memory_space<vmem>>, vector<8x128xf32>
        %iota3A = tpu.iota {dimensions = array<i32: 0>} : vector<8x1xi32>
        %add3A_420 = vector.broadcast %add3A_416 : i32 to vector<8x1xi32>
        %add3A_421 = arith.addi %add3A_420, %iota3A : vector<8x1xi32>
        %lt3A = vector.broadcast %get3A_150 : i32 to vector<8x1xi32>
        %lt3A_422 = arith.cmpi slt, %add3A_421, %lt3A : vector<8x1xi32>
        %jit3A_423 = arith.constant 0xFF800000 : f32
        %broadcast_in_dim3A_424 = vector.shape_cast %lt3A_422 : vector<8x1xi1> to vector<8x1xi1>
        %broadcast_in_dim3A_425 = vector.broadcast %broadcast_in_dim3A_424 : vector<8x1xi1> to vector<8x128xi1>
        %broadcast_in_dim3A_426 = vector.broadcast %jit3A_423 : f32 to vector<8x128xf32>
        %select_n3A_427 = arith.select %broadcast_in_dim3A_425, %get3A_419, %broadcast_in_dim3A_426 : vector<8x128xi1>, vector<8x128xf32>
        %max3A_428 = arith.maximumf %while3A_412, %select_n3A_427 : vector<8x128xf32>
        %jit3A_429 = arith.constant 0.000000e+00 : f32
        %broadcast_in_dim3A_430 = vector.shape_cast %lt3A_422 : vector<8x1xi1> to vector<8x1xi1>
        %broadcast_in_dim3A_431 = vector.broadcast %broadcast_in_dim3A_430 : vector<8x1xi1> to vector<8x128xi1>
        %broadcast_in_dim3A_432 = vector.broadcast %jit3A_429 : f32 to vector<8x128xf32>
        %select_n3A_433 = arith.select %broadcast_in_dim3A_431, %get3A_419, %broadcast_in_dim3A_432 : vector<8x128xi1>, vector<8x128xf32>
        %add3A_434 = arith.addf %while3A_413, %select_n3A_433 : vector<8x128xf32>
        scf.yield %max3A_428, %add3A_434 : vector<8x128xf32>, vector<8x128xf32>
      }
      %while3A_165 = arith.constant 1 : i32
      %while3A_166:2 = scf.for %while3A_411 = %while3A_162 to %while3A_158 step %while3A_165 iter_args(%while3A_412 = %while3A_164#0, %while3A_413 = %while3A_164#1) -> (vector<8x128xf32>, vector<8x128xf32>)  : i32 {
        %mul3A_414 = arith.constant 8 : i32
        %mul3A_415 = arith.muli %while3A_411, %mul3A_414 : i32
        %add3A_416 = arith.addi %get3A_146, %mul3A_415 : i32
        %get3A_417 = arith.index_cast %add3A_416 : i32 to index
        %get3A_418 = arith.constant 0 : index
        %get3A_419 = vector.load %arg8[%get3A_417, %get3A_418] : memref<10008x128xf32, #tpu.memory_space<vmem>>, vector<8x128xf32>
        %iota3A = tpu.iota {dimensions = array<i32: 0>} : vector<8x1xi32>
        %add3A_420 = vector.broadcast %add3A_416 : i32 to vector<8x1xi32>
        %add3A_421 = arith.addi %add3A_420, %iota3A : vector<8x1xi32>
        %lt3A = vector.broadcast %get3A_150 : i32 to vector<8x1xi32>
        %lt3A_422 = arith.cmpi slt, %add3A_421, %lt3A : vector<8x1xi32>
        %jit3A_423 = arith.constant 0xFF800000 : f32
        %broadcast_in_dim3A_424 = vector.shape_cast %lt3A_422 : vector<8x1xi1> to vector<8x1xi1>
        %broadcast_in_dim3A_425 = vector.broadcast %broadcast_in_dim3A_424 : vector<8x1xi1> to vector<8x128xi1>
        %broadcast_in_dim3A_426 = vector.broadcast %jit3A_423 : f32 to vector<8x128xf32>
        %select_n3A_427 = arith.select %broadcast_in_dim3A_425, %get3A_419, %broadcast_in_dim3A_426 : vector<8x128xi1>, vector<8x128xf32>
        %max3A_428 = arith.maximumf %while3A_412, %select_n3A_427 : vector<8x128xf32>
        %jit3A_429 = arith.constant 0.000000e+00 : f32
        %broadcast_in_dim3A_430 = vector.shape_cast %lt3A_422 : vector<8x1xi1> to vector<8x1xi1>
        %broadcast_in_dim3A_431 = vector.broadcast %broadcast_in_dim3A_430 : vector<8x1xi1> to vector<8x128xi1>
        %broadcast_in_dim3A_432 = vector.broadcast %jit3A_429 : f32 to vector<8x128xf32>
        %select_n3A_433 = arith.select %broadcast_in_dim3A_431, %get3A_419, %broadcast_in_dim3A_432 : vector<8x128xi1>, vector<8x128xf32>
        %add3A_434 = arith.addf %while3A_413, %select_n3A_433 : vector<8x128xf32>
        scf.yield %max3A_428, %add3A_434 : vector<8x128xf32>, vector<8x128xf32>
      }
      %reduce_max3A_167 = arith.constant dense<0xFF800000> : vector<128xf32>
      %reduce_max3A_168 = vector.multi_reduction <maximumf>, %while3A_166#0, %reduce_max3A_167 [0] : vector<8x128xf32> to vector<128xf32>
      %broadcast_in_dim3A_169 = vector.shape_cast %reduce_max3A_168 : vector<128xf32> to vector<1x128xf32>
      %reduce_sum3A_170 = arith.constant dense<0.000000e+00> : vector<128xf32>
      %reduce_sum3A_171 = vector.multi_reduction <add>, %while3A_166#1, %reduce_sum3A_170 [0] : vector<8x128xf32> to vector<128xf32>
      %broadcast_in_dim3A_172 = vector.shape_cast %reduce_sum3A_171 : vector<128xf32> to vector<1x128xf32>
      %sub3A_173 = arith.subi %get3A_150, %get3A_146 : i32
      %convert_element_type3A_174 = arith.sitofp %sub3A_173 : i32 to f32
      %gt3A_175 = arith.constant 0.000000e+00 : f32
      %gt3A_176 = arith.cmpf ogt, %convert_element_type3A_174, %gt3A_175 : f32
      %jit3A_177 = arith.constant 0.000000e+00 : f32
      %broadcast_in_dim3A_178 = vector.broadcast %jit3A_177 : f32 to vector<1x128xf32>
      %select_n3A_179 = arith.select %gt3A_176, %broadcast_in_dim3A_169, %broadcast_in_dim3A_178 : vector<1x128xf32>
      %max3A_180 = arith.constant 1.000000e+00 : f32
      %max3A_181 = arith.maximumf %convert_element_type3A_174, %max3A_180 : f32
      %div3A_182 = vector.broadcast %max3A_181 : f32 to vector<1x128xf32>
      %div3A_183 = arith.divf %broadcast_in_dim3A_172, %div3A_182 : vector<1x128xf32>
      %concatenate3A_184 = tpu.concatenate %select_n3A_179, %div3A_183 in 1 : vector<1x128xf32>, vector<1x128xf32> -> vector<1x256xf32>
      %mul3A_185 = arith.constant 8 : i32
      %mul3A_186 = arith.muli %scan3A_59, %mul3A_185 : i32
      %add3A_187 = arith.constant 3 : i32
      %add3A_188 = arith.addi %mul3A_186, %add3A_187 : i32
      %get3A_189 = arith.index_cast %add3A_188 : i32 to index
      %get3A_190 = memref.load %arg7[%get3A_189] : memref<257xi32, #tpu.memory_space<smem>>
      %add3A_191 = arith.constant 1 : i32
      %add3A_192 = arith.addi %add3A_188, %add3A_191 : i32
      %get3A_193 = arith.index_cast %add3A_192 : i32 to index
      %get3A_194 = memref.load %arg7[%get3A_193] : memref<257xi32, #tpu.memory_space<smem>>
      %sub3A_195 = arith.subi %get3A_194, %get3A_190 : i32
      %add3A_196 = arith.constant 7 : i32
      %add3A_197 = arith.addi %sub3A_195, %add3A_196 : i32
      %div3A_198 = arith.constant 8 : i32
      %div3A_199 = arith.divsi %add3A_197, %div3A_198 : i32
      %while3A_200 = arith.constant 0 : i32
      %while3A_201 = arith.subi %div3A_199, %while3A_200 : i32
      %while3A_202 = arith.addi %while3A_200, %while3A_201 : i32
      %while3A_203 = arith.constant 1 : i32
      %while3A_204 = arith.divsi %while3A_201, %while3A_203 : i32
      %while3A_205 = arith.muli %while3A_204, %while3A_203 : i32
      %while3A_206 = arith.addi %while3A_200, %while3A_205 : i32
      %while3A_207 = arith.constant 1 : i32
      %while3A_208:2 = scf.for %while3A_411 = %while3A_200 to %while3A_206 step %while3A_207 iter_args(%while3A_412 = %broadcast_in_dim3A_52, %while3A_413 = %broadcast_in_dim3A_54) -> (vector<8x128xf32>, vector<8x128xf32>)  : i32 {
        %mul3A_414 = arith.constant 8 : i32
        %mul3A_415 = arith.muli %while3A_411, %mul3A_414 : i32
        %add3A_416 = arith.addi %get3A_190, %mul3A_415 : i32
        %get3A_417 = arith.index_cast %add3A_416 : i32 to index
        %get3A_418 = arith.constant 0 : index
        %get3A_419 = vector.load %arg8[%get3A_417, %get3A_418] : memref<10008x128xf32, #tpu.memory_space<vmem>>, vector<8x128xf32>
        %iota3A = tpu.iota {dimensions = array<i32: 0>} : vector<8x1xi32>
        %add3A_420 = vector.broadcast %add3A_416 : i32 to vector<8x1xi32>
        %add3A_421 = arith.addi %add3A_420, %iota3A : vector<8x1xi32>
        %lt3A = vector.broadcast %get3A_194 : i32 to vector<8x1xi32>
        %lt3A_422 = arith.cmpi slt, %add3A_421, %lt3A : vector<8x1xi32>
        %jit3A_423 = arith.constant 0xFF800000 : f32
        %broadcast_in_dim3A_424 = vector.shape_cast %lt3A_422 : vector<8x1xi1> to vector<8x1xi1>
        %broadcast_in_dim3A_425 = vector.broadcast %broadcast_in_dim3A_424 : vector<8x1xi1> to vector<8x128xi1>
        %broadcast_in_dim3A_426 = vector.broadcast %jit3A_423 : f32 to vector<8x128xf32>
        %select_n3A_427 = arith.select %broadcast_in_dim3A_425, %get3A_419, %broadcast_in_dim3A_426 : vector<8x128xi1>, vector<8x128xf32>
        %max3A_428 = arith.maximumf %while3A_412, %select_n3A_427 : vector<8x128xf32>
        %jit3A_429 = arith.constant 0.000000e+00 : f32
        %broadcast_in_dim3A_430 = vector.shape_cast %lt3A_422 : vector<8x1xi1> to vector<8x1xi1>
        %broadcast_in_dim3A_431 = vector.broadcast %broadcast_in_dim3A_430 : vector<8x1xi1> to vector<8x128xi1>
        %broadcast_in_dim3A_432 = vector.broadcast %jit3A_429 : f32 to vector<8x128xf32>
        %select_n3A_433 = arith.select %broadcast_in_dim3A_431, %get3A_419, %broadcast_in_dim3A_432 : vector<8x128xi1>, vector<8x128xf32>
        %add3A_434 = arith.addf %while3A_413, %select_n3A_433 : vector<8x128xf32>
        scf.yield %max3A_428, %add3A_434 : vector<8x128xf32>, vector<8x128xf32>
      }
      %while3A_209 = arith.constant 1 : i32
      %while3A_210:2 = scf.for %while3A_411 = %while3A_206 to %while3A_202 step %while3A_209 iter_args(%while3A_412 = %while3A_208#0, %while3A_413 = %while3A_208#1) -> (vector<8x128xf32>, vector<8x128xf32>)  : i32 {
        %mul3A_414 = arith.constant 8 : i32
        %mul3A_415 = arith.muli %while3A_411, %mul3A_414 : i32
        %add3A_416 = arith.addi %get3A_190, %mul3A_415 : i32
        %get3A_417 = arith.index_cast %add3A_416 : i32 to index
        %get3A_418 = arith.constant 0 : index
        %get3A_419 = vector.load %arg8[%get3A_417, %get3A_418] : memref<10008x128xf32, #tpu.memory_space<vmem>>, vector<8x128xf32>
        %iota3A = tpu.iota {dimensions = array<i32: 0>} : vector<8x1xi32>
        %add3A_420 = vector.broadcast %add3A_416 : i32 to vector<8x1xi32>
        %add3A_421 = arith.addi %add3A_420, %iota3A : vector<8x1xi32>
        %lt3A = vector.broadcast %get3A_194 : i32 to vector<8x1xi32>
        %lt3A_422 = arith.cmpi slt, %add3A_421, %lt3A : vector<8x1xi32>
        %jit3A_423 = arith.constant 0xFF800000 : f32
        %broadcast_in_dim3A_424 = vector.shape_cast %lt3A_422 : vector<8x1xi1> to vector<8x1xi1>
        %broadcast_in_dim3A_425 = vector.broadcast %broadcast_in_dim3A_424 : vector<8x1xi1> to vector<8x128xi1>
        %broadcast_in_dim3A_426 = vector.broadcast %jit3A_423 : f32 to vector<8x128xf32>
        %select_n3A_427 = arith.select %broadcast_in_dim3A_425, %get3A_419, %broadcast_in_dim3A_426 : vector<8x128xi1>, vector<8x128xf32>
        %max3A_428 = arith.maximumf %while3A_412, %select_n3A_427 : vector<8x128xf32>
        %jit3A_429 = arith.constant 0.000000e+00 : f32
        %broadcast_in_dim3A_430 = vector.shape_cast %lt3A_422 : vector<8x1xi1> to vector<8x1xi1>
        %broadcast_in_dim3A_431 = vector.broadcast %broadcast_in_dim3A_430 : vector<8x1xi1> to vector<8x128xi1>
        %broadcast_in_dim3A_432 = vector.broadcast %jit3A_429 : f32 to vector<8x128xf32>
        %select_n3A_433 = arith.select %broadcast_in_dim3A_431, %get3A_419, %broadcast_in_dim3A_432 : vector<8x128xi1>, vector<8x128xf32>
        %add3A_434 = arith.addf %while3A_413, %select_n3A_433 : vector<8x128xf32>
        scf.yield %max3A_428, %add3A_434 : vector<8x128xf32>, vector<8x128xf32>
      }
      %reduce_max3A_211 = arith.constant dense<0xFF800000> : vector<128xf32>
      %reduce_max3A_212 = vector.multi_reduction <maximumf>, %while3A_210#0, %reduce_max3A_211 [0] : vector<8x128xf32> to vector<128xf32>
      %broadcast_in_dim3A_213 = vector.shape_cast %reduce_max3A_212 : vector<128xf32> to vector<1x128xf32>
      %reduce_sum3A_214 = arith.constant dense<0.000000e+00> : vector<128xf32>
      %reduce_sum3A_215 = vector.multi_reduction <add>, %while3A_210#1, %reduce_sum3A_214 [0] : vector<8x128xf32> to vector<128xf32>
      %broadcast_in_dim3A_216 = vector.shape_cast %reduce_sum3A_215 : vector<128xf32> to vector<1x128xf32>
      %sub3A_217 = arith.subi %get3A_194, %get3A_190 : i32
      %convert_element_type3A_218 = arith.sitofp %sub3A_217 : i32 to f32
      %gt3A_219 = arith.constant 0.000000e+00 : f32
      %gt3A_220 = arith.cmpf ogt, %convert_element_type3A_218, %gt3A_219 : f32
      %jit3A_221 = arith.constant 0.000000e+00 : f32
      %broadcast_in_dim3A_222 = vector.broadcast %jit3A_221 : f32 to vector<1x128xf32>
      %select_n3A_223 = arith.select %gt3A_220, %broadcast_in_dim3A_213, %broadcast_in_dim3A_222 : vector<1x128xf32>
      %max3A_224 = arith.constant 1.000000e+00 : f32
      %max3A_225 = arith.maximumf %convert_element_type3A_218, %max3A_224 : f32
      %div3A_226 = vector.broadcast %max3A_225 : f32 to vector<1x128xf32>
      %div3A_227 = arith.divf %broadcast_in_dim3A_216, %div3A_226 : vector<1x128xf32>
      %concatenate3A_228 = tpu.concatenate %select_n3A_223, %div3A_227 in 1 : vector<1x128xf32>, vector<1x128xf32> -> vector<1x256xf32>
      %mul3A_229 = arith.constant 8 : i32
      %mul3A_230 = arith.muli %scan3A_59, %mul3A_229 : i32
      %add3A_231 = arith.constant 4 : i32
      %add3A_232 = arith.addi %mul3A_230, %add3A_231 : i32
      %get3A_233 = arith.index_cast %add3A_232 : i32 to index
      %get3A_234 = memref.load %arg7[%get3A_233] : memref<257xi32, #tpu.memory_space<smem>>
      %add3A_235 = arith.constant 1 : i32
      %add3A_236 = arith.addi %add3A_232, %add3A_235 : i32
      %get3A_237 = arith.index_cast %add3A_236 : i32 to index
      %get3A_238 = memref.load %arg7[%get3A_237] : memref<257xi32, #tpu.memory_space<smem>>
      %sub3A_239 = arith.subi %get3A_238, %get3A_234 : i32
      %add3A_240 = arith.constant 7 : i32
      %add3A_241 = arith.addi %sub3A_239, %add3A_240 : i32
      %div3A_242 = arith.constant 8 : i32
      %div3A_243 = arith.divsi %add3A_241, %div3A_242 : i32
      %while3A_244 = arith.constant 0 : i32
      %while3A_245 = arith.subi %div3A_243, %while3A_244 : i32
      %while3A_246 = arith.addi %while3A_244, %while3A_245 : i32
      %while3A_247 = arith.constant 1 : i32
      %while3A_248 = arith.divsi %while3A_245, %while3A_247 : i32
      %while3A_249 = arith.muli %while3A_248, %while3A_247 : i32
      %while3A_250 = arith.addi %while3A_244, %while3A_249 : i32
      %while3A_251 = arith.constant 1 : i32
      %while3A_252:2 = scf.for %while3A_411 = %while3A_244 to %while3A_250 step %while3A_251 iter_args(%while3A_412 = %broadcast_in_dim3A_52, %while3A_413 = %broadcast_in_dim3A_54) -> (vector<8x128xf32>, vector<8x128xf32>)  : i32 {
        %mul3A_414 = arith.constant 8 : i32
        %mul3A_415 = arith.muli %while3A_411, %mul3A_414 : i32
        %add3A_416 = arith.addi %get3A_234, %mul3A_415 : i32
        %get3A_417 = arith.index_cast %add3A_416 : i32 to index
        %get3A_418 = arith.constant 0 : index
        %get3A_419 = vector.load %arg8[%get3A_417, %get3A_418] : memref<10008x128xf32, #tpu.memory_space<vmem>>, vector<8x128xf32>
        %iota3A = tpu.iota {dimensions = array<i32: 0>} : vector<8x1xi32>
        %add3A_420 = vector.broadcast %add3A_416 : i32 to vector<8x1xi32>
        %add3A_421 = arith.addi %add3A_420, %iota3A : vector<8x1xi32>
        %lt3A = vector.broadcast %get3A_238 : i32 to vector<8x1xi32>
        %lt3A_422 = arith.cmpi slt, %add3A_421, %lt3A : vector<8x1xi32>
        %jit3A_423 = arith.constant 0xFF800000 : f32
        %broadcast_in_dim3A_424 = vector.shape_cast %lt3A_422 : vector<8x1xi1> to vector<8x1xi1>
        %broadcast_in_dim3A_425 = vector.broadcast %broadcast_in_dim3A_424 : vector<8x1xi1> to vector<8x128xi1>
        %broadcast_in_dim3A_426 = vector.broadcast %jit3A_423 : f32 to vector<8x128xf32>
        %select_n3A_427 = arith.select %broadcast_in_dim3A_425, %get3A_419, %broadcast_in_dim3A_426 : vector<8x128xi1>, vector<8x128xf32>
        %max3A_428 = arith.maximumf %while3A_412, %select_n3A_427 : vector<8x128xf32>
        %jit3A_429 = arith.constant 0.000000e+00 : f32
        %broadcast_in_dim3A_430 = vector.shape_cast %lt3A_422 : vector<8x1xi1> to vector<8x1xi1>
        %broadcast_in_dim3A_431 = vector.broadcast %broadcast_in_dim3A_430 : vector<8x1xi1> to vector<8x128xi1>
        %broadcast_in_dim3A_432 = vector.broadcast %jit3A_429 : f32 to vector<8x128xf32>
        %select_n3A_433 = arith.select %broadcast_in_dim3A_431, %get3A_419, %broadcast_in_dim3A_432 : vector<8x128xi1>, vector<8x128xf32>
        %add3A_434 = arith.addf %while3A_413, %select_n3A_433 : vector<8x128xf32>
        scf.yield %max3A_428, %add3A_434 : vector<8x128xf32>, vector<8x128xf32>
      }
      %while3A_253 = arith.constant 1 : i32
      %while3A_254:2 = scf.for %while3A_411 = %while3A_250 to %while3A_246 step %while3A_253 iter_args(%while3A_412 = %while3A_252#0, %while3A_413 = %while3A_252#1) -> (vector<8x128xf32>, vector<8x128xf32>)  : i32 {
        %mul3A_414 = arith.constant 8 : i32
        %mul3A_415 = arith.muli %while3A_411, %mul3A_414 : i32
        %add3A_416 = arith.addi %get3A_234, %mul3A_415 : i32
        %get3A_417 = arith.index_cast %add3A_416 : i32 to index
        %get3A_418 = arith.constant 0 : index
        %get3A_419 = vector.load %arg8[%get3A_417, %get3A_418] : memref<10008x128xf32, #tpu.memory_space<vmem>>, vector<8x128xf32>
        %iota3A = tpu.iota {dimensions = array<i32: 0>} : vector<8x1xi32>
        %add3A_420 = vector.broadcast %add3A_416 : i32 to vector<8x1xi32>
        %add3A_421 = arith.addi %add3A_420, %iota3A : vector<8x1xi32>
        %lt3A = vector.broadcast %get3A_238 : i32 to vector<8x1xi32>
        %lt3A_422 = arith.cmpi slt, %add3A_421, %lt3A : vector<8x1xi32>
        %jit3A_423 = arith.constant 0xFF800000 : f32
        %broadcast_in_dim3A_424 = vector.shape_cast %lt3A_422 : vector<8x1xi1> to vector<8x1xi1>
        %broadcast_in_dim3A_425 = vector.broadcast %broadcast_in_dim3A_424 : vector<8x1xi1> to vector<8x128xi1>
        %broadcast_in_dim3A_426 = vector.broadcast %jit3A_423 : f32 to vector<8x128xf32>
        %select_n3A_427 = arith.select %broadcast_in_dim3A_425, %get3A_419, %broadcast_in_dim3A_426 : vector<8x128xi1>, vector<8x128xf32>
        %max3A_428 = arith.maximumf %while3A_412, %select_n3A_427 : vector<8x128xf32>
        %jit3A_429 = arith.constant 0.000000e+00 : f32
        %broadcast_in_dim3A_430 = vector.shape_cast %lt3A_422 : vector<8x1xi1> to vector<8x1xi1>
        %broadcast_in_dim3A_431 = vector.broadcast %broadcast_in_dim3A_430 : vector<8x1xi1> to vector<8x128xi1>
        %broadcast_in_dim3A_432 = vector.broadcast %jit3A_429 : f32 to vector<8x128xf32>
        %select_n3A_433 = arith.select %broadcast_in_dim3A_431, %get3A_419, %broadcast_in_dim3A_432 : vector<8x128xi1>, vector<8x128xf32>
        %add3A_434 = arith.addf %while3A_413, %select_n3A_433 : vector<8x128xf32>
        scf.yield %max3A_428, %add3A_434 : vector<8x128xf32>, vector<8x128xf32>
      }
      %reduce_max3A_255 = arith.constant dense<0xFF800000> : vector<128xf32>
      %reduce_max3A_256 = vector.multi_reduction <maximumf>, %while3A_254#0, %reduce_max3A_255 [0] : vector<8x128xf32> to vector<128xf32>
      %broadcast_in_dim3A_257 = vector.shape_cast %reduce_max3A_256 : vector<128xf32> to vector<1x128xf32>
      %reduce_sum3A_258 = arith.constant dense<0.000000e+00> : vector<128xf32>
      %reduce_sum3A_259 = vector.multi_reduction <add>, %while3A_254#1, %reduce_sum3A_258 [0] : vector<8x128xf32> to vector<128xf32>
      %broadcast_in_dim3A_260 = vector.shape_cast %reduce_sum3A_259 : vector<128xf32> to vector<1x128xf32>
      %sub3A_261 = arith.subi %get3A_238, %get3A_234 : i32
      %convert_element_type3A_262 = arith.sitofp %sub3A_261 : i32 to f32
      %gt3A_263 = arith.constant 0.000000e+00 : f32
      %gt3A_264 = arith.cmpf ogt, %convert_element_type3A_262, %gt3A_263 : f32
      %jit3A_265 = arith.constant 0.000000e+00 : f32
      %broadcast_in_dim3A_266 = vector.broadcast %jit3A_265 : f32 to vector<1x128xf32>
      %select_n3A_267 = arith.select %gt3A_264, %broadcast_in_dim3A_257, %broadcast_in_dim3A_266 : vector<1x128xf32>
      %max3A_268 = arith.constant 1.000000e+00 : f32
      %max3A_269 = arith.maximumf %convert_element_type3A_262, %max3A_268 : f32
      %div3A_270 = vector.broadcast %max3A_269 : f32 to vector<1x128xf32>
      %div3A_271 = arith.divf %broadcast_in_dim3A_260, %div3A_270 : vector<1x128xf32>
      %concatenate3A_272 = tpu.concatenate %select_n3A_267, %div3A_271 in 1 : vector<1x128xf32>, vector<1x128xf32> -> vector<1x256xf32>
      %mul3A_273 = arith.constant 8 : i32
      %mul3A_274 = arith.muli %scan3A_59, %mul3A_273 : i32
      %add3A_275 = arith.constant 5 : i32
      %add3A_276 = arith.addi %mul3A_274, %add3A_275 : i32
      %get3A_277 = arith.index_cast %add3A_276 : i32 to index
      %get3A_278 = memref.load %arg7[%get3A_277] : memref<257xi32, #tpu.memory_space<smem>>
      %add3A_279 = arith.constant 1 : i32
      %add3A_280 = arith.addi %add3A_276, %add3A_279 : i32
      %get3A_281 = arith.index_cast %add3A_280 : i32 to index
      %get3A_282 = memref.load %arg7[%get3A_281] : memref<257xi32, #tpu.memory_space<smem>>
      %sub3A_283 = arith.subi %get3A_282, %get3A_278 : i32
      %add3A_284 = arith.constant 7 : i32
      %add3A_285 = arith.addi %sub3A_283, %add3A_284 : i32
      %div3A_286 = arith.constant 8 : i32
      %div3A_287 = arith.divsi %add3A_285, %div3A_286 : i32
      %while3A_288 = arith.constant 0 : i32
      %while3A_289 = arith.subi %div3A_287, %while3A_288 : i32
      %while3A_290 = arith.addi %while3A_288, %while3A_289 : i32
      %while3A_291 = arith.constant 1 : i32
      %while3A_292 = arith.divsi %while3A_289, %while3A_291 : i32
      %while3A_293 = arith.muli %while3A_292, %while3A_291 : i32
      %while3A_294 = arith.addi %while3A_288, %while3A_293 : i32
      %while3A_295 = arith.constant 1 : i32
      %while3A_296:2 = scf.for %while3A_411 = %while3A_288 to %while3A_294 step %while3A_295 iter_args(%while3A_412 = %broadcast_in_dim3A_52, %while3A_413 = %broadcast_in_dim3A_54) -> (vector<8x128xf32>, vector<8x128xf32>)  : i32 {
        %mul3A_414 = arith.constant 8 : i32
        %mul3A_415 = arith.muli %while3A_411, %mul3A_414 : i32
        %add3A_416 = arith.addi %get3A_278, %mul3A_415 : i32
        %get3A_417 = arith.index_cast %add3A_416 : i32 to index
        %get3A_418 = arith.constant 0 : index
        %get3A_419 = vector.load %arg8[%get3A_417, %get3A_418] : memref<10008x128xf32, #tpu.memory_space<vmem>>, vector<8x128xf32>
        %iota3A = tpu.iota {dimensions = array<i32: 0>} : vector<8x1xi32>
        %add3A_420 = vector.broadcast %add3A_416 : i32 to vector<8x1xi32>
        %add3A_421 = arith.addi %add3A_420, %iota3A : vector<8x1xi32>
        %lt3A = vector.broadcast %get3A_282 : i32 to vector<8x1xi32>
        %lt3A_422 = arith.cmpi slt, %add3A_421, %lt3A : vector<8x1xi32>
        %jit3A_423 = arith.constant 0xFF800000 : f32
        %broadcast_in_dim3A_424 = vector.shape_cast %lt3A_422 : vector<8x1xi1> to vector<8x1xi1>
        %broadcast_in_dim3A_425 = vector.broadcast %broadcast_in_dim3A_424 : vector<8x1xi1> to vector<8x128xi1>
        %broadcast_in_dim3A_426 = vector.broadcast %jit3A_423 : f32 to vector<8x128xf32>
        %select_n3A_427 = arith.select %broadcast_in_dim3A_425, %get3A_419, %broadcast_in_dim3A_426 : vector<8x128xi1>, vector<8x128xf32>
        %max3A_428 = arith.maximumf %while3A_412, %select_n3A_427 : vector<8x128xf32>
        %jit3A_429 = arith.constant 0.000000e+00 : f32
        %broadcast_in_dim3A_430 = vector.shape_cast %lt3A_422 : vector<8x1xi1> to vector<8x1xi1>
        %broadcast_in_dim3A_431 = vector.broadcast %broadcast_in_dim3A_430 : vector<8x1xi1> to vector<8x128xi1>
        %broadcast_in_dim3A_432 = vector.broadcast %jit3A_429 : f32 to vector<8x128xf32>
        %select_n3A_433 = arith.select %broadcast_in_dim3A_431, %get3A_419, %broadcast_in_dim3A_432 : vector<8x128xi1>, vector<8x128xf32>
        %add3A_434 = arith.addf %while3A_413, %select_n3A_433 : vector<8x128xf32>
        scf.yield %max3A_428, %add3A_434 : vector<8x128xf32>, vector<8x128xf32>
      }
      %while3A_297 = arith.constant 1 : i32
      %while3A_298:2 = scf.for %while3A_411 = %while3A_294 to %while3A_290 step %while3A_297 iter_args(%while3A_412 = %while3A_296#0, %while3A_413 = %while3A_296#1) -> (vector<8x128xf32>, vector<8x128xf32>)  : i32 {
        %mul3A_414 = arith.constant 8 : i32
        %mul3A_415 = arith.muli %while3A_411, %mul3A_414 : i32
        %add3A_416 = arith.addi %get3A_278, %mul3A_415 : i32
        %get3A_417 = arith.index_cast %add3A_416 : i32 to index
        %get3A_418 = arith.constant 0 : index
        %get3A_419 = vector.load %arg8[%get3A_417, %get3A_418] : memref<10008x128xf32, #tpu.memory_space<vmem>>, vector<8x128xf32>
        %iota3A = tpu.iota {dimensions = array<i32: 0>} : vector<8x1xi32>
        %add3A_420 = vector.broadcast %add3A_416 : i32 to vector<8x1xi32>
        %add3A_421 = arith.addi %add3A_420, %iota3A : vector<8x1xi32>
        %lt3A = vector.broadcast %get3A_282 : i32 to vector<8x1xi32>
        %lt3A_422 = arith.cmpi slt, %add3A_421, %lt3A : vector<8x1xi32>
        %jit3A_423 = arith.constant 0xFF800000 : f32
        %broadcast_in_dim3A_424 = vector.shape_cast %lt3A_422 : vector<8x1xi1> to vector<8x1xi1>
        %broadcast_in_dim3A_425 = vector.broadcast %broadcast_in_dim3A_424 : vector<8x1xi1> to vector<8x128xi1>
        %broadcast_in_dim3A_426 = vector.broadcast %jit3A_423 : f32 to vector<8x128xf32>
        %select_n3A_427 = arith.select %broadcast_in_dim3A_425, %get3A_419, %broadcast_in_dim3A_426 : vector<8x128xi1>, vector<8x128xf32>
        %max3A_428 = arith.maximumf %while3A_412, %select_n3A_427 : vector<8x128xf32>
        %jit3A_429 = arith.constant 0.000000e+00 : f32
        %broadcast_in_dim3A_430 = vector.shape_cast %lt3A_422 : vector<8x1xi1> to vector<8x1xi1>
        %broadcast_in_dim3A_431 = vector.broadcast %broadcast_in_dim3A_430 : vector<8x1xi1> to vector<8x128xi1>
        %broadcast_in_dim3A_432 = vector.broadcast %jit3A_429 : f32 to vector<8x128xf32>
        %select_n3A_433 = arith.select %broadcast_in_dim3A_431, %get3A_419, %broadcast_in_dim3A_432 : vector<8x128xi1>, vector<8x128xf32>
        %add3A_434 = arith.addf %while3A_413, %select_n3A_433 : vector<8x128xf32>
        scf.yield %max3A_428, %add3A_434 : vector<8x128xf32>, vector<8x128xf32>
      }
      %reduce_max3A_299 = arith.constant dense<0xFF800000> : vector<128xf32>
      %reduce_max3A_300 = vector.multi_reduction <maximumf>, %while3A_298#0, %reduce_max3A_299 [0] : vector<8x128xf32> to vector<128xf32>
      %broadcast_in_dim3A_301 = vector.shape_cast %reduce_max3A_300 : vector<128xf32> to vector<1x128xf32>
      %reduce_sum3A_302 = arith.constant dense<0.000000e+00> : vector<128xf32>
      %reduce_sum3A_303 = vector.multi_reduction <add>, %while3A_298#1, %reduce_sum3A_302 [0] : vector<8x128xf32> to vector<128xf32>
      %broadcast_in_dim3A_304 = vector.shape_cast %reduce_sum3A_303 : vector<128xf32> to vector<1x128xf32>
      %sub3A_305 = arith.subi %get3A_282, %get3A_278 : i32
      %convert_element_type3A_306 = arith.sitofp %sub3A_305 : i32 to f32
      %gt3A_307 = arith.constant 0.000000e+00 : f32
      %gt3A_308 = arith.cmpf ogt, %convert_element_type3A_306, %gt3A_307 : f32
      %jit3A_309 = arith.constant 0.000000e+00 : f32
      %broadcast_in_dim3A_310 = vector.broadcast %jit3A_309 : f32 to vector<1x128xf32>
      %select_n3A_311 = arith.select %gt3A_308, %broadcast_in_dim3A_301, %broadcast_in_dim3A_310 : vector<1x128xf32>
      %max3A_312 = arith.constant 1.000000e+00 : f32
      %max3A_313 = arith.maximumf %convert_element_type3A_306, %max3A_312 : f32
      %div3A_314 = vector.broadcast %max3A_313 : f32 to vector<1x128xf32>
      %div3A_315 = arith.divf %broadcast_in_dim3A_304, %div3A_314 : vector<1x128xf32>
      %concatenate3A_316 = tpu.concatenate %select_n3A_311, %div3A_315 in 1 : vector<1x128xf32>, vector<1x128xf32> -> vector<1x256xf32>
      %mul3A_317 = arith.constant 8 : i32
      %mul3A_318 = arith.muli %scan3A_59, %mul3A_317 : i32
      %add3A_319 = arith.constant 6 : i32
      %add3A_320 = arith.addi %mul3A_318, %add3A_319 : i32
      %get3A_321 = arith.index_cast %add3A_320 : i32 to index
      %get3A_322 = memref.load %arg7[%get3A_321] : memref<257xi32, #tpu.memory_space<smem>>
      %add3A_323 = arith.constant 1 : i32
      %add3A_324 = arith.addi %add3A_320, %add3A_323 : i32
      %get3A_325 = arith.index_cast %add3A_324 : i32 to index
      %get3A_326 = memref.load %arg7[%get3A_325] : memref<257xi32, #tpu.memory_space<smem>>
      %sub3A_327 = arith.subi %get3A_326, %get3A_322 : i32
      %add3A_328 = arith.constant 7 : i32
      %add3A_329 = arith.addi %sub3A_327, %add3A_328 : i32
      %div3A_330 = arith.constant 8 : i32
      %div3A_331 = arith.divsi %add3A_329, %div3A_330 : i32
      %while3A_332 = arith.constant 0 : i32
      %while3A_333 = arith.subi %div3A_331, %while3A_332 : i32
      %while3A_334 = arith.addi %while3A_332, %while3A_333 : i32
      %while3A_335 = arith.constant 1 : i32
      %while3A_336 = arith.divsi %while3A_333, %while3A_335 : i32
      %while3A_337 = arith.muli %while3A_336, %while3A_335 : i32
      %while3A_338 = arith.addi %while3A_332, %while3A_337 : i32
      %while3A_339 = arith.constant 1 : i32
      %while3A_340:2 = scf.for %while3A_411 = %while3A_332 to %while3A_338 step %while3A_339 iter_args(%while3A_412 = %broadcast_in_dim3A_52, %while3A_413 = %broadcast_in_dim3A_54) -> (vector<8x128xf32>, vector<8x128xf32>)  : i32 {
        %mul3A_414 = arith.constant 8 : i32
        %mul3A_415 = arith.muli %while3A_411, %mul3A_414 : i32
        %add3A_416 = arith.addi %get3A_322, %mul3A_415 : i32
        %get3A_417 = arith.index_cast %add3A_416 : i32 to index
        %get3A_418 = arith.constant 0 : index
        %get3A_419 = vector.load %arg8[%get3A_417, %get3A_418] : memref<10008x128xf32, #tpu.memory_space<vmem>>, vector<8x128xf32>
        %iota3A = tpu.iota {dimensions = array<i32: 0>} : vector<8x1xi32>
        %add3A_420 = vector.broadcast %add3A_416 : i32 to vector<8x1xi32>
        %add3A_421 = arith.addi %add3A_420, %iota3A : vector<8x1xi32>
        %lt3A = vector.broadcast %get3A_326 : i32 to vector<8x1xi32>
        %lt3A_422 = arith.cmpi slt, %add3A_421, %lt3A : vector<8x1xi32>
        %jit3A_423 = arith.constant 0xFF800000 : f32
        %broadcast_in_dim3A_424 = vector.shape_cast %lt3A_422 : vector<8x1xi1> to vector<8x1xi1>
        %broadcast_in_dim3A_425 = vector.broadcast %broadcast_in_dim3A_424 : vector<8x1xi1> to vector<8x128xi1>
        %broadcast_in_dim3A_426 = vector.broadcast %jit3A_423 : f32 to vector<8x128xf32>
        %select_n3A_427 = arith.select %broadcast_in_dim3A_425, %get3A_419, %broadcast_in_dim3A_426 : vector<8x128xi1>, vector<8x128xf32>
        %max3A_428 = arith.maximumf %while3A_412, %select_n3A_427 : vector<8x128xf32>
        %jit3A_429 = arith.constant 0.000000e+00 : f32
        %broadcast_in_dim3A_430 = vector.shape_cast %lt3A_422 : vector<8x1xi1> to vector<8x1xi1>
        %broadcast_in_dim3A_431 = vector.broadcast %broadcast_in_dim3A_430 : vector<8x1xi1> to vector<8x128xi1>
        %broadcast_in_dim3A_432 = vector.broadcast %jit3A_429 : f32 to vector<8x128xf32>
        %select_n3A_433 = arith.select %broadcast_in_dim3A_431, %get3A_419, %broadcast_in_dim3A_432 : vector<8x128xi1>, vector<8x128xf32>
        %add3A_434 = arith.addf %while3A_413, %select_n3A_433 : vector<8x128xf32>
        scf.yield %max3A_428, %add3A_434 : vector<8x128xf32>, vector<8x128xf32>
      }
      %while3A_341 = arith.constant 1 : i32
      %while3A_342:2 = scf.for %while3A_411 = %while3A_338 to %while3A_334 step %while3A_341 iter_args(%while3A_412 = %while3A_340#0, %while3A_413 = %while3A_340#1) -> (vector<8x128xf32>, vector<8x128xf32>)  : i32 {
        %mul3A_414 = arith.constant 8 : i32
        %mul3A_415 = arith.muli %while3A_411, %mul3A_414 : i32
        %add3A_416 = arith.addi %get3A_322, %mul3A_415 : i32
        %get3A_417 = arith.index_cast %add3A_416 : i32 to index
        %get3A_418 = arith.constant 0 : index
        %get3A_419 = vector.load %arg8[%get3A_417, %get3A_418] : memref<10008x128xf32, #tpu.memory_space<vmem>>, vector<8x128xf32>
        %iota3A = tpu.iota {dimensions = array<i32: 0>} : vector<8x1xi32>
        %add3A_420 = vector.broadcast %add3A_416 : i32 to vector<8x1xi32>
        %add3A_421 = arith.addi %add3A_420, %iota3A : vector<8x1xi32>
        %lt3A = vector.broadcast %get3A_326 : i32 to vector<8x1xi32>
        %lt3A_422 = arith.cmpi slt, %add3A_421, %lt3A : vector<8x1xi32>
        %jit3A_423 = arith.constant 0xFF800000 : f32
        %broadcast_in_dim3A_424 = vector.shape_cast %lt3A_422 : vector<8x1xi1> to vector<8x1xi1>
        %broadcast_in_dim3A_425 = vector.broadcast %broadcast_in_dim3A_424 : vector<8x1xi1> to vector<8x128xi1>
        %broadcast_in_dim3A_426 = vector.broadcast %jit3A_423 : f32 to vector<8x128xf32>
        %select_n3A_427 = arith.select %broadcast_in_dim3A_425, %get3A_419, %broadcast_in_dim3A_426 : vector<8x128xi1>, vector<8x128xf32>
        %max3A_428 = arith.maximumf %while3A_412, %select_n3A_427 : vector<8x128xf32>
        %jit3A_429 = arith.constant 0.000000e+00 : f32
        %broadcast_in_dim3A_430 = vector.shape_cast %lt3A_422 : vector<8x1xi1> to vector<8x1xi1>
        %broadcast_in_dim3A_431 = vector.broadcast %broadcast_in_dim3A_430 : vector<8x1xi1> to vector<8x128xi1>
        %broadcast_in_dim3A_432 = vector.broadcast %jit3A_429 : f32 to vector<8x128xf32>
        %select_n3A_433 = arith.select %broadcast_in_dim3A_431, %get3A_419, %broadcast_in_dim3A_432 : vector<8x128xi1>, vector<8x128xf32>
        %add3A_434 = arith.addf %while3A_413, %select_n3A_433 : vector<8x128xf32>
        scf.yield %max3A_428, %add3A_434 : vector<8x128xf32>, vector<8x128xf32>
      }
      %reduce_max3A_343 = arith.constant dense<0xFF800000> : vector<128xf32>
      %reduce_max3A_344 = vector.multi_reduction <maximumf>, %while3A_342#0, %reduce_max3A_343 [0] : vector<8x128xf32> to vector<128xf32>
      %broadcast_in_dim3A_345 = vector.shape_cast %reduce_max3A_344 : vector<128xf32> to vector<1x128xf32>
      %reduce_sum3A_346 = arith.constant dense<0.000000e+00> : vector<128xf32>
      %reduce_sum3A_347 = vector.multi_reduction <add>, %while3A_342#1, %reduce_sum3A_346 [0] : vector<8x128xf32> to vector<128xf32>
      %broadcast_in_dim3A_348 = vector.shape_cast %reduce_sum3A_347 : vector<128xf32> to vector<1x128xf32>
      %sub3A_349 = arith.subi %get3A_326, %get3A_322 : i32
      %convert_element_type3A_350 = arith.sitofp %sub3A_349 : i32 to f32
      %gt3A_351 = arith.constant 0.000000e+00 : f32
      %gt3A_352 = arith.cmpf ogt, %convert_element_type3A_350, %gt3A_351 : f32
      %jit3A_353 = arith.constant 0.000000e+00 : f32
      %broadcast_in_dim3A_354 = vector.broadcast %jit3A_353 : f32 to vector<1x128xf32>
      %select_n3A_355 = arith.select %gt3A_352, %broadcast_in_dim3A_345, %broadcast_in_dim3A_354 : vector<1x128xf32>
      %max3A_356 = arith.constant 1.000000e+00 : f32
      %max3A_357 = arith.maximumf %convert_element_type3A_350, %max3A_356 : f32
      %div3A_358 = vector.broadcast %max3A_357 : f32 to vector<1x128xf32>
      %div3A_359 = arith.divf %broadcast_in_dim3A_348, %div3A_358 : vector<1x128xf32>
      %concatenate3A_360 = tpu.concatenate %select_n3A_355, %div3A_359 in 1 : vector<1x128xf32>, vector<1x128xf32> -> vector<1x256xf32>
      %mul3A_361 = arith.constant 8 : i32
      %mul3A_362 = arith.muli %scan3A_59, %mul3A_361 : i32
      %add3A_363 = arith.constant 7 : i32
      %add3A_364 = arith.addi %mul3A_362, %add3A_363 : i32
      %get3A_365 = arith.index_cast %add3A_364 : i32 to index
      %get3A_366 = memref.load %arg7[%get3A_365] : memref<257xi32, #tpu.memory_space<smem>>
      %add3A_367 = arith.constant 1 : i32
      %add3A_368 = arith.addi %add3A_364, %add3A_367 : i32
      %get3A_369 = arith.index_cast %add3A_368 : i32 to index
      %get3A_370 = memref.load %arg7[%get3A_369] : memref<257xi32, #tpu.memory_space<smem>>
      %sub3A_371 = arith.subi %get3A_370, %get3A_366 : i32
      %add3A_372 = arith.constant 7 : i32
      %add3A_373 = arith.addi %sub3A_371, %add3A_372 : i32
      %div3A_374 = arith.constant 8 : i32
      %div3A_375 = arith.divsi %add3A_373, %div3A_374 : i32
      %while3A_376 = arith.constant 0 : i32
      %while3A_377 = arith.subi %div3A_375, %while3A_376 : i32
      %while3A_378 = arith.addi %while3A_376, %while3A_377 : i32
      %while3A_379 = arith.constant 1 : i32
      %while3A_380 = arith.divsi %while3A_377, %while3A_379 : i32
      %while3A_381 = arith.muli %while3A_380, %while3A_379 : i32
      %while3A_382 = arith.addi %while3A_376, %while3A_381 : i32
      %while3A_383 = arith.constant 1 : i32
      %while3A_384:2 = scf.for %while3A_411 = %while3A_376 to %while3A_382 step %while3A_383 iter_args(%while3A_412 = %broadcast_in_dim3A_52, %while3A_413 = %broadcast_in_dim3A_54) -> (vector<8x128xf32>, vector<8x128xf32>)  : i32 {
        %mul3A_414 = arith.constant 8 : i32
        %mul3A_415 = arith.muli %while3A_411, %mul3A_414 : i32
        %add3A_416 = arith.addi %get3A_366, %mul3A_415 : i32
        %get3A_417 = arith.index_cast %add3A_416 : i32 to index
        %get3A_418 = arith.constant 0 : index
        %get3A_419 = vector.load %arg8[%get3A_417, %get3A_418] : memref<10008x128xf32, #tpu.memory_space<vmem>>, vector<8x128xf32>
        %iota3A = tpu.iota {dimensions = array<i32: 0>} : vector<8x1xi32>
        %add3A_420 = vector.broadcast %add3A_416 : i32 to vector<8x1xi32>
        %add3A_421 = arith.addi %add3A_420, %iota3A : vector<8x1xi32>
        %lt3A = vector.broadcast %get3A_370 : i32 to vector<8x1xi32>
        %lt3A_422 = arith.cmpi slt, %add3A_421, %lt3A : vector<8x1xi32>
        %jit3A_423 = arith.constant 0xFF800000 : f32
        %broadcast_in_dim3A_424 = vector.shape_cast %lt3A_422 : vector<8x1xi1> to vector<8x1xi1>
        %broadcast_in_dim3A_425 = vector.broadcast %broadcast_in_dim3A_424 : vector<8x1xi1> to vector<8x128xi1>
        %broadcast_in_dim3A_426 = vector.broadcast %jit3A_423 : f32 to vector<8x128xf32>
        %select_n3A_427 = arith.select %broadcast_in_dim3A_425, %get3A_419, %broadcast_in_dim3A_426 : vector<8x128xi1>, vector<8x128xf32>
        %max3A_428 = arith.maximumf %while3A_412, %select_n3A_427 : vector<8x128xf32>
        %jit3A_429 = arith.constant 0.000000e+00 : f32
        %broadcast_in_dim3A_430 = vector.shape_cast %lt3A_422 : vector<8x1xi1> to vector<8x1xi1>
        %broadcast_in_dim3A_431 = vector.broadcast %broadcast_in_dim3A_430 : vector<8x1xi1> to vector<8x128xi1>
        %broadcast_in_dim3A_432 = vector.broadcast %jit3A_429 : f32 to vector<8x128xf32>
        %select_n3A_433 = arith.select %broadcast_in_dim3A_431, %get3A_419, %broadcast_in_dim3A_432 : vector<8x128xi1>, vector<8x128xf32>
        %add3A_434 = arith.addf %while3A_413, %select_n3A_433 : vector<8x128xf32>
        scf.yield %max3A_428, %add3A_434 : vector<8x128xf32>, vector<8x128xf32>
      }
      %while3A_385 = arith.constant 1 : i32
      %while3A_386:2 = scf.for %while3A_411 = %while3A_382 to %while3A_378 step %while3A_385 iter_args(%while3A_412 = %while3A_384#0, %while3A_413 = %while3A_384#1) -> (vector<8x128xf32>, vector<8x128xf32>)  : i32 {
        %mul3A_414 = arith.constant 8 : i32
        %mul3A_415 = arith.muli %while3A_411, %mul3A_414 : i32
        %add3A_416 = arith.addi %get3A_366, %mul3A_415 : i32
        %get3A_417 = arith.index_cast %add3A_416 : i32 to index
        %get3A_418 = arith.constant 0 : index
        %get3A_419 = vector.load %arg8[%get3A_417, %get3A_418] : memref<10008x128xf32, #tpu.memory_space<vmem>>, vector<8x128xf32>
        %iota3A = tpu.iota {dimensions = array<i32: 0>} : vector<8x1xi32>
        %add3A_420 = vector.broadcast %add3A_416 : i32 to vector<8x1xi32>
        %add3A_421 = arith.addi %add3A_420, %iota3A : vector<8x1xi32>
        %lt3A = vector.broadcast %get3A_370 : i32 to vector<8x1xi32>
        %lt3A_422 = arith.cmpi slt, %add3A_421, %lt3A : vector<8x1xi32>
        %jit3A_423 = arith.constant 0xFF800000 : f32
        %broadcast_in_dim3A_424 = vector.shape_cast %lt3A_422 : vector<8x1xi1> to vector<8x1xi1>
        %broadcast_in_dim3A_425 = vector.broadcast %broadcast_in_dim3A_424 : vector<8x1xi1> to vector<8x128xi1>
        %broadcast_in_dim3A_426 = vector.broadcast %jit3A_423 : f32 to vector<8x128xf32>
        %select_n3A_427 = arith.select %broadcast_in_dim3A_425, %get3A_419, %broadcast_in_dim3A_426 : vector<8x128xi1>, vector<8x128xf32>
        %max3A_428 = arith.maximumf %while3A_412, %select_n3A_427 : vector<8x128xf32>
        %jit3A_429 = arith.constant 0.000000e+00 : f32
        %broadcast_in_dim3A_430 = vector.shape_cast %lt3A_422 : vector<8x1xi1> to vector<8x1xi1>
        %broadcast_in_dim3A_431 = vector.broadcast %broadcast_in_dim3A_430 : vector<8x1xi1> to vector<8x128xi1>
        %broadcast_in_dim3A_432 = vector.broadcast %jit3A_429 : f32 to vector<8x128xf32>
        %select_n3A_433 = arith.select %broadcast_in_dim3A_431, %get3A_419, %broadcast_in_dim3A_432 : vector<8x128xi1>, vector<8x128xf32>
        %add3A_434 = arith.addf %while3A_413, %select_n3A_433 : vector<8x128xf32>
        scf.yield %max3A_428, %add3A_434 : vector<8x128xf32>, vector<8x128xf32>
      }
      %reduce_max3A_387 = arith.constant dense<0xFF800000> : vector<128xf32>
      %reduce_max3A_388 = vector.multi_reduction <maximumf>, %while3A_386#0, %reduce_max3A_387 [0] : vector<8x128xf32> to vector<128xf32>
      %broadcast_in_dim3A_389 = vector.shape_cast %reduce_max3A_388 : vector<128xf32> to vector<1x128xf32>
      %reduce_sum3A_390 = arith.constant dense<0.000000e+00> : vector<128xf32>
      %reduce_sum3A_391 = vector.multi_reduction <add>, %while3A_386#1, %reduce_sum3A_390 [0] : vector<8x128xf32> to vector<128xf32>
      %broadcast_in_dim3A_392 = vector.shape_cast %reduce_sum3A_391 : vector<128xf32> to vector<1x128xf32>
      %sub3A_393 = arith.subi %get3A_370, %get3A_366 : i32
      %convert_element_type3A_394 = arith.sitofp %sub3A_393 : i32 to f32
      %gt3A_395 = arith.constant 0.000000e+00 : f32
      %gt3A_396 = arith.cmpf ogt, %convert_element_type3A_394, %gt3A_395 : f32
      %jit3A_397 = arith.constant 0.000000e+00 : f32
      %broadcast_in_dim3A_398 = vector.broadcast %jit3A_397 : f32 to vector<1x128xf32>
      %select_n3A_399 = arith.select %gt3A_396, %broadcast_in_dim3A_389, %broadcast_in_dim3A_398 : vector<1x128xf32>
      %max3A_400 = arith.constant 1.000000e+00 : f32
      %max3A_401 = arith.maximumf %convert_element_type3A_394, %max3A_400 : f32
      %div3A_402 = vector.broadcast %max3A_401 : f32 to vector<1x128xf32>
      %div3A_403 = arith.divf %broadcast_in_dim3A_392, %div3A_402 : vector<1x128xf32>
      %concatenate3A_404 = tpu.concatenate %select_n3A_399, %div3A_403 in 1 : vector<1x128xf32>, vector<1x128xf32> -> vector<1x256xf32>
      %concatenate3A_405 = tpu.concatenate %concatenate3A, %concatenate3A_140, %concatenate3A_184, %concatenate3A_228, %concatenate3A_272, %concatenate3A_316, %concatenate3A_360, %concatenate3A_404 in 0 : vector<1x256xf32>, vector<1x256xf32>, vector<1x256xf32>, vector<1x256xf32>, vector<1x256xf32>, vector<1x256xf32>, vector<1x256xf32>, vector<1x256xf32> -> vector<8x256xf32>
      %mul3A_406 = arith.constant 8 : i32
      %mul3A_407 = arith.muli %scan3A_59, %mul3A_406 : i32
      %multiple_of3A = tpu.assume_multiple %mul3A_407, 8 : i32
      %swap3A_408 = arith.index_cast %multiple_of3A : i32 to index
      %swap3A_409 = arith.constant 0 : index
      %swap3A_410 = vector.load %arg9[%swap3A_408, %swap3A_409] : memref<256x256xf32, #tpu.memory_space<vmem>>, vector<8x256xf32>
      tpu.vector_store %arg9[%swap3A_408, %swap3A_409], %concatenate3A_405 {strides = array<i32>} : memref<256x256xf32, #tpu.memory_space<vmem>>, vector<8x256xf32>,
    }
    %scan3A_58 = arith.constant 32 : i32
    return
  }
}

module attributes {stable_mosaic.version = 14 : i64} {
  func.func @body(%arg0: memref<20000x128xf32, #tpu.memory_space<vmem>>, %arg1: memref<10008x128xf32, #tpu.memory_space<vmem>>, %arg2: memref<128x128xf32, #tpu.memory_space<vmem>>, %arg3: memref<1x128xf32, #tpu.memory_space<vmem>>, %arg4: memref<128x128xf32, #tpu.memory_space<vmem>>, %arg5: memref<128x1xf32, #tpu.memory_space<vmem>>, %arg6: memref<1x1xf32, #tpu.memory_space<vmem>>, %arg7: memref<257xi32, #tpu.memory_space<smem>>, %arg8: memref<10008x128xf32, #tpu.memory_space<vmem>>, %arg9: memref<256x256xf32, #tpu.memory_space<vmem>>) attributes {dimension_semantics = [], scalar_prefetch = 0 : i64, scratch_operands = 0 : i64, tpu.core_type = #tpu.core_type<tc>} {
    %get3A = arith.constant 0 : index
    %get3A_0 = arith.constant 0 : index
    %get3A_1 = vector.load %arg0[%get3A, %get3A_0] : memref<20000x128xf32, #tpu.memory_space<vmem>>, vector<20000x128xf32>
    %slice3A = vector.extract_strided_slice %get3A_1 {offsets = [0, 0], sizes = [10000, 128], strides = [1, 1]} : vector<20000x128xf32> to vector<10000x128xf32>
    %slice3A_2 = vector.extract_strided_slice %get3A_1 {offsets = [10000, 0], sizes = [10000, 128], strides = [1, 1]} : vector<20000x128xf32> to vector<10000x128xf32>
    %add3A = arith.addf %slice3A, %slice3A_2 : vector<10000x128xf32>
    %get3A_3 = arith.constant 0 : index
    %get3A_4 = arith.constant 0 : index
    %get3A_5 = vector.load %arg1[%get3A_3, %get3A_4] : memref<10008x128xf32, #tpu.memory_space<vmem>>, vector<10008x128xf32>
    %slice3A_6 = vector.extract_strided_slice %get3A_5 {offsets = [0, 0], sizes = [10000, 128], strides = [1, 1]} : vector<10008x128xf32> to vector<10000x128xf32>
    %convert_element_type3A = arith.truncf %add3A : vector<10000x128xf32> to vector<10000x128xbf16>
    %get3A_7 = arith.constant 0 : index
    %get3A_8 = arith.constant 0 : index
    %get3A_9 = vector.load %arg2[%get3A_7, %get3A_8] : memref<128x128xf32, #tpu.memory_space<vmem>>, vector<128x128xf32>
    %convert_element_type3A_10 = arith.truncf %get3A_9 : vector<128x128xf32> to vector<128x128xbf16>
    %dot_general3A = arith.constant dense<0.000000e+00> : vector<10000x128xf32>
    %dot_general3A_11 = tpu.matmul %convert_element_type3A, %convert_element_type3A_10, %dot_general3A {dimension_numbers = #tpu.dot_dimension_numbers<[1], [0], [0], [1], [0, 0, 1, 1], [], []>, transpose_lhs_hint = false} : vector<10000x128xbf16>, vector<128x128xbf16>, vector<10000x128xf32> -> vector<10000x128xf32>
    %get3A_12 = arith.constant 0 : index
    %get3A_13 = arith.constant 0 : index
    %get3A_14 = vector.load %arg3[%get3A_12, %get3A_13] : memref<1x128xf32, #tpu.memory_space<vmem>>, vector<1x128xf32>
    %add3A_15 = vector.broadcast %get3A_14 : vector<1x128xf32> to vector<10000x128xf32>
    %add3A_16 = arith.addf %dot_general3A_11, %add3A_15 : vector<10000x128xf32>
    %convert_element_type3A_17 = arith.truncf %slice3A_6 : vector<10000x128xf32> to vector<10000x128xbf16>
    %get3A_18 = arith.constant 0 : index
    %get3A_19 = arith.constant 0 : index
    %get3A_20 = vector.load %arg4[%get3A_18, %get3A_19] : memref<128x128xf32, #tpu.memory_space<vmem>>, vector<128x128xf32>
    %convert_element_type3A_21 = arith.truncf %get3A_20 : vector<128x128xf32> to vector<128x128xbf16>
    %dot_general3A_22 = arith.constant dense<0.000000e+00> : vector<10000x128xf32>
    %dot_general3A_23 = tpu.matmul %convert_element_type3A_17, %convert_element_type3A_21, %dot_general3A_22 {dimension_numbers = #tpu.dot_dimension_numbers<[1], [0], [0], [1], [0, 0, 1, 1], [], []>, transpose_lhs_hint = false} : vector<10000x128xbf16>, vector<128x128xbf16>, vector<10000x128xf32> -> vector<10000x128xf32>
    %add3A_24 = arith.addf %add3A_16, %dot_general3A_23 : vector<10000x128xf32>
    %gt3A = arith.constant 0.000000e+00 : f32
    %gt3A_25 = vector.broadcast %gt3A : f32 to vector<10000x128xf32>
    %gt3A_26 = arith.cmpf ogt, %add3A_24, %gt3A_25 : vector<10000x128xf32>
    %mul3A = arith.constant 0.00999999977 : f32
    %mul3A_27 = vector.broadcast %mul3A : f32 to vector<10000x128xf32>
    %mul3A_28 = arith.mulf %mul3A_27, %add3A_24 : vector<10000x128xf32>
    %select_n3A = arith.select %gt3A_26, %add3A_24, %mul3A_28 : vector<10000x128xi1>, vector<10000x128xf32>
    %get3A_29 = arith.constant 0 : index
    %get3A_30 = arith.constant 0 : index
    %get3A_31 = vector.load %arg5[%get3A_29, %get3A_30] : memref<128x1xf32, #tpu.memory_space<vmem>>, vector<128x1xf32>
    %get3A_32 = arith.constant 0 : index
    %get3A_33 = arith.constant 0 : index
    %get3A_34 = vector.load %arg6[%get3A_32, %get3A_33] : memref<1x1xf32, #tpu.memory_space<vmem>>, vector<1x1xf32>
    %convert_element_type3A_35 = arith.truncf %select_n3A : vector<10000x128xf32> to vector<10000x128xbf16>
    %convert_element_type3A_36 = arith.truncf %get3A_31 : vector<128x1xf32> to vector<128x1xbf16>
    %dot_general3A_37 = arith.constant dense<0.000000e+00> : vector<10000x1xf32>
    %dot_general3A_38 = tpu.matmul %convert_element_type3A_35, %convert_element_type3A_36, %dot_general3A_37 {dimension_numbers = #tpu.dot_dimension_numbers<[1], [0], [0], [1], [0, 0, 1, 1], [], []>, transpose_lhs_hint = false} : vector<10000x128xbf16>, vector<128x1xbf16>, vector<10000x1xf32> -> vector<10000x1xf32>
    %add3A_39 = arith.constant 1.000000e-16 : f32
    %add3A_40 = vector.broadcast %add3A_39 : f32 to vector<1x1xf32>
    %add3A_41 = arith.addf %get3A_34, %add3A_40 : vector<1x1xf32>
    %div3A = vector.broadcast %add3A_41 : vector<1x1xf32> to vector<10000x1xf32>
    %div3A_42 = arith.divf %dot_general3A_38, %div3A : vector<10000x1xf32>
    %tanh3A = math.tanh %div3A_42 : vector<10000x1xf32>
    %mul3A_43 = vector.broadcast %tanh3A : vector<10000x1xf32> to vector<10000x128xf32>
    %mul3A_44 = arith.mulf %select_n3A, %mul3A_43 : vector<10000x128xf32>
    %swap3A = arith.constant 0 : index
    %swap3A_45 = arith.constant 0 : index
    %swap3A_46 = vector.load %arg8[%swap3A, %swap3A_45] : memref<10008x128xf32, #tpu.memory_space<vmem>>, vector<10000x128xf32>
    tpu.vector_store %arg8[%swap3A, %swap3A_45], %mul3A_44 {strides = array<i32>} : memref<10008x128xf32, #tpu.memory_space<vmem>>, vector<10000x128xf32>,
    %broadcast_in_dim3A = arith.constant 0.000000e+00 : f32
    %broadcast_in_dim3A_47 = vector.broadcast %broadcast_in_dim3A : f32 to vector<8x128xf32>
    %swap3A_48 = arith.constant 10000 : index
    %swap3A_49 = arith.constant 0 : index
    %swap3A_50 = vector.load %arg8[%swap3A_48, %swap3A_49] : memref<10008x128xf32, #tpu.memory_space<vmem>>, vector<8x128xf32>
    tpu.vector_store %arg8[%swap3A_48, %swap3A_49], %broadcast_in_dim3A_47 {strides = array<i32>} : memref<10008x128xf32, #tpu.memory_space<vmem>>, vector<8x128xf32>,
    %broadcast_in_dim3A_51 = arith.constant 0xFF800000 : f32
    %broadcast_in_dim3A_52 = vector.broadcast %broadcast_in_dim3A_51 : f32 to vector<8x128xf32>
    %broadcast_in_dim3A_53 = arith.constant 0.000000e+00 : f32
    %broadcast_in_dim3A_54 = vector.broadcast %broadcast_in_dim3A_53 : f32 to vector<8x128xf32>
    %scan3A = arith.constant 0 : i32
    %scan3A_55 = arith.constant 32 : i32
    %scan3A_56 = arith.addi %scan3A, %scan3A_55 : i32
    %scan3A_57 = arith.constant 1 : i32
    scf.for %scan3A_59 = %scan3A to %scan3A_56 step %scan3A_57  : i32 {
      %mul3A_60 = arith.constant 8 : i32
      %mul3A_61 = arith.muli %scan3A_59, %mul3A_60 : i32
      %add3A_62 = arith.constant 0 : i32
      %add3A_63 = arith.addi %mul3A_61, %add3A_62 : i32
      %get3A_64 = arith.index_cast %add3A_63 : i32 to index
      %get3A_65 = memref.load %arg7[%get3A_64] : memref<257xi32, #tpu.memory_space<smem>>
      %add3A_66 = arith.constant 1 : i32
      %add3A_67 = arith.addi %add3A_63, %add3A_66 : i32
      %get3A_68 = arith.index_cast %add3A_67 : i32 to index
      %get3A_69 = memref.load %arg7[%get3A_68] : memref<257xi32, #tpu.memory_space<smem>>
      %sub3A = arith.subi %get3A_69, %get3A_65 : i32
      %add3A_70 = arith.constant 7 : i32
      %add3A_71 = arith.addi %sub3A, %add3A_70 : i32
      %div3A_72 = arith.constant 8 : i32
      %div3A_73 = arith.divsi %add3A_71, %div3A_72 : i32
      %while3A = arith.constant 0 : i32
      %while3A_74 = arith.subi %div3A_73, %while3A : i32
      %while3A_75 = arith.addi %while3A, %while3A_74 : i32
      %while3A_76 = arith.constant 1 : i32
      %while3A_77 = arith.divsi %while3A_74, %while3A_76 : i32
      %while3A_78 = arith.muli %while3A_77, %while3A_76 : i32
      %while3A_79 = arith.addi %while3A, %while3A_78 : i32
      %while3A_80 = arith.constant 1 : i32
      %while3A_81:2 = scf.for %while3A_411 = %while3A to %while3A_79 step %while3A_80 iter_args(%while3A_412 = %broadcast_in_dim3A_52, %while3A_413 = %broadcast_in_dim3A_54) -> (vector<8x128xf32>, vector<8x128xf32>)  : i32 {
        %mul3A_414 = arith.constant 8 : i32
        %mul3A_415 = arith.muli %while3A_411, %mul3A_414 : i32
        %add3A_416 = arith.addi %get3A_65, %mul3A_415 : i32
        %get3A_417 = arith.index_cast %add3A_416 : i32 to index
        %get3A_418 = arith.constant 0 : index
        %get3A_419 = vector.load %arg8[%get3A_417, %get3A_418] : memref<10008x128xf32, #tpu.memory_space<vmem>>, vector<8x128xf32>
        %iota3A = tpu.iota {dimensions = array<i32: 0>} : vector<8x1xi32>
        %add3A_420 = vector.broadcast %add3A_416 : i32 to vector<8x1xi32>
        %add3A_421 = arith.addi %add3A_420, %iota3A : vector<8x1xi32>
        %lt3A = vector.broadcast %get3A_69 : i32 to vector<8x1xi32>
        %lt3A_422 = arith.cmpi slt, %add3A_421, %lt3A : vector<8x1xi32>
        %jit3A_423 = arith.constant 0xFF800000 : f32
        %broadcast_in_dim3A_424 = vector.shape_cast %lt3A_422 : vector<8x1xi1> to vector<8x1xi1>
        %broadcast_in_dim3A_425 = vector.broadcast %broadcast_in_dim3A_424 : vector<8x1xi1> to vector<8x128xi1>
        %broadcast_in_dim3A_426 = vector.broadcast %jit3A_423 : f32 to vector<8x128xf32>
        %select_n3A_427 = arith.select %broadcast_in_dim3A_425, %get3A_419, %broadcast_in_dim3A_426 : vector<8x128xi1>, vector<8x128xf32>
        %max3A_428 = arith.maximumf %while3A_412, %select_n3A_427 : vector<8x128xf32>
        %jit3A_429 = arith.constant 0.000000e+00 : f32
        %broadcast_in_dim3A_430 = vector.shape_cast %lt3A_422 : vector<8x1xi1> to vector<8x1xi1>
        %broadcast_in_dim3A_431 = vector.broadcast %broadcast_in_dim3A_430 : vector<8x1xi1> to vector<8x128xi1>
        %broadcast_in_dim3A_432 = vector.broadcast %jit3A_429 : f32 to vector<8x128xf32>
        %select_n3A_433 = arith.select %broadcast_in_dim3A_431, %get3A_419, %broadcast_in_dim3A_432 : vector<8x128xi1>, vector<8x128xf32>
        %add3A_434 = arith.addf %while3A_413, %select_n3A_433 : vector<8x128xf32>
        scf.yield %max3A_428, %add3A_434 : vector<8x128xf32>, vector<8x128xf32>
      }
      %while3A_82 = arith.constant 1 : i32
      %while3A_83:2 = scf.for %while3A_411 = %while3A_79 to %while3A_75 step %while3A_82 iter_args(%while3A_412 = %while3A_81#0, %while3A_413 = %while3A_81#1) -> (vector<8x128xf32>, vector<8x128xf32>)  : i32 {
        %mul3A_414 = arith.constant 8 : i32
        %mul3A_415 = arith.muli %while3A_411, %mul3A_414 : i32
        %add3A_416 = arith.addi %get3A_65, %mul3A_415 : i32
        %get3A_417 = arith.index_cast %add3A_416 : i32 to index
        %get3A_418 = arith.constant 0 : index
        %get3A_419 = vector.load %arg8[%get3A_417, %get3A_418] : memref<10008x128xf32, #tpu.memory_space<vmem>>, vector<8x128xf32>
        %iota3A = tpu.iota {dimensions = array<i32: 0>} : vector<8x1xi32>
        %add3A_420 = vector.broadcast %add3A_416 : i32 to vector<8x1xi32>
        %add3A_421 = arith.addi %add3A_420, %iota3A : vector<8x1xi32>
        %lt3A = vector.broadcast %get3A_69 : i32 to vector<8x1xi32>
        %lt3A_422 = arith.cmpi slt, %add3A_421, %lt3A : vector<8x1xi32>
        %jit3A_423 = arith.constant 0xFF800000 : f32
        %broadcast_in_dim3A_424 = vector.shape_cast %lt3A_422 : vector<8x1xi1> to vector<8x1xi1>
        %broadcast_in_dim3A_425 = vector.broadcast %broadcast_in_dim3A_424 : vector<8x1xi1> to vector<8x128xi1>
        %broadcast_in_dim3A_426 = vector.broadcast %jit3A_423 : f32 to vector<8x128xf32>
        %select_n3A_427 = arith.select %broadcast_in_dim3A_425, %get3A_419, %broadcast_in_dim3A_426 : vector<8x128xi1>, vector<8x128xf32>
        %max3A_428 = arith.maximumf %while3A_412, %select_n3A_427 : vector<8x128xf32>
        %jit3A_429 = arith.constant 0.000000e+00 : f32
        %broadcast_in_dim3A_430 = vector.shape_cast %lt3A_422 : vector<8x1xi1> to vector<8x1xi1>
        %broadcast_in_dim3A_431 = vector.broadcast %broadcast_in_dim3A_430 : vector<8x1xi1> to vector<8x128xi1>
        %broadcast_in_dim3A_432 = vector.broadcast %jit3A_429 : f32 to vector<8x128xf32>
        %select_n3A_433 = arith.select %broadcast_in_dim3A_431, %get3A_419, %broadcast_in_dim3A_432 : vector<8x128xi1>, vector<8x128xf32>
        %add3A_434 = arith.addf %while3A_413, %select_n3A_433 : vector<8x128xf32>
        scf.yield %max3A_428, %add3A_434 : vector<8x128xf32>, vector<8x128xf32>
      }
      %reduce_max3A = arith.constant dense<0xFF800000> : vector<128xf32>
      %reduce_max3A_84 = vector.multi_reduction <maximumf>, %while3A_83#0, %reduce_max3A [0] : vector<8x128xf32> to vector<128xf32>
      %broadcast_in_dim3A_85 = vector.shape_cast %reduce_max3A_84 : vector<128xf32> to vector<1x128xf32>
      %reduce_sum3A = arith.constant dense<0.000000e+00> : vector<128xf32>
      %reduce_sum3A_86 = vector.multi_reduction <add>, %while3A_83#1, %reduce_sum3A [0] : vector<8x128xf32> to vector<128xf32>
      %broadcast_in_dim3A_87 = vector.shape_cast %reduce_sum3A_86 : vector<128xf32> to vector<1x128xf32>
      %sub3A_88 = arith.subi %get3A_69, %get3A_65 : i32
      %convert_element_type3A_89 = arith.sitofp %sub3A_88 : i32 to f32
      %gt3A_90 = arith.constant 0.000000e+00 : f32
      %gt3A_91 = arith.cmpf ogt, %convert_element_type3A_89, %gt3A_90 : f32
      %jit3A = arith.constant 0.000000e+00 : f32
      %broadcast_in_dim3A_92 = vector.broadcast %jit3A : f32 to vector<1x128xf32>
      %select_n3A_93 = arith.select %gt3A_91, %broadcast_in_dim3A_85, %broadcast_in_dim3A_92 : vector<1x128xf32>
      %max3A = arith.constant 1.000000e+00 : f32
      %max3A_94 = arith.maximumf %convert_element_type3A_89, %max3A : f32
      %div3A_95 = vector.broadcast %max3A_94 : f32 to vector<1x128xf32>
      %div3A_96 = arith.divf %broadcast_in_dim3A_87, %div3A_95 : vector<1x128xf32>
      %concatenate3A = tpu.concatenate %select_n3A_93, %div3A_96 in 1 : vector<1x128xf32>, vector<1x128xf32> -> vector<1x256xf32>
      %mul3A_97 = arith.constant 8 : i32
      %mul3A_98 = arith.muli %scan3A_59, %mul3A_97 : i32
      %add3A_99 = arith.constant 1 : i32
      %add3A_100 = arith.addi %mul3A_98, %add3A_99 : i32
      %get3A_101 = arith.index_cast %add3A_100 : i32 to index
      %get3A_102 = memref.load %arg7[%get3A_101] : memref<257xi32, #tpu.memory_space<smem>>
      %add3A_103 = arith.constant 1 : i32
      %add3A_104 = arith.addi %add3A_100, %add3A_103 : i32
      %get3A_105 = arith.index_cast %add3A_104 : i32 to index
      %get3A_106 = memref.load %arg7[%get3A_105] : memref<257xi32, #tpu.memory_space<smem>>
      %sub3A_107 = arith.subi %get3A_106, %get3A_102 : i32
      %add3A_108 = arith.constant 7 : i32
      %add3A_109 = arith.addi %sub3A_107, %add3A_108 : i32
      %div3A_110 = arith.constant 8 : i32
      %div3A_111 = arith.divsi %add3A_109, %div3A_110 : i32
      %while3A_112 = arith.constant 0 : i32
      %while3A_113 = arith.subi %div3A_111, %while3A_112 : i32
      %while3A_114 = arith.addi %while3A_112, %while3A_113 : i32
      %while3A_115 = arith.constant 1 : i32
      %while3A_116 = arith.divsi %while3A_113, %while3A_115 : i32
      %while3A_117 = arith.muli %while3A_116, %while3A_115 : i32
      %while3A_118 = arith.addi %while3A_112, %while3A_117 : i32
      %while3A_119 = arith.constant 1 : i32
      %while3A_120:2 = scf.for %while3A_411 = %while3A_112 to %while3A_118 step %while3A_119 iter_args(%while3A_412 = %broadcast_in_dim3A_52, %while3A_413 = %broadcast_in_dim3A_54) -> (vector<8x128xf32>, vector<8x128xf32>)  : i32 {
        %mul3A_414 = arith.constant 8 : i32
        %mul3A_415 = arith.muli %while3A_411, %mul3A_414 : i32
        %add3A_416 = arith.addi %get3A_102, %mul3A_415 : i32
        %get3A_417 = arith.index_cast %add3A_416 : i32 to index
        %get3A_418 = arith.constant 0 : index
        %get3A_419 = vector.load %arg8[%get3A_417, %get3A_418] : memref<10008x128xf32, #tpu.memory_space<vmem>>, vector<8x128xf32>
        %iota3A = tpu.iota {dimensions = array<i32: 0>} : vector<8x1xi32>
        %add3A_420 = vector.broadcast %add3A_416 : i32 to vector<8x1xi32>
        %add3A_421 = arith.addi %add3A_420, %iota3A : vector<8x1xi32>
        %lt3A = vector.broadcast %get3A_106 : i32 to vector<8x1xi32>
        %lt3A_422 = arith.cmpi slt, %add3A_421, %lt3A : vector<8x1xi32>
        %jit3A_423 = arith.constant 0xFF800000 : f32
        %broadcast_in_dim3A_424 = vector.shape_cast %lt3A_422 : vector<8x1xi1> to vector<8x1xi1>
        %broadcast_in_dim3A_425 = vector.broadcast %broadcast_in_dim3A_424 : vector<8x1xi1> to vector<8x128xi1>
        %broadcast_in_dim3A_426 = vector.broadcast %jit3A_423 : f32 to vector<8x128xf32>
        %select_n3A_427 = arith.select %broadcast_in_dim3A_425, %get3A_419, %broadcast_in_dim3A_426 : vector<8x128xi1>, vector<8x128xf32>
        %max3A_428 = arith.maximumf %while3A_412, %select_n3A_427 : vector<8x128xf32>
        %jit3A_429 = arith.constant 0.000000e+00 : f32
        %broadcast_in_dim3A_430 = vector.shape_cast %lt3A_422 : vector<8x1xi1> to vector<8x1xi1>
        %broadcast_in_dim3A_431 = vector.broadcast %broadcast_in_dim3A_430 : vector<8x1xi1> to vector<8x128xi1>
        %broadcast_in_dim3A_432 = vector.broadcast %jit3A_429 : f32 to vector<8x128xf32>
        %select_n3A_433 = arith.select %broadcast_in_dim3A_431, %get3A_419, %broadcast_in_dim3A_432 : vector<8x128xi1>, vector<8x128xf32>
        %add3A_434 = arith.addf %while3A_413, %select_n3A_433 : vector<8x128xf32>
        scf.yield %max3A_428, %add3A_434 : vector<8x128xf32>, vector<8x128xf32>
      }
      %while3A_121 = arith.constant 1 : i32
      %while3A_122:2 = scf.for %while3A_411 = %while3A_118 to %while3A_114 step %while3A_121 iter_args(%while3A_412 = %while3A_120#0, %while3A_413 = %while3A_120#1) -> (vector<8x128xf32>, vector<8x128xf32>)  : i32 {
        %mul3A_414 = arith.constant 8 : i32
        %mul3A_415 = arith.muli %while3A_411, %mul3A_414 : i32
        %add3A_416 = arith.addi %get3A_102, %mul3A_415 : i32
        %get3A_417 = arith.index_cast %add3A_416 : i32 to index
        %get3A_418 = arith.constant 0 : index
        %get3A_419 = vector.load %arg8[%get3A_417, %get3A_418] : memref<10008x128xf32, #tpu.memory_space<vmem>>, vector<8x128xf32>
        %iota3A = tpu.iota {dimensions = array<i32: 0>} : vector<8x1xi32>
        %add3A_420 = vector.broadcast %add3A_416 : i32 to vector<8x1xi32>
        %add3A_421 = arith.addi %add3A_420, %iota3A : vector<8x1xi32>
        %lt3A = vector.broadcast %get3A_106 : i32 to vector<8x1xi32>
        %lt3A_422 = arith.cmpi slt, %add3A_421, %lt3A : vector<8x1xi32>
        %jit3A_423 = arith.constant 0xFF800000 : f32
        %broadcast_in_dim3A_424 = vector.shape_cast %lt3A_422 : vector<8x1xi1> to vector<8x1xi1>
        %broadcast_in_dim3A_425 = vector.broadcast %broadcast_in_dim3A_424 : vector<8x1xi1> to vector<8x128xi1>
        %broadcast_in_dim3A_426 = vector.broadcast %jit3A_423 : f32 to vector<8x128xf32>
        %select_n3A_427 = arith.select %broadcast_in_dim3A_425, %get3A_419, %broadcast_in_dim3A_426 : vector<8x128xi1>, vector<8x128xf32>
        %max3A_428 = arith.maximumf %while3A_412, %select_n3A_427 : vector<8x128xf32>
        %jit3A_429 = arith.constant 0.000000e+00 : f32
        %broadcast_in_dim3A_430 = vector.shape_cast %lt3A_422 : vector<8x1xi1> to vector<8x1xi1>
        %broadcast_in_dim3A_431 = vector.broadcast %broadcast_in_dim3A_430 : vector<8x1xi1> to vector<8x128xi1>
        %broadcast_in_dim3A_432 = vector.broadcast %jit3A_429 : f32 to vector<8x128xf32>
        %select_n3A_433 = arith.select %broadcast_in_dim3A_431, %get3A_419, %broadcast_in_dim3A_432 : vector<8x128xi1>, vector<8x128xf32>
        %add3A_434 = arith.addf %while3A_413, %select_n3A_433 : vector<8x128xf32>
        scf.yield %max3A_428, %add3A_434 : vector<8x128xf32>, vector<8x128xf32>
      }
      %reduce_max3A_123 = arith.constant dense<0xFF800000> : vector<128xf32>
      %reduce_max3A_124 = vector.multi_reduction <maximumf>, %while3A_122#0, %reduce_max3A_123 [0] : vector<8x128xf32> to vector<128xf32>
      %broadcast_in_dim3A_125 = vector.shape_cast %reduce_max3A_124 : vector<128xf32> to vector<1x128xf32>
      %reduce_sum3A_126 = arith.constant dense<0.000000e+00> : vector<128xf32>
      %reduce_sum3A_127 = vector.multi_reduction <add>, %while3A_122#1, %reduce_sum3A_126 [0] : vector<8x128xf32> to vector<128xf32>
      %broadcast_in_dim3A_128 = vector.shape_cast %reduce_sum3A_127 : vector<128xf32> to vector<1x128xf32>
      %sub3A_129 = arith.subi %get3A_106, %get3A_102 : i32
      %convert_element_type3A_130 = arith.sitofp %sub3A_129 : i32 to f32
      %gt3A_131 = arith.constant 0.000000e+00 : f32
      %gt3A_132 = arith.cmpf ogt, %convert_element_type3A_130, %gt3A_131 : f32
      %jit3A_133 = arith.constant 0.000000e+00 : f32
      %broadcast_in_dim3A_134 = vector.broadcast %jit3A_133 : f32 to vector<1x128xf32>
      %select_n3A_135 = arith.select %gt3A_132, %broadcast_in_dim3A_125, %broadcast_in_dim3A_134 : vector<1x128xf32>
      %max3A_136 = arith.constant 1.000000e+00 : f32
      %max3A_137 = arith.maximumf %convert_element_type3A_130, %max3A_136 : f32
      %div3A_138 = vector.broadcast %max3A_137 : f32 to vector<1x128xf32>
      %div3A_139 = arith.divf %broadcast_in_dim3A_128, %div3A_138 : vector<1x128xf32>
      %concatenate3A_140 = tpu.concatenate %select_n3A_135, %div3A_139 in 1 : vector<1x128xf32>, vector<1x128xf32> -> vector<1x256xf32>
      %mul3A_141 = arith.constant 8 : i32
      %mul3A_142 = arith.muli %scan3A_59, %mul3A_141 : i32
      %add3A_143 = arith.constant 2 : i32
      %add3A_144 = arith.addi %mul3A_142, %add3A_143 : i32
      %get3A_145 = arith.index_cast %add3A_144 : i32 to index
      %get3A_146 = memref.load %arg7[%get3A_145] : memref<257xi32, #tpu.memory_space<smem>>
      %add3A_147 = arith.constant 1 : i32
      %add3A_148 = arith.addi %add3A_144, %add3A_147 : i32
      %get3A_149 = arith.index_cast %add3A_148 : i32 to index
      %get3A_150 = memref.load %arg7[%get3A_149] : memref<257xi32, #tpu.memory_space<smem>>
      %sub3A_151 = arith.subi %get3A_150, %get3A_146 : i32
      %add3A_152 = arith.constant 7 : i32
      %add3A_153 = arith.addi %sub3A_151, %add3A_152 : i32
      %div3A_154 = arith.constant 8 : i32
      %div3A_155 = arith.divsi %add3A_153, %div3A_154 : i32
      %while3A_156 = arith.constant 0 : i32
      %while3A_157 = arith.subi %div3A_155, %while3A_156 : i32
      %while3A_158 = arith.addi %while3A_156, %while3A_157 : i32
      %while3A_159 = arith.constant 1 : i32
      %while3A_160 = arith.divsi %while3A_157, %while3A_159 : i32
      %while3A_161 = arith.muli %while3A_160, %while3A_159 : i32
      %while3A_162 = arith.addi %while3A_156, %while3A_161 : i32
      %while3A_163 = arith.constant 1 : i32
      %while3A_164:2 = scf.for %while3A_411 = %while3A_156 to %while3A_162 step %while3A_163 iter_args(%while3A_412 = %broadcast_in_dim3A_52, %while3A_413 = %broadcast_in_dim3A_54) -> (vector<8x128xf32>, vector<8x128xf32>)  : i32 {
        %mul3A_414 = arith.constant 8 : i32
        %mul3A_415 = arith.muli %while3A_411, %mul3A_414 : i32
        %add3A_416 = arith.addi %get3A_146, %mul3A_415 : i32
        %get3A_417 = arith.index_cast %add3A_416 : i32 to index
        %get3A_418 = arith.constant 0 : index
        %get3A_419 = vector.load %arg8[%get3A_417, %get3A_418] : memref<10008x128xf32, #tpu.memory_space<vmem>>, vector<8x128xf32>
        %iota3A = tpu.iota {dimensions = array<i32: 0>} : vector<8x1xi32>
        %add3A_420 = vector.broadcast %add3A_416 : i32 to vector<8x1xi32>
        %add3A_421 = arith.addi %add3A_420, %iota3A : vector<8x1xi32>
        %lt3A = vector.broadcast %get3A_150 : i32 to vector<8x1xi32>
        %lt3A_422 = arith.cmpi slt, %add3A_421, %lt3A : vector<8x1xi32>
        %jit3A_423 = arith.constant 0xFF800000 : f32
        %broadcast_in_dim3A_424 = vector.shape_cast %lt3A_422 : vector<8x1xi1> to vector<8x1xi1>
        %broadcast_in_dim3A_425 = vector.broadcast %broadcast_in_dim3A_424 : vector<8x1xi1> to vector<8x128xi1>
        %broadcast_in_dim3A_426 = vector.broadcast %jit3A_423 : f32 to vector<8x128xf32>
        %select_n3A_427 = arith.select %broadcast_in_dim3A_425, %get3A_419, %broadcast_in_dim3A_426 : vector<8x128xi1>, vector<8x128xf32>
        %max3A_428 = arith.maximumf %while3A_412, %select_n3A_427 : vector<8x128xf32>
        %jit3A_429 = arith.constant 0.000000e+00 : f32
        %broadcast_in_dim3A_430 = vector.shape_cast %lt3A_422 : vector<8x1xi1> to vector<8x1xi1>
        %broadcast_in_dim3A_431 = vector.broadcast %broadcast_in_dim3A_430 : vector<8x1xi1> to vector<8x128xi1>
        %broadcast_in_dim3A_432 = vector.broadcast %jit3A_429 : f32 to vector<8x128xf32>
        %select_n3A_433 = arith.select %broadcast_in_dim3A_431, %get3A_419, %broadcast_in_dim3A_432 : vector<8x128xi1>, vector<8x128xf32>
        %add3A_434 = arith.addf %while3A_413, %select_n3A_433 : vector<8x128xf32>
        scf.yield %max3A_428, %add3A_434 : vector<8x128xf32>, vector<8x128xf32>
      }
      %while3A_165 = arith.constant 1 : i32
      %while3A_166:2 = scf.for %while3A_411 = %while3A_162 to %while3A_158 step %while3A_165 iter_args(%while3A_412 = %while3A_164#0, %while3A_413 = %while3A_164#1) -> (vector<8x128xf32>, vector<8x128xf32>)  : i32 {
        %mul3A_414 = arith.constant 8 : i32
        %mul3A_415 = arith.muli %while3A_411, %mul3A_414 : i32
        %add3A_416 = arith.addi %get3A_146, %mul3A_415 : i32
        %get3A_417 = arith.index_cast %add3A_416 : i32 to index
        %get3A_418 = arith.constant 0 : index
        %get3A_419 = vector.load %arg8[%get3A_417, %get3A_418] : memref<10008x128xf32, #tpu.memory_space<vmem>>, vector<8x128xf32>
        %iota3A = tpu.iota {dimensions = array<i32: 0>} : vector<8x1xi32>
        %add3A_420 = vector.broadcast %add3A_416 : i32 to vector<8x1xi32>
        %add3A_421 = arith.addi %add3A_420, %iota3A : vector<8x1xi32>
        %lt3A = vector.broadcast %get3A_150 : i32 to vector<8x1xi32>
        %lt3A_422 = arith.cmpi slt, %add3A_421, %lt3A : vector<8x1xi32>
        %jit3A_423 = arith.constant 0xFF800000 : f32
        %broadcast_in_dim3A_424 = vector.shape_cast %lt3A_422 : vector<8x1xi1> to vector<8x1xi1>
        %broadcast_in_dim3A_425 = vector.broadcast %broadcast_in_dim3A_424 : vector<8x1xi1> to vector<8x128xi1>
        %broadcast_in_dim3A_426 = vector.broadcast %jit3A_423 : f32 to vector<8x128xf32>
        %select_n3A_427 = arith.select %broadcast_in_dim3A_425, %get3A_419, %broadcast_in_dim3A_426 : vector<8x128xi1>, vector<8x128xf32>
        %max3A_428 = arith.maximumf %while3A_412, %select_n3A_427 : vector<8x128xf32>
        %jit3A_429 = arith.constant 0.000000e+00 : f32
        %broadcast_in_dim3A_430 = vector.shape_cast %lt3A_422 : vector<8x1xi1> to vector<8x1xi1>
        %broadcast_in_dim3A_431 = vector.broadcast %broadcast_in_dim3A_430 : vector<8x1xi1> to vector<8x128xi1>
        %broadcast_in_dim3A_432 = vector.broadcast %jit3A_429 : f32 to vector<8x128xf32>
        %select_n3A_433 = arith.select %broadcast_in_dim3A_431, %get3A_419, %broadcast_in_dim3A_432 : vector<8x128xi1>, vector<8x128xf32>
        %add3A_434 = arith.addf %while3A_413, %select_n3A_433 : vector<8x128xf32>
        scf.yield %max3A_428, %add3A_434 : vector<8x128xf32>, vector<8x128xf32>
      }
      %reduce_max3A_167 = arith.constant dense<0xFF800000> : vector<128xf32>
      %reduce_max3A_168 = vector.multi_reduction <maximumf>, %while3A_166#0, %reduce_max3A_167 [0] : vector<8x128xf32> to vector<128xf32>
      %broadcast_in_dim3A_169 = vector.shape_cast %reduce_max3A_168 : vector<128xf32> to vector<1x128xf32>
      %reduce_sum3A_170 = arith.constant dense<0.000000e+00> : vector<128xf32>
      %reduce_sum3A_171 = vector.multi_reduction <add>, %while3A_166#1, %reduce_sum3A_170 [0] : vector<8x128xf32> to vector<128xf32>
      %broadcast_in_dim3A_172 = vector.shape_cast %reduce_sum3A_171 : vector<128xf32> to vector<1x128xf32>
      %sub3A_173 = arith.subi %get3A_150, %get3A_146 : i32
      %convert_element_type3A_174 = arith.sitofp %sub3A_173 : i32 to f32
      %gt3A_175 = arith.constant 0.000000e+00 : f32
      %gt3A_176 = arith.cmpf ogt, %convert_element_type3A_174, %gt3A_175 : f32
      %jit3A_177 = arith.constant 0.000000e+00 : f32
      %broadcast_in_dim3A_178 = vector.broadcast %jit3A_177 : f32 to vector<1x128xf32>
      %select_n3A_179 = arith.select %gt3A_176, %broadcast_in_dim3A_169, %broadcast_in_dim3A_178 : vector<1x128xf32>
      %max3A_180 = arith.constant 1.000000e+00 : f32
      %max3A_181 = arith.maximumf %convert_element_type3A_174, %max3A_180 : f32
      %div3A_182 = vector.broadcast %max3A_181 : f32 to vector<1x128xf32>
      %div3A_183 = arith.divf %broadcast_in_dim3A_172, %div3A_182 : vector<1x128xf32>
      %concatenate3A_184 = tpu.concatenate %select_n3A_179, %div3A_183 in 1 : vector<1x128xf32>, vector<1x128xf32> -> vector<1x256xf32>
      %mul3A_185 = arith.constant 8 : i32
      %mul3A_186 = arith.muli %scan3A_59, %mul3A_185 : i32
      %add3A_187 = arith.constant 3 : i32
      %add3A_188 = arith.addi %mul3A_186, %add3A_187 : i32
      %get3A_189 = arith.index_cast %add3A_188 : i32 to index
      %get3A_190 = memref.load %arg7[%get3A_189] : memref<257xi32, #tpu.memory_space<smem>>
      %add3A_191 = arith.constant 1 : i32
      %add3A_192 = arith.addi %add3A_188, %add3A_191 : i32
      %get3A_193 = arith.index_cast %add3A_192 : i32 to index
      %get3A_194 = memref.load %arg7[%get3A_193] : memref<257xi32, #tpu.memory_space<smem>>
      %sub3A_195 = arith.subi %get3A_194, %get3A_190 : i32
      %add3A_196 = arith.constant 7 : i32
      %add3A_197 = arith.addi %sub3A_195, %add3A_196 : i32
      %div3A_198 = arith.constant 8 : i32
      %div3A_199 = arith.divsi %add3A_197, %div3A_198 : i32
      %while3A_200 = arith.constant 0 : i32
      %while3A_201 = arith.subi %div3A_199, %while3A_200 : i32
      %while3A_202 = arith.addi %while3A_200, %while3A_201 : i32
      %while3A_203 = arith.constant 1 : i32
      %while3A_204 = arith.divsi %while3A_201, %while3A_203 : i32
      %while3A_205 = arith.muli %while3A_204, %while3A_203 : i32
      %while3A_206 = arith.addi %while3A_200, %while3A_205 : i32
      %while3A_207 = arith.constant 1 : i32
      %while3A_208:2 = scf.for %while3A_411 = %while3A_200 to %while3A_206 step %while3A_207 iter_args(%while3A_412 = %broadcast_in_dim3A_52, %while3A_413 = %broadcast_in_dim3A_54) -> (vector<8x128xf32>, vector<8x128xf32>)  : i32 {
        %mul3A_414 = arith.constant 8 : i32
        %mul3A_415 = arith.muli %while3A_411, %mul3A_414 : i32
        %add3A_416 = arith.addi %get3A_190, %mul3A_415 : i32
        %get3A_417 = arith.index_cast %add3A_416 : i32 to index
        %get3A_418 = arith.constant 0 : index
        %get3A_419 = vector.load %arg8[%get3A_417, %get3A_418] : memref<10008x128xf32, #tpu.memory_space<vmem>>, vector<8x128xf32>
        %iota3A = tpu.iota {dimensions = array<i32: 0>} : vector<8x1xi32>
        %add3A_420 = vector.broadcast %add3A_416 : i32 to vector<8x1xi32>
        %add3A_421 = arith.addi %add3A_420, %iota3A : vector<8x1xi32>
        %lt3A = vector.broadcast %get3A_194 : i32 to vector<8x1xi32>
        %lt3A_422 = arith.cmpi slt, %add3A_421, %lt3A : vector<8x1xi32>
        %jit3A_423 = arith.constant 0xFF800000 : f32
        %broadcast_in_dim3A_424 = vector.shape_cast %lt3A_422 : vector<8x1xi1> to vector<8x1xi1>
        %broadcast_in_dim3A_425 = vector.broadcast %broadcast_in_dim3A_424 : vector<8x1xi1> to vector<8x128xi1>
        %broadcast_in_dim3A_426 = vector.broadcast %jit3A_423 : f32 to vector<8x128xf32>
        %select_n3A_427 = arith.select %broadcast_in_dim3A_425, %get3A_419, %broadcast_in_dim3A_426 : vector<8x128xi1>, vector<8x128xf32>
        %max3A_428 = arith.maximumf %while3A_412, %select_n3A_427 : vector<8x128xf32>
        %jit3A_429 = arith.constant 0.000000e+00 : f32
        %broadcast_in_dim3A_430 = vector.shape_cast %lt3A_422 : vector<8x1xi1> to vector<8x1xi1>
        %broadcast_in_dim3A_431 = vector.broadcast %broadcast_in_dim3A_430 : vector<8x1xi1> to vector<8x128xi1>
        %broadcast_in_dim3A_432 = vector.broadcast %jit3A_429 : f32 to vector<8x128xf32>
        %select_n3A_433 = arith.select %broadcast_in_dim3A_431, %get3A_419, %broadcast_in_dim3A_432 : vector<8x128xi1>, vector<8x128xf32>
        %add3A_434 = arith.addf %while3A_413, %select_n3A_433 : vector<8x128xf32>
        scf.yield %max3A_428, %add3A_434 : vector<8x128xf32>, vector<8x128xf32>
      }
      %while3A_209 = arith.constant 1 : i32
      %while3A_210:2 = scf.for %while3A_411 = %while3A_206 to %while3A_202 step %while3A_209 iter_args(%while3A_412 = %while3A_208#0, %while3A_413 = %while3A_208#1) -> (vector<8x128xf32>, vector<8x128xf32>)  : i32 {
        %mul3A_414 = arith.constant 8 : i32
        %mul3A_415 = arith.muli %while3A_411, %mul3A_414 : i32
        %add3A_416 = arith.addi %get3A_190, %mul3A_415 : i32
        %get3A_417 = arith.index_cast %add3A_416 : i32 to index
        %get3A_418 = arith.constant 0 : index
        %get3A_419 = vector.load %arg8[%get3A_417, %get3A_418] : memref<10008x128xf32, #tpu.memory_space<vmem>>, vector<8x128xf32>
        %iota3A = tpu.iota {dimensions = array<i32: 0>} : vector<8x1xi32>
        %add3A_420 = vector.broadcast %add3A_416 : i32 to vector<8x1xi32>
        %add3A_421 = arith.addi %add3A_420, %iota3A : vector<8x1xi32>
        %lt3A = vector.broadcast %get3A_194 : i32 to vector<8x1xi32>
        %lt3A_422 = arith.cmpi slt, %add3A_421, %lt3A : vector<8x1xi32>
        %jit3A_423 = arith.constant 0xFF800000 : f32
        %broadcast_in_dim3A_424 = vector.shape_cast %lt3A_422 : vector<8x1xi1> to vector<8x1xi1>
        %broadcast_in_dim3A_425 = vector.broadcast %broadcast_in_dim3A_424 : vector<8x1xi1> to vector<8x128xi1>
        %broadcast_in_dim3A_426 = vector.broadcast %jit3A_423 : f32 to vector<8x128xf32>
        %select_n3A_427 = arith.select %broadcast_in_dim3A_425, %get3A_419, %broadcast_in_dim3A_426 : vector<8x128xi1>, vector<8x128xf32>
        %max3A_428 = arith.maximumf %while3A_412, %select_n3A_427 : vector<8x128xf32>
        %jit3A_429 = arith.constant 0.000000e+00 : f32
        %broadcast_in_dim3A_430 = vector.shape_cast %lt3A_422 : vector<8x1xi1> to vector<8x1xi1>
        %broadcast_in_dim3A_431 = vector.broadcast %broadcast_in_dim3A_430 : vector<8x1xi1> to vector<8x128xi1>
        %broadcast_in_dim3A_432 = vector.broadcast %jit3A_429 : f32 to vector<8x128xf32>
        %select_n3A_433 = arith.select %broadcast_in_dim3A_431, %get3A_419, %broadcast_in_dim3A_432 : vector<8x128xi1>, vector<8x128xf32>
        %add3A_434 = arith.addf %while3A_413, %select_n3A_433 : vector<8x128xf32>
        scf.yield %max3A_428, %add3A_434 : vector<8x128xf32>, vector<8x128xf32>
      }
      %reduce_max3A_211 = arith.constant dense<0xFF800000> : vector<128xf32>
      %reduce_max3A_212 = vector.multi_reduction <maximumf>, %while3A_210#0, %reduce_max3A_211 [0] : vector<8x128xf32> to vector<128xf32>
      %broadcast_in_dim3A_213 = vector.shape_cast %reduce_max3A_212 : vector<128xf32> to vector<1x128xf32>
      %reduce_sum3A_214 = arith.constant dense<0.000000e+00> : vector<128xf32>
      %reduce_sum3A_215 = vector.multi_reduction <add>, %while3A_210#1, %reduce_sum3A_214 [0] : vector<8x128xf32> to vector<128xf32>
      %broadcast_in_dim3A_216 = vector.shape_cast %reduce_sum3A_215 : vector<128xf32> to vector<1x128xf32>
      %sub3A_217 = arith.subi %get3A_194, %get3A_190 : i32
      %convert_element_type3A_218 = arith.sitofp %sub3A_217 : i32 to f32
      %gt3A_219 = arith.constant 0.000000e+00 : f32
      %gt3A_220 = arith.cmpf ogt, %convert_element_type3A_218, %gt3A_219 : f32
      %jit3A_221 = arith.constant 0.000000e+00 : f32
      %broadcast_in_dim3A_222 = vector.broadcast %jit3A_221 : f32 to vector<1x128xf32>
      %select_n3A_223 = arith.select %gt3A_220, %broadcast_in_dim3A_213, %broadcast_in_dim3A_222 : vector<1x128xf32>
      %max3A_224 = arith.constant 1.000000e+00 : f32
      %max3A_225 = arith.maximumf %convert_element_type3A_218, %max3A_224 : f32
      %div3A_226 = vector.broadcast %max3A_225 : f32 to vector<1x128xf32>
      %div3A_227 = arith.divf %broadcast_in_dim3A_216, %div3A_226 : vector<1x128xf32>
      %concatenate3A_228 = tpu.concatenate %select_n3A_223, %div3A_227 in 1 : vector<1x128xf32>, vector<1x128xf32> -> vector<1x256xf32>
      %mul3A_229 = arith.constant 8 : i32
      %mul3A_230 = arith.muli %scan3A_59, %mul3A_229 : i32
      %add3A_231 = arith.constant 4 : i32
      %add3A_232 = arith.addi %mul3A_230, %add3A_231 : i32
      %get3A_233 = arith.index_cast %add3A_232 : i32 to index
      %get3A_234 = memref.load %arg7[%get3A_233] : memref<257xi32, #tpu.memory_space<smem>>
      %add3A_235 = arith.constant 1 : i32
      %add3A_236 = arith.addi %add3A_232, %add3A_235 : i32
      %get3A_237 = arith.index_cast %add3A_236 : i32 to index
      %get3A_238 = memref.load %arg7[%get3A_237] : memref<257xi32, #tpu.memory_space<smem>>
      %sub3A_239 = arith.subi %get3A_238, %get3A_234 : i32
      %add3A_240 = arith.constant 7 : i32
      %add3A_241 = arith.addi %sub3A_239, %add3A_240 : i32
      %div3A_242 = arith.constant 8 : i32
      %div3A_243 = arith.divsi %add3A_241, %div3A_242 : i32
      %while3A_244 = arith.constant 0 : i32
      %while3A_245 = arith.subi %div3A_243, %while3A_244 : i32
      %while3A_246 = arith.addi %while3A_244, %while3A_245 : i32
      %while3A_247 = arith.constant 1 : i32
      %while3A_248 = arith.divsi %while3A_245, %while3A_247 : i32
      %while3A_249 = arith.muli %while3A_248, %while3A_247 : i32
      %while3A_250 = arith.addi %while3A_244, %while3A_249 : i32
      %while3A_251 = arith.constant 1 : i32
      %while3A_252:2 = scf.for %while3A_411 = %while3A_244 to %while3A_250 step %while3A_251 iter_args(%while3A_412 = %broadcast_in_dim3A_52, %while3A_413 = %broadcast_in_dim3A_54) -> (vector<8x128xf32>, vector<8x128xf32>)  : i32 {
        %mul3A_414 = arith.constant 8 : i32
        %mul3A_415 = arith.muli %while3A_411, %mul3A_414 : i32
        %add3A_416 = arith.addi %get3A_234, %mul3A_415 : i32
        %get3A_417 = arith.index_cast %add3A_416 : i32 to index
        %get3A_418 = arith.constant 0 : index
        %get3A_419 = vector.load %arg8[%get3A_417, %get3A_418] : memref<10008x128xf32, #tpu.memory_space<vmem>>, vector<8x128xf32>
        %iota3A = tpu.iota {dimensions = array<i32: 0>} : vector<8x1xi32>
        %add3A_420 = vector.broadcast %add3A_416 : i32 to vector<8x1xi32>
        %add3A_421 = arith.addi %add3A_420, %iota3A : vector<8x1xi32>
        %lt3A = vector.broadcast %get3A_238 : i32 to vector<8x1xi32>
        %lt3A_422 = arith.cmpi slt, %add3A_421, %lt3A : vector<8x1xi32>
        %jit3A_423 = arith.constant 0xFF800000 : f32
        %broadcast_in_dim3A_424 = vector.shape_cast %lt3A_422 : vector<8x1xi1> to vector<8x1xi1>
        %broadcast_in_dim3A_425 = vector.broadcast %broadcast_in_dim3A_424 : vector<8x1xi1> to vector<8x128xi1>
        %broadcast_in_dim3A_426 = vector.broadcast %jit3A_423 : f32 to vector<8x128xf32>
        %select_n3A_427 = arith.select %broadcast_in_dim3A_425, %get3A_419, %broadcast_in_dim3A_426 : vector<8x128xi1>, vector<8x128xf32>
        %max3A_428 = arith.maximumf %while3A_412, %select_n3A_427 : vector<8x128xf32>
        %jit3A_429 = arith.constant 0.000000e+00 : f32
        %broadcast_in_dim3A_430 = vector.shape_cast %lt3A_422 : vector<8x1xi1> to vector<8x1xi1>
        %broadcast_in_dim3A_431 = vector.broadcast %broadcast_in_dim3A_430 : vector<8x1xi1> to vector<8x128xi1>
        %broadcast_in_dim3A_432 = vector.broadcast %jit3A_429 : f32 to vector<8x128xf32>
        %select_n3A_433 = arith.select %broadcast_in_dim3A_431, %get3A_419, %broadcast_in_dim3A_432 : vector<8x128xi1>, vector<8x128xf32>
        %add3A_434 = arith.addf %while3A_413, %select_n3A_433 : vector<8x128xf32>
        scf.yield %max3A_428, %add3A_434 : vector<8x128xf32>, vector<8x128xf32>
      }
      %while3A_253 = arith.constant 1 : i32
      %while3A_254:2 = scf.for %while3A_411 = %while3A_250 to %while3A_246 step %while3A_253 iter_args(%while3A_412 = %while3A_252#0, %while3A_413 = %while3A_252#1) -> (vector<8x128xf32>, vector<8x128xf32>)  : i32 {
        %mul3A_414 = arith.constant 8 : i32
        %mul3A_415 = arith.muli %while3A_411, %mul3A_414 : i32
        %add3A_416 = arith.addi %get3A_234, %mul3A_415 : i32
        %get3A_417 = arith.index_cast %add3A_416 : i32 to index
        %get3A_418 = arith.constant 0 : index
        %get3A_419 = vector.load %arg8[%get3A_417, %get3A_418] : memref<10008x128xf32, #tpu.memory_space<vmem>>, vector<8x128xf32>
        %iota3A = tpu.iota {dimensions = array<i32: 0>} : vector<8x1xi32>
        %add3A_420 = vector.broadcast %add3A_416 : i32 to vector<8x1xi32>
        %add3A_421 = arith.addi %add3A_420, %iota3A : vector<8x1xi32>
        %lt3A = vector.broadcast %get3A_238 : i32 to vector<8x1xi32>
        %lt3A_422 = arith.cmpi slt, %add3A_421, %lt3A : vector<8x1xi32>
        %jit3A_423 = arith.constant 0xFF800000 : f32
        %broadcast_in_dim3A_424 = vector.shape_cast %lt3A_422 : vector<8x1xi1> to vector<8x1xi1>
        %broadcast_in_dim3A_425 = vector.broadcast %broadcast_in_dim3A_424 : vector<8x1xi1> to vector<8x128xi1>
        %broadcast_in_dim3A_426 = vector.broadcast %jit3A_423 : f32 to vector<8x128xf32>
        %select_n3A_427 = arith.select %broadcast_in_dim3A_425, %get3A_419, %broadcast_in_dim3A_426 : vector<8x128xi1>, vector<8x128xf32>
        %max3A_428 = arith.maximumf %while3A_412, %select_n3A_427 : vector<8x128xf32>
        %jit3A_429 = arith.constant 0.000000e+00 : f32
        %broadcast_in_dim3A_430 = vector.shape_cast %lt3A_422 : vector<8x1xi1> to vector<8x1xi1>
        %broadcast_in_dim3A_431 = vector.broadcast %broadcast_in_dim3A_430 : vector<8x1xi1> to vector<8x128xi1>
        %broadcast_in_dim3A_432 = vector.broadcast %jit3A_429 : f32 to vector<8x128xf32>
        %select_n3A_433 = arith.select %broadcast_in_dim3A_431, %get3A_419, %broadcast_in_dim3A_432 : vector<8x128xi1>, vector<8x128xf32>
        %add3A_434 = arith.addf %while3A_413, %select_n3A_433 : vector<8x128xf32>
        scf.yield %max3A_428, %add3A_434 : vector<8x128xf32>, vector<8x128xf32>
      }
      %reduce_max3A_255 = arith.constant dense<0xFF800000> : vector<128xf32>
      %reduce_max3A_256 = vector.multi_reduction <maximumf>, %while3A_254#0, %reduce_max3A_255 [0] : vector<8x128xf32> to vector<128xf32>
      %broadcast_in_dim3A_257 = vector.shape_cast %reduce_max3A_256 : vector<128xf32> to vector<1x128xf32>
      %reduce_sum3A_258 = arith.constant dense<0.000000e+00> : vector<128xf32>
      %reduce_sum3A_259 = vector.multi_reduction <add>, %while3A_254#1, %reduce_sum3A_258 [0] : vector<8x128xf32> to vector<128xf32>
      %broadcast_in_dim3A_260 = vector.shape_cast %reduce_sum3A_259 : vector<128xf32> to vector<1x128xf32>
      %sub3A_261 = arith.subi %get3A_238, %get3A_234 : i32
      %convert_element_type3A_262 = arith.sitofp %sub3A_261 : i32 to f32
      %gt3A_263 = arith.constant 0.000000e+00 : f32
      %gt3A_264 = arith.cmpf ogt, %convert_element_type3A_262, %gt3A_263 : f32
      %jit3A_265 = arith.constant 0.000000e+00 : f32
      %broadcast_in_dim3A_266 = vector.broadcast %jit3A_265 : f32 to vector<1x128xf32>
      %select_n3A_267 = arith.select %gt3A_264, %broadcast_in_dim3A_257, %broadcast_in_dim3A_266 : vector<1x128xf32>
      %max3A_268 = arith.constant 1.000000e+00 : f32
      %max3A_269 = arith.maximumf %convert_element_type3A_262, %max3A_268 : f32
      %div3A_270 = vector.broadcast %max3A_269 : f32 to vector<1x128xf32>
      %div3A_271 = arith.divf %broadcast_in_dim3A_260, %div3A_270 : vector<1x128xf32>
      %concatenate3A_272 = tpu.concatenate %select_n3A_267, %div3A_271 in 1 : vector<1x128xf32>, vector<1x128xf32> -> vector<1x256xf32>
      %mul3A_273 = arith.constant 8 : i32
      %mul3A_274 = arith.muli %scan3A_59, %mul3A_273 : i32
      %add3A_275 = arith.constant 5 : i32
      %add3A_276 = arith.addi %mul3A_274, %add3A_275 : i32
      %get3A_277 = arith.index_cast %add3A_276 : i32 to index
      %get3A_278 = memref.load %arg7[%get3A_277] : memref<257xi32, #tpu.memory_space<smem>>
      %add3A_279 = arith.constant 1 : i32
      %add3A_280 = arith.addi %add3A_276, %add3A_279 : i32
      %get3A_281 = arith.index_cast %add3A_280 : i32 to index
      %get3A_282 = memref.load %arg7[%get3A_281] : memref<257xi32, #tpu.memory_space<smem>>
      %sub3A_283 = arith.subi %get3A_282, %get3A_278 : i32
      %add3A_284 = arith.constant 7 : i32
      %add3A_285 = arith.addi %sub3A_283, %add3A_284 : i32
      %div3A_286 = arith.constant 8 : i32
      %div3A_287 = arith.divsi %add3A_285, %div3A_286 : i32
      %while3A_288 = arith.constant 0 : i32
      %while3A_289 = arith.subi %div3A_287, %while3A_288 : i32
      %while3A_290 = arith.addi %while3A_288, %while3A_289 : i32
      %while3A_291 = arith.constant 1 : i32
      %while3A_292 = arith.divsi %while3A_289, %while3A_291 : i32
      %while3A_293 = arith.muli %while3A_292, %while3A_291 : i32
      %while3A_294 = arith.addi %while3A_288, %while3A_293 : i32
      %while3A_295 = arith.constant 1 : i32
      %while3A_296:2 = scf.for %while3A_411 = %while3A_288 to %while3A_294 step %while3A_295 iter_args(%while3A_412 = %broadcast_in_dim3A_52, %while3A_413 = %broadcast_in_dim3A_54) -> (vector<8x128xf32>, vector<8x128xf32>)  : i32 {
        %mul3A_414 = arith.constant 8 : i32
        %mul3A_415 = arith.muli %while3A_411, %mul3A_414 : i32
        %add3A_416 = arith.addi %get3A_278, %mul3A_415 : i32
        %get3A_417 = arith.index_cast %add3A_416 : i32 to index
        %get3A_418 = arith.constant 0 : index
        %get3A_419 = vector.load %arg8[%get3A_417, %get3A_418] : memref<10008x128xf32, #tpu.memory_space<vmem>>, vector<8x128xf32>
        %iota3A = tpu.iota {dimensions = array<i32: 0>} : vector<8x1xi32>
        %add3A_420 = vector.broadcast %add3A_416 : i32 to vector<8x1xi32>
        %add3A_421 = arith.addi %add3A_420, %iota3A : vector<8x1xi32>
        %lt3A = vector.broadcast %get3A_282 : i32 to vector<8x1xi32>
        %lt3A_422 = arith.cmpi slt, %add3A_421, %lt3A : vector<8x1xi32>
        %jit3A_423 = arith.constant 0xFF800000 : f32
        %broadcast_in_dim3A_424 = vector.shape_cast %lt3A_422 : vector<8x1xi1> to vector<8x1xi1>
        %broadcast_in_dim3A_425 = vector.broadcast %broadcast_in_dim3A_424 : vector<8x1xi1> to vector<8x128xi1>
        %broadcast_in_dim3A_426 = vector.broadcast %jit3A_423 : f32 to vector<8x128xf32>
        %select_n3A_427 = arith.select %broadcast_in_dim3A_425, %get3A_419, %broadcast_in_dim3A_426 : vector<8x128xi1>, vector<8x128xf32>
        %max3A_428 = arith.maximumf %while3A_412, %select_n3A_427 : vector<8x128xf32>
        %jit3A_429 = arith.constant 0.000000e+00 : f32
        %broadcast_in_dim3A_430 = vector.shape_cast %lt3A_422 : vector<8x1xi1> to vector<8x1xi1>
        %broadcast_in_dim3A_431 = vector.broadcast %broadcast_in_dim3A_430 : vector<8x1xi1> to vector<8x128xi1>
        %broadcast_in_dim3A_432 = vector.broadcast %jit3A_429 : f32 to vector<8x128xf32>
        %select_n3A_433 = arith.select %broadcast_in_dim3A_431, %get3A_419, %broadcast_in_dim3A_432 : vector<8x128xi1>, vector<8x128xf32>
        %add3A_434 = arith.addf %while3A_413, %select_n3A_433 : vector<8x128xf32>
        scf.yield %max3A_428, %add3A_434 : vector<8x128xf32>, vector<8x128xf32>
      }
      %while3A_297 = arith.constant 1 : i32
      %while3A_298:2 = scf.for %while3A_411 = %while3A_294 to %while3A_290 step %while3A_297 iter_args(%while3A_412 = %while3A_296#0, %while3A_413 = %while3A_296#1) -> (vector<8x128xf32>, vector<8x128xf32>)  : i32 {
        %mul3A_414 = arith.constant 8 : i32
        %mul3A_415 = arith.muli %while3A_411, %mul3A_414 : i32
        %add3A_416 = arith.addi %get3A_278, %mul3A_415 : i32
        %get3A_417 = arith.index_cast %add3A_416 : i32 to index
        %get3A_418 = arith.constant 0 : index
        %get3A_419 = vector.load %arg8[%get3A_417, %get3A_418] : memref<10008x128xf32, #tpu.memory_space<vmem>>, vector<8x128xf32>
        %iota3A = tpu.iota {dimensions = array<i32: 0>} : vector<8x1xi32>
        %add3A_420 = vector.broadcast %add3A_416 : i32 to vector<8x1xi32>
        %add3A_421 = arith.addi %add3A_420, %iota3A : vector<8x1xi32>
        %lt3A = vector.broadcast %get3A_282 : i32 to vector<8x1xi32>
        %lt3A_422 = arith.cmpi slt, %add3A_421, %lt3A : vector<8x1xi32>
        %jit3A_423 = arith.constant 0xFF800000 : f32
        %broadcast_in_dim3A_424 = vector.shape_cast %lt3A_422 : vector<8x1xi1> to vector<8x1xi1>
        %broadcast_in_dim3A_425 = vector.broadcast %broadcast_in_dim3A_424 : vector<8x1xi1> to vector<8x128xi1>
        %broadcast_in_dim3A_426 = vector.broadcast %jit3A_423 : f32 to vector<8x128xf32>
        %select_n3A_427 = arith.select %broadcast_in_dim3A_425, %get3A_419, %broadcast_in_dim3A_426 : vector<8x128xi1>, vector<8x128xf32>
        %max3A_428 = arith.maximumf %while3A_412, %select_n3A_427 : vector<8x128xf32>
        %jit3A_429 = arith.constant 0.000000e+00 : f32
        %broadcast_in_dim3A_430 = vector.shape_cast %lt3A_422 : vector<8x1xi1> to vector<8x1xi1>
        %broadcast_in_dim3A_431 = vector.broadcast %broadcast_in_dim3A_430 : vector<8x1xi1> to vector<8x128xi1>
        %broadcast_in_dim3A_432 = vector.broadcast %jit3A_429 : f32 to vector<8x128xf32>
        %select_n3A_433 = arith.select %broadcast_in_dim3A_431, %get3A_419, %broadcast_in_dim3A_432 : vector<8x128xi1>, vector<8x128xf32>
        %add3A_434 = arith.addf %while3A_413, %select_n3A_433 : vector<8x128xf32>
        scf.yield %max3A_428, %add3A_434 : vector<8x128xf32>, vector<8x128xf32>
      }
      %reduce_max3A_299 = arith.constant dense<0xFF800000> : vector<128xf32>
      %reduce_max3A_300 = vector.multi_reduction <maximumf>, %while3A_298#0, %reduce_max3A_299 [0] : vector<8x128xf32> to vector<128xf32>
      %broadcast_in_dim3A_301 = vector.shape_cast %reduce_max3A_300 : vector<128xf32> to vector<1x128xf32>
      %reduce_sum3A_302 = arith.constant dense<0.000000e+00> : vector<128xf32>
      %reduce_sum3A_303 = vector.multi_reduction <add>, %while3A_298#1, %reduce_sum3A_302 [0] : vector<8x128xf32> to vector<128xf32>
      %broadcast_in_dim3A_304 = vector.shape_cast %reduce_sum3A_303 : vector<128xf32> to vector<1x128xf32>
      %sub3A_305 = arith.subi %get3A_282, %get3A_278 : i32
      %convert_element_type3A_306 = arith.sitofp %sub3A_305 : i32 to f32
      %gt3A_307 = arith.constant 0.000000e+00 : f32
      %gt3A_308 = arith.cmpf ogt, %convert_element_type3A_306, %gt3A_307 : f32
      %jit3A_309 = arith.constant 0.000000e+00 : f32
      %broadcast_in_dim3A_310 = vector.broadcast %jit3A_309 : f32 to vector<1x128xf32>
      %select_n3A_311 = arith.select %gt3A_308, %broadcast_in_dim3A_301, %broadcast_in_dim3A_310 : vector<1x128xf32>
      %max3A_312 = arith.constant 1.000000e+00 : f32
      %max3A_313 = arith.maximumf %convert_element_type3A_306, %max3A_312 : f32
      %div3A_314 = vector.broadcast %max3A_313 : f32 to vector<1x128xf32>
      %div3A_315 = arith.divf %broadcast_in_dim3A_304, %div3A_314 : vector<1x128xf32>
      %concatenate3A_316 = tpu.concatenate %select_n3A_311, %div3A_315 in 1 : vector<1x128xf32>, vector<1x128xf32> -> vector<1x256xf32>
      %mul3A_317 = arith.constant 8 : i32
      %mul3A_318 = arith.muli %scan3A_59, %mul3A_317 : i32
      %add3A_319 = arith.constant 6 : i32
      %add3A_320 = arith.addi %mul3A_318, %add3A_319 : i32
      %get3A_321 = arith.index_cast %add3A_320 : i32 to index
      %get3A_322 = memref.load %arg7[%get3A_321] : memref<257xi32, #tpu.memory_space<smem>>
      %add3A_323 = arith.constant 1 : i32
      %add3A_324 = arith.addi %add3A_320, %add3A_323 : i32
      %get3A_325 = arith.index_cast %add3A_324 : i32 to index
      %get3A_326 = memref.load %arg7[%get3A_325] : memref<257xi32, #tpu.memory_space<smem>>
      %sub3A_327 = arith.subi %get3A_326, %get3A_322 : i32
      %add3A_328 = arith.constant 7 : i32
      %add3A_329 = arith.addi %sub3A_327, %add3A_328 : i32
      %div3A_330 = arith.constant 8 : i32
      %div3A_331 = arith.divsi %add3A_329, %div3A_330 : i32
      %while3A_332 = arith.constant 0 : i32
      %while3A_333 = arith.subi %div3A_331, %while3A_332 : i32
      %while3A_334 = arith.addi %while3A_332, %while3A_333 : i32
      %while3A_335 = arith.constant 1 : i32
      %while3A_336 = arith.divsi %while3A_333, %while3A_335 : i32
      %while3A_337 = arith.muli %while3A_336, %while3A_335 : i32
      %while3A_338 = arith.addi %while3A_332, %while3A_337 : i32
      %while3A_339 = arith.constant 1 : i32
      %while3A_340:2 = scf.for %while3A_411 = %while3A_332 to %while3A_338 step %while3A_339 iter_args(%while3A_412 = %broadcast_in_dim3A_52, %while3A_413 = %broadcast_in_dim3A_54) -> (vector<8x128xf32>, vector<8x128xf32>)  : i32 {
        %mul3A_414 = arith.constant 8 : i32
        %mul3A_415 = arith.muli %while3A_411, %mul3A_414 : i32
        %add3A_416 = arith.addi %get3A_322, %mul3A_415 : i32
        %get3A_417 = arith.index_cast %add3A_416 : i32 to index
        %get3A_418 = arith.constant 0 : index
        %get3A_419 = vector.load %arg8[%get3A_417, %get3A_418] : memref<10008x128xf32, #tpu.memory_space<vmem>>, vector<8x128xf32>
        %iota3A = tpu.iota {dimensions = array<i32: 0>} : vector<8x1xi32>
        %add3A_420 = vector.broadcast %add3A_416 : i32 to vector<8x1xi32>
        %add3A_421 = arith.addi %add3A_420, %iota3A : vector<8x1xi32>
        %lt3A = vector.broadcast %get3A_326 : i32 to vector<8x1xi32>
        %lt3A_422 = arith.cmpi slt, %add3A_421, %lt3A : vector<8x1xi32>
        %jit3A_423 = arith.constant 0xFF800000 : f32
        %broadcast_in_dim3A_424 = vector.shape_cast %lt3A_422 : vector<8x1xi1> to vector<8x1xi1>
        %broadcast_in_dim3A_425 = vector.broadcast %broadcast_in_dim3A_424 : vector<8x1xi1> to vector<8x128xi1>
        %broadcast_in_dim3A_426 = vector.broadcast %jit3A_423 : f32 to vector<8x128xf32>
        %select_n3A_427 = arith.select %broadcast_in_dim3A_425, %get3A_419, %broadcast_in_dim3A_426 : vector<8x128xi1>, vector<8x128xf32>
        %max3A_428 = arith.maximumf %while3A_412, %select_n3A_427 : vector<8x128xf32>
        %jit3A_429 = arith.constant 0.000000e+00 : f32
        %broadcast_in_dim3A_430 = vector.shape_cast %lt3A_422 : vector<8x1xi1> to vector<8x1xi1>
        %broadcast_in_dim3A_431 = vector.broadcast %broadcast_in_dim3A_430 : vector<8x1xi1> to vector<8x128xi1>
        %broadcast_in_dim3A_432 = vector.broadcast %jit3A_429 : f32 to vector<8x128xf32>
        %select_n3A_433 = arith.select %broadcast_in_dim3A_431, %get3A_419, %broadcast_in_dim3A_432 : vector<8x128xi1>, vector<8x128xf32>
        %add3A_434 = arith.addf %while3A_413, %select_n3A_433 : vector<8x128xf32>
        scf.yield %max3A_428, %add3A_434 : vector<8x128xf32>, vector<8x128xf32>
      }
      %while3A_341 = arith.constant 1 : i32
      %while3A_342:2 = scf.for %while3A_411 = %while3A_338 to %while3A_334 step %while3A_341 iter_args(%while3A_412 = %while3A_340#0, %while3A_413 = %while3A_340#1) -> (vector<8x128xf32>, vector<8x128xf32>)  : i32 {
        %mul3A_414 = arith.constant 8 : i32
        %mul3A_415 = arith.muli %while3A_411, %mul3A_414 : i32
        %add3A_416 = arith.addi %get3A_322, %mul3A_415 : i32
        %get3A_417 = arith.index_cast %add3A_416 : i32 to index
        %get3A_418 = arith.constant 0 : index
        %get3A_419 = vector.load %arg8[%get3A_417, %get3A_418] : memref<10008x128xf32, #tpu.memory_space<vmem>>, vector<8x128xf32>
        %iota3A = tpu.iota {dimensions = array<i32: 0>} : vector<8x1xi32>
        %add3A_420 = vector.broadcast %add3A_416 : i32 to vector<8x1xi32>
        %add3A_421 = arith.addi %add3A_420, %iota3A : vector<8x1xi32>
        %lt3A = vector.broadcast %get3A_326 : i32 to vector<8x1xi32>
        %lt3A_422 = arith.cmpi slt, %add3A_421, %lt3A : vector<8x1xi32>
        %jit3A_423 = arith.constant 0xFF800000 : f32
        %broadcast_in_dim3A_424 = vector.shape_cast %lt3A_422 : vector<8x1xi1> to vector<8x1xi1>
        %broadcast_in_dim3A_425 = vector.broadcast %broadcast_in_dim3A_424 : vector<8x1xi1> to vector<8x128xi1>
        %broadcast_in_dim3A_426 = vector.broadcast %jit3A_423 : f32 to vector<8x128xf32>
        %select_n3A_427 = arith.select %broadcast_in_dim3A_425, %get3A_419, %broadcast_in_dim3A_426 : vector<8x128xi1>, vector<8x128xf32>
        %max3A_428 = arith.maximumf %while3A_412, %select_n3A_427 : vector<8x128xf32>
        %jit3A_429 = arith.constant 0.000000e+00 : f32
        %broadcast_in_dim3A_430 = vector.shape_cast %lt3A_422 : vector<8x1xi1> to vector<8x1xi1>
        %broadcast_in_dim3A_431 = vector.broadcast %broadcast_in_dim3A_430 : vector<8x1xi1> to vector<8x128xi1>
        %broadcast_in_dim3A_432 = vector.broadcast %jit3A_429 : f32 to vector<8x128xf32>
        %select_n3A_433 = arith.select %broadcast_in_dim3A_431, %get3A_419, %broadcast_in_dim3A_432 : vector<8x128xi1>, vector<8x128xf32>
        %add3A_434 = arith.addf %while3A_413, %select_n3A_433 : vector<8x128xf32>
        scf.yield %max3A_428, %add3A_434 : vector<8x128xf32>, vector<8x128xf32>
      }
      %reduce_max3A_343 = arith.constant dense<0xFF800000> : vector<128xf32>
      %reduce_max3A_344 = vector.multi_reduction <maximumf>, %while3A_342#0, %reduce_max3A_343 [0] : vector<8x128xf32> to vector<128xf32>
      %broadcast_in_dim3A_345 = vector.shape_cast %reduce_max3A_344 : vector<128xf32> to vector<1x128xf32>
      %reduce_sum3A_346 = arith.constant dense<0.000000e+00> : vector<128xf32>
      %reduce_sum3A_347 = vector.multi_reduction <add>, %while3A_342#1, %reduce_sum3A_346 [0] : vector<8x128xf32> to vector<128xf32>
      %broadcast_in_dim3A_348 = vector.shape_cast %reduce_sum3A_347 : vector<128xf32> to vector<1x128xf32>
      %sub3A_349 = arith.subi %get3A_326, %get3A_322 : i32
      %convert_element_type3A_350 = arith.sitofp %sub3A_349 : i32 to f32
      %gt3A_351 = arith.constant 0.000000e+00 : f32
      %gt3A_352 = arith.cmpf ogt, %convert_element_type3A_350, %gt3A_351 : f32
      %jit3A_353 = arith.constant 0.000000e+00 : f32
      %broadcast_in_dim3A_354 = vector.broadcast %jit3A_353 : f32 to vector<1x128xf32>
      %select_n3A_355 = arith.select %gt3A_352, %broadcast_in_dim3A_345, %broadcast_in_dim3A_354 : vector<1x128xf32>
      %max3A_356 = arith.constant 1.000000e+00 : f32
      %max3A_357 = arith.maximumf %convert_element_type3A_350, %max3A_356 : f32
      %div3A_358 = vector.broadcast %max3A_357 : f32 to vector<1x128xf32>
      %div3A_359 = arith.divf %broadcast_in_dim3A_348, %div3A_358 : vector<1x128xf32>
      %concatenate3A_360 = tpu.concatenate %select_n3A_355, %div3A_359 in 1 : vector<1x128xf32>, vector<1x128xf32> -> vector<1x256xf32>
      %mul3A_361 = arith.constant 8 : i32
      %mul3A_362 = arith.muli %scan3A_59, %mul3A_361 : i32
      %add3A_363 = arith.constant 7 : i32
      %add3A_364 = arith.addi %mul3A_362, %add3A_363 : i32
      %get3A_365 = arith.index_cast %add3A_364 : i32 to index
      %get3A_366 = memref.load %arg7[%get3A_365] : memref<257xi32, #tpu.memory_space<smem>>
      %add3A_367 = arith.constant 1 : i32
      %add3A_368 = arith.addi %add3A_364, %add3A_367 : i32
      %get3A_369 = arith.index_cast %add3A_368 : i32 to index
      %get3A_370 = memref.load %arg7[%get3A_369] : memref<257xi32, #tpu.memory_space<smem>>
      %sub3A_371 = arith.subi %get3A_370, %get3A_366 : i32
      %add3A_372 = arith.constant 7 : i32
      %add3A_373 = arith.addi %sub3A_371, %add3A_372 : i32
      %div3A_374 = arith.constant 8 : i32
      %div3A_375 = arith.divsi %add3A_373, %div3A_374 : i32
      %while3A_376 = arith.constant 0 : i32
      %while3A_377 = arith.subi %div3A_375, %while3A_376 : i32
      %while3A_378 = arith.addi %while3A_376, %while3A_377 : i32
      %while3A_379 = arith.constant 1 : i32
      %while3A_380 = arith.divsi %while3A_377, %while3A_379 : i32
      %while3A_381 = arith.muli %while3A_380, %while3A_379 : i32
      %while3A_382 = arith.addi %while3A_376, %while3A_381 : i32
      %while3A_383 = arith.constant 1 : i32
      %while3A_384:2 = scf.for %while3A_411 = %while3A_376 to %while3A_382 step %while3A_383 iter_args(%while3A_412 = %broadcast_in_dim3A_52, %while3A_413 = %broadcast_in_dim3A_54) -> (vector<8x128xf32>, vector<8x128xf32>)  : i32 {
        %mul3A_414 = arith.constant 8 : i32
        %mul3A_415 = arith.muli %while3A_411, %mul3A_414 : i32
        %add3A_416 = arith.addi %get3A_366, %mul3A_415 : i32
        %get3A_417 = arith.index_cast %add3A_416 : i32 to index
        %get3A_418 = arith.constant 0 : index
        %get3A_419 = vector.load %arg8[%get3A_417, %get3A_418] : memref<10008x128xf32, #tpu.memory_space<vmem>>, vector<8x128xf32>
        %iota3A = tpu.iota {dimensions = array<i32: 0>} : vector<8x1xi32>
        %add3A_420 = vector.broadcast %add3A_416 : i32 to vector<8x1xi32>
        %add3A_421 = arith.addi %add3A_420, %iota3A : vector<8x1xi32>
        %lt3A = vector.broadcast %get3A_370 : i32 to vector<8x1xi32>
        %lt3A_422 = arith.cmpi slt, %add3A_421, %lt3A : vector<8x1xi32>
        %jit3A_423 = arith.constant 0xFF800000 : f32
        %broadcast_in_dim3A_424 = vector.shape_cast %lt3A_422 : vector<8x1xi1> to vector<8x1xi1>
        %broadcast_in_dim3A_425 = vector.broadcast %broadcast_in_dim3A_424 : vector<8x1xi1> to vector<8x128xi1>
        %broadcast_in_dim3A_426 = vector.broadcast %jit3A_423 : f32 to vector<8x128xf32>
        %select_n3A_427 = arith.select %broadcast_in_dim3A_425, %get3A_419, %broadcast_in_dim3A_426 : vector<8x128xi1>, vector<8x128xf32>
        %max3A_428 = arith.maximumf %while3A_412, %select_n3A_427 : vector<8x128xf32>
        %jit3A_429 = arith.constant 0.000000e+00 : f32
        %broadcast_in_dim3A_430 = vector.shape_cast %lt3A_422 : vector<8x1xi1> to vector<8x1xi1>
        %broadcast_in_dim3A_431 = vector.broadcast %broadcast_in_dim3A_430 : vector<8x1xi1> to vector<8x128xi1>
        %broadcast_in_dim3A_432 = vector.broadcast %jit3A_429 : f32 to vector<8x128xf32>
        %select_n3A_433 = arith.select %broadcast_in_dim3A_431, %get3A_419, %broadcast_in_dim3A_432 : vector<8x128xi1>, vector<8x128xf32>
        %add3A_434 = arith.addf %while3A_413, %select_n3A_433 : vector<8x128xf32>
        scf.yield %max3A_428, %add3A_434 : vector<8x128xf32>, vector<8x128xf32>
      }
      %while3A_385 = arith.constant 1 : i32
      %while3A_386:2 = scf.for %while3A_411 = %while3A_382 to %while3A_378 step %while3A_385 iter_args(%while3A_412 = %while3A_384#0, %while3A_413 = %while3A_384#1) -> (vector<8x128xf32>, vector<8x128xf32>)  : i32 {
        %mul3A_414 = arith.constant 8 : i32
        %mul3A_415 = arith.muli %while3A_411, %mul3A_414 : i32
        %add3A_416 = arith.addi %get3A_366, %mul3A_415 : i32
        %get3A_417 = arith.index_cast %add3A_416 : i32 to index
        %get3A_418 = arith.constant 0 : index
        %get3A_419 = vector.load %arg8[%get3A_417, %get3A_418] : memref<10008x128xf32, #tpu.memory_space<vmem>>, vector<8x128xf32>
        %iota3A = tpu.iota {dimensions = array<i32: 0>} : vector<8x1xi32>
        %add3A_420 = vector.broadcast %add3A_416 : i32 to vector<8x1xi32>
        %add3A_421 = arith.addi %add3A_420, %iota3A : vector<8x1xi32>
        %lt3A = vector.broadcast %get3A_370 : i32 to vector<8x1xi32>
        %lt3A_422 = arith.cmpi slt, %add3A_421, %lt3A : vector<8x1xi32>
        %jit3A_423 = arith.constant 0xFF800000 : f32
        %broadcast_in_dim3A_424 = vector.shape_cast %lt3A_422 : vector<8x1xi1> to vector<8x1xi1>
        %broadcast_in_dim3A_425 = vector.broadcast %broadcast_in_dim3A_424 : vector<8x1xi1> to vector<8x128xi1>
        %broadcast_in_dim3A_426 = vector.broadcast %jit3A_423 : f32 to vector<8x128xf32>
        %select_n3A_427 = arith.select %broadcast_in_dim3A_425, %get3A_419, %broadcast_in_dim3A_426 : vector<8x128xi1>, vector<8x128xf32>
        %max3A_428 = arith.maximumf %while3A_412, %select_n3A_427 : vector<8x128xf32>
        %jit3A_429 = arith.constant 0.000000e+00 : f32
        %broadcast_in_dim3A_430 = vector.shape_cast %lt3A_422 : vector<8x1xi1> to vector<8x1xi1>
        %broadcast_in_dim3A_431 = vector.broadcast %broadcast_in_dim3A_430 : vector<8x1xi1> to vector<8x128xi1>
        %broadcast_in_dim3A_432 = vector.broadcast %jit3A_429 : f32 to vector<8x128xf32>
        %select_n3A_433 = arith.select %broadcast_in_dim3A_431, %get3A_419, %broadcast_in_dim3A_432 : vector<8x128xi1>, vector<8x128xf32>
        %add3A_434 = arith.addf %while3A_413, %select_n3A_433 : vector<8x128xf32>
        scf.yield %max3A_428, %add3A_434 : vector<8x128xf32>, vector<8x128xf32>
      }
      %reduce_max3A_387 = arith.constant dense<0xFF800000> : vector<128xf32>
      %reduce_max3A_388 = vector.multi_reduction <maximumf>, %while3A_386#0, %reduce_max3A_387 [0] : vector<8x128xf32> to vector<128xf32>
      %broadcast_in_dim3A_389 = vector.shape_cast %reduce_max3A_388 : vector<128xf32> to vector<1x128xf32>
      %reduce_sum3A_390 = arith.constant dense<0.000000e+00> : vector<128xf32>
      %reduce_sum3A_391 = vector.multi_reduction <add>, %while3A_386#1, %reduce_sum3A_390 [0] : vector<8x128xf32> to vector<128xf32>
      %broadcast_in_dim3A_392 = vector.shape_cast %reduce_sum3A_391 : vector<128xf32> to vector<1x128xf32>
      %sub3A_393 = arith.subi %get3A_370, %get3A_366 : i32
      %convert_element_type3A_394 = arith.sitofp %sub3A_393 : i32 to f32
      %gt3A_395 = arith.constant 0.000000e+00 : f32
      %gt3A_396 = arith.cmpf ogt, %convert_element_type3A_394, %gt3A_395 : f32
      %jit3A_397 = arith.constant 0.000000e+00 : f32
      %broadcast_in_dim3A_398 = vector.broadcast %jit3A_397 : f32 to vector<1x128xf32>
      %select_n3A_399 = arith.select %gt3A_396, %broadcast_in_dim3A_389, %broadcast_in_dim3A_398 : vector<1x128xf32>
      %max3A_400 = arith.constant 1.000000e+00 : f32
      %max3A_401 = arith.maximumf %convert_element_type3A_394, %max3A_400 : f32
      %div3A_402 = vector.broadcast %max3A_401 : f32 to vector<1x128xf32>
      %div3A_403 = arith.divf %broadcast_in_dim3A_392, %div3A_402 : vector<1x128xf32>
      %concatenate3A_404 = tpu.concatenate %select_n3A_399, %div3A_403 in 1 : vector<1x128xf32>, vector<1x128xf32> -> vector<1x256xf32>
      %concatenate3A_405 = tpu.concatenate %concatenate3A, %concatenate3A_140, %concatenate3A_184, %concatenate3A_228, %concatenate3A_272, %concatenate3A_316, %concatenate3A_360, %concatenate3A_404 in 0 : vector<1x256xf32>, vector<1x256xf32>, vector<1x256xf32>, vector<1x256xf32>, vector<1x256xf32>, vector<1x256xf32>, vector<1x256xf32>, vector<1x256xf32> -> vector<8x256xf32>
      %mul3A_406 = arith.constant 8 : i32
      %mul3A_407 = arith.muli %scan3A_59, %mul3A_406 : i32
      %multiple_of3A = tpu.assume_multiple %mul3A_407, 8 : i32
      %swap3A_408 = arith.index_cast %multiple_of3A : i32 to index
      %swap3A_409 = arith.constant 0 : index
      %swap3A_410 = vector.load %arg9[%swap3A_408, %swap3A_409] : memref<256x256xf32, #tpu.memory_space<vmem>>, vector<8x256xf32>
      tpu.vector_store %arg9[%swap3A_408, %swap3A_409], %concatenate3A_405 {strides = array<i32>} : memref<256x256xf32, #tpu.memory_space<vmem>>, vector<8x256xf32>,
    }
    %scan3A_58 = arith.constant 32 : i32
    return
  }
}

module attributes {stable_mosaic.version = 14 : i64} {
  func.func @body(%arg0: memref<256x256xf32, #tpu.memory_space<vmem>>, %arg1: memref<256x256xf32, #tpu.memory_space<vmem>>, %arg2: memref<256x256xf32, #tpu.memory_space<vmem>>, %arg3: memref<256x1024xf32, #tpu.memory_space<vmem>>, %arg4: memref<1x1024xf32, #tpu.memory_space<vmem>>, %arg5: memref<1x1024xf32, #tpu.memory_space<vmem>>, %arg6: memref<1x1024xf32, #tpu.memory_space<vmem>>, %arg7: memref<1024x64xf32, #tpu.memory_space<vmem>>, %arg8: memref<1x64xf32, #tpu.memory_space<vmem>>, %arg9: memref<1x64xf32, #tpu.memory_space<vmem>>, %arg10: memref<1x64xf32, #tpu.memory_space<vmem>>, %arg11: memref<64x1xf32, #tpu.memory_space<vmem>>, %arg12: memref<1x1xf32, #tpu.memory_space<vmem>>, %arg13: memref<256x1xf32, #tpu.memory_space<vmem>>) attributes {dimension_semantics = [], scalar_prefetch = 0 : i64, scratch_operands = 0 : i64, tpu.core_type = #tpu.core_type<tc>} {
    %get3A = arith.constant 0 : index
    %get3A_0 = arith.constant 0 : index
    %get3A_1 = vector.load %arg0[%get3A, %get3A_0] : memref<256x256xf32, #tpu.memory_space<vmem>>, vector<256x256xf32>
    %get3A_2 = arith.constant 0 : index
    %get3A_3 = arith.constant 0 : index
    %get3A_4 = vector.load %arg1[%get3A_2, %get3A_3] : memref<256x256xf32, #tpu.memory_space<vmem>>, vector<256x256xf32>
    %add3A = arith.addf %get3A_1, %get3A_4 : vector<256x256xf32>
    %get3A_5 = arith.constant 0 : index
    %get3A_6 = arith.constant 0 : index
    %get3A_7 = vector.load %arg2[%get3A_5, %get3A_6] : memref<256x256xf32, #tpu.memory_space<vmem>>, vector<256x256xf32>
    %add3A_8 = arith.addf %add3A, %get3A_7 : vector<256x256xf32>
    %convert_element_type3A = arith.truncf %add3A_8 : vector<256x256xf32> to vector<256x256xbf16>
    %get3A_9 = arith.constant 0 : index
    %get3A_10 = arith.constant 0 : index
    %get3A_11 = vector.load %arg3[%get3A_9, %get3A_10] : memref<256x1024xf32, #tpu.memory_space<vmem>>, vector<256x1024xf32>
    %convert_element_type3A_12 = arith.truncf %get3A_11 : vector<256x1024xf32> to vector<256x1024xbf16>
    %dot_general3A = arith.constant dense<0.000000e+00> : vector<256x1024xf32>
    %dot_general3A_13 = tpu.matmul %convert_element_type3A, %convert_element_type3A_12, %dot_general3A {dimension_numbers = #tpu.dot_dimension_numbers<[1], [0], [0], [1], [0, 0, 1, 1], [], []>, transpose_lhs_hint = false} : vector<256x256xbf16>, vector<256x1024xbf16>, vector<256x1024xf32> -> vector<256x1024xf32>
    %get3A_14 = arith.constant 0 : index
    %get3A_15 = arith.constant 0 : index
    %get3A_16 = vector.load %arg4[%get3A_14, %get3A_15] : memref<1x1024xf32, #tpu.memory_space<vmem>>, vector<1x1024xf32>
    %add3A_17 = vector.broadcast %get3A_16 : vector<1x1024xf32> to vector<256x1024xf32>
    %add3A_18 = arith.addf %dot_general3A_13, %add3A_17 : vector<256x1024xf32>
    %gt3A = arith.constant 0.000000e+00 : f32
    %gt3A_19 = vector.broadcast %gt3A : f32 to vector<256x1024xf32>
    %gt3A_20 = arith.cmpf ogt, %add3A_18, %gt3A_19 : vector<256x1024xf32>
    %mul3A = arith.constant 0.00999999977 : f32
    %mul3A_21 = vector.broadcast %mul3A : f32 to vector<256x1024xf32>
    %mul3A_22 = arith.mulf %mul3A_21, %add3A_18 : vector<256x1024xf32>
    %select_n3A = arith.select %gt3A_20, %add3A_18, %mul3A_22 : vector<256x1024xi1>, vector<256x1024xf32>
    %reduce_sum3A = arith.constant dense<0.000000e+00> : vector<1024xf32>
    %reduce_sum3A_23 = vector.multi_reduction <add>, %select_n3A, %reduce_sum3A [0] : vector<256x1024xf32> to vector<1024xf32>
    %broadcast_in_dim3A = vector.shape_cast %reduce_sum3A_23 : vector<1024xf32> to vector<1x1024xf32>
    %div3A = arith.constant 2.560000e+02 : f32
    %div3A_24 = vector.broadcast %div3A : f32 to vector<1x1024xf32>
    %div3A_25 = arith.divf %broadcast_in_dim3A, %div3A_24 : vector<1x1024xf32>
    %sub3A = vector.broadcast %div3A_25 : vector<1x1024xf32> to vector<256x1024xf32>
    %sub3A_26 = arith.subf %select_n3A, %sub3A : vector<256x1024xf32>
    %mul3A_27 = arith.mulf %sub3A_26, %sub3A_26 : vector<256x1024xf32>
    %reduce_sum3A_28 = arith.constant dense<0.000000e+00> : vector<1024xf32>
    %reduce_sum3A_29 = vector.multi_reduction <add>, %mul3A_27, %reduce_sum3A_28 [0] : vector<256x1024xf32> to vector<1024xf32>
    %broadcast_in_dim3A_30 = vector.shape_cast %reduce_sum3A_29 : vector<1024xf32> to vector<1x1024xf32>
    %div3A_31 = arith.constant 2.560000e+02 : f32
    %div3A_32 = vector.broadcast %div3A_31 : f32 to vector<1x1024xf32>
    %div3A_33 = arith.divf %broadcast_in_dim3A_30, %div3A_32 : vector<1x1024xf32>
    %add3A_34 = arith.constant 9.99999974E-6 : f32
    %add3A_35 = vector.broadcast %add3A_34 : f32 to vector<1x1024xf32>
    %add3A_36 = arith.addf %div3A_33, %add3A_35 : vector<1x1024xf32>
    %sqrt3A = math.sqrt %add3A_36 : vector<1x1024xf32>
    %div3A_37 = vector.broadcast %sqrt3A : vector<1x1024xf32> to vector<256x1024xf32>
    %div3A_38 = arith.divf %sub3A_26, %div3A_37 : vector<256x1024xf32>
    %get3A_39 = arith.constant 0 : index
    %get3A_40 = arith.constant 0 : index
    %get3A_41 = vector.load %arg5[%get3A_39, %get3A_40] : memref<1x1024xf32, #tpu.memory_space<vmem>>, vector<1x1024xf32>
    %mul3A_42 = vector.broadcast %get3A_41 : vector<1x1024xf32> to vector<256x1024xf32>
    %mul3A_43 = arith.mulf %div3A_38, %mul3A_42 : vector<256x1024xf32>
    %get3A_44 = arith.constant 0 : index
    %get3A_45 = arith.constant 0 : index
    %get3A_46 = vector.load %arg6[%get3A_44, %get3A_45] : memref<1x1024xf32, #tpu.memory_space<vmem>>, vector<1x1024xf32>
    %add3A_47 = vector.broadcast %get3A_46 : vector<1x1024xf32> to vector<256x1024xf32>
    %add3A_48 = arith.addf %mul3A_43, %add3A_47 : vector<256x1024xf32>
    %convert_element_type3A_49 = arith.truncf %add3A_48 : vector<256x1024xf32> to vector<256x1024xbf16>
    %get3A_50 = arith.constant 0 : index
    %get3A_51 = arith.constant 0 : index
    %get3A_52 = vector.load %arg7[%get3A_50, %get3A_51] : memref<1024x64xf32, #tpu.memory_space<vmem>>, vector<1024x64xf32>
    %convert_element_type3A_53 = arith.truncf %get3A_52 : vector<1024x64xf32> to vector<1024x64xbf16>
    %dot_general3A_54 = arith.constant dense<0.000000e+00> : vector<256x64xf32>
    %dot_general3A_55 = tpu.matmul %convert_element_type3A_49, %convert_element_type3A_53, %dot_general3A_54 {dimension_numbers = #tpu.dot_dimension_numbers<[1], [0], [0], [1], [0, 0, 1, 1], [], []>, transpose_lhs_hint = false} : vector<256x1024xbf16>, vector<1024x64xbf16>, vector<256x64xf32> -> vector<256x64xf32>
    %get3A_56 = arith.constant 0 : index
    %get3A_57 = arith.constant 0 : index
    %get3A_58 = vector.load %arg8[%get3A_56, %get3A_57] : memref<1x64xf32, #tpu.memory_space<vmem>>, vector<1x64xf32>
    %add3A_59 = vector.broadcast %get3A_58 : vector<1x64xf32> to vector<256x64xf32>
    %add3A_60 = arith.addf %dot_general3A_55, %add3A_59 : vector<256x64xf32>
    %gt3A_61 = arith.constant 0.000000e+00 : f32
    %gt3A_62 = vector.broadcast %gt3A_61 : f32 to vector<256x64xf32>
    %gt3A_63 = arith.cmpf ogt, %add3A_60, %gt3A_62 : vector<256x64xf32>
    %mul3A_64 = arith.constant 0.00999999977 : f32
    %mul3A_65 = vector.broadcast %mul3A_64 : f32 to vector<256x64xf32>
    %mul3A_66 = arith.mulf %mul3A_65, %add3A_60 : vector<256x64xf32>
    %select_n3A_67 = arith.select %gt3A_63, %add3A_60, %mul3A_66 : vector<256x64xi1>, vector<256x64xf32>
    %reduce_sum3A_68 = arith.constant dense<0.000000e+00> : vector<64xf32>
    %reduce_sum3A_69 = vector.multi_reduction <add>, %select_n3A_67, %reduce_sum3A_68 [0] : vector<256x64xf32> to vector<64xf32>
    %broadcast_in_dim3A_70 = vector.shape_cast %reduce_sum3A_69 : vector<64xf32> to vector<1x64xf32>
    %div3A_71 = arith.constant 2.560000e+02 : f32
    %div3A_72 = vector.broadcast %div3A_71 : f32 to vector<1x64xf32>
    %div3A_73 = arith.divf %broadcast_in_dim3A_70, %div3A_72 : vector<1x64xf32>
    %sub3A_74 = vector.broadcast %div3A_73 : vector<1x64xf32> to vector<256x64xf32>
    %sub3A_75 = arith.subf %select_n3A_67, %sub3A_74 : vector<256x64xf32>
    %mul3A_76 = arith.mulf %sub3A_75, %sub3A_75 : vector<256x64xf32>
    %reduce_sum3A_77 = arith.constant dense<0.000000e+00> : vector<64xf32>
    %reduce_sum3A_78 = vector.multi_reduction <add>, %mul3A_76, %reduce_sum3A_77 [0] : vector<256x64xf32> to vector<64xf32>
    %broadcast_in_dim3A_79 = vector.shape_cast %reduce_sum3A_78 : vector<64xf32> to vector<1x64xf32>
    %div3A_80 = arith.constant 2.560000e+02 : f32
    %div3A_81 = vector.broadcast %div3A_80 : f32 to vector<1x64xf32>
    %div3A_82 = arith.divf %broadcast_in_dim3A_79, %div3A_81 : vector<1x64xf32>
    %add3A_83 = arith.constant 9.99999974E-6 : f32
    %add3A_84 = vector.broadcast %add3A_83 : f32 to vector<1x64xf32>
    %add3A_85 = arith.addf %div3A_82, %add3A_84 : vector<1x64xf32>
    %sqrt3A_86 = math.sqrt %add3A_85 : vector<1x64xf32>
    %div3A_87 = vector.broadcast %sqrt3A_86 : vector<1x64xf32> to vector<256x64xf32>
    %div3A_88 = arith.divf %sub3A_75, %div3A_87 : vector<256x64xf32>
    %get3A_89 = arith.constant 0 : index
    %get3A_90 = arith.constant 0 : index
    %get3A_91 = vector.load %arg9[%get3A_89, %get3A_90] : memref<1x64xf32, #tpu.memory_space<vmem>>, vector<1x64xf32>
    %mul3A_92 = vector.broadcast %get3A_91 : vector<1x64xf32> to vector<256x64xf32>
    %mul3A_93 = arith.mulf %div3A_88, %mul3A_92 : vector<256x64xf32>
    %get3A_94 = arith.constant 0 : index
    %get3A_95 = arith.constant 0 : index
    %get3A_96 = vector.load %arg10[%get3A_94, %get3A_95] : memref<1x64xf32, #tpu.memory_space<vmem>>, vector<1x64xf32>
    %add3A_97 = vector.broadcast %get3A_96 : vector<1x64xf32> to vector<256x64xf32>
    %add3A_98 = arith.addf %mul3A_93, %add3A_97 : vector<256x64xf32>
    %convert_element_type3A_99 = arith.truncf %add3A_98 : vector<256x64xf32> to vector<256x64xbf16>
    %get3A_100 = arith.constant 0 : index
    %get3A_101 = arith.constant 0 : index
    %get3A_102 = vector.load %arg11[%get3A_100, %get3A_101] : memref<64x1xf32, #tpu.memory_space<vmem>>, vector<64x1xf32>
    %convert_element_type3A_103 = arith.truncf %get3A_102 : vector<64x1xf32> to vector<64x1xbf16>
    %dot_general3A_104 = arith.constant dense<0.000000e+00> : vector<256x1xf32>
    %dot_general3A_105 = tpu.matmul %convert_element_type3A_99, %convert_element_type3A_103, %dot_general3A_104 {dimension_numbers = #tpu.dot_dimension_numbers<[1], [0], [0], [1], [0, 0, 1, 1], [], []>, transpose_lhs_hint = false} : vector<256x64xbf16>, vector<64x1xbf16>, vector<256x1xf32> -> vector<256x1xf32>
    %get3A_106 = arith.constant 0 : index
    %get3A_107 = arith.constant 0 : index
    %get3A_108 = vector.load %arg12[%get3A_106, %get3A_107] : memref<1x1xf32, #tpu.memory_space<vmem>>, vector<1x1xf32>
    %add3A_109 = vector.broadcast %get3A_108 : vector<1x1xf32> to vector<256x1xf32>
    %add3A_110 = arith.addf %dot_general3A_105, %add3A_109 : vector<256x1xf32>
    %swap3A = arith.constant 0 : index
    %swap3A_111 = arith.constant 0 : index
    %swap3A_112 = vector.load %arg13[%swap3A, %swap3A_111] : memref<256x1xf32, #tpu.memory_space<vmem>>, vector<256x1xf32>
    tpu.vector_store %arg13[%swap3A, %swap3A_111], %add3A_110 {strides = array<i32>} : memref<256x1xf32, #tpu.memory_space<vmem>>, vector<256x1xf32>,
    return
  }
}

</mosaic_0001>

<sc_bundles>
// kernel: gather_offload_async_start.1
scs
__scs_entry_jumppad:
0x0: {  	(pc) =	sbr.rel $0x88, $3  }
0x1: {  	(tag) =	ssettag $0x0;
	lr =	simm.s32 $0x1  }
0x2: {  	[smem:$0x3F87] =	sst lr;
	_ =	strace $0xD0000000  }
0x3: {  	_ = 	snop  }
0x4: {  	_ = 	snop  }
0x5: {  	_ = 	snop  }
0x6: {  	_ = 	snop  }
0x7: {  	_ = 	snop  }
__scs_overlays_trampoline_lowered:
0x8: {  	[smem:$0x3F96] =	sst s0  }
0x9: {  	[smem:$0x3F97] =	sst s1  }
0xa: {  	[smem:$0x3F98] =	sst s2  }
0xb: {  	[smem:$0x3F99] =	sst s3  }
0xc: {  	[smem:$0x3F9A] =	sst s4  }
0xd: {  	[smem:$0x3F9B] =	sst s5  }
0xe: {  	[smem:$0x3F9C] =	sst s6  }
0xf: {  	[smem:$0x3F9D] =	sst s7  }
0x10: {  	[smem:$0x3F9E] =	sst s8  }
0x11: {  	[smem:$0x3F9F] =	sst s9;
	s0 =	simm.s32 @!p0 $0x0  }
0x12: {  	s1 =	sld [smem:$0x3F85];
	s0 =	simm.s32 @p0 $0x1  }
0x13: {  	[smem:$0x3FA0] =	sst s0;
	s0 =	simm.s32 @!p1 $0x0  }
0x14: {  	s2 =	sld [smem:$0x3F84];
	s0 =	simm.s32 @p1 $0x1  }
0x15: {  	[smem:$0x3FA1] =	sst s0;
	s0 =	simm.s32 @!p2 $0x0  }
0x16: {  	s3 =	sld [smem:$0x3FDB];
	s0 =	simm.s32 @p2 $0x1  }
0x17: {  	s4 =	simm.s32 $0x1BF5;
	[smem:$0x3FA3] =	sst s0  }
0x18: {  	s0 =	sld [smem:$0x3F86];
	_ =	swait.ge [sflag:s4], $0x0  }
0x19: {  	s7 =	sld [smem:$0x3F87]  }
0x1a: {  	s8 =	sadd.s32 $0xFFFFE003, lr  }
0x1b: {  	s9 =	sadd.s32 $0xFFFFFEF7, lr;
	s5 =	simm.s32 $0xFFFFFFFF;
	p2 =	slt.u32 s8, $0xFFFFF086  }
0x1c: {  	p1 =	slt.u32 s9, $0xF7A;
	s5 =	simm.s32 @!p2 $0x0  }
0x1d: {  	s5 =	simm.s32 @p1 $0x1;
	p0 =	seq.s32 s7, s2  }
0x1e: {  	s7 =	smul.u32 @!p0 $0xF7A, s2;
	p2 =	seq.s32 @!p0 s5, $0x0  }
0x1f: {  	s9 =	smul.u32 $0xF7A, s1;
	s8 =	simm.s32 @!p0 $0x1BF5;
	p2 =	por !p2, p0  }
0x20: {  	[sflag:s8] =	ssyncset.s32 @!p0 $0xFFFFF086;
	s6 =	sadd.s32 @!p0 s3, s7;
	s7 =	simm.s32 @!p0 $0x108  }
0x21: {  	s3 =	sadd.s32 s3, s9;
	s6 =	sadd.s32 @!p0 $0x88, s6;
	s7 =	simm.s32 @p2 $0x1082  }
0x22: {  	[simem:s7], [sflag:s8] =	dma.local @!p0 [hbm:s6], $0xF7A  }
0x23: {  	s9 =	sor.u32 $0xD0000000, s2;
	s6 =	simm.s32 $0x108;
	_ =	swait.ge @!p0 [sflag:s8], $0x0  }
0x24: {  	s3 =	sadd.s32 $0x88, s3;
	s6 =	simm.s32 @!p1 $0x1082;
	[sflag:s4] =	ssyncset.s32 $0xFFFFF086  }
0x25: {  	[simem:s6], [sflag:s4] =	dma.local [hbm:s3], $0xF7A  }
0x26: {  	[smem:$0x3F87] =	sst s1;
	(tag) =	ssettag s2;
	_ =	strace s9  }
0x27: {  	s1 =	sld [smem:$0x3F97]  }
0x28: {  	s2 =	sld [smem:$0x3F98]  }
0x29: {  	s4 =	sld [smem:$0x3F9A]  }
0x2a: {  	p0 =	seq.s32 s5, $0x0;
	s5 =	sld [smem:$0x3F9B]  }
0x2b: {  	s6 =	sld [smem:$0x3F9C]  }
0x2c: {  	s7 =	sld [smem:$0x3F9D]  }
0x2d: {  	s3 =	simm.s32 $0x108;
	s8 =	sld [smem:$0x3F9E]  }
0x2e: {  	s3 =	simm.s32 @!p0 $0x1082;
	s9 =	sld [smem:$0x3F9F]  }
0x2f: {  	lr =	sadd.s32 s0, s3;
	s0 =	sld [smem:$0x3F96]  }
0x30: {  	s3 =	sld [smem:$0x3F99]  }
0x31: {  	[smem:$0x3FA2] =	sst s10  }
0x32: {  	s10 =	sld [smem:$0x3FA0];
	_ =	sdelay $0x3  }
0x33: {  	p0 =	seq.s32 s10, $0x1;
	s10 =	sld [smem:$0x3FA2];
	_ =	sdelay $0x3  }
0x34: {  	[smem:$0x3FA2] =	sst s10  }
0x35: {  	s10 =	sld [smem:$0x3FA1];
	_ =	sdelay $0x3  }
0x36: {  	p1 =	seq.s32 s10, $0x1;
	s10 =	sld [smem:$0x3FA2];
	_ =	sdelay $0x3  }
0x37: {  	[smem:$0x3FA2] =	sst s10  }
0x38: {  	s10 =	sld [smem:$0x3FA3]  }
0x39: {  	_ = 	snop;
	(pc) =	sbr.ind lr, $3  }
0x3a: {  	_ = 	snop  }
0x3b: {  	_ = 	snop  }
0x3c: {  	p2 =	seq.s32 s10, $0x1;
	s10 =	sld [smem:$0x3FA2]  }
0x3d: {  	_ =	shalt  }
0x3e: {  	_ =	shalt  }
0x3f: {  	_ =	shalt  }
0x40: {  	_ =	shalt  }
0x41: {  	_ =	shalt  }
0x42: {  	_ =	shalt  }
0x43: {  	_ =	shalt  }
0x44: {  	_ =	shalt  }
0x45: {  	_ =	shalt  }
0x46: {  	_ =	shalt  }
0x47: {  	_ =	shalt  }
0x48: {  	_ =	shalt  }
0x49: {  	_ =	shalt  }
0x4a: {  	_ =	shalt  }
0x4b: {  	_ =	shalt  }
0x4c: {  	_ =	shalt  }
0x4d: {  	_ =	shalt  }
0x4e: {  	_ =	shalt  }
0x4f: {  	_ =	shalt  }
0x50: {  	_ =	shalt  }
0x51: {  	_ =	shalt  }
0x52: {  	_ =	shalt  }
0x53: {  	_ =	shalt  }
0x54: {  	_ =	shalt  }
0x55: {  	_ =	shalt  }
0x56: {  	_ =	shalt  }
0x57: {  	_ =	shalt  }
0x58: {  	_ =	shalt  }
0x59: {  	_ =	shalt  }
0x5a: {  	_ =	shalt  }
0x5b: {  	_ =	shalt  }
0x5c: {  	_ =	shalt  }
0x5d: {  	_ =	shalt  }
0x5e: {  	_ =	shalt  }
0x5f: {  	_ =	shalt  }
0x60: {  	_ =	shalt  }
0x61: {  	_ =	shalt  }
0x62: {  	_ =	shalt  }
0x63: {  	_ =	shalt  }
0x64: {  	_ =	shalt  }
0x65: {  	_ =	shalt  }
0x66: {  	_ =	shalt  }
0x67: {  	_ =	shalt  }
0x68: {  	_ =	shalt  }
0x69: {  	_ =	shalt  }
0x6a: {  	_ =	shalt  }
0x6b: {  	_ =	shalt  }
0x6c: {  	_ =	shalt  }
0x6d: {  	_ =	shalt  }
0x6e: {  	_ =	shalt  }
0x6f: {  	_ =	shalt  }
0x70: {  	_ =	shalt  }
0x71: {  	_ =	shalt  }
0x72: {  	_ =	shalt  }
0x73: {  	_ =	shalt  }
0x74: {  	_ =	shalt  }
0x75: {  	_ =	shalt  }
0x76: {  	_ =	shalt  }
0x77: {  	_ =	shalt  }
0x78: {  	_ =	shalt  }
0x79: {  	_ =	shalt  }
0x7a: {  	_ =	shalt  }
0x7b: {  	_ =	shalt  }
0x7c: {  	_ =	shalt  }
0x7d: {  	_ =	shalt  }
0x7e: {  	_ =	shalt  }
0x7f: {  	_ =	shalt  }
0x80: {  	_ =	shalt  }
0x81: {  	_ =	shalt  }
0x82: {  	_ =	shalt  }
0x83: {  	_ =	shalt  }
0x84: {  	_ =	shalt  }
0x85: {  	_ =	shalt  }
0x86: {  	_ =	shalt  }
0x87: {  	_ =	shalt  }
.Lfunc_end0:
.L_simem_size_0:
called_computation.1_lowered:
.L_overlay_start_0:
0x88: {  	s2 =	sld [smem:$0x3FD9]  }
0x89: {  	s3 =	sld [smem:$0x3FFE];
	_ =	sdelay $0x1  }
0x8a: {  	s1 =	srdreg.scid  }
0x8b: {  	s0 =	sand.u32 $0x1, s1  }
0x8c: {  	s17 =	sshll.u32 s0, $0xA;
	s2 =	sadd.s32 s3, s2  }
0x8d: {  	s2 =	sadd.s32 s2, s17  }
0x8e: {  	[smem:$0x3FAE] =	sst s2  }
0x8f: {  	_ = 	snop  }
0x90: {  	(tm) =	ssettm $0x1  }
0x91: {  	s18 =	sld [smem:$0x3FFB];
	_ =	sdelay $0x3  }
0x92: {  	_ =	strace s18  }
0x93: {  	s2 =	sld [smem:$0x3FFC];
	_ =	sdelay $0x3  }
0x94: {  	_ =	strace s2  }
0x95: {  	s2 =	sld [smem:$0x3FFD];
	_ =	sdelay $0x3  }
0x96: {  	_ =	strace s2  }
0x97: {  	_ =	strace $0x8FFFFFFF  }
0x98: {  	s19 =	sld [smem:$0x3FDB];
	_ =	sdelay $0x1  }
0x99: {  	s20 =	simm.s32 $_scs_section_size  }
0x9a: {  	s4 =	simm.s32 $_size__tile_overlayer_lowered;
	s5 =	simm.s32 $_tile_overlayer_lowered  }
0x9b: {  	s6 =	simm.s32 $0x1BFF;
	s21 =	sshll.u32 s5, $0x1;
	s3 =	sadd.s32 s20, s19  }
0x9c: {  	s22 =	simm.s32 $0x0;
	s4 =	sshll.u32 s4, $0x1;
	s5 =	sadd.s32 s21, s3  }
0x9d: {  	[timem:s22], [sflag:s6] =	dma.local [hbm:s5], s4  }
0x9e: {  	_ =	swait.ge [sflag:s6], s4  }
0x9f: {  	s4 =	ssub.s32 $0x0, s4;
	[sflag:s6] =	ssyncset.done $0x0  }
0xa0: {  	[sflag:s6] =	ssyncadd.s32 s4;
	_ =	sdelay $0x1  }
0xa1: {  	s23 =	simm.s32 $0x1B8B  }
0xa2: {  	_ =	swait.ge [sflag:s23], $0x1  }
0xa3: {  	[sflag:s23] =	ssyncset.done $0x0  }
0xa4: {  	[sflag:s23] =	ssyncadd.s32 $0xFFFFFFFF  }
0xa5: {  	s4 =	sld [smem:$0x0]  }
0xa6: {  	s5 =	sand.u32 $0xFFFFFFFE, s1  }
0xa7: {  	p0 =	sne.s32 s1, s5  }
0xa8: {  	s5 =	sshll.u32 @p0 s5, $0xE  }
0xa9: {  	s5 =	sadd.s32 @p0 $0x11B8D, s5;
	s6 =	sshll.u32 @p0 s4, $0x11  }
0xaa: {  	s5 =	sor.u32 @p0 s6, s5  }
0xab: {  	[sflag:s5] =	ssyncadd.remote.s32 @p0 $0x1;
	_ =	sdelay $0x1  }
0xac: {  	s5 =	simm.s32 @p0 $0x1B8D  }
0xad: {  	_ =	swait.eq @p0 [sflag:s5], $0x1  }
0xae: {  	[sflag:s5] =	ssyncadd.s32 @p0 $0xFFFFFFFF  }
0xaf: {  	s6 =	sshll.u32 @!p0 s1, $0xE  }
0xb0: {  	s6 =	sor.u32 @!p0 $0x4000, s6;
	s5 =	simm.s32 @!p0 $0x1B8D  }
0xb1: {  	s4 =	sshll.u32 @!p0 s4, $0x11;
	s6 =	sadd.s32 @!p0 $0x11B8D, s6;
	_ =	swait.eq @!p0 [sflag:s5], $0x1  }
0xb2: {  	s4 =	sor.u32 @!p0 s4, s6;
	[sflag:s5] =	ssyncadd.s32 @!p0 $0xFFFFFFFF  }
0xb3: {  	s25 =	simm.s32 $0x1B8E;
	s24 =	sld [smem:$0x3FFE];
	[sflag:s4] =	ssyncadd.remote.s32 @!p0 $0x1  }
0xb4: {  	s26 =	simm.s32 $execute0_lowered;
	[smem:$0x3FD2] =	sst s25  }
0xb5: {  	s5 =	sshll.u32 s26, $0x1;
	_ =	strace $0x80000049;
	[dreg:$0x1] =	wrdreg $0xFFFFFFFF  }
0xb6: {  	s28 =	simm.s32 $_size_execute0_lowered;
	s3 =	sadd.s32 s3, s5;
	[dreg:$0x0] =	wrdreg $0x0  }
0xb7: {  	s5 =	sshll.u32 s28, $0x1;
	[dreg:$0x2] =	wrdreg s3  }
0xb8: {  	[dreg:$0x3] =	wrdreg s5  }
0xb9: {  	[dreg:$0x4] =	wrdreg $0xC0  }
0xba: {  	_ =	task [dreg:s22], $0x5FFFF  }
0xbb: {  	[dreg:$0x1] =	wrdreg $0xFFFFFFFF  }
0xbc: {  	[dreg:$0x0] =	wrdreg $0x60  }
0xbd: {  	[dreg:$0x2] =	wrdreg s24  }
0xbe: {  	[dreg:$0x3] =	wrdreg $0xA  }
0xbf: {  	_ =	task.clear_ibuf [dreg:s22], $0x4FFFF;
	_ =	strace $0x90000049  }
0xc0: {  	s29 =	simm.s32 $0xA;
	_ =	strace $0x8000004B  }
0xc1: {  	_ =	swait.ge [sflag:s29], $0x1  }
0xc2: {  	[sflag:s29] =	ssyncadd.s32 $0xFFFFFFFF  }
0xc3: {  	_ =	strace $0x9000004B  }
0xc4: {  	_ =	sfence  }
0xc5: {  	s30 =	sld [smem:$0x0];
	_ =	sdelay $0x2  }
0xc6: {  	s31 =	sshll.u32 s1, $0xD;
	s1 =	sshrl.u32 s1, $0x2  }
0xc7: {  	s4 =	sand.u32 $0x4000, s31;
	s1 =	sadd.s32 s1, s30  }
0xc8: {  	s0 =	sor.u32 s4, s0;
	s1 =	sshll.u32 s1, $0x11  }
0xc9: {  	s0 =	sor.u32 s1, s0  }
0xca: {  	s0 =	sadd.s32 $0x8F2B, s0  }
0xcb: {  	[sflag:s0] =	ssyncadd.remote.s32 $0x1  }
0xcc: {  	_ =	sfence.sel $0xFFFF  }
0xcd: {  	[dreg:$0x0] =	wrdreg $0xFFFFFFFF;
	(pc) =	sbr.abs _section_cstart, $3  }
0xce: {  	[dreg:$0x1] =	wrdreg $0xFFFFFFFF  }
0xcf: {  	_ =	task.clear_ibuf [dreg:s22], $0x2FFFF;
	_ =	strace $0x9FFFFFFF  }
0xd0: {  	(tm) =	ssettm $0x7FFFFFFF  }
0xd1: {  	_ =	shalt  }
tec
execute0_lowered:
.L_overlay_start_1:
0x0: {  	(tag) =	ssettag $0x1  }
0x1: {  	s8 =	rddreg [dreg:$0x0]  }
0x2: {  	s0 =	rddreg [dreg:$0x1];
	_ =	strace $0x8000004A;
	s1 =	stileid.u32  }
0x3: {  	s3 =	srdreg.scid;
	s4 =	simm.s32 $0x1;
	s7 =	simm.s32 $0x1  }
0x4: {  	s9 =	simm.s32 $0x1;
	s10 =	simm.s32 $0x3;
	s13 =	simm.s32 $0x0  }
0x5: {  	s12 =	simm.s32 $0x0;
	s5 =	sand.u32 $0x1, s3;
	s6 =	sshll.u32 s1, $0x1  }
0x6: {  	s2 =	sadd.s32 $0xD600, s8;
	s3 =	sadd.s32 $0x17400, s8;
	s5 =	sor.u32 s6, s5  }
.Ltmp0:
0x7: {  	[sflag:s4] =	ssyncpa.u1 $0x0;
	p0 =	slt.u32 s5, $0x9;
	(pc) =	sbr.rel .LBB2_1-.Ltmp0, $4  }
0x8: {  	s6 =	simm.s32 $0x2;
	s7 =	simm.s32 @!p0 $0x0;
	p0 =	sne.s32 s5, $0x8  }
0x9: {  	[sflag:s6] =	ssyncpa.u1 $0x0;
	s5 =	smul.u32 $0x1F40, s5;
	s9 =	simm.s32 @!p0 $0x0  }
0xa: {  	s8 =	sadd.s32 $0x2B600, s8;
	[sflag:s10] =	ssyncpa.u1 $0x0;
	s7 =	sadd.s32 s9, s7  }
0xb: {  	vm0 =	vmmov $0xffff;
	s10 =	simm.s32 $0x0;
	s11 =	smov.u32 s5;
	s9 =	sadd.s32 $0x1, s7  }
.LBB2_4:
0xc: {  	v2 =	vnsel vm1, $0x0, v2  }
0xd: {  	vm1 =	vgt.s32 v0, $0x0;
	v2 =	vmin.u32 v2, $0x4E1FF  }
0xe: {  	v0 =	vnsel vm1, $0x0, v0  }
0xf: {  	v0 =	vmin.u32 v0, $0x4E1FF  }
0x10: {  	[tilespmem:s18], [sflag:$0x1] =	stream.indirect_vreg.gather [hbm4b:s2+s10], $0x1, v1, vm0, $0x4038;
	[tilespmem:$0x7D00] =	vst v63  }
0x11: {  	(ifvalue) =	ssetifvalue $0x7FFFFFFF  }
0x12: {  	[tilespmem:s15], [sflag:$0x1] =	stream.indirect_vreg.gather [hbm4b:s2+s10], $0x1, v2, vm0, $0x4038;
	[tilespmem:$0x7D00] =	vst v63  }
0x13: {  	s29 =	sadd.s32 $0x10, s15;
	(ifvalue) =	ssetifvalue $0x7FFFFFFF  }
0x14: {  	[tilespmem:s29], [sflag:$0x1] =	stream.indirect_vreg.gather [hbm4b:s2+s10], $0x1, v0, vm0, $0x4038;
	[tilespmem:$0x7D00] =	vst v63  }
0x15: {  	_ =	swait.ge [sflag:s4], $0x1F40  }
0x16: {  	s30 =	sshrl.u32 s13, $0x3;
	[sflag:s4] =	ssyncset.done $0x0  }
0x17: {  	s31 =	sand.u32 $0x7, s13;
	s15 =	sadd.s32 s8, s30;
	[sflag:s4] =	ssyncadd.s32 $0xFFFFE0C0  }
0x18: {  	[hbm4b:s15+s31] =	stream.linear.scatter [tilespmem:s14], [sflag:$0x3], $0x1F40, $0x38;
	[tilespmem:$0x7D00] =	vst v63  }
.LBB2_5:
0x19: {  	s15 =	sadd.s32 $0x3E800, s11  }
0x1a: {  	p1 =	sgt.s32 s15, $0x4E1FF  }
0x1b: {  	s15 =	smov.u32 @p1 s5;
	p1 =	sne.s32 s12, s9  }
.Ltmp1:
0x1c: {  	p0 =	slt.u32 s12, $0x2;
	(pc) =	sbr.rel @!p1 .LBB2_6-.Ltmp1, $4  }
0x1d: {  	s14 =	simm.s32 @!p0 $0x3  }
0x1e: {  	_ =	swait.ge @!p0 [sflag:s14], $0x1F40  }
0x1f: {  	s16 =	sadd.s32 $0x1, s12;
	s13 =	smov.u32 s11;
	[sflag:s14] =	ssyncset.done @!p0 $0x0  }
0x20: {  	s12 =	smov.u32 s16;
	s11 =	smov.u32 s15;
	[sflag:s14] =	ssyncadd.s32 @!p0 $0xFFFFE0C0  }
.LBB2_1:
0x21: {  	p0 =	sge.u32 s12, s7  }
0x22: {  	s14 =	sxor.u32 @!p0 $0x1, s12  }
0x23: {  	s14 =	smul.u32 @!p0 $0x7D00, s14  }
0x24: {  	s31 =	sadd.s32 $0xFFFFFFFF, s12;
	s15 =	sshrl.u32 @!p0 s11, $0x3  }
0x25: {  	s16 =	sand.u32 @!p0 $0x7, s11;
	s15 =	sadd.s32 @!p0 s3, s15;
	s14 =	sshra.s32 @!p0 s14, $0x2  }
0x26: {  	[tilespmem:s14], [sflag:$0x2] =	stream.linear.gather @!p0 [hbm4b:s15+s16], $0x1F40, $0x38;
	[tilespmem:$0x7D00] =	vst v63  }
0x27: {  	p0 =	sge.u32 s31, s7  }
.Ltmp2:
0x28: {  	_ = 	snop;
	(pc) =	sbr.rel @p0 .LBB2_5-.Ltmp2, $1  }
0x29: {  	_ =	sdelay $0x3  }
0x2a: {  	s14 =	sand.u32 $0x1, s12  }
0x2b: {  	_ =	swait.ge [sflag:s6], $0x1F40;
	p0 =	seq.s32 s14, $0x1;
	s14 =	simm.s32 $0x1F40  }
0x2c: {  	[sflag:s6] =	ssyncset.done $0x0;
	s14 =	simm.s32 @!p0 $0x0  }
0x2d: {  	[sflag:s6] =	ssyncadd.s32 $0xFFFFE0C0;
	(ifvalue) =	ssetifvalue $0x7FFFFFFF;
	v0 =	vld.msk [tilespmem:s14+$0x0 ss:$0x1], $0xffff;
	_ =	sdelay $0x4  }
0x2e: {  	s15 =	sadd.s32 $0x10, s14;
	vm1 =	vgt.s32 v0, $0x0  }
0x2f: {  	v2 =	vld.msk [tilespmem:s15+$0x0 ss:$0x1], $0xffff;
	v1 =	vnsel vm1, $0x0, v0  }
0x30: {  	v1 =	vmin.u32 v1, $0x4E1FF;
	_ =	sdelay $0x2  }
0x31: {  	s17 =	simm.s32 $0x20;
	s14 =	sadd.s32 $0x3E80, s14;
	s16 =	sadd.s32 $0x10, s15  }
0x32: {  	s15 =	sadd.s32 $0x10, s14;
	s18 =	smov.u32 s14;
	v0 =	vld.msk [tilespmem:s16+$0x0 ss:$0x1], $0xffff;
	vm1 =	vgt.s32 v2, $0x0;
	(ifvalue) =	ssetifvalue $0x7FFFFFFF  }
.LBB2_3:
0x33: {  	[tilespmem:s18], [sflag:$0x1] =	stream.indirect_vreg.gather [hbm4b:s2+s10], $0x1, v1, vm0, $0x4038;
	[tilespmem:$0x7D00] =	vst v63  }
0x34: {  	s17 =	sadd.s32 $0x10, s17  }
0x35: {  	v2 =	vnsel vm1, $0x0, v2;
	p0 =	slt.u32 s17, $0x1F30  }
.Ltmp3:
0x36: {  	s18 =	smov.u32 s15;
	v1 =	vmin.u32 v2, $0x4E1FF;
	(pc) =	sbr.rel @p0 .LBB2_3-.Ltmp3, $3  }
0x37: {  	_ =	sdelay $0x1  }
0x38: {  	s16 =	sadd.s32 $0x10, s16  }
0x39: {  	vm1 =	vgt.s32 v0, $0x0;
	s15 =	sadd.s32 $0x10, s15;
	v2 =	vmov v0;
	(ifvalue) =	ssetifvalue $0x7FFFFFFF;
	v0 =	vld.msk [tilespmem:s16+$0x0 ss:$0x1], $0xffff  }
.Ltmp4:
0x3a: {  	_ = 	snop;
	(pc) =	sbr.rel .LBB2_4-.Ltmp4, $1  }
0x3b: {  	_ =	sdelay $0x3  }
.LBB2_6:
0x3c: {  	_ =	sfence.sel $0x180000  }
0x3d: {  	s2 =	simm.s32 $0x2;
	[bflag:$0x0] =	sbarrier.arrive $0xFFFF  }
0x3e: {  	s30 =	simm.s32 $0x3;
	[sflag:s2] =	ssyncpa.u1 $0x1  }
0x3f: {  	s31 =	simm.s32 $0x1;
	[sflag:s30] =	ssyncpa.u1 $0x1  }
0x40: {  	[sflag:s31] =	ssyncpa.u1 $0x1  }
0x41: {  	p0 =	sne.s32 s1, $0x0;
	_ =	strace $0x9000004A  }
0x42: {  	s0 =	sadd.s32 @!p0 $0x100000, s0;
	[bflag:$0x2] =	sbarrier.arrive $0xFFFF  }
0x43: {  	[sflag:s0] =	ssyncadd.tile.s32 @!p0 $0x1;
	_ =	shalt  }
.Lfunc_end2:
_tile_overlayer_lowered:
.L_overlay_start_2:
0x44: {  	(tag) =	ssettag $0x2  }
0x45: {  	s0 =	rddreg [dreg:$0x0];
	s2 =	stileid.u32  }
0x46: {  	s1 =	rddreg [dreg:$0x1];
	p0 =	sne.s32 s2, $0x0  }
0x47: {  	s3 =	rddreg [dreg:$0x2];
	[bflag:$0x3] =	sbarrier.arrive $0xFFFF;
	s2 =	simm.s32 @!p0 $0x1C01  }
0x48: {  	[timem:s3], [sflag:s2] =	dma.local @!p0 [hbm:s0], s1  }
0x49: {  	s0 =	simm.s32 @!p0 $0x1  }
0x4a: {  	_ =	swait.ge @!p0 [sflag:s0], s1  }
0x4b: {  	s1 =	ssub.s32 @!p0 $0x0, s1;
	[sflag:s0] =	ssyncset.done @!p0 $0x0  }
0x4c: {  	[sflag:s0] =	ssyncadd.s32 @!p0 s1  }
0x4d: {  	[bflag:$0x3] =	sbarrier.arrive $0xFFFF  }
0x4e: {  	_ =	shalt  }

// kernel: gather_offload_async_start
scs
__scs_entry_jumppad:
0x0: {  	(pc) =	sbr.rel $0x88, $3  }
0x1: {  	(tag) =	ssettag $0x0;
	lr =	simm.s32 $0x1  }
0x2: {  	[smem:$0x3F87] =	sst lr;
	_ =	strace $0xD0000000  }
0x3: {  	_ = 	snop  }
0x4: {  	_ = 	snop  }
0x5: {  	_ = 	snop  }
0x6: {  	_ = 	snop  }
0x7: {  	_ = 	snop  }
__scs_overlays_trampoline_lowered:
0x8: {  	[smem:$0x3F96] =	sst s0  }
0x9: {  	[smem:$0x3F97] =	sst s1  }
0xa: {  	[smem:$0x3F98] =	sst s2  }
0xb: {  	[smem:$0x3F99] =	sst s3  }
0xc: {  	[smem:$0x3F9A] =	sst s4  }
0xd: {  	[smem:$0x3F9B] =	sst s5  }
0xe: {  	[smem:$0x3F9C] =	sst s6  }
0xf: {  	[smem:$0x3F9D] =	sst s7  }
0x10: {  	[smem:$0x3F9E] =	sst s8  }
0x11: {  	[smem:$0x3F9F] =	sst s9;
	s0 =	simm.s32 @!p0 $0x0  }
0x12: {  	s1 =	sld [smem:$0x3F85];
	s0 =	simm.s32 @p0 $0x1  }
0x13: {  	[smem:$0x3FA0] =	sst s0;
	s0 =	simm.s32 @!p1 $0x0  }
0x14: {  	s2 =	sld [smem:$0x3F84];
	s0 =	simm.s32 @p1 $0x1  }
0x15: {  	[smem:$0x3FA1] =	sst s0;
	s0 =	simm.s32 @!p2 $0x0  }
0x16: {  	s3 =	sld [smem:$0x3FDB];
	s0 =	simm.s32 @p2 $0x1  }
0x17: {  	s4 =	simm.s32 $0x1BF5;
	[smem:$0x3FA3] =	sst s0  }
0x18: {  	s0 =	sld [smem:$0x3F86];
	_ =	swait.ge [sflag:s4], $0x0  }
0x19: {  	s7 =	sld [smem:$0x3F87]  }
0x1a: {  	s8 =	sadd.s32 $0xFFFFE003, lr  }
0x1b: {  	s9 =	sadd.s32 $0xFFFFFEF7, lr;
	s5 =	simm.s32 $0xFFFFFFFF;
	p2 =	slt.u32 s8, $0xFFFFF086  }
0x1c: {  	p1 =	slt.u32 s9, $0xF7A;
	s5 =	simm.s32 @!p2 $0x0  }
0x1d: {  	s5 =	simm.s32 @p1 $0x1;
	p0 =	seq.s32 s7, s2  }
0x1e: {  	s7 =	smul.u32 @!p0 $0xF7A, s2;
	p2 =	seq.s32 @!p0 s5, $0x0  }
0x1f: {  	s9 =	smul.u32 $0xF7A, s1;
	s8 =	simm.s32 @!p0 $0x1BF5;
	p2 =	por !p2, p0  }
0x20: {  	[sflag:s8] =	ssyncset.s32 @!p0 $0xFFFFF086;
	s6 =	sadd.s32 @!p0 s3, s7;
	s7 =	simm.s32 @!p0 $0x108  }
0x21: {  	s3 =	sadd.s32 s3, s9;
	s6 =	sadd.s32 @!p0 $0x88, s6;
	s7 =	simm.s32 @p2 $0x1082  }
0x22: {  	[simem:s7], [sflag:s8] =	dma.local @!p0 [hbm:s6], $0xF7A  }
0x23: {  	s9 =	sor.u32 $0xD0000000, s2;
	s6 =	simm.s32 $0x108;
	_ =	swait.ge @!p0 [sflag:s8], $0x0  }
0x24: {  	s3 =	sadd.s32 $0x88, s3;
	s6 =	simm.s32 @!p1 $0x1082;
	[sflag:s4] =	ssyncset.s32 $0xFFFFF086  }
0x25: {  	[simem:s6], [sflag:s4] =	dma.local [hbm:s3], $0xF7A  }
0x26: {  	[smem:$0x3F87] =	sst s1;
	(tag) =	ssettag s2;
	_ =	strace s9  }
0x27: {  	s1 =	sld [smem:$0x3F97]  }
0x28: {  	s2 =	sld [smem:$0x3F98]  }
0x29: {  	s4 =	sld [smem:$0x3F9A]  }
0x2a: {  	p0 =	seq.s32 s5, $0x0;
	s5 =	sld [smem:$0x3F9B]  }
0x2b: {  	s6 =	sld [smem:$0x3F9C]  }
0x2c: {  	s7 =	sld [smem:$0x3F9D]  }
0x2d: {  	s3 =	simm.s32 $0x108;
	s8 =	sld [smem:$0x3F9E]  }
0x2e: {  	s3 =	simm.s32 @!p0 $0x1082;
	s9 =	sld [smem:$0x3F9F]  }
0x2f: {  	lr =	sadd.s32 s0, s3;
	s0 =	sld [smem:$0x3F96]  }
0x30: {  	s3 =	sld [smem:$0x3F99]  }
0x31: {  	[smem:$0x3FA2] =	sst s10  }
0x32: {  	s10 =	sld [smem:$0x3FA0];
	_ =	sdelay $0x3  }
0x33: {  	p0 =	seq.s32 s10, $0x1;
	s10 =	sld [smem:$0x3FA2];
	_ =	sdelay $0x3  }
0x34: {  	[smem:$0x3FA2] =	sst s10  }
0x35: {  	s10 =	sld [smem:$0x3FA1];
	_ =	sdelay $0x3  }
0x36: {  	p1 =	seq.s32 s10, $0x1;
	s10 =	sld [smem:$0x3FA2];
	_ =	sdelay $0x3  }
0x37: {  	[smem:$0x3FA2] =	sst s10  }
0x38: {  	s10 =	sld [smem:$0x3FA3]  }
0x39: {  	_ = 	snop;
	(pc) =	sbr.ind lr, $3  }
0x3a: {  	_ = 	snop  }
0x3b: {  	_ = 	snop  }
0x3c: {  	p2 =	seq.s32 s10, $0x1;
	s10 =	sld [smem:$0x3FA2]  }
0x3d: {  	_ =	shalt  }
0x3e: {  	_ =	shalt  }
0x3f: {  	_ =	shalt  }
0x40: {  	_ =	shalt  }
0x41: {  	_ =	shalt  }
0x42: {  	_ =	shalt  }
0x43: {  	_ =	shalt  }
0x44: {  	_ =	shalt  }
0x45: {  	_ =	shalt  }
0x46: {  	_ =	shalt  }
0x47: {  	_ =	shalt  }
0x48: {  	_ =	shalt  }
0x49: {  	_ =	shalt  }
0x4a: {  	_ =	shalt  }
0x4b: {  	_ =	shalt  }
0x4c: {  	_ =	shalt  }
0x4d: {  	_ =	shalt  }
0x4e: {  	_ =	shalt  }
0x4f: {  	_ =	shalt  }
0x50: {  	_ =	shalt  }
0x51: {  	_ =	shalt  }
0x52: {  	_ =	shalt  }
0x53: {  	_ =	shalt  }
0x54: {  	_ =	shalt  }
0x55: {  	_ =	shalt  }
0x56: {  	_ =	shalt  }
0x57: {  	_ =	shalt  }
0x58: {  	_ =	shalt  }
0x59: {  	_ =	shalt  }
0x5a: {  	_ =	shalt  }
0x5b: {  	_ =	shalt  }
0x5c: {  	_ =	shalt  }
0x5d: {  	_ =	shalt  }
0x5e: {  	_ =	shalt  }
0x5f: {  	_ =	shalt  }
0x60: {  	_ =	shalt  }
0x61: {  	_ =	shalt  }
0x62: {  	_ =	shalt  }
0x63: {  	_ =	shalt  }
0x64: {  	_ =	shalt  }
0x65: {  	_ =	shalt  }
0x66: {  	_ =	shalt  }
0x67: {  	_ =	shalt  }
0x68: {  	_ =	shalt  }
0x69: {  	_ =	shalt  }
0x6a: {  	_ =	shalt  }
0x6b: {  	_ =	shalt  }
0x6c: {  	_ =	shalt  }
0x6d: {  	_ =	shalt  }
0x6e: {  	_ =	shalt  }
0x6f: {  	_ =	shalt  }
0x70: {  	_ =	shalt  }
0x71: {  	_ =	shalt  }
0x72: {  	_ =	shalt  }
0x73: {  	_ =	shalt  }
0x74: {  	_ =	shalt  }
0x75: {  	_ =	shalt  }
0x76: {  	_ =	shalt  }
0x77: {  	_ =	shalt  }
0x78: {  	_ =	shalt  }
0x79: {  	_ =	shalt  }
0x7a: {  	_ =	shalt  }
0x7b: {  	_ =	shalt  }
0x7c: {  	_ =	shalt  }
0x7d: {  	_ =	shalt  }
0x7e: {  	_ =	shalt  }
0x7f: {  	_ =	shalt  }
0x80: {  	_ =	shalt  }
0x81: {  	_ =	shalt  }
0x82: {  	_ =	shalt  }
0x83: {  	_ =	shalt  }
0x84: {  	_ =	shalt  }
0x85: {  	_ =	shalt  }
0x86: {  	_ =	shalt  }
0x87: {  	_ =	shalt  }
.Lfunc_end0:
.L_simem_size_0:
called_computation_lowered:
.L_overlay_start_0:
0x88: {  	s2 =	sld [smem:$0x3FD9]  }
0x89: {  	s3 =	sld [smem:$0x3FFE];
	_ =	sdelay $0x1  }
0x8a: {  	s1 =	srdreg.scid  }
0x8b: {  	s0 =	sand.u32 $0x1, s1  }
0x8c: {  	s16 =	sshll.u32 s0, $0xA;
	s2 =	sadd.s32 s3, s2  }
0x8d: {  	s2 =	sadd.s32 s2, s16  }
0x8e: {  	[smem:$0x3FAE] =	sst s2  }
0x8f: {  	_ = 	snop  }
0x90: {  	(tm) =	ssettm $0x1  }
0x91: {  	s17 =	sld [smem:$0x3FFB];
	_ =	sdelay $0x3  }
0x92: {  	_ =	strace s17  }
0x93: {  	s2 =	sld [smem:$0x3FFC];
	_ =	sdelay $0x3  }
0x94: {  	_ =	strace s2  }
0x95: {  	s2 =	sld [smem:$0x3FFD];
	_ =	sdelay $0x3  }
0x96: {  	_ =	strace s2  }
0x97: {  	_ =	strace $0x8FFFFFFF  }
0x98: {  	s18 =	sld [smem:$0x3FDB];
	_ =	sdelay $0x1  }
0x99: {  	s19 =	simm.s32 $_scs_section_size  }
0x9a: {  	s4 =	simm.s32 $_size__tile_overlayer_lowered;
	s5 =	simm.s32 $_tile_overlayer_lowered  }
0x9b: {  	s22 =	simm.s32 $0x1BFF;
	s21 =	sshll.u32 s5, $0x1;
	s2 =	sadd.s32 s19, s18  }
0x9c: {  	s6 =	simm.s32 $0x0;
	s20 =	sshll.u32 s4, $0x1;
	s4 =	sadd.s32 s21, s2  }
0x9d: {  	[timem:s6], [sflag:s22] =	dma.local [hbm:s4], s20  }
0x9e: {  	_ =	swait.ge [sflag:s22], s20  }
0x9f: {  	s3 =	ssub.s32 $0x0, s20;
	[sflag:s22] =	ssyncset.done $0x0  }
0xa0: {  	[sflag:s22] =	ssyncadd.s32 s3;
	_ =	sdelay $0x1  }
0xa1: {  	s23 =	simm.s32 $0x1B8B  }
0xa2: {  	_ =	swait.ge [sflag:s23], $0x1  }
0xa3: {  	[sflag:s23] =	ssyncset.done $0x0  }
0xa4: {  	s25 =	simm.s32 $0x1B8E;
	s24 =	sld [smem:$0x3FFE];
	[sflag:s23] =	ssyncadd.s32 $0xFFFFFFFF  }
0xa5: {  	s26 =	simm.s32 $execute0_lowered;
	[smem:$0x3FD2] =	sst s25  }
0xa6: {  	s4 =	sshll.u32 s26, $0x1;
	_ =	strace $0x80000046;
	[dreg:$0x1] =	wrdreg $0xFFFFFFFF  }
0xa7: {  	s28 =	simm.s32 $_size_execute0_lowered;
	s2 =	sadd.s32 s2, s4;
	[dreg:$0x0] =	wrdreg $0x0  }
0xa8: {  	s4 =	sshll.u32 s28, $0x1;
	[dreg:$0x2] =	wrdreg s2  }
0xa9: {  	[dreg:$0x3] =	wrdreg s4  }
0xaa: {  	[dreg:$0x4] =	wrdreg $0xC0  }
0xab: {  	_ =	task [dreg:s6], $0x5FFFF  }
0xac: {  	[dreg:$0x1] =	wrdreg $0xFFFFFFFF  }
0xad: {  	[dreg:$0x0] =	wrdreg $0x60  }
0xae: {  	[dreg:$0x2] =	wrdreg s24  }
0xaf: {  	[dreg:$0x3] =	wrdreg $0x9  }
0xb0: {  	_ =	task.clear_ibuf [dreg:s6], $0x4FFFF;
	_ =	strace $0x90000046  }
0xb1: {  	s29 =	simm.s32 $0x9;
	_ =	strace $0x80000048  }
0xb2: {  	_ =	swait.ge [sflag:s29], $0x1  }
0xb3: {  	[sflag:s29] =	ssyncadd.s32 $0xFFFFFFFF  }
0xb4: {  	_ =	strace $0x90000048  }
0xb5: {  	_ =	sfence  }
0xb6: {  	s30 =	sld [smem:$0x0];
	_ =	sdelay $0x2  }
0xb7: {  	s31 =	sshll.u32 s1, $0xD;
	s1 =	sshrl.u32 s1, $0x2  }
0xb8: {  	s3 =	sand.u32 $0x4000, s31;
	s1 =	sadd.s32 s1, s30  }
0xb9: {  	s0 =	sor.u32 s3, s0;
	s1 =	sshll.u32 s1, $0x11  }
0xba: {  	s0 =	sor.u32 s1, s0  }
0xbb: {  	s0 =	sadd.s32 $0x8F2B, s0  }
0xbc: {  	[sflag:s0] =	ssyncadd.remote.s32 $0x1  }
0xbd: {  	_ =	sfence.sel $0xFFFF  }
0xbe: {  	[dreg:$0x0] =	wrdreg $0xFFFFFFFF;
	(pc) =	sbr.abs _section_cstart, $3  }
0xbf: {  	[dreg:$0x1] =	wrdreg $0xFFFFFFFF  }
0xc0: {  	_ =	task.clear_ibuf [dreg:s6], $0x2FFFF;
	_ =	strace $0x9FFFFFFF  }
0xc1: {  	(tm) =	ssettm $0x7FFFFFFF  }
tec
execute0_lowered:
.L_overlay_start_1:
0x0: {  	(tag) =	ssettag $0x1  }
0x1: {  	s8 =	rddreg [dreg:$0x0]  }
0x2: {  	s0 =	rddreg [dreg:$0x1];
	_ =	strace $0x80000047;
	s1 =	stileid.u32  }
0x3: {  	s3 =	srdreg.scid;
	s4 =	simm.s32 $0x1;
	s7 =	simm.s32 $0x1  }
0x4: {  	s9 =	simm.s32 $0x1;
	s10 =	simm.s32 $0x3;
	s13 =	simm.s32 $0x0  }
0x5: {  	s12 =	simm.s32 $0x0;
	s5 =	sand.u32 $0x1, s3;
	s6 =	sshll.u32 s1, $0x1  }
0x6: {  	s2 =	sadd.s32 $0x3800, s8;
	s3 =	sadd.s32 $0x17400, s8;
	s5 =	sor.u32 s6, s5  }
.Ltmp0:
0x7: {  	[sflag:s4] =	ssyncpa.u1 $0x0;
	p0 =	slt.u32 s5, $0x9;
	(pc) =	sbr.rel .LBB2_1-.Ltmp0, $4  }
0x8: {  	s6 =	simm.s32 $0x2;
	s7 =	simm.s32 @!p0 $0x0;
	p0 =	sne.s32 s5, $0x8  }
0x9: {  	[sflag:s6] =	ssyncpa.u1 $0x0;
	s5 =	smul.u32 $0x1F40, s5;
	s9 =	simm.s32 @!p0 $0x0  }
0xa: {  	s8 =	sadd.s32 $0x21200, s8;
	[sflag:s10] =	ssyncpa.u1 $0x0;
	s7 =	sadd.s32 s9, s7  }
0xb: {  	vm0 =	vmmov $0xffff;
	s10 =	simm.s32 $0x0;
	s11 =	smov.u32 s5;
	s9 =	sadd.s32 $0x1, s7  }
.LBB2_4:
0xc: {  	v2 =	vnsel vm1, $0x0, v2  }
0xd: {  	vm1 =	vgt.s32 v0, $0x0;
	v2 =	vmin.u32 v2, $0x4E1FF  }
0xe: {  	v0 =	vnsel vm1, $0x0, v0  }
0xf: {  	v0 =	vmin.u32 v0, $0x4E1FF  }
0x10: {  	[tilespmem:s18], [sflag:$0x1] =	stream.indirect_vreg.gather [hbm4b:s2+s10], $0x1, v1, vm0, $0x4038;
	[tilespmem:$0x7D00] =	vst v63  }
0x11: {  	(ifvalue) =	ssetifvalue $0x7FFFFFFF  }
0x12: {  	[tilespmem:s15], [sflag:$0x1] =	stream.indirect_vreg.gather [hbm4b:s2+s10], $0x1, v2, vm0, $0x4038;
	[tilespmem:$0x7D00] =	vst v63  }
0x13: {  	s29 =	sadd.s32 $0x10, s15;
	(ifvalue) =	ssetifvalue $0x7FFFFFFF  }
0x14: {  	[tilespmem:s29], [sflag:$0x1] =	stream.indirect_vreg.gather [hbm4b:s2+s10], $0x1, v0, vm0, $0x4038;
	[tilespmem:$0x7D00] =	vst v63  }
0x15: {  	_ =	swait.ge [sflag:s4], $0x1F40  }
0x16: {  	s30 =	sshrl.u32 s13, $0x3;
	[sflag:s4] =	ssyncset.done $0x0  }
0x17: {  	s31 =	sand.u32 $0x7, s13;
	s15 =	sadd.s32 s8, s30;
	[sflag:s4] =	ssyncadd.s32 $0xFFFFE0C0  }
0x18: {  	[hbm4b:s15+s31] =	stream.linear.scatter [tilespmem:s14], [sflag:$0x3], $0x1F40, $0x38;
	[tilespmem:$0x7D00] =	vst v63  }
.LBB2_5:
0x19: {  	s15 =	sadd.s32 $0x3E800, s11  }
0x1a: {  	p1 =	sgt.s32 s15, $0x4E1FF  }
0x1b: {  	s15 =	smov.u32 @p1 s5;
	p1 =	sne.s32 s12, s9  }
.Ltmp1:
0x1c: {  	p0 =	slt.u32 s12, $0x2;
	(pc) =	sbr.rel @!p1 .LBB2_6-.Ltmp1, $4  }
0x1d: {  	s14 =	simm.s32 @!p0 $0x3  }
0x1e: {  	_ =	swait.ge @!p0 [sflag:s14], $0x1F40  }
0x1f: {  	s16 =	sadd.s32 $0x1, s12;
	s13 =	smov.u32 s11;
	[sflag:s14] =	ssyncset.done @!p0 $0x0  }
0x20: {  	s12 =	smov.u32 s16;
	s11 =	smov.u32 s15;
	[sflag:s14] =	ssyncadd.s32 @!p0 $0xFFFFE0C0  }
.LBB2_1:
0x21: {  	p0 =	sge.u32 s12, s7  }
0x22: {  	s14 =	sxor.u32 @!p0 $0x1, s12  }
0x23: {  	s14 =	smul.u32 @!p0 $0x7D00, s14  }
0x24: {  	s31 =	sadd.s32 $0xFFFFFFFF, s12;
	s15 =	sshrl.u32 @!p0 s11, $0x3  }
0x25: {  	s16 =	sand.u32 @!p0 $0x7, s11;
	s15 =	sadd.s32 @!p0 s3, s15;
	s14 =	sshra.s32 @!p0 s14, $0x2  }
0x26: {  	[tilespmem:s14], [sflag:$0x2] =	stream.linear.gather @!p0 [hbm4b:s15+s16], $0x1F40, $0x38;
	[tilespmem:$0x7D00] =	vst v63  }
0x27: {  	p0 =	sge.u32 s31, s7  }
.Ltmp2:
0x28: {  	_ = 	snop;
	(pc) =	sbr.rel @p0 .LBB2_5-.Ltmp2, $1  }
0x29: {  	_ =	sdelay $0x3  }
0x2a: {  	s14 =	sand.u32 $0x1, s12  }
0x2b: {  	_ =	swait.ge [sflag:s6], $0x1F40;
	p0 =	seq.s32 s14, $0x1;
	s14 =	simm.s32 $0x1F40  }
0x2c: {  	[sflag:s6] =	ssyncset.done $0x0;
	s14 =	simm.s32 @!p0 $0x0  }
0x2d: {  	[sflag:s6] =	ssyncadd.s32 $0xFFFFE0C0;
	(ifvalue) =	ssetifvalue $0x7FFFFFFF;
	v0 =	vld.msk [tilespmem:s14+$0x0 ss:$0x1], $0xffff;
	_ =	sdelay $0x4  }
0x2e: {  	s15 =	sadd.s32 $0x10, s14;
	vm1 =	vgt.s32 v0, $0x0  }
0x2f: {  	v2 =	vld.msk [tilespmem:s15+$0x0 ss:$0x1], $0xffff;
	v1 =	vnsel vm1, $0x0, v0  }
0x30: {  	v1 =	vmin.u32 v1, $0x4E1FF;
	_ =	sdelay $0x2  }
0x31: {  	s17 =	simm.s32 $0x20;
	s14 =	sadd.s32 $0x3E80, s14;
	s16 =	sadd.s32 $0x10, s15  }
0x32: {  	s15 =	sadd.s32 $0x10, s14;
	s18 =	smov.u32 s14;
	v0 =	vld.msk [tilespmem:s16+$0x0 ss:$0x1], $0xffff;
	vm1 =	vgt.s32 v2, $0x0;
	(ifvalue) =	ssetifvalue $0x7FFFFFFF  }
.LBB2_3:
0x33: {  	[tilespmem:s18], [sflag:$0x1] =	stream.indirect_vreg.gather [hbm4b:s2+s10], $0x1, v1, vm0, $0x4038;
	[tilespmem:$0x7D00] =	vst v63  }
0x34: {  	s17 =	sadd.s32 $0x10, s17  }
0x35: {  	v2 =	vnsel vm1, $0x0, v2;
	p0 =	slt.u32 s17, $0x1F30  }
.Ltmp3:
0x36: {  	s18 =	smov.u32 s15;
	v1 =	vmin.u32 v2, $0x4E1FF;
	(pc) =	sbr.rel @p0 .LBB2_3-.Ltmp3, $3  }
0x37: {  	_ =	sdelay $0x1  }
0x38: {  	s16 =	sadd.s32 $0x10, s16  }
0x39: {  	vm1 =	vgt.s32 v0, $0x0;
	s15 =	sadd.s32 $0x10, s15;
	v2 =	vmov v0;
	(ifvalue) =	ssetifvalue $0x7FFFFFFF;
	v0 =	vld.msk [tilespmem:s16+$0x0 ss:$0x1], $0xffff  }
.Ltmp4:
0x3a: {  	_ = 	snop;
	(pc) =	sbr.rel .LBB2_4-.Ltmp4, $1  }
0x3b: {  	_ =	sdelay $0x3  }
.LBB2_6:
0x3c: {  	_ =	sfence.sel $0x180000  }
0x3d: {  	s2 =	simm.s32 $0x2;
	[bflag:$0x0] =	sbarrier.arrive $0xFFFF  }
0x3e: {  	s30 =	simm.s32 $0x3;
	[sflag:s2] =	ssyncpa.u1 $0x1  }
0x3f: {  	s31 =	simm.s32 $0x1;
	[sflag:s30] =	ssyncpa.u1 $0x1  }
0x40: {  	[sflag:s31] =	ssyncpa.u1 $0x1  }
0x41: {  	p0 =	sne.s32 s1, $0x0;
	_ =	strace $0x90000047  }
0x42: {  	s0 =	sadd.s32 @!p0 $0x100000, s0;
	[bflag:$0x2] =	sbarrier.arrive $0xFFFF  }
0x43: {  	[sflag:s0] =	ssyncadd.tile.s32 @!p0 $0x1;
	_ =	shalt  }
.Lfunc_end2:
_tile_overlayer_lowered:
.L_overlay_start_2:
0x44: {  	(tag) =	ssettag $0x2  }
0x45: {  	s0 =	rddreg [dreg:$0x0];
	s2 =	stileid.u32  }
0x46: {  	s1 =	rddreg [dreg:$0x1];
	p0 =	sne.s32 s2, $0x0  }
0x47: {  	s3 =	rddreg [dreg:$0x2];
	[bflag:$0x3] =	sbarrier.arrive $0xFFFF;
	s2 =	simm.s32 @!p0 $0x1C01  }
0x48: {  	[timem:s3], [sflag:s2] =	dma.local @!p0 [hbm:s0], s1  }
0x49: {  	s0 =	simm.s32 @!p0 $0x1  }
0x4a: {  	_ =	swait.ge @!p0 [sflag:s0], s1  }
0x4b: {  	s1 =	ssub.s32 @!p0 $0x0, s1;
	[sflag:s0] =	ssyncset.done @!p0 $0x0  }
0x4c: {  	[sflag:s0] =	ssyncadd.s32 @!p0 s1  }
0x4d: {  	[bflag:$0x3] =	sbarrier.arrive $0xFFFF  }
0x4e: {  	_ =	shalt  }

// kernel: kernel.10.cloned.1.call-start
scs
__scs_entry_jumppad:
0x0: {  	(pc) =	sbr.rel $0x88, $3  }
0x1: {  	(tag) =	ssettag $0x0;
	lr =	simm.s32 $0x1  }
0x2: {  	[smem:$0x3F87] =	sst lr;
	_ =	strace $0xD0000000  }
0x3: {  	_ = 	snop  }
0x4: {  	_ = 	snop  }
0x5: {  	_ = 	snop  }
0x6: {  	_ = 	snop  }
0x7: {  	_ = 	snop  }
__scs_overlays_trampoline_lowered:
0x8: {  	[smem:$0x3F96] =	sst s0  }
0x9: {  	[smem:$0x3F97] =	sst s1  }
0xa: {  	[smem:$0x3F98] =	sst s2  }
0xb: {  	[smem:$0x3F99] =	sst s3  }
0xc: {  	[smem:$0x3F9A] =	sst s4  }
0xd: {  	[smem:$0x3F9B] =	sst s5  }
0xe: {  	[smem:$0x3F9C] =	sst s6  }
0xf: {  	[smem:$0x3F9D] =	sst s7  }
0x10: {  	[smem:$0x3F9E] =	sst s8  }
0x11: {  	[smem:$0x3F9F] =	sst s9;
	s0 =	simm.s32 @!p0 $0x0  }
0x12: {  	s1 =	sld [smem:$0x3F85];
	s0 =	simm.s32 @p0 $0x1  }
0x13: {  	[smem:$0x3FA0] =	sst s0;
	s0 =	simm.s32 @!p1 $0x0  }
0x14: {  	s2 =	sld [smem:$0x3F84];
	s0 =	simm.s32 @p1 $0x1  }
0x15: {  	[smem:$0x3FA1] =	sst s0;
	s0 =	simm.s32 @!p2 $0x0  }
0x16: {  	s3 =	sld [smem:$0x3FDB];
	s0 =	simm.s32 @p2 $0x1  }
0x17: {  	s4 =	simm.s32 $0x1BF5;
	[smem:$0x3FA3] =	sst s0  }
0x18: {  	s0 =	sld [smem:$0x3F86];
	_ =	swait.ge [sflag:s4], $0x0  }
0x19: {  	s7 =	sld [smem:$0x3F87]  }
0x1a: {  	s8 =	sadd.s32 $0xFFFFE003, lr  }
0x1b: {  	s9 =	sadd.s32 $0xFFFFFEF7, lr;
	s5 =	simm.s32 $0xFFFFFFFF;
	p2 =	slt.u32 s8, $0xFFFFF086  }
0x1c: {  	p1 =	slt.u32 s9, $0xF7A;
	s5 =	simm.s32 @!p2 $0x0  }
0x1d: {  	s5 =	simm.s32 @p1 $0x1;
	p0 =	seq.s32 s7, s2  }
0x1e: {  	s7 =	smul.u32 @!p0 $0xF7A, s2;
	p2 =	seq.s32 @!p0 s5, $0x0  }
0x1f: {  	s9 =	smul.u32 $0xF7A, s1;
	s8 =	simm.s32 @!p0 $0x1BF5;
	p2 =	por !p2, p0  }
0x20: {  	[sflag:s8] =	ssyncset.s32 @!p0 $0xFFFFF086;
	s6 =	sadd.s32 @!p0 s3, s7;
	s7 =	simm.s32 @!p0 $0x108  }
0x21: {  	s3 =	sadd.s32 s3, s9;
	s6 =	sadd.s32 @!p0 $0x88, s6;
	s7 =	simm.s32 @p2 $0x1082  }
0x22: {  	[simem:s7], [sflag:s8] =	dma.local @!p0 [hbm:s6], $0xF7A  }
0x23: {  	s9 =	sor.u32 $0xD0000000, s2;
	s6 =	simm.s32 $0x108;
	_ =	swait.ge @!p0 [sflag:s8], $0x0  }
0x24: {  	s3 =	sadd.s32 $0x88, s3;
	s6 =	simm.s32 @!p1 $0x1082;
	[sflag:s4] =	ssyncset.s32 $0xFFFFF086  }
0x25: {  	[simem:s6], [sflag:s4] =	dma.local [hbm:s3], $0xF7A  }
0x26: {  	[smem:$0x3F87] =	sst s1;
	(tag) =	ssettag s2;
	_ =	strace s9  }
0x27: {  	s1 =	sld [smem:$0x3F97]  }
0x28: {  	s2 =	sld [smem:$0x3F98]  }
0x29: {  	s4 =	sld [smem:$0x3F9A]  }
0x2a: {  	p0 =	seq.s32 s5, $0x0;
	s5 =	sld [smem:$0x3F9B]  }
0x2b: {  	s6 =	sld [smem:$0x3F9C]  }
0x2c: {  	s7 =	sld [smem:$0x3F9D]  }
0x2d: {  	s3 =	simm.s32 $0x108;
	s8 =	sld [smem:$0x3F9E]  }
0x2e: {  	s3 =	simm.s32 @!p0 $0x1082;
	s9 =	sld [smem:$0x3F9F]  }
0x2f: {  	lr =	sadd.s32 s0, s3;
	s0 =	sld [smem:$0x3F96]  }
0x30: {  	s3 =	sld [smem:$0x3F99]  }
0x31: {  	[smem:$0x3FA2] =	sst s10  }
0x32: {  	s10 =	sld [smem:$0x3FA0];
	_ =	sdelay $0x3  }
0x33: {  	p0 =	seq.s32 s10, $0x1;
	s10 =	sld [smem:$0x3FA2];
	_ =	sdelay $0x3  }
0x34: {  	[smem:$0x3FA2] =	sst s10  }
0x35: {  	s10 =	sld [smem:$0x3FA1];
	_ =	sdelay $0x3  }
0x36: {  	p1 =	seq.s32 s10, $0x1;
	s10 =	sld [smem:$0x3FA2];
	_ =	sdelay $0x3  }
0x37: {  	[smem:$0x3FA2] =	sst s10  }
0x38: {  	s10 =	sld [smem:$0x3FA3]  }
0x39: {  	_ = 	snop;
	(pc) =	sbr.ind lr, $3  }
0x3a: {  	_ = 	snop  }
0x3b: {  	_ = 	snop  }
0x3c: {  	p2 =	seq.s32 s10, $0x1;
	s10 =	sld [smem:$0x3FA2]  }
0x3d: {  	_ =	shalt  }
0x3e: {  	_ =	shalt  }
0x3f: {  	_ =	shalt  }
0x40: {  	_ =	shalt  }
0x41: {  	_ =	shalt  }
0x42: {  	_ =	shalt  }
0x43: {  	_ =	shalt  }
0x44: {  	_ =	shalt  }
0x45: {  	_ =	shalt  }
0x46: {  	_ =	shalt  }
0x47: {  	_ =	shalt  }
0x48: {  	_ =	shalt  }
0x49: {  	_ =	shalt  }
0x4a: {  	_ =	shalt  }
0x4b: {  	_ =	shalt  }
0x4c: {  	_ =	shalt  }
0x4d: {  	_ =	shalt  }
0x4e: {  	_ =	shalt  }
0x4f: {  	_ =	shalt  }
0x50: {  	_ =	shalt  }
0x51: {  	_ =	shalt  }
0x52: {  	_ =	shalt  }
0x53: {  	_ =	shalt  }
0x54: {  	_ =	shalt  }
0x55: {  	_ =	shalt  }
0x56: {  	_ =	shalt  }
0x57: {  	_ =	shalt  }
0x58: {  	_ =	shalt  }
0x59: {  	_ =	shalt  }
0x5a: {  	_ =	shalt  }
0x5b: {  	_ =	shalt  }
0x5c: {  	_ =	shalt  }
0x5d: {  	_ =	shalt  }
0x5e: {  	_ =	shalt  }
0x5f: {  	_ =	shalt  }
0x60: {  	_ =	shalt  }
0x61: {  	_ =	shalt  }
0x62: {  	_ =	shalt  }
0x63: {  	_ =	shalt  }
0x64: {  	_ =	shalt  }
0x65: {  	_ =	shalt  }
0x66: {  	_ =	shalt  }
0x67: {  	_ =	shalt  }
0x68: {  	_ =	shalt  }
0x69: {  	_ =	shalt  }
0x6a: {  	_ =	shalt  }
0x6b: {  	_ =	shalt  }
0x6c: {  	_ =	shalt  }
0x6d: {  	_ =	shalt  }
0x6e: {  	_ =	shalt  }
0x6f: {  	_ =	shalt  }
0x70: {  	_ =	shalt  }
0x71: {  	_ =	shalt  }
0x72: {  	_ =	shalt  }
0x73: {  	_ =	shalt  }
0x74: {  	_ =	shalt  }
0x75: {  	_ =	shalt  }
0x76: {  	_ =	shalt  }
0x77: {  	_ =	shalt  }
0x78: {  	_ =	shalt  }
0x79: {  	_ =	shalt  }
0x7a: {  	_ =	shalt  }
0x7b: {  	_ =	shalt  }
0x7c: {  	_ =	shalt  }
0x7d: {  	_ =	shalt  }
0x7e: {  	_ =	shalt  }
0x7f: {  	_ =	shalt  }
0x80: {  	_ =	shalt  }
0x81: {  	_ =	shalt  }
0x82: {  	_ =	shalt  }
0x83: {  	_ =	shalt  }
0x84: {  	_ =	shalt  }
0x85: {  	_ =	shalt  }
0x86: {  	_ =	shalt  }
0x87: {  	_ =	shalt  }
.Lfunc_end0:
.L_simem_size_0:
called_computation.2_lowered:
.L_overlay_start_0:
0x88: {  	s2 =	sld [smem:$0x3FD9]  }
0x89: {  	s3 =	sld [smem:$0x3FFE];
	_ =	sdelay $0x1  }
0x8a: {  	s1 =	srdreg.scid  }
0x8b: {  	s0 =	sand.u32 $0x1, s1  }
0x8c: {  	s17 =	sshll.u32 s0, $0xA;
	s2 =	sadd.s32 s3, s2  }
0x8d: {  	s2 =	sadd.s32 s2, s17  }
0x8e: {  	[smem:$0x3FAE] =	sst s2  }
0x8f: {  	_ = 	snop  }
0x90: {  	s18 =	sld [smem:$0x3FC6];
	(tm) =	ssettm $0x1  }
0x91: {  	s19 =	sld [smem:$0x3FFB];
	_ =	sdelay $0x3  }
0x92: {  	_ =	strace s19  }
0x93: {  	s2 =	sld [smem:$0x3FFC];
	_ =	sdelay $0x3  }
0x94: {  	_ =	strace s2  }
0x95: {  	s2 =	sld [smem:$0x3FFD];
	_ =	sdelay $0x3  }
0x96: {  	_ =	strace s2  }
0x97: {  	_ =	strace $0x8FFFFFFF  }
0x98: {  	s20 =	sld [smem:$0x3FDB];
	_ =	sdelay $0x1  }
0x99: {  	s4 =	simm.s32 $_scs_section_size  }
0x9a: {  	s5 =	simm.s32 $_size__tile_overlayer_lowered;
	s6 =	simm.s32 $_tile_overlayer_lowered  }
0x9b: {  	s7 =	simm.s32 $0x1BFF;
	s21 =	sshll.u32 s6, $0x1;
	s4 =	sadd.s32 s4, s20  }
0x9c: {  	s22 =	simm.s32 $0x0;
	s5 =	sshll.u32 s5, $0x1;
	s6 =	sadd.s32 s21, s4  }
0x9d: {  	[timem:s22], [sflag:s7] =	dma.local [hbm:s6], s5  }
0x9e: {  	_ =	swait.ge [sflag:s7], s5  }
0x9f: {  	s5 =	ssub.s32 $0x0, s5;
	[sflag:s7] =	ssyncset.done $0x0  }
0xa0: {  	[sflag:s7] =	ssyncadd.s32 s5;
	_ =	sdelay $0x1  }
0xa1: {  	s23 =	simm.s32 $0x1B8B  }
0xa2: {  	_ =	swait.ge [sflag:s23], $0x1  }
0xa3: {  	[sflag:s23] =	ssyncset.done $0x0  }
0xa4: {  	[sflag:s23] =	ssyncadd.s32 $0xFFFFFFFF  }
0xa5: {  	s5 =	sld [smem:$0x0]  }
0xa6: {  	s6 =	sand.u32 $0xFFFFFFFE, s1  }
0xa7: {  	p0 =	sne.s32 s1, s6  }
0xa8: {  	s6 =	sshll.u32 @p0 s6, $0xE  }
0xa9: {  	s6 =	sadd.s32 @p0 $0x11B8D, s6;
	s7 =	sshll.u32 @p0 s5, $0x11  }
0xaa: {  	s6 =	sor.u32 @p0 s7, s6  }
0xab: {  	[sflag:s6] =	ssyncadd.remote.s32 @p0 $0x1;
	_ =	sdelay $0x1  }
0xac: {  	s6 =	simm.s32 @p0 $0x1B8D  }
0xad: {  	_ =	swait.eq @p0 [sflag:s6], $0x1  }
0xae: {  	[sflag:s6] =	ssyncadd.s32 @p0 $0xFFFFFFFF  }
0xaf: {  	s7 =	sshll.u32 @!p0 s1, $0xE  }
0xb0: {  	s7 =	sor.u32 @!p0 $0x4000, s7;
	s6 =	simm.s32 @!p0 $0x1B8D  }
0xb1: {  	s5 =	sshll.u32 @!p0 s5, $0x11;
	s7 =	sadd.s32 @!p0 $0x11B8D, s7;
	_ =	swait.eq @!p0 [sflag:s6], $0x1  }
0xb2: {  	s5 =	sor.u32 @!p0 s5, s7;
	[sflag:s6] =	ssyncadd.s32 @!p0 $0xFFFFFFFF  }
0xb3: {  	s25 =	simm.s32 $0x1B8E;
	s24 =	sld [smem:$0x3FFE];
	[sflag:s5] =	ssyncadd.remote.s32 @!p0 $0x1  }
0xb4: {  	s26 =	simm.s32 $execute0_lowered;
	[smem:$0x3FD2] =	sst s25  }
0xb5: {  	s6 =	sshll.u32 s26, $0x1;
	_ =	strace $0x8000004C;
	[dreg:$0x1] =	wrdreg $0xFFFFFFFF  }
0xb6: {  	s28 =	simm.s32 $_size_execute0_lowered;
	s4 =	sadd.s32 s4, s6;
	[dreg:$0x0] =	wrdreg $0x0  }
0xb7: {  	s6 =	sshll.u32 s28, $0x1;
	[dreg:$0x2] =	wrdreg s4  }
0xb8: {  	[dreg:$0x3] =	wrdreg s6  }
0xb9: {  	[dreg:$0x4] =	wrdreg $0xC0  }
0xba: {  	_ =	task [dreg:s22], $0x5FFFF  }
0xbb: {  	[dreg:$0x1] =	wrdreg $0xFFFFFFFF  }
0xbc: {  	[dreg:$0x0] =	wrdreg $0x60  }
0xbd: {  	[dreg:$0x2] =	wrdreg s18  }
0xbe: {  	[dreg:$0x3] =	wrdreg s24  }
0xbf: {  	[dreg:$0x4] =	wrdreg $0xB  }
0xc0: {  	_ =	task.clear_ibuf [dreg:s22], $0x5FFFF;
	_ =	strace $0x9000004C  }
0xc1: {  	s29 =	simm.s32 $0xB;
	_ =	strace $0x8000004E  }
0xc2: {  	_ =	swait.ge [sflag:s29], $0x1  }
0xc3: {  	[sflag:s29] =	ssyncadd.s32 $0xFFFFFFFF  }
0xc4: {  	_ =	strace $0x9000004E  }
0xc5: {  	_ =	sfence  }
0xc6: {  	s30 =	sld [smem:$0x0];
	_ =	sdelay $0x2  }
0xc7: {  	s31 =	sshll.u32 s1, $0xD;
	s1 =	sshrl.u32 s1, $0x2  }
0xc8: {  	s4 =	sand.u32 $0x4000, s31;
	s1 =	sadd.s32 s1, s30  }
0xc9: {  	s0 =	sor.u32 s4, s0;
	s1 =	sshll.u32 s1, $0x11  }
0xca: {  	s0 =	sor.u32 s1, s0  }
0xcb: {  	s0 =	sadd.s32 $0x8F2B, s0  }
0xcc: {  	[sflag:s0] =	ssyncadd.remote.s32 $0x1  }
0xcd: {  	_ =	sfence.sel $0xFFFF  }
0xce: {  	[dreg:$0x0] =	wrdreg $0xFFFFFFFF;
	(pc) =	sbr.abs _section_cstart, $3  }
0xcf: {  	[dreg:$0x1] =	wrdreg $0xFFFFFFFF  }
0xd0: {  	_ =	task.clear_ibuf [dreg:s22], $0x2FFFF;
	_ =	strace $0x9FFFFFFF  }
0xd1: {  	(tm) =	ssettm $0x7FFFFFFF  }
tec
execute0_lowered:
.L_overlay_start_1:
0x0: {  	(tag) =	ssettag $0x1  }
0x1: {  	s1 =	srdreg.scid;
	s0 =	stileid.u32  }
0x2: {  	s1 =	sand.u32 $0x1, s1;
	s3 =	sshll.u32 s0, $0x1  }
0x3: {  	s2 =	rddreg [dreg:$0x0];
	s25 =	sor.u32 s1, s3  }
0x4: {  	s9 =	rddreg [dreg:$0x1];
	s3 =	simm.s32 $0x0;
	s4 =	smul.u32 $0x28, s25  }
0x5: {  	s24 =	sadd.s32 $0x2B000, s9;
	[smem:$0x7FF] =	sst s3  }
0x6: {  	s5 =	simm.s32 $0x2;
	_ =	strace $0x8000004D;
	s4 =	sadd.s32 s24, s4  }
0x7: {  	[tilespmem:s3], [sflag:$0x2] =	stream.linear.gather [hbm4b:s4+s3], $0x50, $0x38;
	[tilespmem:$0x2880] =	vst v63  }
0x8: {  	_ =	swait.ge [sflag:s5], $0x50  }
0x9: {  	s6 =	simm.s32 $0x50;
	[sflag:s5] =	ssyncset.done $0x0  }
0xa: {  	s7 =	simm.s32 $0x80;
	s8 =	simm.s32 $0x1;
	[sflag:s5] =	ssyncadd.s32 $0xFFFFFFB0  }
0xb: {  	[tilespmem:s7], [sflag:$0x1] =	stream.indirect.gather [hbm4b:s2+s6], $0x80, s3, s6, $0xb8;
	[tilespmem:$0x2880] =	vst v63  }
0xc: {  	s10 =	smul.u32 $0x1400, s25;
	_ =	swait.ge [sflag:s8], $0x2800  }
0xd: {  	s0 =	sadd.s32 $0x35400, s9;
	s16 =	sshll.u32 s25, $0x2;
	[sflag:s8] =	ssyncset.done $0x0  }
0xe: {  	s17 =	sor.u32 $0x1, s16;
	s9 =	sadd.s32 s0, s10;
	[sflag:s8] =	ssyncadd.s32 $0xFFFFD800  }
0xf: {  	[hbm4b:s9+s3] =	stream.linear.scatter [tilespmem:s7], [sflag:$0x2], $0x2800, $0x38;
	[tilespmem:$0x2880] =	vst v63  }
0x10: {  	p0 =	seq.s32 s25, $0x1F;
	s23 =	smul.u32 $0xA, s17;
	_ =	swait.ge [sflag:s5], $0x2800  }
0x11: {  	s11 =	simm.s32 @!p0 $0x0;
	[sflag:s5] =	ssyncset.done $0x0  }
0x12: {  	s12 =	simm.s32 @!p0 $0x2;
	s10 =	sadd.s32 s24, s23;
	[sflag:s5] =	ssyncadd.s32 $0xFFFFD800  }
0x13: {  	[tilespmem:s11], [sflag:$0x2] =	stream.linear.gather @!p0 [hbm4b:s10+s11], $0x50, $0x38;
	[tilespmem:$0x2880] =	vst v63  }
0x14: {  	_ =	swait.ge @!p0 [sflag:s12], $0x50  }
0x15: {  	s13 =	simm.s32 @!p0 $0x1;
	[sflag:s12] =	ssyncset.done @!p0 $0x0  }
0x16: {  	s14 =	simm.s32 @!p0 $0x50;
	s15 =	simm.s32 @!p0 $0x80;
	[sflag:s12] =	ssyncadd.s32 @!p0 $0xFFFFFFB0  }
0x17: {  	[tilespmem:s15], [sflag:$0x1] =	stream.indirect.gather @!p0 [hbm4b:s2+s14], $0x80, s11, s14, $0xb8;
	[tilespmem:$0x2880] =	vst v63  }
0x18: {  	s17 =	smul.u32 $0x500, s17;
	_ =	swait.ge @!p0 [sflag:s13], $0x2800  }
0x19: {  	s23 =	sor.u32 $0x2, s16;
	[sflag:s13] =	ssyncset.done @!p0 $0x0  }
0x1a: {  	s16 =	sadd.s32 s0, s17;
	[dreg:$0x3] =	wrdreg s0;
	[sflag:s13] =	ssyncadd.s32 @!p0 $0xFFFFD800  }
0x1b: {  	[hbm4b:s16+s11] =	stream.linear.scatter @!p0 [tilespmem:s15], [sflag:$0x2], $0x2800, $0x38;
	[tilespmem:$0x2880] =	vst v63  }
0x1c: {  	s26 =	smul.u32 $0xA, s23;
	p1 =	sgt.u32 s23, $0x7C;
	_ =	swait.ge @!p0 [sflag:s12], $0x2800  }
0x1d: {  	s18 =	simm.s32 @!p1 $0x0;
	[sflag:s12] =	ssyncset.done @!p0 $0x0  }
0x1e: {  	s19 =	simm.s32 @!p1 $0x2;
	s17 =	sadd.s32 s24, s26;
	[sflag:s12] =	ssyncadd.s32 @!p0 $0xFFFFD800  }
0x1f: {  	[tilespmem:s18], [sflag:$0x2] =	stream.linear.gather @!p1 [hbm4b:s17+s18], $0x50, $0x38;
	[tilespmem:$0x2880] =	vst v63  }
0x20: {  	_ =	swait.ge @!p1 [sflag:s19], $0x50  }
0x21: {  	s20 =	simm.s32 @!p1 $0x50;
	[sflag:s19] =	ssyncset.done @!p1 $0x0  }
0x22: {  	s21 =	simm.s32 @!p1 $0x80;
	s22 =	simm.s32 @!p1 $0x1;
	[sflag:s19] =	ssyncadd.s32 @!p1 $0xFFFFFFB0  }
0x23: {  	[tilespmem:s21], [sflag:$0x1] =	stream.indirect.gather @!p1 [hbm4b:s2+s20], $0x80, s18, s20, $0xb8;
	[tilespmem:$0x2880] =	vst v63  }
0x24: {  	s1 =	ssub.s32 $0x2, s1;
	s23 =	smul.u32 $0x500, s23;
	_ =	swait.ge @!p1 [sflag:s22], $0x2800  }
0x25: {  	s31 =	sshrl.u32 s1, $0x1;
	[sflag:s22] =	ssyncset.done @!p1 $0x0  }
0x26: {  	s23 =	sadd.s32 s0, s23;
	s0 =	sshllo.u32 s25, $0x2;
	[sflag:s22] =	ssyncadd.s32 @!p1 $0xFFFFD800  }
0x27: {  	[hbm4b:s23+s18] =	stream.linear.scatter @!p1 [tilespmem:s21], [sflag:$0x2], $0x2800, $0x38;
	[tilespmem:$0x2880] =	vst v63  }
0x28: {  	s25 =	smul.u32 $0xA, s0;
	p2 =	sgt.u32 s0, $0x7C;
	_ =	swait.ge @!p1 [sflag:s19], $0x2800  }
0x29: {  	s1 =	ssub.s32 s1, s31;
	s26 =	simm.s32 @!p2 $0x0;
	[sflag:s19] =	ssyncset.done @!p1 $0x0  }
0x2a: {  	s25 =	sadd.s32 s24, s25;
	s24 =	simm.s32 @!p2 $0x2;
	[sflag:s19] =	ssyncadd.s32 @!p1 $0xFFFFD800  }
0x2b: {  	[tilespmem:s26], [sflag:$0x2] =	stream.linear.gather @!p2 [hbm4b:s25+s26], $0x50, $0x38;
	[tilespmem:$0x2880] =	vst v63  }
0x2c: {  	s1 =	smax.u32 s1, $0x1;
	_ =	swait.ge @!p2 [sflag:s24], $0x50  }
0x2d: {  	s1 =	sadd.s32 $0xFFFFFFFF, s1;
	s28 =	simm.s32 @!p2 $0x50;
	[sflag:s24] =	ssyncset.done @!p2 $0x0  }
0x2e: {  	s29 =	simm.s32 @!p2 $0x80;
	s30 =	simm.s32 @!p2 $0x1;
	[sflag:s24] =	ssyncadd.s32 @!p2 $0xFFFFFFB0  }
0x2f: {  	[tilespmem:s29], [sflag:$0x1] =	stream.indirect.gather @!p2 [hbm4b:s2+s28], $0x80, s26, s28, $0xb8;
	[tilespmem:$0x2880] =	vst v63  }
0x30: {  	p3 =	sne.s32 s1, $0x0;
	s0 =	smul.u32 $0x500, s0;
	_ =	swait.ge @!p2 [sflag:s30], $0x2800  }
.Ltmp0:
0x31: {  	[sflag:s30] =	ssyncset.done @!p2 $0x0;
	s31 =	rddreg [dreg:$0x3];
	(pc) =	sbr.rel @!p3 .LBB2_2-.Ltmp0, $4  }
0x32: {  	s31 =	sadd.s32 s31, s0;
	[sflag:s30] =	ssyncadd.s32 @!p2 $0xFFFFD800  }
0x33: {  	[hbm4b:s31+s26] =	stream.linear.scatter @!p2 [tilespmem:s29], [sflag:$0x2], $0x2800, $0x38;
	[tilespmem:$0x2880] =	vst v63  }
0x34: {  	_ =	swait.ge @!p2 [sflag:s24], $0x2800  }
0x35: {  	[sflag:s24] =	ssyncset.done @!p2 $0x0  }
.LBB2_1:
0x36: {  	s1 =	sadd.s32 $0xFFFFFFFF, s1;
	[sflag:s24] =	ssyncadd.s32 @!p2 $0xFFFFD800  }
0x37: {  	[tilespmem:s3], [sflag:$0x2] =	stream.linear.gather [hbm4b:s4+s3], $0x50, $0x38;
	[tilespmem:$0x2880] =	vst v63  }
0x38: {  	p3 =	sne.s32 s1, $0x0;
	_ =	swait.ge [sflag:s5], $0x50  }
0x39: {  	[sflag:s5] =	ssyncset.done $0x0  }
0x3a: {  	[sflag:s5] =	ssyncadd.s32 $0xFFFFFFB0  }
0x3b: {  	[tilespmem:s7], [sflag:$0x1] =	stream.indirect.gather [hbm4b:s2+s6], $0x80, s3, s6, $0xb8;
	[tilespmem:$0x2880] =	vst v63  }
0x3c: {  	_ =	swait.ge [sflag:s8], $0x2800  }
0x3d: {  	[sflag:s8] =	ssyncset.done $0x0  }
0x3e: {  	[sflag:s8] =	ssyncadd.s32 $0xFFFFD800  }
0x3f: {  	[hbm4b:s9+s3] =	stream.linear.scatter [tilespmem:s7], [sflag:$0x2], $0x2800, $0x38;
	[tilespmem:$0x2880] =	vst v63  }
0x40: {  	_ =	swait.ge [sflag:s5], $0x2800  }
0x41: {  	[sflag:s5] =	ssyncset.done $0x0  }
0x42: {  	[sflag:s5] =	ssyncadd.s32 $0xFFFFD800  }
0x43: {  	[tilespmem:s11], [sflag:$0x2] =	stream.linear.gather @!p0 [hbm4b:s10+s11], $0x50, $0x38;
	[tilespmem:$0x2880] =	vst v63  }
0x44: {  	_ =	swait.ge @!p0 [sflag:s12], $0x50  }
0x45: {  	[sflag:s12] =	ssyncset.done @!p0 $0x0  }
0x46: {  	[sflag:s12] =	ssyncadd.s32 @!p0 $0xFFFFFFB0  }
0x47: {  	[tilespmem:s15], [sflag:$0x1] =	stream.indirect.gather @!p0 [hbm4b:s2+s14], $0x80, s11, s14, $0xb8;
	[tilespmem:$0x2880] =	vst v63  }
0x48: {  	_ =	swait.ge @!p0 [sflag:s13], $0x2800  }
0x49: {  	[sflag:s13] =	ssyncset.done @!p0 $0x0  }
0x4a: {  	[sflag:s13] =	ssyncadd.s32 @!p0 $0xFFFFD800  }
0x4b: {  	[hbm4b:s16+s11] =	stream.linear.scatter @!p0 [tilespmem:s15], [sflag:$0x2], $0x2800, $0x38;
	[tilespmem:$0x2880] =	vst v63  }
0x4c: {  	_ =	swait.ge @!p0 [sflag:s12], $0x2800  }
0x4d: {  	[sflag:s12] =	ssyncset.done @!p0 $0x0  }
0x4e: {  	[sflag:s12] =	ssyncadd.s32 @!p0 $0xFFFFD800  }
0x4f: {  	[tilespmem:s18], [sflag:$0x2] =	stream.linear.gather @!p1 [hbm4b:s17+s18], $0x50, $0x38;
	[tilespmem:$0x2880] =	vst v63  }
0x50: {  	_ =	swait.ge @!p1 [sflag:s19], $0x50  }
0x51: {  	[sflag:s19] =	ssyncset.done @!p1 $0x0  }
0x52: {  	[sflag:s19] =	ssyncadd.s32 @!p1 $0xFFFFFFB0  }
0x53: {  	[tilespmem:s21], [sflag:$0x1] =	stream.indirect.gather @!p1 [hbm4b:s2+s20], $0x80, s18, s20, $0xb8;
	[tilespmem:$0x2880] =	vst v63  }
0x54: {  	_ =	swait.ge @!p1 [sflag:s22], $0x2800  }
0x55: {  	[sflag:s22] =	ssyncset.done @!p1 $0x0  }
0x56: {  	[sflag:s22] =	ssyncadd.s32 @!p1 $0xFFFFD800  }
0x57: {  	[hbm4b:s23+s18] =	stream.linear.scatter @!p1 [tilespmem:s21], [sflag:$0x2], $0x2800, $0x38;
	[tilespmem:$0x2880] =	vst v63  }
0x58: {  	_ =	swait.ge @!p1 [sflag:s19], $0x2800  }
0x59: {  	[sflag:s19] =	ssyncset.done @!p1 $0x0  }
0x5a: {  	[sflag:s19] =	ssyncadd.s32 @!p1 $0xFFFFD800  }
0x5b: {  	[tilespmem:s26], [sflag:$0x2] =	stream.linear.gather @!p2 [hbm4b:s25+s26], $0x50, $0x38;
	[tilespmem:$0x2880] =	vst v63  }
0x5c: {  	_ =	swait.ge @!p2 [sflag:s24], $0x50  }
0x5d: {  	[sflag:s24] =	ssyncset.done @!p2 $0x0  }
0x5e: {  	[sflag:s24] =	ssyncadd.s32 @!p2 $0xFFFFFFB0  }
0x5f: {  	[tilespmem:s29], [sflag:$0x1] =	stream.indirect.gather @!p2 [hbm4b:s2+s28], $0x80, s26, s28, $0xb8;
	[tilespmem:$0x2880] =	vst v63  }
0x60: {  	_ =	swait.ge @!p2 [sflag:s30], $0x2800  }
.Ltmp1:
0x61: {  	[sflag:s30] =	ssyncset.done @!p2 $0x0;
	(pc) =	sbr.rel @p3 .LBB2_1-.Ltmp1, $4  }
0x62: {  	[sflag:s30] =	ssyncadd.s32 @!p2 $0xFFFFD800  }
0x63: {  	[hbm4b:s31+s26] =	stream.linear.scatter @!p2 [tilespmem:s29], [sflag:$0x2], $0x2800, $0x38;
	[tilespmem:$0x2880] =	vst v63  }
0x64: {  	_ =	swait.ge @!p2 [sflag:s24], $0x2800  }
0x65: {  	[sflag:s24] =	ssyncset.done @!p2 $0x0  }
.LBB2_2:
0x66: {  	[sflag:s24] =	ssyncadd.s32 @!p2 $0xFFFFD800  }
0x67: {  	_ =	sfence.sel $0x180000  }
0x68: {  	[bflag:$0x0] =	sbarrier.arrive $0xFFFF  }
0x69: {  	_ =	strace $0x9000004D  }
0x6a: {  	s0 =	stileid.u32;
	[bflag:$0x2] =	sbarrier.arrive $0xFFFF  }
0x6b: {  	p0 =	sne.s32 s0, $0x0;
	s0 =	rddreg [dreg:$0x2]  }
0x6c: {  	s0 =	sadd.s32 @!p0 $0x100000, s0  }
0x6d: {  	[sflag:s0] =	ssyncadd.tile.s32 @!p0 $0x1;
	_ =	shalt  }
.Lfunc_end2:
_tile_overlayer_lowered:
.L_overlay_start_2:
0x6e: {  	(tag) =	ssettag $0x2  }
0x6f: {  	s0 =	rddreg [dreg:$0x0];
	s2 =	stileid.u32  }
0x70: {  	s1 =	rddreg [dreg:$0x1];
	p0 =	sne.s32 s2, $0x0  }
0x71: {  	s3 =	rddreg [dreg:$0x2];
	[bflag:$0x3] =	sbarrier.arrive $0xFFFF;
	s2 =	simm.s32 @!p0 $0x1C02  }
0x72: {  	[timem:s3], [sflag:s2] =	dma.local @!p0 [hbm:s0], s1  }
0x73: {  	s0 =	simm.s32 @!p0 $0x2  }
0x74: {  	_ =	swait.ge @!p0 [sflag:s0], s1  }
0x75: {  	s1 =	ssub.s32 @!p0 $0x0, s1;
	[sflag:s0] =	ssyncset.done @!p0 $0x0  }
0x76: {  	[sflag:s0] =	ssyncadd.s32 @!p0 s1  }
0x77: {  	[bflag:$0x3] =	sbarrier.arrive $0xFFFF  }
0x78: {  	_ =	shalt  }

// kernel: kernel.13.cloned.1.call-start
scs
__scs_entry_jumppad:
0x0: {  	(pc) =	sbr.rel $0x88, $3  }
0x1: {  	(tag) =	ssettag $0x0;
	lr =	simm.s32 $0x1  }
0x2: {  	[smem:$0x3F87] =	sst lr;
	_ =	strace $0xD0000000  }
0x3: {  	_ = 	snop  }
0x4: {  	_ = 	snop  }
0x5: {  	_ = 	snop  }
0x6: {  	_ = 	snop  }
0x7: {  	_ = 	snop  }
__scs_overlays_trampoline_lowered:
0x8: {  	[smem:$0x3F96] =	sst s0  }
0x9: {  	[smem:$0x3F97] =	sst s1  }
0xa: {  	[smem:$0x3F98] =	sst s2  }
0xb: {  	[smem:$0x3F99] =	sst s3  }
0xc: {  	[smem:$0x3F9A] =	sst s4  }
0xd: {  	[smem:$0x3F9B] =	sst s5  }
0xe: {  	[smem:$0x3F9C] =	sst s6  }
0xf: {  	[smem:$0x3F9D] =	sst s7  }
0x10: {  	[smem:$0x3F9E] =	sst s8  }
0x11: {  	[smem:$0x3F9F] =	sst s9;
	s0 =	simm.s32 @!p0 $0x0  }
0x12: {  	s1 =	sld [smem:$0x3F85];
	s0 =	simm.s32 @p0 $0x1  }
0x13: {  	[smem:$0x3FA0] =	sst s0;
	s0 =	simm.s32 @!p1 $0x0  }
0x14: {  	s2 =	sld [smem:$0x3F84];
	s0 =	simm.s32 @p1 $0x1  }
0x15: {  	[smem:$0x3FA1] =	sst s0;
	s0 =	simm.s32 @!p2 $0x0  }
0x16: {  	s3 =	sld [smem:$0x3FDB];
	s0 =	simm.s32 @p2 $0x1  }
0x17: {  	s4 =	simm.s32 $0x1BF5;
	[smem:$0x3FA3] =	sst s0  }
0x18: {  	s0 =	sld [smem:$0x3F86];
	_ =	swait.ge [sflag:s4], $0x0  }
0x19: {  	s7 =	sld [smem:$0x3F87]  }
0x1a: {  	s8 =	sadd.s32 $0xFFFFE003, lr  }
0x1b: {  	s9 =	sadd.s32 $0xFFFFFEF7, lr;
	s5 =	simm.s32 $0xFFFFFFFF;
	p2 =	slt.u32 s8, $0xFFFFF086  }
0x1c: {  	p1 =	slt.u32 s9, $0xF7A;
	s5 =	simm.s32 @!p2 $0x0  }
0x1d: {  	s5 =	simm.s32 @p1 $0x1;
	p0 =	seq.s32 s7, s2  }
0x1e: {  	s7 =	smul.u32 @!p0 $0xF7A, s2;
	p2 =	seq.s32 @!p0 s5, $0x0  }
0x1f: {  	s9 =	smul.u32 $0xF7A, s1;
	s8 =	simm.s32 @!p0 $0x1BF5;
	p2 =	por !p2, p0  }
0x20: {  	[sflag:s8] =	ssyncset.s32 @!p0 $0xFFFFF086;
	s6 =	sadd.s32 @!p0 s3, s7;
	s7 =	simm.s32 @!p0 $0x108  }
0x21: {  	s3 =	sadd.s32 s3, s9;
	s6 =	sadd.s32 @!p0 $0x88, s6;
	s7 =	simm.s32 @p2 $0x1082  }
0x22: {  	[simem:s7], [sflag:s8] =	dma.local @!p0 [hbm:s6], $0xF7A  }
0x23: {  	s9 =	sor.u32 $0xD0000000, s2;
	s6 =	simm.s32 $0x108;
	_ =	swait.ge @!p0 [sflag:s8], $0x0  }
0x24: {  	s3 =	sadd.s32 $0x88, s3;
	s6 =	simm.s32 @!p1 $0x1082;
	[sflag:s4] =	ssyncset.s32 $0xFFFFF086  }
0x25: {  	[simem:s6], [sflag:s4] =	dma.local [hbm:s3], $0xF7A  }
0x26: {  	[smem:$0x3F87] =	sst s1;
	(tag) =	ssettag s2;
	_ =	strace s9  }
0x27: {  	s1 =	sld [smem:$0x3F97]  }
0x28: {  	s2 =	sld [smem:$0x3F98]  }
0x29: {  	s4 =	sld [smem:$0x3F9A]  }
0x2a: {  	p0 =	seq.s32 s5, $0x0;
	s5 =	sld [smem:$0x3F9B]  }
0x2b: {  	s6 =	sld [smem:$0x3F9C]  }
0x2c: {  	s7 =	sld [smem:$0x3F9D]  }
0x2d: {  	s3 =	simm.s32 $0x108;
	s8 =	sld [smem:$0x3F9E]  }
0x2e: {  	s3 =	simm.s32 @!p0 $0x1082;
	s9 =	sld [smem:$0x3F9F]  }
0x2f: {  	lr =	sadd.s32 s0, s3;
	s0 =	sld [smem:$0x3F96]  }
0x30: {  	s3 =	sld [smem:$0x3F99]  }
0x31: {  	[smem:$0x3FA2] =	sst s10  }
0x32: {  	s10 =	sld [smem:$0x3FA0];
	_ =	sdelay $0x3  }
0x33: {  	p0 =	seq.s32 s10, $0x1;
	s10 =	sld [smem:$0x3FA2];
	_ =	sdelay $0x3  }
0x34: {  	[smem:$0x3FA2] =	sst s10  }
0x35: {  	s10 =	sld [smem:$0x3FA1];
	_ =	sdelay $0x3  }
0x36: {  	p1 =	seq.s32 s10, $0x1;
	s10 =	sld [smem:$0x3FA2];
	_ =	sdelay $0x3  }
0x37: {  	[smem:$0x3FA2] =	sst s10  }
0x38: {  	s10 =	sld [smem:$0x3FA3]  }
0x39: {  	_ = 	snop;
	(pc) =	sbr.ind lr, $3  }
0x3a: {  	_ = 	snop  }
0x3b: {  	_ = 	snop  }
0x3c: {  	p2 =	seq.s32 s10, $0x1;
	s10 =	sld [smem:$0x3FA2]  }
0x3d: {  	_ =	shalt  }
0x3e: {  	_ =	shalt  }
0x3f: {  	_ =	shalt  }
0x40: {  	_ =	shalt  }
0x41: {  	_ =	shalt  }
0x42: {  	_ =	shalt  }
0x43: {  	_ =	shalt  }
0x44: {  	_ =	shalt  }
0x45: {  	_ =	shalt  }
0x46: {  	_ =	shalt  }
0x47: {  	_ =	shalt  }
0x48: {  	_ =	shalt  }
0x49: {  	_ =	shalt  }
0x4a: {  	_ =	shalt  }
0x4b: {  	_ =	shalt  }
0x4c: {  	_ =	shalt  }
0x4d: {  	_ =	shalt  }
0x4e: {  	_ =	shalt  }
0x4f: {  	_ =	shalt  }
0x50: {  	_ =	shalt  }
0x51: {  	_ =	shalt  }
0x52: {  	_ =	shalt  }
0x53: {  	_ =	shalt  }
0x54: {  	_ =	shalt  }
0x55: {  	_ =	shalt  }
0x56: {  	_ =	shalt  }
0x57: {  	_ =	shalt  }
0x58: {  	_ =	shalt  }
0x59: {  	_ =	shalt  }
0x5a: {  	_ =	shalt  }
0x5b: {  	_ =	shalt  }
0x5c: {  	_ =	shalt  }
0x5d: {  	_ =	shalt  }
0x5e: {  	_ =	shalt  }
0x5f: {  	_ =	shalt  }
0x60: {  	_ =	shalt  }
0x61: {  	_ =	shalt  }
0x62: {  	_ =	shalt  }
0x63: {  	_ =	shalt  }
0x64: {  	_ =	shalt  }
0x65: {  	_ =	shalt  }
0x66: {  	_ =	shalt  }
0x67: {  	_ =	shalt  }
0x68: {  	_ =	shalt  }
0x69: {  	_ =	shalt  }
0x6a: {  	_ =	shalt  }
0x6b: {  	_ =	shalt  }
0x6c: {  	_ =	shalt  }
0x6d: {  	_ =	shalt  }
0x6e: {  	_ =	shalt  }
0x6f: {  	_ =	shalt  }
0x70: {  	_ =	shalt  }
0x71: {  	_ =	shalt  }
0x72: {  	_ =	shalt  }
0x73: {  	_ =	shalt  }
0x74: {  	_ =	shalt  }
0x75: {  	_ =	shalt  }
0x76: {  	_ =	shalt  }
0x77: {  	_ =	shalt  }
0x78: {  	_ =	shalt  }
0x79: {  	_ =	shalt  }
0x7a: {  	_ =	shalt  }
0x7b: {  	_ =	shalt  }
0x7c: {  	_ =	shalt  }
0x7d: {  	_ =	shalt  }
0x7e: {  	_ =	shalt  }
0x7f: {  	_ =	shalt  }
0x80: {  	_ =	shalt  }
0x81: {  	_ =	shalt  }
0x82: {  	_ =	shalt  }
0x83: {  	_ =	shalt  }
0x84: {  	_ =	shalt  }
0x85: {  	_ =	shalt  }
0x86: {  	_ =	shalt  }
0x87: {  	_ =	shalt  }
.Lfunc_end0:
.L_simem_size_0:
called_computation.3_lowered:
.L_overlay_start_0:
0x88: {  	s2 =	sld [smem:$0x3FD9]  }
0x89: {  	s3 =	sld [smem:$0x3FFE];
	_ =	sdelay $0x1  }
0x8a: {  	s1 =	srdreg.scid  }
0x8b: {  	s0 =	sand.u32 $0x1, s1  }
0x8c: {  	s16 =	sshll.u32 s0, $0xA;
	s2 =	sadd.s32 s3, s2  }
0x8d: {  	s2 =	sadd.s32 s2, s16  }
0x8e: {  	[smem:$0x3FAE] =	sst s2  }
0x8f: {  	_ = 	snop  }
0x90: {  	(tm) =	ssettm $0x1  }
0x91: {  	s17 =	sld [smem:$0x3FFB];
	_ =	sdelay $0x3  }
0x92: {  	_ =	strace s17  }
0x93: {  	s2 =	sld [smem:$0x3FFC];
	_ =	sdelay $0x3  }
0x94: {  	_ =	strace s2  }
0x95: {  	s2 =	sld [smem:$0x3FFD];
	_ =	sdelay $0x3  }
0x96: {  	_ =	strace s2  }
0x97: {  	_ =	strace $0x8FFFFFFF  }
0x98: {  	s18 =	sld [smem:$0x3FDB];
	_ =	sdelay $0x1  }
0x99: {  	s19 =	simm.s32 $_scs_section_size  }
0x9a: {  	s4 =	simm.s32 $_size__tile_overlayer_lowered;
	s5 =	simm.s32 $_tile_overlayer_lowered  }
0x9b: {  	s22 =	simm.s32 $0x1BFF;
	s21 =	sshll.u32 s5, $0x1;
	s2 =	sadd.s32 s19, s18  }
0x9c: {  	s6 =	simm.s32 $0x0;
	s20 =	sshll.u32 s4, $0x1;
	s4 =	sadd.s32 s21, s2  }
0x9d: {  	[timem:s6], [sflag:s22] =	dma.local [hbm:s4], s20  }
0x9e: {  	_ =	swait.ge [sflag:s22], s20  }
0x9f: {  	s3 =	ssub.s32 $0x0, s20;
	[sflag:s22] =	ssyncset.done $0x0  }
0xa0: {  	[sflag:s22] =	ssyncadd.s32 s3;
	_ =	sdelay $0x1  }
0xa1: {  	s23 =	simm.s32 $0x1B8B  }
0xa2: {  	_ =	swait.ge [sflag:s23], $0x1  }
0xa3: {  	[sflag:s23] =	ssyncset.done $0x0  }
0xa4: {  	s25 =	simm.s32 $0x1B8E;
	s24 =	sld [smem:$0x3FFE];
	[sflag:s23] =	ssyncadd.s32 $0xFFFFFFFF  }
0xa5: {  	s26 =	simm.s32 $execute0_lowered;
	[smem:$0x3FD2] =	sst s25  }
0xa6: {  	s4 =	sshll.u32 s26, $0x1;
	_ =	strace $0x8000004F;
	[dreg:$0x1] =	wrdreg $0xFFFFFFFF  }
0xa7: {  	s28 =	simm.s32 $_size_execute0_lowered;
	s2 =	sadd.s32 s2, s4;
	[dreg:$0x0] =	wrdreg $0x0  }
0xa8: {  	s4 =	sshll.u32 s28, $0x1;
	[dreg:$0x2] =	wrdreg s2  }
0xa9: {  	[dreg:$0x3] =	wrdreg s4  }
0xaa: {  	[dreg:$0x4] =	wrdreg $0xC0  }
0xab: {  	_ =	task [dreg:s6], $0x5FFFF  }
0xac: {  	[dreg:$0x1] =	wrdreg $0xFFFFFFFF  }
0xad: {  	[dreg:$0x0] =	wrdreg $0x60  }
0xae: {  	[dreg:$0x2] =	wrdreg s24  }
0xaf: {  	[dreg:$0x3] =	wrdreg $0x7A000  }
0xb0: {  	[dreg:$0x4] =	wrdreg $0x9  }
0xb1: {  	_ =	task.clear_ibuf [dreg:s6], $0x5FFFF;
	_ =	strace $0x9000004F  }
0xb2: {  	s29 =	simm.s32 $0x9;
	_ =	strace $0x80000051  }
0xb3: {  	_ =	swait.ge [sflag:s29], $0x1  }
0xb4: {  	[sflag:s29] =	ssyncadd.s32 $0xFFFFFFFF  }
0xb5: {  	_ =	strace $0x90000051  }
0xb6: {  	_ =	sfence  }
0xb7: {  	s30 =	sld [smem:$0x0];
	_ =	sdelay $0x2  }
0xb8: {  	s31 =	sshll.u32 s1, $0xD;
	s1 =	sshrl.u32 s1, $0x2  }
0xb9: {  	s3 =	sand.u32 $0x4000, s31;
	s1 =	sadd.s32 s1, s30  }
0xba: {  	s0 =	sor.u32 s3, s0;
	s1 =	sshll.u32 s1, $0x11  }
0xbb: {  	s0 =	sor.u32 s1, s0  }
0xbc: {  	s0 =	sadd.s32 $0x8F2B, s0  }
0xbd: {  	[sflag:s0] =	ssyncadd.remote.s32 $0x1  }
0xbe: {  	_ =	sfence.sel $0xFFFF  }
0xbf: {  	[dreg:$0x0] =	wrdreg $0xFFFFFFFF;
	(pc) =	sbr.abs _section_cstart, $3  }
0xc0: {  	[dreg:$0x1] =	wrdreg $0xFFFFFFFF  }
0xc1: {  	_ =	task.clear_ibuf [dreg:s6], $0x2FFFF;
	_ =	strace $0x9FFFFFFF  }
0xc2: {  	(tm) =	ssettm $0x7FFFFFFF  }
0xc3: {  	_ =	shalt  }
tec
execute0_lowered:
.L_overlay_start_1:
0x0: {  	(tag) =	ssettag $0x1  }
0x1: {  	s3 =	rddreg [dreg:$0x0]  }
0x2: {  	s1 =	rddreg [dreg:$0x1];
	s2 =	simm.s32 $0x0  }
0x3: {  	s0 =	srdreg.scid;
	s23 =	stileid.u32;
	s28 =	simm.s32 $0x5200  }
0x4: {  	s29 =	simm.s32 $0x3;
	s30 =	simm.s32 $0x100;
	s31 =	simm.s32 $0x50  }
0x5: {  	[smem:$0x7FF] =	sst s2;
	s8 =	sor.u32 $0x10, s23;
	s10 =	smul.u32 $0x50, s23  }
0x6: {  	s5 =	sand.u32 $0x1, s0;
	s9 =	sor.u32 $0x20, s23;
	s12 =	smul.u32 $0x50, s8  }
0x7: {  	s4 =	sadd.s32 $0x35400, s3;
	s11 =	sor.u32 $0x30, s23;
	s13 =	smul.u32 $0x50, s9  }
0x8: {  	s6 =	sadd.s32 $0x5C600, s3;
	s16 =	sor.u32 $0x40, s23;
	s26 =	smul.u32 $0x50, s11  }
0x9: {  	s17 =	sor.u32 $0x50, s23;
	s0 =	ssub.s32 $0x2, s5;
	s14 =	smul.u32 $0x50, s16  }
0xa: {  	s18 =	sor.u32 $0x60, s23;
	s15 =	smul.u32 $0x50, s17;
	s7 =	sshrl.u32 s0, $0x1  }
0xb: {  	s19 =	sor.u32 $0x70, s23;
	s0 =	ssub.s32 s0, s7;
	s7 =	smul.u32 $0x2710, s5  }
0xc: {  	p0 =	sgt.u32 s23, $0xC;
	_ =	strace $0x80000050;
	s24 =	smul.u32 $0x50, s18  }
0xd: {  	s8 =	smul.u32 $0xA000, s8;
	s10 =	sadd.s32 s10, s7;
	s25 =	sadd.s32 s7, s12  }
0xe: {  	s13 =	sadd.s32 s7, s13;
	s21 =	sadd.s32 s7, s14;
	s14 =	smul.u32 $0x27100, s5  }
0xf: {  	s12 =	sadd.s32 s7, s26;
	s22 =	sadd.s32 s7, s15;
	s15 =	smul.u32 $0x2710, s23  }
0x10: {  	s10 =	sshll.u32 s10, $0x4;
	s13 =	sshll.u32 s13, $0x4;
	s20 =	sshll.u32 s12, $0x4  }
0x11: {  	s12 =	sshll.u32 s21, $0x4;
	s21 =	sshll.u32 s5, $0x4;
	s10 =	sadd.s32 s6, s10  }
0x12: {  	s13 =	sadd.s32 s6, s13;
	s26 =	sadd.s32 s6, s12;
	[dreg:$0x3] =	wrdreg s10  }
0x13: {  	s10 =	sshll.u32 s25, $0x4;
	[dreg:$0x5] =	wrdreg s13;
	s25 =	smul.u32 $0x50, s19  }
0x14: {  	s13 =	sshll.u32 s22, $0x4;
	[dreg:$0x7] =	wrdreg s26;
	s22 =	smul.u32 $0xA000, s9  }
0x15: {  	s26 =	smul.u32 $0xA000, s16;
	s10 =	sadd.s32 s6, s10;
	s12 =	sadd.s32 s6, s13  }
0x16: {  	s13 =	sadd.s32 s7, s24;
	s24 =	smul.u32 $0xA000, s11;
	[dreg:$0x4] =	wrdreg s10  }
0x17: {  	s10 =	sadd.s32 s6, s20;
	[dreg:$0x8] =	wrdreg s12;
	s7 =	sadd.s32 s7, s25  }
0x18: {  	s20 =	smul.u32 $0xA000, s23;
	s25 =	sshrl.u32 s8, $0x2;
	s5 =	sshrl.u32 s22, $0x2  }
0x19: {  	s12 =	smul.u32 $0xA000, s18;
	[dreg:$0x6] =	wrdreg s10;
	s10 =	sshll.u32 s13, $0x4  }
0x1a: {  	s7 =	sshll.u32 s7, $0x4;
	s13 =	sadd.s32 $0x21200, s3;
	s16 =	sadd.s32 s25, s1  }
0x1b: {  	s11 =	sshrl.u32 s24, $0x2;
	s10 =	sadd.s32 s6, s10;
	s6 =	sadd.s32 s6, s7  }
0x1c: {  	s7 =	sadd.s32 s15, s14;
	s14 =	sadd.s32 $0x2B600, s3;
	s3 =	sor.u32 s23, s21  }
0x1d: {  	s18 =	sadd.s32 s11, s1;
	s21 =	smul.u32 $0xA000, s19;
	[dreg:$0x9] =	wrdreg s10  }
0x1e: {  	s24 =	sshrl.u32 s12, $0x2;
	[dreg:$0xa] =	wrdreg s6;
	s6 =	sshrl.u32 s20, $0x2  }
0x1f: {  	s10 =	smul.u32 $0xA000, s17;
	s17 =	sadd.s32 s5, s1;
	s20 =	sshrl.u32 s26, $0x2  }
0x20: {  	s3 =	smul.u32 $0x2710, s3;
	s5 =	simm.s32 $0x4;
	s15 =	sadd.s32 s6, s1  }
0x21: {  	s19 =	sadd.s32 s20, s1;
	s25 =	sshrl.u32 s21, $0x2;
	s22 =	sshrl.u32 s10, $0x2  }
0x22: {  	s21 =	sadd.s32 s24, s1;
	s3 =	sshrl.u32 s3, $0x3;
	s20 =	sadd.s32 s22, s1  }
0x23: {  	s22 =	sadd.s32 s25, s1;
	s26 =	sadd.s32 s13, s3;
	s3 =	sadd.s32 s14, s3  }
0x24: {  	s25 =	smax.u32 s0, $0x1;
	s0 =	simm.s32 $0x200;
	[dreg:$0xb] =	wrdreg s26  }
0x25: {  	v0 =	vimm.f32 $0.0e+00;
	[dreg:$0xc] =	wrdreg s3;
	s26 =	sadd.s32 $0x50, s7;
	s3 =	simm.s32 $0x1  }
.LBB2_1:
0x26: {  	s6 =	simm.s32 $0x0;
	s7 =	simm.s32 $0x200  }
.LBB2_2:
0x27: {  	p1 =	sne.s32 s7, $0x9E00;
	[tilespmem:s6+$0x5270] =	vst v0  }
0x28: {  	[tilespmem:s6+$0x5200] =	vst v0  }
0x29: {  	[tilespmem:s6+$0x5210] =	vst v0  }
.Ltmp0:
0x2a: {  	[tilespmem:s6+$0x5220] =	vst v0;
	(pc) =	sbr.rel @p1 .LBB2_2-.Ltmp0, $4  }
0x2b: {  	[tilespmem:s6+$0x5230] =	vst v0  }
0x2c: {  	[tilespmem:s6+$0x5240] =	vst v0  }
0x2d: {  	[tilespmem:s6+$0x5250] =	vst v0  }
0x2e: {  	[tilespmem:s6+$0x5260] =	vst v0;
	s6 =	sshra.s32 s7, $0x2;
	s7 =	sadd.s32 $0x200, s7  }
0x2f: {  	[tilespmem:s6+$0x5270] =	vst v0  }
0x30: {  	[tilespmem:s6+$0x5200] =	vst v0  }
0x31: {  	[tilespmem:s6+$0x5210] =	vst v0  }
0x32: {  	[tilespmem:s6+$0x5220] =	vst v0  }
0x33: {  	[tilespmem:s6+$0x5230] =	vst v0  }
0x34: {  	[tilespmem:s6+$0x5240] =	vst v0  }
0x35: {  	[tilespmem:s6+$0x5250] =	vst v0  }
0x36: {  	[tilespmem:s6+$0x5260] =	vst v0  }
0x37: {  	[spmem:s15] =	stream.linear.scatter [tilespmem:s28], [sflag:$0x3], $0x2800, $0x38;
	[tilespmem:$0x1B280] =	vst v63  }
0x38: {  	_ =	swait.ge [sflag:s29], $0x2800  }
0x39: {  	[sflag:s29] =	ssyncset.done $0x0  }
0x3a: {  	[sflag:s29] =	ssyncadd.s32 $0xFFFFD800  }
0x3b: {  	[spmem:s16] =	stream.linear.scatter [tilespmem:s28], [sflag:$0x3], $0x2800, $0x38;
	[tilespmem:$0x1B280] =	vst v63  }
0x3c: {  	_ =	swait.ge [sflag:s29], $0x2800  }
0x3d: {  	[sflag:s29] =	ssyncset.done $0x0  }
0x3e: {  	[sflag:s29] =	ssyncadd.s32 $0xFFFFD800  }
0x3f: {  	[spmem:s17] =	stream.linear.scatter [tilespmem:s28], [sflag:$0x3], $0x2800, $0x38;
	[tilespmem:$0x1B280] =	vst v63  }
0x40: {  	_ =	swait.ge [sflag:s29], $0x2800  }
0x41: {  	[sflag:s29] =	ssyncset.done $0x0  }
0x42: {  	[sflag:s29] =	ssyncadd.s32 $0xFFFFD800  }
0x43: {  	[spmem:s18] =	stream.linear.scatter [tilespmem:s28], [sflag:$0x3], $0x2800, $0x38;
	[tilespmem:$0x1B280] =	vst v63  }
0x44: {  	_ =	swait.ge [sflag:s29], $0x2800  }
0x45: {  	[sflag:s29] =	ssyncset.done $0x0  }
0x46: {  	[sflag:s29] =	ssyncadd.s32 $0xFFFFD800  }
0x47: {  	[spmem:s19] =	stream.linear.scatter [tilespmem:s28], [sflag:$0x3], $0x2800, $0x38;
	[tilespmem:$0x1B280] =	vst v63  }
0x48: {  	_ =	swait.ge [sflag:s29], $0x2800  }
0x49: {  	[sflag:s29] =	ssyncset.done $0x0  }
0x4a: {  	[sflag:s29] =	ssyncadd.s32 $0xFFFFD800  }
0x4b: {  	[spmem:s20] =	stream.linear.scatter [tilespmem:s28], [sflag:$0x3], $0x2800, $0x38;
	[tilespmem:$0x1B280] =	vst v63  }
0x4c: {  	_ =	swait.ge [sflag:s29], $0x2800  }
0x4d: {  	[sflag:s29] =	ssyncset.done $0x0  }
0x4e: {  	[sflag:s29] =	ssyncadd.s32 $0xFFFFD800  }
0x4f: {  	[spmem:s21] =	stream.linear.scatter [tilespmem:s28], [sflag:$0x3], $0x2800, $0x38;
	[tilespmem:$0x1B280] =	vst v63  }
0x50: {  	_ =	swait.ge [sflag:s29], $0x2800  }
0x51: {  	[sflag:s29] =	ssyncset.done $0x0  }
0x52: {  	s6 =	simm.s32 @!p0 $0x5200;
	[sflag:s29] =	ssyncadd.s32 $0xFFFFD800  }
0x53: {  	[spmem:s22] =	stream.linear.scatter @!p0 [tilespmem:s6], [sflag:$0x3], $0x2800, $0x38;
	[tilespmem:$0x1B280] =	vst v63  }
0x54: {  	s6 =	simm.s32 @!p0 $0x3  }
0x55: {  	_ =	swait.ge @!p0 [sflag:s6], $0x2800  }
0x56: {  	[sflag:s6] =	ssyncset.done @!p0 $0x0  }
0x57: {  	[sflag:s6] =	ssyncadd.s32 @!p0 $0xFFFFD800  }
0x58: {  	[bflag:$0x0] =	sbarrier.arrive $0xFFFF  }
0x59: {  	s11 =	simm.s32 $0x0;
	s7 =	rddreg [dreg:$0xb]  }
0x5a: {  	[tilespmem:s11], [sflag:$0x3] =	stream.linear.gather [hbm4b:s7+s11], $0x50, $0x38;
	[tilespmem:$0x1B280] =	vst v63  }
0x5b: {  	_ =	swait.ge [sflag:s29], $0x50  }
0x5c: {  	[sflag:s29] =	ssyncset.done $0x0  }
0x5d: {  	s12 =	rddreg [dreg:$0xc];
	[sflag:s29] =	ssyncadd.s32 $0xFFFFFFB0  }
0x5e: {  	[tilespmem:s30], [sflag:$0x3] =	stream.linear.gather [hbm4b:s12+s11], $0x50, $0x38;
	[tilespmem:$0x1B280] =	vst v63  }
0x5f: {  	s6 =	sand.u32 $0x1, s11;
	_ =	swait.ge [sflag:s29], $0x50  }
0x60: {  	p1 =	seq.s32 s6, $0x1;
	[sflag:s29] =	ssyncset.done $0x0  }
0x61: {  	s6 =	sshrl.u32 @p1 s26, $0x3;
	[sflag:s29] =	ssyncadd.s32 $0xFFFFFFB0  }
0x62: {  	[tilespmem:s0], [sflag:$0x1] =	stream.indirect.gather [hbm4b:s4+s31], $0x80, s11, s31, $0xb8;
	[tilespmem:$0x1B280] =	vst v63  }
0x63: {  	s9 =	simm.s32 @p1 $0x4;
	s7 =	simm.s32 @p1 $0x0;
	s8 =	sadd.s32 @p1 s13, s6  }
0x64: {  	[tilespmem:s7], [sflag:$0x4] =	stream.linear.gather @p1 [hbm4b:s8+s7], $0x50, $0x38;
	[tilespmem:$0x1B280] =	vst v63  }
0x65: {  	_ =	swait.ge @p1 [sflag:s9], $0x50  }
0x66: {  	[sflag:s9] =	ssyncset.done @p1 $0x0  }
0x67: {  	s6 =	sadd.s32 @p1 s14, s6;
	s8 =	simm.s32 @p1 $0x100;
	[sflag:s9] =	ssyncadd.s32 @p1 $0xFFFFFFB0  }
0x68: {  	[tilespmem:s8], [sflag:$0x4] =	stream.linear.gather @p1 [hbm4b:s6+s7], $0x50, $0x38;
	[tilespmem:$0x1B280] =	vst v63  }
0x69: {  	_ =	swait.ge @p1 [sflag:s9], $0x50  }
0x6a: {  	s6 =	simm.s32 @p1 $0x2;
	[sflag:s9] =	ssyncset.done @p1 $0x0  }
0x6b: {  	s8 =	simm.s32 @p1 $0x50;
	[sflag:s9] =	ssyncadd.s32 @p1 $0xFFFFFFB0;
	s9 =	simm.s32 @p1 $0x200  }
0x6c: {  	[tilespmem:s9], [sflag:$0x1] =	stream.indirect.gather @p1 [hbm4b:s4+s8], $0x80, s7, s8, $0xb8;
	[tilespmem:$0x1B280] =	vst v63  }
0x6d: {  	_ =	swait.ge @p1 [sflag:s6], $0x2800  }
0x6e: {  	s10 =	simm.s32 @p1 $0x2A00;
	s7 =	sshrl.u32 @!p1 s26, $0x3;
	[sflag:s6] =	ssyncset.done @p1 $0x0  }
0x6f: {  	s9 =	sadd.s32 @!p1 s13, s7;
	[sflag:s6] =	ssyncadd.s32 @p1 $0xFFFFD800;
	s6 =	simm.s32 @p1 $0x180  }
0x70: {  	[spmem:s1] =	stream.indirect.scatter.add.f32 @p1 [tilespmem:s10], [sflag:$0x3], $0x80, s6, s8, $0xb8;
	[tilespmem:$0x1B280] =	vst v63  }
0x71: {  	s6 =	simm.s32 @!p1 $0x0;
	s10 =	simm.s32 @!p1 $0x80;
	s8 =	simm.s32 @!p1 $0x4  }
0x72: {  	[tilespmem:s10], [sflag:$0x4] =	stream.linear.gather @!p1 [hbm4b:s9+s6], $0x50, $0x38;
	[tilespmem:$0x1B280] =	vst v63  }
0x73: {  	_ =	swait.ge @!p1 [sflag:s8], $0x50  }
0x74: {  	[sflag:s8] =	ssyncset.done @!p1 $0x0  }
0x75: {  	s7 =	sadd.s32 @!p1 s14, s7;
	s9 =	simm.s32 @!p1 $0x180;
	[sflag:s8] =	ssyncadd.s32 @!p1 $0xFFFFFFB0  }
0x76: {  	[tilespmem:s9], [sflag:$0x4] =	stream.linear.gather @!p1 [hbm4b:s7+s6], $0x50, $0x38;
	[tilespmem:$0x1B280] =	vst v63  }
0x77: {  	_ =	swait.ge @!p1 [sflag:s8], $0x50  }
0x78: {  	s6 =	simm.s32 @!p1 $0x1;
	[sflag:s8] =	ssyncset.done @!p1 $0x0  }
0x79: {  	s7 =	simm.s32 @!p1 $0x50;
	s9 =	simm.s32 @!p1 $0x2A00;
	[sflag:s8] =	ssyncadd.s32 @!p1 $0xFFFFFFB0  }
0x7a: {  	[tilespmem:s9], [sflag:$0x2] =	stream.indirect.gather @!p1 [hbm4b:s4+s7], $0x80, s10, s7, $0xb8;
	[tilespmem:$0x1B280] =	vst v63  }
0x7b: {  	_ =	swait.ge @!p1 [sflag:s6], $0x2800  }
0x7c: {  	s23 =	simm.s32 $0x1;
	[sflag:s6] =	ssyncset.done @!p1 $0x0  }
0x7d: {  	s10 =	simm.s32 @!p1 $0x200;
	[sflag:s6] =	ssyncadd.s32 @!p1 $0xFFFFD800;
	s6 =	simm.s32 @!p1 $0x100  }
0x7e: {  	[spmem:s1] =	stream.indirect.scatter.add.f32 @!p1 [tilespmem:s10], [sflag:$0x4], $0x80, s6, s7, $0xb8;
	[tilespmem:$0x1B280] =	vst v63  }
0x7f: {  	s24 =	sand.u32 $0x1, s23;
	s8 =	simm.s32 @p1 $0x3;
	s7 =	simm.s32 $0x2  }
0x80: {  	p1 =	seq.s32 s24, $0x1;
	s6 =	sadd.s32 $0x50, s26;
	_ =	swait.ge [sflag:s8], $0x2800  }
0x81: {  	s11 =	sshrl.u32 @p1 s6, $0x3;
	s10 =	simm.s32 @p1 $0x0;
	[sflag:s8] =	ssyncset.done $0x0  }
.LBB2_4:
0x82: {  	s12 =	sadd.s32 @p1 s13, s11  }
0x83: {  	s23 =	simm.s32 @p1 $0x4;
	[sflag:s8] =	ssyncadd.s32 $0xFFFFD800;
	s9 =	smov.u32 s7  }
0x84: {  	[tilespmem:s10], [sflag:$0x4] =	stream.linear.gather @p1 [hbm4b:s12+s10], $0x50, $0x38;
	[tilespmem:$0x1B280] =	vst v63  }
0x85: {  	s7 =	sadd.s32 $0x1, s7;
	s8 =	sshrl.u32 @!p1 s6, $0x3;
	_ =	swait.ge @p1 [sflag:s23], $0x50  }
0x86: {  	s12 =	sadd.s32 @!p1 s13, s8;
	s24 =	sadd.s32 @!p1 s14, s8;
	[sflag:s23] =	ssyncset.done @p1 $0x0  }
0x87: {  	s8 =	sadd.s32 @p1 s14, s11;
	s11 =	simm.s32 @p1 $0x100;
	[sflag:s23] =	ssyncadd.s32 @p1 $0xFFFFFFB0  }
0x88: {  	[tilespmem:s11], [sflag:$0x4] =	stream.linear.gather @p1 [hbm4b:s8+s10], $0x50, $0x38;
	[tilespmem:$0x1B280] =	vst v63  }
0x89: {  	p2 =	sne.s32 s7, $0x7C;
	_ =	swait.ge @p1 [sflag:s23], $0x50  }
0x8a: {  	s8 =	simm.s32 @p1 $0x2;
	[sflag:s23] =	ssyncset.done @p1 $0x0  }
0x8b: {  	s11 =	simm.s32 @p1 $0x50;
	[sflag:s23] =	ssyncadd.s32 @p1 $0xFFFFFFB0;
	s23 =	simm.s32 @p1 $0x200  }
0x8c: {  	[tilespmem:s23], [sflag:$0x1] =	stream.indirect.gather @p1 [hbm4b:s4+s11], $0x80, s10, s11, $0xb8;
	[tilespmem:$0x1B280] =	vst v63  }
0x8d: {  	_ =	swait.ge @p1 [sflag:s8], $0x2800  }
0x8e: {  	[sflag:s8] =	ssyncset.done @p1 $0x0  }
0x8f: {  	s10 =	simm.s32 @p1 $0x2A00;
	[sflag:s8] =	ssyncadd.s32 @p1 $0xFFFFD800;
	s8 =	simm.s32 @p1 $0x180  }
0x90: {  	[spmem:s1] =	stream.indirect.scatter.add.f32 @p1 [tilespmem:s10], [sflag:$0x3], $0x80, s8, s11, $0xb8;
	[tilespmem:$0x1B280] =	vst v63  }
0x91: {  	s10 =	simm.s32 @!p1 $0x0;
	s11 =	simm.s32 @!p1 $0x80;
	s8 =	simm.s32 @!p1 $0x4  }
0x92: {  	[tilespmem:s11], [sflag:$0x4] =	stream.linear.gather @!p1 [hbm4b:s12+s10], $0x50, $0x38;
	[tilespmem:$0x1B280] =	vst v63  }
0x93: {  	_ =	swait.ge @!p1 [sflag:s8], $0x50  }
0x94: {  	[sflag:s8] =	ssyncset.done @!p1 $0x0  }
0x95: {  	s12 =	simm.s32 @!p1 $0x180;
	[sflag:s8] =	ssyncadd.s32 @!p1 $0xFFFFFFB0  }
0x96: {  	[tilespmem:s12], [sflag:$0x4] =	stream.linear.gather @!p1 [hbm4b:s24+s10], $0x50, $0x38;
	[tilespmem:$0x1B280] =	vst v63  }
0x97: {  	_ =	swait.ge @!p1 [sflag:s8], $0x50  }
0x98: {  	s10 =	simm.s32 @!p1 $0x1;
	[sflag:s8] =	ssyncset.done @!p1 $0x0  }
0x99: {  	s23 =	simm.s32 @!p1 $0x2A00;
	s12 =	simm.s32 @!p1 $0x50;
	[sflag:s8] =	ssyncadd.s32 @!p1 $0xFFFFFFB0  }
0x9a: {  	[tilespmem:s23], [sflag:$0x2] =	stream.indirect.gather @!p1 [hbm4b:s4+s12], $0x80, s11, s12, $0xb8;
	[tilespmem:$0x1B280] =	vst v63  }
0x9b: {  	s11 =	simm.s32 @!p1 $0x200;
	_ =	swait.ge @!p1 [sflag:s10], $0x2800  }
.Ltmp1:
0x9c: {  	s23 =	simm.s32 @!p1 $0x100;
	[sflag:s10] =	ssyncset.done @!p1 $0x0;
	(pc) =	sbr.rel @p2 .LBB2_4-.Ltmp1, $4  }
0x9d: {  	s9 =	sand.u32 $0x1, s9;
	s8 =	simm.s32 @p1 $0x3;
	[sflag:s10] =	ssyncadd.s32 @!p1 $0xFFFFD800  }
0x9e: {  	[spmem:s1] =	stream.indirect.scatter.add.f32 @!p1 [tilespmem:s11], [sflag:$0x4], $0x80, s23, s12, $0xb8;
	[tilespmem:$0x1B280] =	vst v63  }
0x9f: {  	s6 =	sadd.s32 $0x50, s6;
	p1 =	seq.s32 s9, $0x1;
	_ =	swait.ge [sflag:s8], $0x2800  }
0xa0: {  	s11 =	sshrl.u32 @p1 s6, $0x3;
	s10 =	simm.s32 @p1 $0x0;
	[sflag:s8] =	ssyncset.done $0x0  }
0xa1: {  	s7 =	sadd.s32 @p1 s13, s11;
	[sflag:s8] =	ssyncadd.s32 $0xFFFFD800;
	s8 =	simm.s32 @p1 $0x4  }
0xa2: {  	[tilespmem:s10], [sflag:$0x4] =	stream.linear.gather @p1 [hbm4b:s7+s10], $0x50, $0x38;
	[tilespmem:$0x1B280] =	vst v63  }
0xa3: {  	_ =	swait.ge @p1 [sflag:s8], $0x50  }
0xa4: {  	[sflag:s8] =	ssyncset.done @p1 $0x0  }
0xa5: {  	s9 =	simm.s32 @p1 $0x100;
	s7 =	sadd.s32 @p1 s14, s11;
	[sflag:s8] =	ssyncadd.s32 @p1 $0xFFFFFFB0  }
0xa6: {  	[tilespmem:s9], [sflag:$0x4] =	stream.linear.gather @p1 [hbm4b:s7+s10], $0x50, $0x38;
	[tilespmem:$0x1B280] =	vst v63  }
0xa7: {  	_ =	swait.ge @p1 [sflag:s8], $0x50  }
0xa8: {  	s7 =	simm.s32 @p1 $0x2;
	[sflag:s8] =	ssyncset.done @p1 $0x0  }
0xa9: {  	s9 =	simm.s32 @p1 $0x200;
	[sflag:s8] =	ssyncadd.s32 @p1 $0xFFFFFFB0;
	s8 =	simm.s32 @p1 $0x50  }
0xaa: {  	[tilespmem:s9], [sflag:$0x1] =	stream.indirect.gather @p1 [hbm4b:s4+s8], $0x80, s10, s8, $0xb8;
	[tilespmem:$0x1B280] =	vst v63  }
0xab: {  	s6 =	sshrl.u32 @!p1 s6, $0x3;
	_ =	swait.ge @p1 [sflag:s7], $0x2800  }
0xac: {  	s9 =	sadd.s32 @!p1 s13, s6;
	[sflag:s7] =	ssyncset.done @p1 $0x0  }
0xad: {  	s10 =	simm.s32 @p1 $0x2A00;
	[sflag:s7] =	ssyncadd.s32 @p1 $0xFFFFD800;
	s7 =	simm.s32 @p1 $0x180  }
0xae: {  	[spmem:s1] =	stream.indirect.scatter.add.f32 @p1 [tilespmem:s10], [sflag:$0x3], $0x80, s7, s8, $0xb8;
	[tilespmem:$0x1B280] =	vst v63  }
0xaf: {  	s7 =	simm.s32 @!p1 $0x0;
	s8 =	simm.s32 @!p1 $0x80;
	s10 =	simm.s32 @!p1 $0x4  }
0xb0: {  	[tilespmem:s8], [sflag:$0x4] =	stream.linear.gather @!p1 [hbm4b:s9+s7], $0x50, $0x38;
	[tilespmem:$0x1B280] =	vst v63  }
0xb1: {  	_ =	swait.ge @!p1 [sflag:s10], $0x50  }
0xb2: {  	[sflag:s10] =	ssyncset.done @!p1 $0x0  }
0xb3: {  	s6 =	sadd.s32 @!p1 s14, s6;
	s9 =	simm.s32 @!p1 $0x180;
	[sflag:s10] =	ssyncadd.s32 @!p1 $0xFFFFFFB0  }
0xb4: {  	[tilespmem:s9], [sflag:$0x4] =	stream.linear.gather @!p1 [hbm4b:s6+s7], $0x50, $0x38;
	[tilespmem:$0x1B280] =	vst v63  }
0xb5: {  	_ =	swait.ge @!p1 [sflag:s10], $0x50  }
0xb6: {  	[sflag:s10] =	ssyncset.done @!p1 $0x0  }
0xb7: {  	s6 =	simm.s32 @!p1 $0x50;
	s7 =	simm.s32 @!p1 $0x2A00;
	[sflag:s10] =	ssyncadd.s32 @!p1 $0xFFFFFFB0  }
0xb8: {  	[tilespmem:s7], [sflag:$0x2] =	stream.indirect.gather @!p1 [hbm4b:s4+s6], $0x80, s8, s6, $0xb8;
	[tilespmem:$0x1B280] =	vst v63  }
0xb9: {  	s7 =	simm.s32 @!p1 $0x1  }
0xba: {  	_ =	swait.ge @!p1 [sflag:s7], $0x2800  }
0xbb: {  	s10 =	simm.s32 @p1 $0x3;
	[sflag:s7] =	ssyncset.done @!p1 $0x0  }
0xbc: {  	s8 =	simm.s32 @!p1 $0x200;
	[sflag:s7] =	ssyncadd.s32 @!p1 $0xFFFFD800;
	s7 =	simm.s32 @!p1 $0x100  }
0xbd: {  	[spmem:s1] =	stream.indirect.scatter.add.f32 @!p1 [tilespmem:s8], [sflag:$0x4], $0x80, s7, s6, $0xb8;
	[tilespmem:$0x1B280] =	vst v63  }
0xbe: {  	_ =	swait.ge [sflag:s10], $0x2800  }
0xbf: {  	[sflag:s10] =	ssyncset.done $0x0  }
0xc0: {  	[sflag:s10] =	ssyncadd.s32 $0xFFFFD800  }
0xc1: {  	_ =	swait.ge [sflag:s3], $0x2800  }
0xc2: {  	[sflag:s3] =	ssyncset.done $0x0  }
0xc3: {  	[sflag:s3] =	ssyncadd.s32 $0xFFFFD800  }
0xc4: {  	[spmem:s1] =	stream.indirect.scatter.add.f32 [tilespmem:s0], [sflag:$0x4], $0x80, s30, s31, $0xb8;
	[tilespmem:$0x1B280] =	vst v63  }
0xc5: {  	_ =	swait.ge [sflag:s5], $0x2800  }
0xc6: {  	[sflag:s5] =	ssyncset.done $0x0  }
0xc7: {  	s12 =	stileid.u32;
	[sflag:s5] =	ssyncadd.s32 $0xFFFFD800  }
0xc8: {  	s6 =	sshll.u32 s12, $0x6;
	[bflag:$0x0] =	sbarrier.arrive $0xFFFF  }
0xc9: {  	s23 =	sshrl.u32 s15, $0x3;
	s6 =	sor.u32 $0x1C03, s6;
	s24 =	rddreg [dreg:$0x3]  }
0xca: {  	[hbm:s24], [sflag:s6] =	dma.local [spmem:s23], $0x500  }
0xcb: {  	_ =	swait.ge [sflag:s29], $0x500  }
0xcc: {  	[sflag:s29] =	ssyncset.done $0x0  }
0xcd: {  	s9 =	sshrl.u32 s16, $0x3;
	s10 =	rddreg [dreg:$0x4];
	[sflag:s29] =	ssyncadd.s32 $0xFFFFFB00  }
0xce: {  	[hbm:s10], [sflag:s6] =	dma.local [spmem:s9], $0x500  }
0xcf: {  	_ =	swait.ge [sflag:s29], $0x500  }
0xd0: {  	[sflag:s29] =	ssyncset.done $0x0  }
0xd1: {  	s11 =	sshrl.u32 s17, $0x3;
	s12 =	rddreg [dreg:$0x5];
	[sflag:s29] =	ssyncadd.s32 $0xFFFFFB00  }
0xd2: {  	[hbm:s12], [sflag:s6] =	dma.local [spmem:s11], $0x500  }
0xd3: {  	_ =	swait.ge [sflag:s29], $0x500  }
0xd4: {  	[sflag:s29] =	ssyncset.done $0x0  }
0xd5: {  	s23 =	sshrl.u32 s18, $0x3;
	s24 =	rddreg [dreg:$0x6];
	[sflag:s29] =	ssyncadd.s32 $0xFFFFFB00  }
0xd6: {  	[hbm:s24], [sflag:s6] =	dma.local [spmem:s23], $0x500  }
0xd7: {  	_ =	swait.ge [sflag:s29], $0x500  }
0xd8: {  	[sflag:s29] =	ssyncset.done $0x0  }
0xd9: {  	s9 =	sshrl.u32 s19, $0x3;
	s10 =	rddreg [dreg:$0x7];
	[sflag:s29] =	ssyncadd.s32 $0xFFFFFB00  }
0xda: {  	[hbm:s10], [sflag:s6] =	dma.local [spmem:s9], $0x500  }
0xdb: {  	_ =	swait.ge [sflag:s29], $0x500  }
0xdc: {  	[sflag:s29] =	ssyncset.done $0x0  }
0xdd: {  	s11 =	sshrl.u32 s20, $0x3;
	s12 =	rddreg [dreg:$0x8];
	[sflag:s29] =	ssyncadd.s32 $0xFFFFFB00  }
0xde: {  	[hbm:s12], [sflag:s6] =	dma.local [spmem:s11], $0x500  }
0xdf: {  	_ =	swait.ge [sflag:s29], $0x500  }
0xe0: {  	[sflag:s29] =	ssyncset.done $0x0  }
0xe1: {  	s23 =	sshrl.u32 s21, $0x3;
	s24 =	rddreg [dreg:$0x9];
	[sflag:s29] =	ssyncadd.s32 $0xFFFFFB00  }
0xe2: {  	[hbm:s24], [sflag:s6] =	dma.local [spmem:s23], $0x500  }
0xe3: {  	_ =	swait.ge [sflag:s29], $0x500  }
0xe4: {  	s2 =	sadd.s32 $0x1, s2;
	s7 =	sshrl.u32 @!p0 s22, $0x3;
	[sflag:s29] =	ssyncset.done $0x0  }
0xe5: {  	p1 =	sne.s32 s2, s25;
	s8 =	rddreg [dreg:$0xa];
	[sflag:s29] =	ssyncadd.s32 $0xFFFFFB00  }
0xe6: {  	[hbm:s8], [sflag:s6] =	dma.local @!p0 [spmem:s7], $0x500  }
.Ltmp2:
0xe7: {  	_ = 	snop;
	(pc) =	sbr.rel @p1 .LBB2_1-.Ltmp2, $4  }
0xe8: {  	s6 =	simm.s32 @!p0 $0x3  }
0xe9: {  	_ =	swait.ge @!p0 [sflag:s6], $0x500  }
0xea: {  	[sflag:s6] =	ssyncset.done @!p0 $0x0  }
0xeb: {  	[sflag:s6] =	ssyncadd.s32 @!p0 $0xFFFFFB00  }
0xec: {  	_ =	sfence.sel $0x180000  }
0xed: {  	[bflag:$0x0] =	sbarrier.arrive $0xFFFF  }
0xee: {  	_ =	strace $0x90000050  }
0xef: {  	s0 =	stileid.u32;
	[bflag:$0x2] =	sbarrier.arrive $0xFFFF  }
0xf0: {  	p0 =	sne.s32 s0, $0x0;
	s0 =	rddreg [dreg:$0x2]  }
0xf1: {  	s0 =	sadd.s32 @!p0 $0x100000, s0  }
0xf2: {  	[sflag:s0] =	ssyncadd.tile.s32 @!p0 $0x1;
	_ =	shalt  }
.Lfunc_end2:
_tile_overlayer_lowered:
.L_overlay_start_2:
0xf3: {  	(tag) =	ssettag $0x2  }
0xf4: {  	s0 =	rddreg [dreg:$0x0];
	s2 =	stileid.u32  }
0xf5: {  	s1 =	rddreg [dreg:$0x1];
	p0 =	sne.s32 s2, $0x0  }
0xf6: {  	s3 =	rddreg [dreg:$0x2];
	[bflag:$0x3] =	sbarrier.arrive $0xFFFF;
	s2 =	simm.s32 @!p0 $0x1C03  }
0xf7: {  	[timem:s3], [sflag:s2] =	dma.local @!p0 [hbm:s0], s1  }
0xf8: {  	s0 =	simm.s32 @!p0 $0x3  }
0xf9: {  	_ =	swait.ge @!p0 [sflag:s0], s1  }
0xfa: {  	s1 =	ssub.s32 @!p0 $0x0, s1;
	[sflag:s0] =	ssyncset.done @!p0 $0x0  }
0xfb: {  	[sflag:s0] =	ssyncadd.s32 @!p0 s1  }
0xfc: {  	[bflag:$0x3] =	sbarrier.arrive $0xFFFF  }
0xfd: {  	_ =	shalt  }

// kernel: kernel.16.cloned.1.call-start
scs
__scs_entry_jumppad:
0x0: {  	(pc) =	sbr.rel $0x88, $3  }
0x1: {  	(tag) =	ssettag $0x0;
	lr =	simm.s32 $0x1  }
0x2: {  	[smem:$0x3F87] =	sst lr;
	_ =	strace $0xD0000000  }
0x3: {  	_ = 	snop  }
0x4: {  	_ = 	snop  }
0x5: {  	_ = 	snop  }
0x6: {  	_ = 	snop  }
0x7: {  	_ = 	snop  }
__scs_overlays_trampoline_lowered:
0x8: {  	[smem:$0x3F96] =	sst s0  }
0x9: {  	[smem:$0x3F97] =	sst s1  }
0xa: {  	[smem:$0x3F98] =	sst s2  }
0xb: {  	[smem:$0x3F99] =	sst s3  }
0xc: {  	[smem:$0x3F9A] =	sst s4  }
0xd: {  	[smem:$0x3F9B] =	sst s5  }
0xe: {  	[smem:$0x3F9C] =	sst s6  }
0xf: {  	[smem:$0x3F9D] =	sst s7  }
0x10: {  	[smem:$0x3F9E] =	sst s8  }
0x11: {  	[smem:$0x3F9F] =	sst s9;
	s0 =	simm.s32 @!p0 $0x0  }
0x12: {  	s1 =	sld [smem:$0x3F85];
	s0 =	simm.s32 @p0 $0x1  }
0x13: {  	[smem:$0x3FA0] =	sst s0;
	s0 =	simm.s32 @!p1 $0x0  }
0x14: {  	s2 =	sld [smem:$0x3F84];
	s0 =	simm.s32 @p1 $0x1  }
0x15: {  	[smem:$0x3FA1] =	sst s0;
	s0 =	simm.s32 @!p2 $0x0  }
0x16: {  	s3 =	sld [smem:$0x3FDB];
	s0 =	simm.s32 @p2 $0x1  }
0x17: {  	s4 =	simm.s32 $0x1BF5;
	[smem:$0x3FA3] =	sst s0  }
0x18: {  	s0 =	sld [smem:$0x3F86];
	_ =	swait.ge [sflag:s4], $0x0  }
0x19: {  	s7 =	sld [smem:$0x3F87]  }
0x1a: {  	s8 =	sadd.s32 $0xFFFFE003, lr  }
0x1b: {  	s9 =	sadd.s32 $0xFFFFFEF7, lr;
	s5 =	simm.s32 $0xFFFFFFFF;
	p2 =	slt.u32 s8, $0xFFFFF086  }
0x1c: {  	p1 =	slt.u32 s9, $0xF7A;
	s5 =	simm.s32 @!p2 $0x0  }
0x1d: {  	s5 =	simm.s32 @p1 $0x1;
	p0 =	seq.s32 s7, s2  }
0x1e: {  	s7 =	smul.u32 @!p0 $0xF7A, s2;
	p2 =	seq.s32 @!p0 s5, $0x0  }
0x1f: {  	s9 =	smul.u32 $0xF7A, s1;
	s8 =	simm.s32 @!p0 $0x1BF5;
	p2 =	por !p2, p0  }
0x20: {  	[sflag:s8] =	ssyncset.s32 @!p0 $0xFFFFF086;
	s6 =	sadd.s32 @!p0 s3, s7;
	s7 =	simm.s32 @!p0 $0x108  }
0x21: {  	s3 =	sadd.s32 s3, s9;
	s6 =	sadd.s32 @!p0 $0x88, s6;
	s7 =	simm.s32 @p2 $0x1082  }
0x22: {  	[simem:s7], [sflag:s8] =	dma.local @!p0 [hbm:s6], $0xF7A  }
0x23: {  	s9 =	sor.u32 $0xD0000000, s2;
	s6 =	simm.s32 $0x108;
	_ =	swait.ge @!p0 [sflag:s8], $0x0  }
0x24: {  	s3 =	sadd.s32 $0x88, s3;
	s6 =	simm.s32 @!p1 $0x1082;
	[sflag:s4] =	ssyncset.s32 $0xFFFFF086  }
0x25: {  	[simem:s6], [sflag:s4] =	dma.local [hbm:s3], $0xF7A  }
0x26: {  	[smem:$0x3F87] =	sst s1;
	(tag) =	ssettag s2;
	_ =	strace s9  }
0x27: {  	s1 =	sld [smem:$0x3F97]  }
0x28: {  	s2 =	sld [smem:$0x3F98]  }
0x29: {  	s4 =	sld [smem:$0x3F9A]  }
0x2a: {  	p0 =	seq.s32 s5, $0x0;
	s5 =	sld [smem:$0x3F9B]  }
0x2b: {  	s6 =	sld [smem:$0x3F9C]  }
0x2c: {  	s7 =	sld [smem:$0x3F9D]  }
0x2d: {  	s3 =	simm.s32 $0x108;
	s8 =	sld [smem:$0x3F9E]  }
0x2e: {  	s3 =	simm.s32 @!p0 $0x1082;
	s9 =	sld [smem:$0x3F9F]  }
0x2f: {  	lr =	sadd.s32 s0, s3;
	s0 =	sld [smem:$0x3F96]  }
0x30: {  	s3 =	sld [smem:$0x3F99]  }
0x31: {  	[smem:$0x3FA2] =	sst s10  }
0x32: {  	s10 =	sld [smem:$0x3FA0];
	_ =	sdelay $0x3  }
0x33: {  	p0 =	seq.s32 s10, $0x1;
	s10 =	sld [smem:$0x3FA2];
	_ =	sdelay $0x3  }
0x34: {  	[smem:$0x3FA2] =	sst s10  }
0x35: {  	s10 =	sld [smem:$0x3FA1];
	_ =	sdelay $0x3  }
0x36: {  	p1 =	seq.s32 s10, $0x1;
	s10 =	sld [smem:$0x3FA2];
	_ =	sdelay $0x3  }
0x37: {  	[smem:$0x3FA2] =	sst s10  }
0x38: {  	s10 =	sld [smem:$0x3FA3]  }
0x39: {  	_ = 	snop;
	(pc) =	sbr.ind lr, $3  }
0x3a: {  	_ = 	snop  }
0x3b: {  	_ = 	snop  }
0x3c: {  	p2 =	seq.s32 s10, $0x1;
	s10 =	sld [smem:$0x3FA2]  }
0x3d: {  	_ =	shalt  }
0x3e: {  	_ =	shalt  }
0x3f: {  	_ =	shalt  }
0x40: {  	_ =	shalt  }
0x41: {  	_ =	shalt  }
0x42: {  	_ =	shalt  }
0x43: {  	_ =	shalt  }
0x44: {  	_ =	shalt  }
0x45: {  	_ =	shalt  }
0x46: {  	_ =	shalt  }
0x47: {  	_ =	shalt  }
0x48: {  	_ =	shalt  }
0x49: {  	_ =	shalt  }
0x4a: {  	_ =	shalt  }
0x4b: {  	_ =	shalt  }
0x4c: {  	_ =	shalt  }
0x4d: {  	_ =	shalt  }
0x4e: {  	_ =	shalt  }
0x4f: {  	_ =	shalt  }
0x50: {  	_ =	shalt  }
0x51: {  	_ =	shalt  }
0x52: {  	_ =	shalt  }
0x53: {  	_ =	shalt  }
0x54: {  	_ =	shalt  }
0x55: {  	_ =	shalt  }
0x56: {  	_ =	shalt  }
0x57: {  	_ =	shalt  }
0x58: {  	_ =	shalt  }
0x59: {  	_ =	shalt  }
0x5a: {  	_ =	shalt  }
0x5b: {  	_ =	shalt  }
0x5c: {  	_ =	shalt  }
0x5d: {  	_ =	shalt  }
0x5e: {  	_ =	shalt  }
0x5f: {  	_ =	shalt  }
0x60: {  	_ =	shalt  }
0x61: {  	_ =	shalt  }
0x62: {  	_ =	shalt  }
0x63: {  	_ =	shalt  }
0x64: {  	_ =	shalt  }
0x65: {  	_ =	shalt  }
0x66: {  	_ =	shalt  }
0x67: {  	_ =	shalt  }
0x68: {  	_ =	shalt  }
0x69: {  	_ =	shalt  }
0x6a: {  	_ =	shalt  }
0x6b: {  	_ =	shalt  }
0x6c: {  	_ =	shalt  }
0x6d: {  	_ =	shalt  }
0x6e: {  	_ =	shalt  }
0x6f: {  	_ =	shalt  }
0x70: {  	_ =	shalt  }
0x71: {  	_ =	shalt  }
0x72: {  	_ =	shalt  }
0x73: {  	_ =	shalt  }
0x74: {  	_ =	shalt  }
0x75: {  	_ =	shalt  }
0x76: {  	_ =	shalt  }
0x77: {  	_ =	shalt  }
0x78: {  	_ =	shalt  }
0x79: {  	_ =	shalt  }
0x7a: {  	_ =	shalt  }
0x7b: {  	_ =	shalt  }
0x7c: {  	_ =	shalt  }
0x7d: {  	_ =	shalt  }
0x7e: {  	_ =	shalt  }
0x7f: {  	_ =	shalt  }
0x80: {  	_ =	shalt  }
0x81: {  	_ =	shalt  }
0x82: {  	_ =	shalt  }
0x83: {  	_ =	shalt  }
0x84: {  	_ =	shalt  }
0x85: {  	_ =	shalt  }
0x86: {  	_ =	shalt  }
0x87: {  	_ =	shalt  }
.Lfunc_end0:
.L_simem_size_0:
called_computation.4_lowered:
.L_overlay_start_0:
0x88: {  	s2 =	sld [smem:$0x3FD9]  }
0x89: {  	s3 =	sld [smem:$0x3FFE];
	_ =	sdelay $0x1  }
0x8a: {  	s1 =	srdreg.scid  }
0x8b: {  	s0 =	sand.u32 $0x1, s1  }
0x8c: {  	s16 =	sshll.u32 s0, $0xA;
	s2 =	sadd.s32 s3, s2  }
0x8d: {  	s2 =	sadd.s32 s2, s16  }
0x8e: {  	[smem:$0x3FAE] =	sst s2  }
0x8f: {  	_ = 	snop  }
0x90: {  	(tm) =	ssettm $0x1  }
0x91: {  	s17 =	sld [smem:$0x3FFB];
	_ =	sdelay $0x3  }
0x92: {  	_ =	strace s17  }
0x93: {  	s2 =	sld [smem:$0x3FFC];
	_ =	sdelay $0x3  }
0x94: {  	_ =	strace s2  }
0x95: {  	s2 =	sld [smem:$0x3FFD];
	_ =	sdelay $0x3  }
0x96: {  	_ =	strace s2  }
0x97: {  	_ =	strace $0x8FFFFFFF  }
0x98: {  	s18 =	sld [smem:$0x3FDB];
	_ =	sdelay $0x1  }
0x99: {  	s19 =	simm.s32 $_scs_section_size  }
0x9a: {  	s4 =	simm.s32 $_size__tile_overlayer_lowered;
	s5 =	simm.s32 $_tile_overlayer_lowered  }
0x9b: {  	s22 =	simm.s32 $0x1BFF;
	s21 =	sshll.u32 s5, $0x1;
	s2 =	sadd.s32 s19, s18  }
0x9c: {  	s6 =	simm.s32 $0x0;
	s20 =	sshll.u32 s4, $0x1;
	s4 =	sadd.s32 s21, s2  }
0x9d: {  	[timem:s6], [sflag:s22] =	dma.local [hbm:s4], s20  }
0x9e: {  	_ =	swait.ge [sflag:s22], s20  }
0x9f: {  	s3 =	ssub.s32 $0x0, s20;
	[sflag:s22] =	ssyncset.done $0x0  }
0xa0: {  	[sflag:s22] =	ssyncadd.s32 s3;
	_ =	sdelay $0x1  }
0xa1: {  	s23 =	simm.s32 $0x1B8B  }
0xa2: {  	_ =	swait.ge [sflag:s23], $0x1  }
0xa3: {  	[sflag:s23] =	ssyncset.done $0x0  }
0xa4: {  	s25 =	simm.s32 $0x1B8E;
	s24 =	sld [smem:$0x3FFE];
	[sflag:s23] =	ssyncadd.s32 $0xFFFFFFFF  }
0xa5: {  	s26 =	simm.s32 $execute0_lowered;
	[smem:$0x3FD2] =	sst s25  }
0xa6: {  	s4 =	sshll.u32 s26, $0x1;
	_ =	strace $0x80000052;
	[dreg:$0x1] =	wrdreg $0xFFFFFFFF  }
0xa7: {  	s28 =	simm.s32 $_size_execute0_lowered;
	s2 =	sadd.s32 s2, s4;
	[dreg:$0x0] =	wrdreg $0x0  }
0xa8: {  	s4 =	sshll.u32 s28, $0x1;
	[dreg:$0x2] =	wrdreg s2  }
0xa9: {  	[dreg:$0x3] =	wrdreg s4  }
0xaa: {  	[dreg:$0x4] =	wrdreg $0xC0  }
0xab: {  	_ =	task [dreg:s6], $0x5FFFF  }
0xac: {  	[dreg:$0x1] =	wrdreg $0xFFFFFFFF  }
0xad: {  	[dreg:$0x0] =	wrdreg $0x60  }
0xae: {  	[dreg:$0x2] =	wrdreg s24  }
0xaf: {  	[dreg:$0x3] =	wrdreg $0x7A000  }
0xb0: {  	[dreg:$0x4] =	wrdreg $0x9  }
0xb1: {  	_ =	task.clear_ibuf [dreg:s6], $0x5FFFF;
	_ =	strace $0x90000052  }
0xb2: {  	s29 =	simm.s32 $0x9;
	_ =	strace $0x80000054  }
0xb3: {  	_ =	swait.ge [sflag:s29], $0x1  }
0xb4: {  	[sflag:s29] =	ssyncadd.s32 $0xFFFFFFFF  }
0xb5: {  	_ =	strace $0x90000054  }
0xb6: {  	_ =	sfence  }
0xb7: {  	s30 =	sld [smem:$0x0];
	_ =	sdelay $0x2  }
0xb8: {  	s31 =	sshll.u32 s1, $0xD;
	s1 =	sshrl.u32 s1, $0x2  }
0xb9: {  	s3 =	sand.u32 $0x4000, s31;
	s1 =	sadd.s32 s1, s30  }
0xba: {  	s0 =	sor.u32 s3, s0;
	s1 =	sshll.u32 s1, $0x11  }
0xbb: {  	s0 =	sor.u32 s1, s0  }
0xbc: {  	s0 =	sadd.s32 $0x8F2B, s0  }
0xbd: {  	[sflag:s0] =	ssyncadd.remote.s32 $0x1  }
0xbe: {  	_ =	sfence.sel $0xFFFF  }
0xbf: {  	[dreg:$0x0] =	wrdreg $0xFFFFFFFF;
	(pc) =	sbr.abs _section_cstart, $3  }
0xc0: {  	[dreg:$0x1] =	wrdreg $0xFFFFFFFF  }
0xc1: {  	_ =	task.clear_ibuf [dreg:s6], $0x2FFFF;
	_ =	strace $0x9FFFFFFF  }
0xc2: {  	(tm) =	ssettm $0x7FFFFFFF  }
0xc3: {  	_ =	shalt  }
tec
execute0_lowered:
.L_overlay_start_1:
0x0: {  	(tag) =	ssettag $0x1  }
0x1: {  	s3 =	rddreg [dreg:$0x0]  }
0x2: {  	s1 =	rddreg [dreg:$0x1];
	s2 =	simm.s32 $0x0  }
0x3: {  	s0 =	srdreg.scid;
	s23 =	stileid.u32;
	s28 =	simm.s32 $0x5200  }
0x4: {  	s29 =	simm.s32 $0x3;
	s30 =	simm.s32 $0x100;
	s31 =	simm.s32 $0x50  }
0x5: {  	[smem:$0x7FF] =	sst s2;
	s8 =	sor.u32 $0x10, s23;
	s10 =	smul.u32 $0x50, s23  }
0x6: {  	s5 =	sand.u32 $0x1, s0;
	s9 =	sor.u32 $0x20, s23;
	s12 =	smul.u32 $0x50, s8  }
0x7: {  	s4 =	sadd.s32 $0x35400, s3;
	s11 =	sor.u32 $0x30, s23;
	s13 =	smul.u32 $0x50, s9  }
0x8: {  	s6 =	sadd.s32 $0x5C600, s3;
	s16 =	sor.u32 $0x40, s23;
	s26 =	smul.u32 $0x50, s11  }
0x9: {  	s17 =	sor.u32 $0x50, s23;
	s0 =	ssub.s32 $0x2, s5;
	s14 =	smul.u32 $0x50, s16  }
0xa: {  	s18 =	sor.u32 $0x60, s23;
	s15 =	smul.u32 $0x50, s17;
	s7 =	sshrl.u32 s0, $0x1  }
0xb: {  	s19 =	sor.u32 $0x70, s23;
	s0 =	ssub.s32 s0, s7;
	s7 =	smul.u32 $0x2710, s5  }
0xc: {  	p0 =	sgt.u32 s23, $0xC;
	_ =	strace $0x80000053;
	s24 =	smul.u32 $0x50, s18  }
0xd: {  	s8 =	smul.u32 $0xA000, s8;
	s10 =	sadd.s32 s10, s7;
	s25 =	sadd.s32 s7, s12  }
0xe: {  	s13 =	sadd.s32 s7, s13;
	s21 =	sadd.s32 s7, s14;
	s14 =	smul.u32 $0x27100, s5  }
0xf: {  	s12 =	sadd.s32 s7, s26;
	s22 =	sadd.s32 s7, s15;
	s15 =	smul.u32 $0x2710, s23  }
0x10: {  	s10 =	sshll.u32 s10, $0x4;
	s13 =	sshll.u32 s13, $0x4;
	s20 =	sshll.u32 s12, $0x4  }
0x11: {  	s12 =	sshll.u32 s21, $0x4;
	s21 =	sshll.u32 s5, $0x4;
	s10 =	sadd.s32 s6, s10  }
0x12: {  	s13 =	sadd.s32 s6, s13;
	s26 =	sadd.s32 s6, s12;
	[dreg:$0x3] =	wrdreg s10  }
0x13: {  	s10 =	sshll.u32 s25, $0x4;
	[dreg:$0x5] =	wrdreg s13;
	s25 =	smul.u32 $0x50, s19  }
0x14: {  	s13 =	sshll.u32 s22, $0x4;
	[dreg:$0x7] =	wrdreg s26;
	s22 =	smul.u32 $0xA000, s9  }
0x15: {  	s26 =	smul.u32 $0xA000, s16;
	s10 =	sadd.s32 s6, s10;
	s12 =	sadd.s32 s6, s13  }
0x16: {  	s13 =	sadd.s32 s7, s24;
	s24 =	smul.u32 $0xA000, s11;
	[dreg:$0x4] =	wrdreg s10  }
0x17: {  	s10 =	sadd.s32 s6, s20;
	[dreg:$0x8] =	wrdreg s12;
	s7 =	sadd.s32 s7, s25  }
0x18: {  	s20 =	smul.u32 $0xA000, s23;
	s25 =	sshrl.u32 s8, $0x2;
	s5 =	sshrl.u32 s22, $0x2  }
0x19: {  	s12 =	smul.u32 $0xA000, s18;
	[dreg:$0x6] =	wrdreg s10;
	s10 =	sshll.u32 s13, $0x4  }
0x1a: {  	s7 =	sshll.u32 s7, $0x4;
	s13 =	sadd.s32 $0x21200, s3;
	s16 =	sadd.s32 s25, s1  }
0x1b: {  	s11 =	sshrl.u32 s24, $0x2;
	s10 =	sadd.s32 s6, s10;
	s6 =	sadd.s32 s6, s7  }
0x1c: {  	s7 =	sadd.s32 s15, s14;
	s14 =	sadd.s32 $0x2B600, s3;
	s3 =	sor.u32 s23, s21  }
0x1d: {  	s18 =	sadd.s32 s11, s1;
	s21 =	smul.u32 $0xA000, s19;
	[dreg:$0x9] =	wrdreg s10  }
0x1e: {  	s24 =	sshrl.u32 s12, $0x2;
	[dreg:$0xa] =	wrdreg s6;
	s6 =	sshrl.u32 s20, $0x2  }
0x1f: {  	s10 =	smul.u32 $0xA000, s17;
	s17 =	sadd.s32 s5, s1;
	s20 =	sshrl.u32 s26, $0x2  }
0x20: {  	s3 =	smul.u32 $0x2710, s3;
	s5 =	simm.s32 $0x4;
	s15 =	sadd.s32 s6, s1  }
0x21: {  	s19 =	sadd.s32 s20, s1;
	s25 =	sshrl.u32 s21, $0x2;
	s22 =	sshrl.u32 s10, $0x2  }
0x22: {  	s21 =	sadd.s32 s24, s1;
	s3 =	sshrl.u32 s3, $0x3;
	s20 =	sadd.s32 s22, s1  }
0x23: {  	s22 =	sadd.s32 s25, s1;
	s26 =	sadd.s32 s13, s3;
	s3 =	sadd.s32 s14, s3  }
0x24: {  	s25 =	smax.u32 s0, $0x1;
	s0 =	simm.s32 $0x200;
	[dreg:$0xb] =	wrdreg s26  }
0x25: {  	v0 =	vimm.f32 $0.0e+00;
	[dreg:$0xc] =	wrdreg s3;
	s26 =	sadd.s32 $0x50, s7;
	s3 =	simm.s32 $0x1  }
.LBB2_1:
0x26: {  	s6 =	simm.s32 $0x0;
	s7 =	simm.s32 $0x200  }
.LBB2_2:
0x27: {  	p1 =	sne.s32 s7, $0x9E00;
	[tilespmem:s6+$0x5270] =	vst v0  }
0x28: {  	[tilespmem:s6+$0x5200] =	vst v0  }
0x29: {  	[tilespmem:s6+$0x5210] =	vst v0  }
.Ltmp0:
0x2a: {  	[tilespmem:s6+$0x5220] =	vst v0;
	(pc) =	sbr.rel @p1 .LBB2_2-.Ltmp0, $4  }
0x2b: {  	[tilespmem:s6+$0x5230] =	vst v0  }
0x2c: {  	[tilespmem:s6+$0x5240] =	vst v0  }
0x2d: {  	[tilespmem:s6+$0x5250] =	vst v0  }
0x2e: {  	[tilespmem:s6+$0x5260] =	vst v0;
	s6 =	sshra.s32 s7, $0x2;
	s7 =	sadd.s32 $0x200, s7  }
0x2f: {  	[tilespmem:s6+$0x5270] =	vst v0  }
0x30: {  	[tilespmem:s6+$0x5200] =	vst v0  }
0x31: {  	[tilespmem:s6+$0x5210] =	vst v0  }
0x32: {  	[tilespmem:s6+$0x5220] =	vst v0  }
0x33: {  	[tilespmem:s6+$0x5230] =	vst v0  }
0x34: {  	[tilespmem:s6+$0x5240] =	vst v0  }
0x35: {  	[tilespmem:s6+$0x5250] =	vst v0  }
0x36: {  	[tilespmem:s6+$0x5260] =	vst v0  }
0x37: {  	[spmem:s15] =	stream.linear.scatter [tilespmem:s28], [sflag:$0x3], $0x2800, $0x38;
	[tilespmem:$0x1B280] =	vst v63  }
0x38: {  	_ =	swait.ge [sflag:s29], $0x2800  }
0x39: {  	[sflag:s29] =	ssyncset.done $0x0  }
0x3a: {  	[sflag:s29] =	ssyncadd.s32 $0xFFFFD800  }
0x3b: {  	[spmem:s16] =	stream.linear.scatter [tilespmem:s28], [sflag:$0x3], $0x2800, $0x38;
	[tilespmem:$0x1B280] =	vst v63  }
0x3c: {  	_ =	swait.ge [sflag:s29], $0x2800  }
0x3d: {  	[sflag:s29] =	ssyncset.done $0x0  }
0x3e: {  	[sflag:s29] =	ssyncadd.s32 $0xFFFFD800  }
0x3f: {  	[spmem:s17] =	stream.linear.scatter [tilespmem:s28], [sflag:$0x3], $0x2800, $0x38;
	[tilespmem:$0x1B280] =	vst v63  }
0x40: {  	_ =	swait.ge [sflag:s29], $0x2800  }
0x41: {  	[sflag:s29] =	ssyncset.done $0x0  }
0x42: {  	[sflag:s29] =	ssyncadd.s32 $0xFFFFD800  }
0x43: {  	[spmem:s18] =	stream.linear.scatter [tilespmem:s28], [sflag:$0x3], $0x2800, $0x38;
	[tilespmem:$0x1B280] =	vst v63  }
0x44: {  	_ =	swait.ge [sflag:s29], $0x2800  }
0x45: {  	[sflag:s29] =	ssyncset.done $0x0  }
0x46: {  	[sflag:s29] =	ssyncadd.s32 $0xFFFFD800  }
0x47: {  	[spmem:s19] =	stream.linear.scatter [tilespmem:s28], [sflag:$0x3], $0x2800, $0x38;
	[tilespmem:$0x1B280] =	vst v63  }
0x48: {  	_ =	swait.ge [sflag:s29], $0x2800  }
0x49: {  	[sflag:s29] =	ssyncset.done $0x0  }
0x4a: {  	[sflag:s29] =	ssyncadd.s32 $0xFFFFD800  }
0x4b: {  	[spmem:s20] =	stream.linear.scatter [tilespmem:s28], [sflag:$0x3], $0x2800, $0x38;
	[tilespmem:$0x1B280] =	vst v63  }
0x4c: {  	_ =	swait.ge [sflag:s29], $0x2800  }
0x4d: {  	[sflag:s29] =	ssyncset.done $0x0  }
0x4e: {  	[sflag:s29] =	ssyncadd.s32 $0xFFFFD800  }
0x4f: {  	[spmem:s21] =	stream.linear.scatter [tilespmem:s28], [sflag:$0x3], $0x2800, $0x38;
	[tilespmem:$0x1B280] =	vst v63  }
0x50: {  	_ =	swait.ge [sflag:s29], $0x2800  }
0x51: {  	[sflag:s29] =	ssyncset.done $0x0  }
0x52: {  	s6 =	simm.s32 @!p0 $0x5200;
	[sflag:s29] =	ssyncadd.s32 $0xFFFFD800  }
0x53: {  	[spmem:s22] =	stream.linear.scatter @!p0 [tilespmem:s6], [sflag:$0x3], $0x2800, $0x38;
	[tilespmem:$0x1B280] =	vst v63  }
0x54: {  	s6 =	simm.s32 @!p0 $0x3  }
0x55: {  	_ =	swait.ge @!p0 [sflag:s6], $0x2800  }
0x56: {  	[sflag:s6] =	ssyncset.done @!p0 $0x0  }
0x57: {  	[sflag:s6] =	ssyncadd.s32 @!p0 $0xFFFFD800  }
0x58: {  	[bflag:$0x0] =	sbarrier.arrive $0xFFFF  }
0x59: {  	s11 =	simm.s32 $0x0;
	s7 =	rddreg [dreg:$0xb]  }
0x5a: {  	[tilespmem:s11], [sflag:$0x3] =	stream.linear.gather [hbm4b:s7+s11], $0x50, $0x38;
	[tilespmem:$0x1B280] =	vst v63  }
0x5b: {  	_ =	swait.ge [sflag:s29], $0x50  }
0x5c: {  	[sflag:s29] =	ssyncset.done $0x0  }
0x5d: {  	s12 =	rddreg [dreg:$0xc];
	[sflag:s29] =	ssyncadd.s32 $0xFFFFFFB0  }
0x5e: {  	[tilespmem:s30], [sflag:$0x3] =	stream.linear.gather [hbm4b:s12+s11], $0x50, $0x38;
	[tilespmem:$0x1B280] =	vst v63  }
0x5f: {  	s6 =	sand.u32 $0x1, s11;
	_ =	swait.ge [sflag:s29], $0x50  }
0x60: {  	p1 =	seq.s32 s6, $0x1;
	[sflag:s29] =	ssyncset.done $0x0  }
0x61: {  	s6 =	sshrl.u32 @p1 s26, $0x3;
	[sflag:s29] =	ssyncadd.s32 $0xFFFFFFB0  }
0x62: {  	[tilespmem:s0], [sflag:$0x1] =	stream.indirect.gather [hbm4b:s4+s31], $0x80, s11, s31, $0xb8;
	[tilespmem:$0x1B280] =	vst v63  }
0x63: {  	s9 =	simm.s32 @p1 $0x4;
	s7 =	simm.s32 @p1 $0x0;
	s8 =	sadd.s32 @p1 s13, s6  }
0x64: {  	[tilespmem:s7], [sflag:$0x4] =	stream.linear.gather @p1 [hbm4b:s8+s7], $0x50, $0x38;
	[tilespmem:$0x1B280] =	vst v63  }
0x65: {  	_ =	swait.ge @p1 [sflag:s9], $0x50  }
0x66: {  	[sflag:s9] =	ssyncset.done @p1 $0x0  }
0x67: {  	s6 =	sadd.s32 @p1 s14, s6;
	s8 =	simm.s32 @p1 $0x100;
	[sflag:s9] =	ssyncadd.s32 @p1 $0xFFFFFFB0  }
0x68: {  	[tilespmem:s8], [sflag:$0x4] =	stream.linear.gather @p1 [hbm4b:s6+s7], $0x50, $0x38;
	[tilespmem:$0x1B280] =	vst v63  }
0x69: {  	_ =	swait.ge @p1 [sflag:s9], $0x50  }
0x6a: {  	s6 =	simm.s32 @p1 $0x2;
	[sflag:s9] =	ssyncset.done @p1 $0x0  }
0x6b: {  	s8 =	simm.s32 @p1 $0x50;
	[sflag:s9] =	ssyncadd.s32 @p1 $0xFFFFFFB0;
	s9 =	simm.s32 @p1 $0x200  }
0x6c: {  	[tilespmem:s9], [sflag:$0x1] =	stream.indirect.gather @p1 [hbm4b:s4+s8], $0x80, s7, s8, $0xb8;
	[tilespmem:$0x1B280] =	vst v63  }
0x6d: {  	_ =	swait.ge @p1 [sflag:s6], $0x2800  }
0x6e: {  	s10 =	simm.s32 @p1 $0x2A00;
	s7 =	sshrl.u32 @!p1 s26, $0x3;
	[sflag:s6] =	ssyncset.done @p1 $0x0  }
0x6f: {  	s9 =	sadd.s32 @!p1 s13, s7;
	[sflag:s6] =	ssyncadd.s32 @p1 $0xFFFFD800;
	s6 =	simm.s32 @p1 $0x180  }
0x70: {  	[spmem:s1] =	stream.indirect.scatter.add.f32 @p1 [tilespmem:s10], [sflag:$0x3], $0x80, s6, s8, $0xb8;
	[tilespmem:$0x1B280] =	vst v63  }
0x71: {  	s6 =	simm.s32 @!p1 $0x0;
	s10 =	simm.s32 @!p1 $0x80;
	s8 =	simm.s32 @!p1 $0x4  }
0x72: {  	[tilespmem:s10], [sflag:$0x4] =	stream.linear.gather @!p1 [hbm4b:s9+s6], $0x50, $0x38;
	[tilespmem:$0x1B280] =	vst v63  }
0x73: {  	_ =	swait.ge @!p1 [sflag:s8], $0x50  }
0x74: {  	[sflag:s8] =	ssyncset.done @!p1 $0x0  }
0x75: {  	s7 =	sadd.s32 @!p1 s14, s7;
	s9 =	simm.s32 @!p1 $0x180;
	[sflag:s8] =	ssyncadd.s32 @!p1 $0xFFFFFFB0  }
0x76: {  	[tilespmem:s9], [sflag:$0x4] =	stream.linear.gather @!p1 [hbm4b:s7+s6], $0x50, $0x38;
	[tilespmem:$0x1B280] =	vst v63  }
0x77: {  	_ =	swait.ge @!p1 [sflag:s8], $0x50  }
0x78: {  	s6 =	simm.s32 @!p1 $0x1;
	[sflag:s8] =	ssyncset.done @!p1 $0x0  }
0x79: {  	s7 =	simm.s32 @!p1 $0x50;
	s9 =	simm.s32 @!p1 $0x2A00;
	[sflag:s8] =	ssyncadd.s32 @!p1 $0xFFFFFFB0  }
0x7a: {  	[tilespmem:s9], [sflag:$0x2] =	stream.indirect.gather @!p1 [hbm4b:s4+s7], $0x80, s10, s7, $0xb8;
	[tilespmem:$0x1B280] =	vst v63  }
0x7b: {  	_ =	swait.ge @!p1 [sflag:s6], $0x2800  }
0x7c: {  	s23 =	simm.s32 $0x1;
	[sflag:s6] =	ssyncset.done @!p1 $0x0  }
0x7d: {  	s10 =	simm.s32 @!p1 $0x200;
	[sflag:s6] =	ssyncadd.s32 @!p1 $0xFFFFD800;
	s6 =	simm.s32 @!p1 $0x100  }
0x7e: {  	[spmem:s1] =	stream.indirect.scatter.add.f32 @!p1 [tilespmem:s10], [sflag:$0x4], $0x80, s6, s7, $0xb8;
	[tilespmem:$0x1B280] =	vst v63  }
0x7f: {  	s24 =	sand.u32 $0x1, s23;
	s8 =	simm.s32 @p1 $0x3;
	s7 =	simm.s32 $0x2  }
0x80: {  	p1 =	seq.s32 s24, $0x1;
	s6 =	sadd.s32 $0x50, s26;
	_ =	swait.ge [sflag:s8], $0x2800  }
0x81: {  	s11 =	sshrl.u32 @p1 s6, $0x3;
	s10 =	simm.s32 @p1 $0x0;
	[sflag:s8] =	ssyncset.done $0x0  }
.LBB2_4:
0x82: {  	s12 =	sadd.s32 @p1 s13, s11  }
0x83: {  	s23 =	simm.s32 @p1 $0x4;
	[sflag:s8] =	ssyncadd.s32 $0xFFFFD800;
	s9 =	smov.u32 s7  }
0x84: {  	[tilespmem:s10], [sflag:$0x4] =	stream.linear.gather @p1 [hbm4b:s12+s10], $0x50, $0x38;
	[tilespmem:$0x1B280] =	vst v63  }
0x85: {  	s7 =	sadd.s32 $0x1, s7;
	s8 =	sshrl.u32 @!p1 s6, $0x3;
	_ =	swait.ge @p1 [sflag:s23], $0x50  }
0x86: {  	s12 =	sadd.s32 @!p1 s13, s8;
	s24 =	sadd.s32 @!p1 s14, s8;
	[sflag:s23] =	ssyncset.done @p1 $0x0  }
0x87: {  	s8 =	sadd.s32 @p1 s14, s11;
	s11 =	simm.s32 @p1 $0x100;
	[sflag:s23] =	ssyncadd.s32 @p1 $0xFFFFFFB0  }
0x88: {  	[tilespmem:s11], [sflag:$0x4] =	stream.linear.gather @p1 [hbm4b:s8+s10], $0x50, $0x38;
	[tilespmem:$0x1B280] =	vst v63  }
0x89: {  	p2 =	sne.s32 s7, $0x7C;
	_ =	swait.ge @p1 [sflag:s23], $0x50  }
0x8a: {  	s8 =	simm.s32 @p1 $0x2;
	[sflag:s23] =	ssyncset.done @p1 $0x0  }
0x8b: {  	s11 =	simm.s32 @p1 $0x50;
	[sflag:s23] =	ssyncadd.s32 @p1 $0xFFFFFFB0;
	s23 =	simm.s32 @p1 $0x200  }
0x8c: {  	[tilespmem:s23], [sflag:$0x1] =	stream.indirect.gather @p1 [hbm4b:s4+s11], $0x80, s10, s11, $0xb8;
	[tilespmem:$0x1B280] =	vst v63  }
0x8d: {  	_ =	swait.ge @p1 [sflag:s8], $0x2800  }
0x8e: {  	[sflag:s8] =	ssyncset.done @p1 $0x0  }
0x8f: {  	s10 =	simm.s32 @p1 $0x2A00;
	[sflag:s8] =	ssyncadd.s32 @p1 $0xFFFFD800;
	s8 =	simm.s32 @p1 $0x180  }
0x90: {  	[spmem:s1] =	stream.indirect.scatter.add.f32 @p1 [tilespmem:s10], [sflag:$0x3], $0x80, s8, s11, $0xb8;
	[tilespmem:$0x1B280] =	vst v63  }
0x91: {  	s10 =	simm.s32 @!p1 $0x0;
	s11 =	simm.s32 @!p1 $0x80;
	s8 =	simm.s32 @!p1 $0x4  }
0x92: {  	[tilespmem:s11], [sflag:$0x4] =	stream.linear.gather @!p1 [hbm4b:s12+s10], $0x50, $0x38;
	[tilespmem:$0x1B280] =	vst v63  }
0x93: {  	_ =	swait.ge @!p1 [sflag:s8], $0x50  }
0x94: {  	[sflag:s8] =	ssyncset.done @!p1 $0x0  }
0x95: {  	s12 =	simm.s32 @!p1 $0x180;
	[sflag:s8] =	ssyncadd.s32 @!p1 $0xFFFFFFB0  }
0x96: {  	[tilespmem:s12], [sflag:$0x4] =	stream.linear.gather @!p1 [hbm4b:s24+s10], $0x50, $0x38;
	[tilespmem:$0x1B280] =	vst v63  }
0x97: {  	_ =	swait.ge @!p1 [sflag:s8], $0x50  }
0x98: {  	s10 =	simm.s32 @!p1 $0x1;
	[sflag:s8] =	ssyncset.done @!p1 $0x0  }
0x99: {  	s23 =	simm.s32 @!p1 $0x2A00;
	s12 =	simm.s32 @!p1 $0x50;
	[sflag:s8] =	ssyncadd.s32 @!p1 $0xFFFFFFB0  }
0x9a: {  	[tilespmem:s23], [sflag:$0x2] =	stream.indirect.gather @!p1 [hbm4b:s4+s12], $0x80, s11, s12, $0xb8;
	[tilespmem:$0x1B280] =	vst v63  }
0x9b: {  	s11 =	simm.s32 @!p1 $0x200;
	_ =	swait.ge @!p1 [sflag:s10], $0x2800  }
.Ltmp1:
0x9c: {  	s23 =	simm.s32 @!p1 $0x100;
	[sflag:s10] =	ssyncset.done @!p1 $0x0;
	(pc) =	sbr.rel @p2 .LBB2_4-.Ltmp1, $4  }
0x9d: {  	s9 =	sand.u32 $0x1, s9;
	s8 =	simm.s32 @p1 $0x3;
	[sflag:s10] =	ssyncadd.s32 @!p1 $0xFFFFD800  }
0x9e: {  	[spmem:s1] =	stream.indirect.scatter.add.f32 @!p1 [tilespmem:s11], [sflag:$0x4], $0x80, s23, s12, $0xb8;
	[tilespmem:$0x1B280] =	vst v63  }
0x9f: {  	s6 =	sadd.s32 $0x50, s6;
	p1 =	seq.s32 s9, $0x1;
	_ =	swait.ge [sflag:s8], $0x2800  }
0xa0: {  	s11 =	sshrl.u32 @p1 s6, $0x3;
	s10 =	simm.s32 @p1 $0x0;
	[sflag:s8] =	ssyncset.done $0x0  }
0xa1: {  	s7 =	sadd.s32 @p1 s13, s11;
	[sflag:s8] =	ssyncadd.s32 $0xFFFFD800;
	s8 =	simm.s32 @p1 $0x4  }
0xa2: {  	[tilespmem:s10], [sflag:$0x4] =	stream.linear.gather @p1 [hbm4b:s7+s10], $0x50, $0x38;
	[tilespmem:$0x1B280] =	vst v63  }
0xa3: {  	_ =	swait.ge @p1 [sflag:s8], $0x50  }
0xa4: {  	[sflag:s8] =	ssyncset.done @p1 $0x0  }
0xa5: {  	s9 =	simm.s32 @p1 $0x100;
	s7 =	sadd.s32 @p1 s14, s11;
	[sflag:s8] =	ssyncadd.s32 @p1 $0xFFFFFFB0  }
0xa6: {  	[tilespmem:s9], [sflag:$0x4] =	stream.linear.gather @p1 [hbm4b:s7+s10], $0x50, $0x38;
	[tilespmem:$0x1B280] =	vst v63  }
0xa7: {  	_ =	swait.ge @p1 [sflag:s8], $0x50  }
0xa8: {  	s7 =	simm.s32 @p1 $0x2;
	[sflag:s8] =	ssyncset.done @p1 $0x0  }
0xa9: {  	s9 =	simm.s32 @p1 $0x200;
	[sflag:s8] =	ssyncadd.s32 @p1 $0xFFFFFFB0;
	s8 =	simm.s32 @p1 $0x50  }
0xaa: {  	[tilespmem:s9], [sflag:$0x1] =	stream.indirect.gather @p1 [hbm4b:s4+s8], $0x80, s10, s8, $0xb8;
	[tilespmem:$0x1B280] =	vst v63  }
0xab: {  	s6 =	sshrl.u32 @!p1 s6, $0x3;
	_ =	swait.ge @p1 [sflag:s7], $0x2800  }
0xac: {  	s9 =	sadd.s32 @!p1 s13, s6;
	[sflag:s7] =	ssyncset.done @p1 $0x0  }
0xad: {  	s10 =	simm.s32 @p1 $0x2A00;
	[sflag:s7] =	ssyncadd.s32 @p1 $0xFFFFD800;
	s7 =	simm.s32 @p1 $0x180  }
0xae: {  	[spmem:s1] =	stream.indirect.scatter.add.f32 @p1 [tilespmem:s10], [sflag:$0x3], $0x80, s7, s8, $0xb8;
	[tilespmem:$0x1B280] =	vst v63  }
0xaf: {  	s7 =	simm.s32 @!p1 $0x0;
	s8 =	simm.s32 @!p1 $0x80;
	s10 =	simm.s32 @!p1 $0x4  }
0xb0: {  	[tilespmem:s8], [sflag:$0x4] =	stream.linear.gather @!p1 [hbm4b:s9+s7], $0x50, $0x38;
	[tilespmem:$0x1B280] =	vst v63  }
0xb1: {  	_ =	swait.ge @!p1 [sflag:s10], $0x50  }
0xb2: {  	[sflag:s10] =	ssyncset.done @!p1 $0x0  }
0xb3: {  	s6 =	sadd.s32 @!p1 s14, s6;
	s9 =	simm.s32 @!p1 $0x180;
	[sflag:s10] =	ssyncadd.s32 @!p1 $0xFFFFFFB0  }
0xb4: {  	[tilespmem:s9], [sflag:$0x4] =	stream.linear.gather @!p1 [hbm4b:s6+s7], $0x50, $0x38;
	[tilespmem:$0x1B280] =	vst v63  }
0xb5: {  	_ =	swait.ge @!p1 [sflag:s10], $0x50  }
0xb6: {  	[sflag:s10] =	ssyncset.done @!p1 $0x0  }
0xb7: {  	s6 =	simm.s32 @!p1 $0x50;
	s7 =	simm.s32 @!p1 $0x2A00;
	[sflag:s10] =	ssyncadd.s32 @!p1 $0xFFFFFFB0  }
0xb8: {  	[tilespmem:s7], [sflag:$0x2] =	stream.indirect.gather @!p1 [hbm4b:s4+s6], $0x80, s8, s6, $0xb8;
	[tilespmem:$0x1B280] =	vst v63  }
0xb9: {  	s7 =	simm.s32 @!p1 $0x1  }
0xba: {  	_ =	swait.ge @!p1 [sflag:s7], $0x2800  }
0xbb: {  	s10 =	simm.s32 @p1 $0x3;
	[sflag:s7] =	ssyncset.done @!p1 $0x0  }
0xbc: {  	s8 =	simm.s32 @!p1 $0x200;
	[sflag:s7] =	ssyncadd.s32 @!p1 $0xFFFFD800;
	s7 =	simm.s32 @!p1 $0x100  }
0xbd: {  	[spmem:s1] =	stream.indirect.scatter.add.f32 @!p1 [tilespmem:s8], [sflag:$0x4], $0x80, s7, s6, $0xb8;
	[tilespmem:$0x1B280] =	vst v63  }
0xbe: {  	_ =	swait.ge [sflag:s10], $0x2800  }
0xbf: {  	[sflag:s10] =	ssyncset.done $0x0  }
0xc0: {  	[sflag:s10] =	ssyncadd.s32 $0xFFFFD800  }
0xc1: {  	_ =	swait.ge [sflag:s3], $0x2800  }
0xc2: {  	[sflag:s3] =	ssyncset.done $0x0  }
0xc3: {  	[sflag:s3] =	ssyncadd.s32 $0xFFFFD800  }
0xc4: {  	[spmem:s1] =	stream.indirect.scatter.add.f32 [tilespmem:s0], [sflag:$0x4], $0x80, s30, s31, $0xb8;
	[tilespmem:$0x1B280] =	vst v63  }
0xc5: {  	_ =	swait.ge [sflag:s5], $0x2800  }
0xc6: {  	[sflag:s5] =	ssyncset.done $0x0  }
0xc7: {  	s12 =	stileid.u32;
	[sflag:s5] =	ssyncadd.s32 $0xFFFFD800  }
0xc8: {  	s6 =	sshll.u32 s12, $0x6;
	[bflag:$0x0] =	sbarrier.arrive $0xFFFF  }
0xc9: {  	s23 =	sshrl.u32 s15, $0x3;
	s6 =	sor.u32 $0x1C03, s6;
	s24 =	rddreg [dreg:$0x3]  }
0xca: {  	[hbm:s24], [sflag:s6] =	dma.local [spmem:s23], $0x500  }
0xcb: {  	_ =	swait.ge [sflag:s29], $0x500  }
0xcc: {  	[sflag:s29] =	ssyncset.done $0x0  }
0xcd: {  	s9 =	sshrl.u32 s16, $0x3;
	s10 =	rddreg [dreg:$0x4];
	[sflag:s29] =	ssyncadd.s32 $0xFFFFFB00  }
0xce: {  	[hbm:s10], [sflag:s6] =	dma.local [spmem:s9], $0x500  }
0xcf: {  	_ =	swait.ge [sflag:s29], $0x500  }
0xd0: {  	[sflag:s29] =	ssyncset.done $0x0  }
0xd1: {  	s11 =	sshrl.u32 s17, $0x3;
	s12 =	rddreg [dreg:$0x5];
	[sflag:s29] =	ssyncadd.s32 $0xFFFFFB00  }
0xd2: {  	[hbm:s12], [sflag:s6] =	dma.local [spmem:s11], $0x500  }
0xd3: {  	_ =	swait.ge [sflag:s29], $0x500  }
0xd4: {  	[sflag:s29] =	ssyncset.done $0x0  }
0xd5: {  	s23 =	sshrl.u32 s18, $0x3;
	s24 =	rddreg [dreg:$0x6];
	[sflag:s29] =	ssyncadd.s32 $0xFFFFFB00  }
0xd6: {  	[hbm:s24], [sflag:s6] =	dma.local [spmem:s23], $0x500  }
0xd7: {  	_ =	swait.ge [sflag:s29], $0x500  }
0xd8: {  	[sflag:s29] =	ssyncset.done $0x0  }
0xd9: {  	s9 =	sshrl.u32 s19, $0x3;
	s10 =	rddreg [dreg:$0x7];
	[sflag:s29] =	ssyncadd.s32 $0xFFFFFB00  }
0xda: {  	[hbm:s10], [sflag:s6] =	dma.local [spmem:s9], $0x500  }
0xdb: {  	_ =	swait.ge [sflag:s29], $0x500  }
0xdc: {  	[sflag:s29] =	ssyncset.done $0x0  }
0xdd: {  	s11 =	sshrl.u32 s20, $0x3;
	s12 =	rddreg [dreg:$0x8];
	[sflag:s29] =	ssyncadd.s32 $0xFFFFFB00  }
0xde: {  	[hbm:s12], [sflag:s6] =	dma.local [spmem:s11], $0x500  }
0xdf: {  	_ =	swait.ge [sflag:s29], $0x500  }
0xe0: {  	[sflag:s29] =	ssyncset.done $0x0  }
0xe1: {  	s23 =	sshrl.u32 s21, $0x3;
	s24 =	rddreg [dreg:$0x9];
	[sflag:s29] =	ssyncadd.s32 $0xFFFFFB00  }
0xe2: {  	[hbm:s24], [sflag:s6] =	dma.local [spmem:s23], $0x500  }
0xe3: {  	_ =	swait.ge [sflag:s29], $0x500  }
0xe4: {  	s2 =	sadd.s32 $0x1, s2;
	s7 =	sshrl.u32 @!p0 s22, $0x3;
	[sflag:s29] =	ssyncset.done $0x0  }
0xe5: {  	p1 =	sne.s32 s2, s25;
	s8 =	rddreg [dreg:$0xa];
	[sflag:s29] =	ssyncadd.s32 $0xFFFFFB00  }
0xe6: {  	[hbm:s8], [sflag:s6] =	dma.local @!p0 [spmem:s7], $0x500  }
.Ltmp2:
0xe7: {  	_ = 	snop;
	(pc) =	sbr.rel @p1 .LBB2_1-.Ltmp2, $4  }
0xe8: {  	s6 =	simm.s32 @!p0 $0x3  }
0xe9: {  	_ =	swait.ge @!p0 [sflag:s6], $0x500  }
0xea: {  	[sflag:s6] =	ssyncset.done @!p0 $0x0  }
0xeb: {  	[sflag:s6] =	ssyncadd.s32 @!p0 $0xFFFFFB00  }
0xec: {  	_ =	sfence.sel $0x180000  }
0xed: {  	[bflag:$0x0] =	sbarrier.arrive $0xFFFF  }
0xee: {  	_ =	strace $0x90000053  }
0xef: {  	s0 =	stileid.u32;
	[bflag:$0x2] =	sbarrier.arrive $0xFFFF  }
0xf0: {  	p0 =	sne.s32 s0, $0x0;
	s0 =	rddreg [dreg:$0x2]  }
0xf1: {  	s0 =	sadd.s32 @!p0 $0x100000, s0  }
0xf2: {  	[sflag:s0] =	ssyncadd.tile.s32 @!p0 $0x1;
	_ =	shalt  }
.Lfunc_end2:
_tile_overlayer_lowered:
.L_overlay_start_2:
0xf3: {  	(tag) =	ssettag $0x2  }
0xf4: {  	s0 =	rddreg [dreg:$0x0];
	s2 =	stileid.u32  }
0xf5: {  	s1 =	rddreg [dreg:$0x1];
	p0 =	sne.s32 s2, $0x0  }
0xf6: {  	s3 =	rddreg [dreg:$0x2];
	[bflag:$0x3] =	sbarrier.arrive $0xFFFF;
	s2 =	simm.s32 @!p0 $0x1C03  }
0xf7: {  	[timem:s3], [sflag:s2] =	dma.local @!p0 [hbm:s0], s1  }
0xf8: {  	s0 =	simm.s32 @!p0 $0x3  }
0xf9: {  	_ =	swait.ge @!p0 [sflag:s0], s1  }
0xfa: {  	s1 =	ssub.s32 @!p0 $0x0, s1;
	[sflag:s0] =	ssyncset.done @!p0 $0x0  }
0xfb: {  	[sflag:s0] =	ssyncadd.s32 @!p0 s1  }
0xfc: {  	[bflag:$0x3] =	sbarrier.arrive $0xFFFF  }
0xfd: {  	_ =	shalt  }

// kernel: kernel.19.cloned.1.call-start
scs
__scs_entry_jumppad:
0x0: {  	(pc) =	sbr.rel $0x88, $3  }
0x1: {  	(tag) =	ssettag $0x0;
	lr =	simm.s32 $0x1  }
0x2: {  	[smem:$0x3F87] =	sst lr;
	_ =	strace $0xD0000000  }
0x3: {  	_ = 	snop  }
0x4: {  	_ = 	snop  }
0x5: {  	_ = 	snop  }
0x6: {  	_ = 	snop  }
0x7: {  	_ = 	snop  }
__scs_overlays_trampoline_lowered:
0x8: {  	[smem:$0x3F96] =	sst s0  }
0x9: {  	[smem:$0x3F97] =	sst s1  }
0xa: {  	[smem:$0x3F98] =	sst s2  }
0xb: {  	[smem:$0x3F99] =	sst s3  }
0xc: {  	[smem:$0x3F9A] =	sst s4  }
0xd: {  	[smem:$0x3F9B] =	sst s5  }
0xe: {  	[smem:$0x3F9C] =	sst s6  }
0xf: {  	[smem:$0x3F9D] =	sst s7  }
0x10: {  	[smem:$0x3F9E] =	sst s8  }
0x11: {  	[smem:$0x3F9F] =	sst s9;
	s0 =	simm.s32 @!p0 $0x0  }
0x12: {  	s1 =	sld [smem:$0x3F85];
	s0 =	simm.s32 @p0 $0x1  }
0x13: {  	[smem:$0x3FA0] =	sst s0;
	s0 =	simm.s32 @!p1 $0x0  }
0x14: {  	s2 =	sld [smem:$0x3F84];
	s0 =	simm.s32 @p1 $0x1  }
0x15: {  	[smem:$0x3FA1] =	sst s0;
	s0 =	simm.s32 @!p2 $0x0  }
0x16: {  	s3 =	sld [smem:$0x3FDB];
	s0 =	simm.s32 @p2 $0x1  }
0x17: {  	s4 =	simm.s32 $0x1BF5;
	[smem:$0x3FA3] =	sst s0  }
0x18: {  	s0 =	sld [smem:$0x3F86];
	_ =	swait.ge [sflag:s4], $0x0  }
0x19: {  	s7 =	sld [smem:$0x3F87]  }
0x1a: {  	s8 =	sadd.s32 $0xFFFFE003, lr  }
0x1b: {  	s9 =	sadd.s32 $0xFFFFFEF7, lr;
	s5 =	simm.s32 $0xFFFFFFFF;
	p2 =	slt.u32 s8, $0xFFFFF086  }
0x1c: {  	p1 =	slt.u32 s9, $0xF7A;
	s5 =	simm.s32 @!p2 $0x0  }
0x1d: {  	s5 =	simm.s32 @p1 $0x1;
	p0 =	seq.s32 s7, s2  }
0x1e: {  	s7 =	smul.u32 @!p0 $0xF7A, s2;
	p2 =	seq.s32 @!p0 s5, $0x0  }
0x1f: {  	s9 =	smul.u32 $0xF7A, s1;
	s8 =	simm.s32 @!p0 $0x1BF5;
	p2 =	por !p2, p0  }
0x20: {  	[sflag:s8] =	ssyncset.s32 @!p0 $0xFFFFF086;
	s6 =	sadd.s32 @!p0 s3, s7;
	s7 =	simm.s32 @!p0 $0x108  }
0x21: {  	s3 =	sadd.s32 s3, s9;
	s6 =	sadd.s32 @!p0 $0x88, s6;
	s7 =	simm.s32 @p2 $0x1082  }
0x22: {  	[simem:s7], [sflag:s8] =	dma.local @!p0 [hbm:s6], $0xF7A  }
0x23: {  	s9 =	sor.u32 $0xD0000000, s2;
	s6 =	simm.s32 $0x108;
	_ =	swait.ge @!p0 [sflag:s8], $0x0  }
0x24: {  	s3 =	sadd.s32 $0x88, s3;
	s6 =	simm.s32 @!p1 $0x1082;
	[sflag:s4] =	ssyncset.s32 $0xFFFFF086  }
0x25: {  	[simem:s6], [sflag:s4] =	dma.local [hbm:s3], $0xF7A  }
0x26: {  	[smem:$0x3F87] =	sst s1;
	(tag) =	ssettag s2;
	_ =	strace s9  }
0x27: {  	s1 =	sld [smem:$0x3F97]  }
0x28: {  	s2 =	sld [smem:$0x3F98]  }
0x29: {  	s4 =	sld [smem:$0x3F9A]  }
0x2a: {  	p0 =	seq.s32 s5, $0x0;
	s5 =	sld [smem:$0x3F9B]  }
0x2b: {  	s6 =	sld [smem:$0x3F9C]  }
0x2c: {  	s7 =	sld [smem:$0x3F9D]  }
0x2d: {  	s3 =	simm.s32 $0x108;
	s8 =	sld [smem:$0x3F9E]  }
0x2e: {  	s3 =	simm.s32 @!p0 $0x1082;
	s9 =	sld [smem:$0x3F9F]  }
0x2f: {  	lr =	sadd.s32 s0, s3;
	s0 =	sld [smem:$0x3F96]  }
0x30: {  	s3 =	sld [smem:$0x3F99]  }
0x31: {  	[smem:$0x3FA2] =	sst s10  }
0x32: {  	s10 =	sld [smem:$0x3FA0];
	_ =	sdelay $0x3  }
0x33: {  	p0 =	seq.s32 s10, $0x1;
	s10 =	sld [smem:$0x3FA2];
	_ =	sdelay $0x3  }
0x34: {  	[smem:$0x3FA2] =	sst s10  }
0x35: {  	s10 =	sld [smem:$0x3FA1];
	_ =	sdelay $0x3  }
0x36: {  	p1 =	seq.s32 s10, $0x1;
	s10 =	sld [smem:$0x3FA2];
	_ =	sdelay $0x3  }
0x37: {  	[smem:$0x3FA2] =	sst s10  }
0x38: {  	s10 =	sld [smem:$0x3FA3]  }
0x39: {  	_ = 	snop;
	(pc) =	sbr.ind lr, $3  }
0x3a: {  	_ = 	snop  }
0x3b: {  	_ = 	snop  }
0x3c: {  	p2 =	seq.s32 s10, $0x1;
	s10 =	sld [smem:$0x3FA2]  }
0x3d: {  	_ =	shalt  }
0x3e: {  	_ =	shalt  }
0x3f: {  	_ =	shalt  }
0x40: {  	_ =	shalt  }
0x41: {  	_ =	shalt  }
0x42: {  	_ =	shalt  }
0x43: {  	_ =	shalt  }
0x44: {  	_ =	shalt  }
0x45: {  	_ =	shalt  }
0x46: {  	_ =	shalt  }
0x47: {  	_ =	shalt  }
0x48: {  	_ =	shalt  }
0x49: {  	_ =	shalt  }
0x4a: {  	_ =	shalt  }
0x4b: {  	_ =	shalt  }
0x4c: {  	_ =	shalt  }
0x4d: {  	_ =	shalt  }
0x4e: {  	_ =	shalt  }
0x4f: {  	_ =	shalt  }
0x50: {  	_ =	shalt  }
0x51: {  	_ =	shalt  }
0x52: {  	_ =	shalt  }
0x53: {  	_ =	shalt  }
0x54: {  	_ =	shalt  }
0x55: {  	_ =	shalt  }
0x56: {  	_ =	shalt  }
0x57: {  	_ =	shalt  }
0x58: {  	_ =	shalt  }
0x59: {  	_ =	shalt  }
0x5a: {  	_ =	shalt  }
0x5b: {  	_ =	shalt  }
0x5c: {  	_ =	shalt  }
0x5d: {  	_ =	shalt  }
0x5e: {  	_ =	shalt  }
0x5f: {  	_ =	shalt  }
0x60: {  	_ =	shalt  }
0x61: {  	_ =	shalt  }
0x62: {  	_ =	shalt  }
0x63: {  	_ =	shalt  }
0x64: {  	_ =	shalt  }
0x65: {  	_ =	shalt  }
0x66: {  	_ =	shalt  }
0x67: {  	_ =	shalt  }
0x68: {  	_ =	shalt  }
0x69: {  	_ =	shalt  }
0x6a: {  	_ =	shalt  }
0x6b: {  	_ =	shalt  }
0x6c: {  	_ =	shalt  }
0x6d: {  	_ =	shalt  }
0x6e: {  	_ =	shalt  }
0x6f: {  	_ =	shalt  }
0x70: {  	_ =	shalt  }
0x71: {  	_ =	shalt  }
0x72: {  	_ =	shalt  }
0x73: {  	_ =	shalt  }
0x74: {  	_ =	shalt  }
0x75: {  	_ =	shalt  }
0x76: {  	_ =	shalt  }
0x77: {  	_ =	shalt  }
0x78: {  	_ =	shalt  }
0x79: {  	_ =	shalt  }
0x7a: {  	_ =	shalt  }
0x7b: {  	_ =	shalt  }
0x7c: {  	_ =	shalt  }
0x7d: {  	_ =	shalt  }
0x7e: {  	_ =	shalt  }
0x7f: {  	_ =	shalt  }
0x80: {  	_ =	shalt  }
0x81: {  	_ =	shalt  }
0x82: {  	_ =	shalt  }
0x83: {  	_ =	shalt  }
0x84: {  	_ =	shalt  }
0x85: {  	_ =	shalt  }
0x86: {  	_ =	shalt  }
0x87: {  	_ =	shalt  }
.Lfunc_end0:
.L_simem_size_0:
called_computation.5_lowered:
.L_overlay_start_0:
0x88: {  	s2 =	sld [smem:$0x3FD9]  }
0x89: {  	s3 =	sld [smem:$0x3FFE];
	_ =	sdelay $0x1  }
0x8a: {  	s1 =	srdreg.scid  }
0x8b: {  	s0 =	sand.u32 $0x1, s1  }
0x8c: {  	s16 =	sshll.u32 s0, $0xA;
	s2 =	sadd.s32 s3, s2  }
0x8d: {  	s2 =	sadd.s32 s2, s16  }
0x8e: {  	[smem:$0x3FAE] =	sst s2  }
0x8f: {  	_ = 	snop  }
0x90: {  	(tm) =	ssettm $0x1  }
0x91: {  	s17 =	sld [smem:$0x3FFB];
	_ =	sdelay $0x3  }
0x92: {  	_ =	strace s17  }
0x93: {  	s2 =	sld [smem:$0x3FFC];
	_ =	sdelay $0x3  }
0x94: {  	_ =	strace s2  }
0x95: {  	s2 =	sld [smem:$0x3FFD];
	_ =	sdelay $0x3  }
0x96: {  	_ =	strace s2  }
0x97: {  	_ =	strace $0x8FFFFFFF  }
0x98: {  	s18 =	sld [smem:$0x3FDB];
	_ =	sdelay $0x1  }
0x99: {  	s19 =	simm.s32 $_scs_section_size  }
0x9a: {  	s4 =	simm.s32 $_size__tile_overlayer_lowered;
	s5 =	simm.s32 $_tile_overlayer_lowered  }
0x9b: {  	s22 =	simm.s32 $0x1BFF;
	s21 =	sshll.u32 s5, $0x1;
	s2 =	sadd.s32 s19, s18  }
0x9c: {  	s6 =	simm.s32 $0x0;
	s20 =	sshll.u32 s4, $0x1;
	s4 =	sadd.s32 s21, s2  }
0x9d: {  	[timem:s6], [sflag:s22] =	dma.local [hbm:s4], s20  }
0x9e: {  	_ =	swait.ge [sflag:s22], s20  }
0x9f: {  	s3 =	ssub.s32 $0x0, s20;
	[sflag:s22] =	ssyncset.done $0x0  }
0xa0: {  	[sflag:s22] =	ssyncadd.s32 s3;
	_ =	sdelay $0x1  }
0xa1: {  	s23 =	simm.s32 $0x1B8B  }
0xa2: {  	_ =	swait.ge [sflag:s23], $0x1  }
0xa3: {  	[sflag:s23] =	ssyncset.done $0x0  }
0xa4: {  	s25 =	simm.s32 $0x1B8E;
	s24 =	sld [smem:$0x3FFE];
	[sflag:s23] =	ssyncadd.s32 $0xFFFFFFFF  }
0xa5: {  	s26 =	simm.s32 $execute0_lowered;
	[smem:$0x3FD2] =	sst s25  }
0xa6: {  	s4 =	sshll.u32 s26, $0x1;
	_ =	strace $0x80000055;
	[dreg:$0x1] =	wrdreg $0xFFFFFFFF  }
0xa7: {  	s28 =	simm.s32 $_size_execute0_lowered;
	s2 =	sadd.s32 s2, s4;
	[dreg:$0x0] =	wrdreg $0x0  }
0xa8: {  	s4 =	sshll.u32 s28, $0x1;
	[dreg:$0x2] =	wrdreg s2  }
0xa9: {  	[dreg:$0x3] =	wrdreg s4  }
0xaa: {  	[dreg:$0x4] =	wrdreg $0xC0  }
0xab: {  	_ =	task [dreg:s6], $0x5FFFF  }
0xac: {  	[dreg:$0x1] =	wrdreg $0xFFFFFFFF  }
0xad: {  	[dreg:$0x0] =	wrdreg $0x60  }
0xae: {  	[dreg:$0x2] =	wrdreg s24  }
0xaf: {  	[dreg:$0x3] =	wrdreg $0x7A000  }
0xb0: {  	[dreg:$0x4] =	wrdreg $0x9  }
0xb1: {  	_ =	task.clear_ibuf [dreg:s6], $0x5FFFF;
	_ =	strace $0x90000055  }
0xb2: {  	s29 =	simm.s32 $0x9;
	_ =	strace $0x80000057  }
0xb3: {  	_ =	swait.ge [sflag:s29], $0x1  }
0xb4: {  	[sflag:s29] =	ssyncadd.s32 $0xFFFFFFFF  }
0xb5: {  	_ =	strace $0x90000057  }
0xb6: {  	_ =	sfence  }
0xb7: {  	s30 =	sld [smem:$0x0];
	_ =	sdelay $0x2  }
0xb8: {  	s31 =	sshll.u32 s1, $0xD;
	s1 =	sshrl.u32 s1, $0x2  }
0xb9: {  	s3 =	sand.u32 $0x4000, s31;
	s1 =	sadd.s32 s1, s30  }
0xba: {  	s0 =	sor.u32 s3, s0;
	s1 =	sshll.u32 s1, $0x11  }
0xbb: {  	s0 =	sor.u32 s1, s0  }
0xbc: {  	s0 =	sadd.s32 $0x8F2B, s0  }
0xbd: {  	[sflag:s0] =	ssyncadd.remote.s32 $0x1  }
0xbe: {  	_ =	sfence.sel $0xFFFF  }
0xbf: {  	[dreg:$0x0] =	wrdreg $0xFFFFFFFF;
	(pc) =	sbr.abs _section_cstart, $3  }
0xc0: {  	[dreg:$0x1] =	wrdreg $0xFFFFFFFF  }
0xc1: {  	_ =	task.clear_ibuf [dreg:s6], $0x2FFFF;
	_ =	strace $0x9FFFFFFF  }
0xc2: {  	(tm) =	ssettm $0x7FFFFFFF  }
0xc3: {  	_ =	shalt  }
tec
execute0_lowered:
.L_overlay_start_1:
0x0: {  	(tag) =	ssettag $0x1  }
0x1: {  	s3 =	rddreg [dreg:$0x0]  }
0x2: {  	s1 =	rddreg [dreg:$0x1];
	s2 =	simm.s32 $0x0  }
0x3: {  	s0 =	srdreg.scid;
	s23 =	stileid.u32;
	s28 =	simm.s32 $0x5200  }
0x4: {  	s29 =	simm.s32 $0x3;
	s30 =	simm.s32 $0x100;
	s31 =	simm.s32 $0x50  }
0x5: {  	[smem:$0x7FF] =	sst s2;
	s8 =	sor.u32 $0x10, s23;
	s10 =	smul.u32 $0x50, s23  }
0x6: {  	s5 =	sand.u32 $0x1, s0;
	s9 =	sor.u32 $0x20, s23;
	s12 =	smul.u32 $0x50, s8  }
0x7: {  	s4 =	sadd.s32 $0x35400, s3;
	s11 =	sor.u32 $0x30, s23;
	s13 =	smul.u32 $0x50, s9  }
0x8: {  	s6 =	sadd.s32 $0x5C600, s3;
	s16 =	sor.u32 $0x40, s23;
	s26 =	smul.u32 $0x50, s11  }
0x9: {  	s17 =	sor.u32 $0x50, s23;
	s0 =	ssub.s32 $0x2, s5;
	s14 =	smul.u32 $0x50, s16  }
0xa: {  	s18 =	sor.u32 $0x60, s23;
	s15 =	smul.u32 $0x50, s17;
	s7 =	sshrl.u32 s0, $0x1  }
0xb: {  	s19 =	sor.u32 $0x70, s23;
	s0 =	ssub.s32 s0, s7;
	s7 =	smul.u32 $0x2710, s5  }
0xc: {  	p0 =	sgt.u32 s23, $0xC;
	_ =	strace $0x80000056;
	s24 =	smul.u32 $0x50, s18  }
0xd: {  	s8 =	smul.u32 $0xA000, s8;
	s10 =	sadd.s32 s10, s7;
	s25 =	sadd.s32 s7, s12  }
0xe: {  	s13 =	sadd.s32 s7, s13;
	s21 =	sadd.s32 s7, s14;
	s14 =	smul.u32 $0x27100, s5  }
0xf: {  	s12 =	sadd.s32 s7, s26;
	s22 =	sadd.s32 s7, s15;
	s15 =	smul.u32 $0x2710, s23  }
0x10: {  	s10 =	sshll.u32 s10, $0x4;
	s13 =	sshll.u32 s13, $0x4;
	s20 =	sshll.u32 s12, $0x4  }
0x11: {  	s12 =	sshll.u32 s21, $0x4;
	s21 =	sshll.u32 s5, $0x4;
	s10 =	sadd.s32 s6, s10  }
0x12: {  	s13 =	sadd.s32 s6, s13;
	s26 =	sadd.s32 s6, s12;
	[dreg:$0x3] =	wrdreg s10  }
0x13: {  	s10 =	sshll.u32 s25, $0x4;
	[dreg:$0x5] =	wrdreg s13;
	s25 =	smul.u32 $0x50, s19  }
0x14: {  	s13 =	sshll.u32 s22, $0x4;
	[dreg:$0x7] =	wrdreg s26;
	s22 =	smul.u32 $0xA000, s9  }
0x15: {  	s26 =	smul.u32 $0xA000, s16;
	s10 =	sadd.s32 s6, s10;
	s12 =	sadd.s32 s6, s13  }
0x16: {  	s13 =	sadd.s32 s7, s24;
	s24 =	smul.u32 $0xA000, s11;
	[dreg:$0x4] =	wrdreg s10  }
0x17: {  	s10 =	sadd.s32 s6, s20;
	[dreg:$0x8] =	wrdreg s12;
	s7 =	sadd.s32 s7, s25  }
0x18: {  	s20 =	smul.u32 $0xA000, s23;
	s25 =	sshrl.u32 s8, $0x2;
	s5 =	sshrl.u32 s22, $0x2  }
0x19: {  	s12 =	smul.u32 $0xA000, s18;
	[dreg:$0x6] =	wrdreg s10;
	s10 =	sshll.u32 s13, $0x4  }
0x1a: {  	s7 =	sshll.u32 s7, $0x4;
	s13 =	sadd.s32 $0x21200, s3;
	s16 =	sadd.s32 s25, s1  }
0x1b: {  	s11 =	sshrl.u32 s24, $0x2;
	s10 =	sadd.s32 s6, s10;
	s6 =	sadd.s32 s6, s7  }
0x1c: {  	s7 =	sadd.s32 s15, s14;
	s14 =	sadd.s32 $0x2B600, s3;
	s3 =	sor.u32 s23, s21  }
0x1d: {  	s18 =	sadd.s32 s11, s1;
	s21 =	smul.u32 $0xA000, s19;
	[dreg:$0x9] =	wrdreg s10  }
0x1e: {  	s24 =	sshrl.u32 s12, $0x2;
	[dreg:$0xa] =	wrdreg s6;
	s6 =	sshrl.u32 s20, $0x2  }
0x1f: {  	s10 =	smul.u32 $0xA000, s17;
	s17 =	sadd.s32 s5, s1;
	s20 =	sshrl.u32 s26, $0x2  }
0x20: {  	s3 =	smul.u32 $0x2710, s3;
	s5 =	simm.s32 $0x4;
	s15 =	sadd.s32 s6, s1  }
0x21: {  	s19 =	sadd.s32 s20, s1;
	s25 =	sshrl.u32 s21, $0x2;
	s22 =	sshrl.u32 s10, $0x2  }
0x22: {  	s21 =	sadd.s32 s24, s1;
	s3 =	sshrl.u32 s3, $0x3;
	s20 =	sadd.s32 s22, s1  }
0x23: {  	s22 =	sadd.s32 s25, s1;
	s26 =	sadd.s32 s13, s3;
	s3 =	sadd.s32 s14, s3  }
0x24: {  	s25 =	smax.u32 s0, $0x1;
	s0 =	simm.s32 $0x200;
	[dreg:$0xb] =	wrdreg s26  }
0x25: {  	v0 =	vimm.f32 $0.0e+00;
	[dreg:$0xc] =	wrdreg s3;
	s26 =	sadd.s32 $0x50, s7;
	s3 =	simm.s32 $0x1  }
.LBB2_1:
0x26: {  	s6 =	simm.s32 $0x0;
	s7 =	simm.s32 $0x200  }
.LBB2_2:
0x27: {  	p1 =	sne.s32 s7, $0x9E00;
	[tilespmem:s6+$0x5270] =	vst v0  }
0x28: {  	[tilespmem:s6+$0x5200] =	vst v0  }
0x29: {  	[tilespmem:s6+$0x5210] =	vst v0  }
.Ltmp0:
0x2a: {  	[tilespmem:s6+$0x5220] =	vst v0;
	(pc) =	sbr.rel @p1 .LBB2_2-.Ltmp0, $4  }
0x2b: {  	[tilespmem:s6+$0x5230] =	vst v0  }
0x2c: {  	[tilespmem:s6+$0x5240] =	vst v0  }
0x2d: {  	[tilespmem:s6+$0x5250] =	vst v0  }
0x2e: {  	[tilespmem:s6+$0x5260] =	vst v0;
	s6 =	sshra.s32 s7, $0x2;
	s7 =	sadd.s32 $0x200, s7  }
0x2f: {  	[tilespmem:s6+$0x5270] =	vst v0  }
0x30: {  	[tilespmem:s6+$0x5200] =	vst v0  }
0x31: {  	[tilespmem:s6+$0x5210] =	vst v0  }
0x32: {  	[tilespmem:s6+$0x5220] =	vst v0  }
0x33: {  	[tilespmem:s6+$0x5230] =	vst v0  }
0x34: {  	[tilespmem:s6+$0x5240] =	vst v0  }
0x35: {  	[tilespmem:s6+$0x5250] =	vst v0  }
0x36: {  	[tilespmem:s6+$0x5260] =	vst v0  }
0x37: {  	[spmem:s15] =	stream.linear.scatter [tilespmem:s28], [sflag:$0x3], $0x2800, $0x38;
	[tilespmem:$0x1B280] =	vst v63  }
0x38: {  	_ =	swait.ge [sflag:s29], $0x2800  }
0x39: {  	[sflag:s29] =	ssyncset.done $0x0  }
0x3a: {  	[sflag:s29] =	ssyncadd.s32 $0xFFFFD800  }
0x3b: {  	[spmem:s16] =	stream.linear.scatter [tilespmem:s28], [sflag:$0x3], $0x2800, $0x38;
	[tilespmem:$0x1B280] =	vst v63  }
0x3c: {  	_ =	swait.ge [sflag:s29], $0x2800  }
0x3d: {  	[sflag:s29] =	ssyncset.done $0x0  }
0x3e: {  	[sflag:s29] =	ssyncadd.s32 $0xFFFFD800  }
0x3f: {  	[spmem:s17] =	stream.linear.scatter [tilespmem:s28], [sflag:$0x3], $0x2800, $0x38;
	[tilespmem:$0x1B280] =	vst v63  }
0x40: {  	_ =	swait.ge [sflag:s29], $0x2800  }
0x41: {  	[sflag:s29] =	ssyncset.done $0x0  }
0x42: {  	[sflag:s29] =	ssyncadd.s32 $0xFFFFD800  }
0x43: {  	[spmem:s18] =	stream.linear.scatter [tilespmem:s28], [sflag:$0x3], $0x2800, $0x38;
	[tilespmem:$0x1B280] =	vst v63  }
0x44: {  	_ =	swait.ge [sflag:s29], $0x2800  }
0x45: {  	[sflag:s29] =	ssyncset.done $0x0  }
0x46: {  	[sflag:s29] =	ssyncadd.s32 $0xFFFFD800  }
0x47: {  	[spmem:s19] =	stream.linear.scatter [tilespmem:s28], [sflag:$0x3], $0x2800, $0x38;
	[tilespmem:$0x1B280] =	vst v63  }
0x48: {  	_ =	swait.ge [sflag:s29], $0x2800  }
0x49: {  	[sflag:s29] =	ssyncset.done $0x0  }
0x4a: {  	[sflag:s29] =	ssyncadd.s32 $0xFFFFD800  }
0x4b: {  	[spmem:s20] =	stream.linear.scatter [tilespmem:s28], [sflag:$0x3], $0x2800, $0x38;
	[tilespmem:$0x1B280] =	vst v63  }
0x4c: {  	_ =	swait.ge [sflag:s29], $0x2800  }
0x4d: {  	[sflag:s29] =	ssyncset.done $0x0  }
0x4e: {  	[sflag:s29] =	ssyncadd.s32 $0xFFFFD800  }
0x4f: {  	[spmem:s21] =	stream.linear.scatter [tilespmem:s28], [sflag:$0x3], $0x2800, $0x38;
	[tilespmem:$0x1B280] =	vst v63  }
0x50: {  	_ =	swait.ge [sflag:s29], $0x2800  }
0x51: {  	[sflag:s29] =	ssyncset.done $0x0  }
0x52: {  	s6 =	simm.s32 @!p0 $0x5200;
	[sflag:s29] =	ssyncadd.s32 $0xFFFFD800  }
0x53: {  	[spmem:s22] =	stream.linear.scatter @!p0 [tilespmem:s6], [sflag:$0x3], $0x2800, $0x38;
	[tilespmem:$0x1B280] =	vst v63  }
0x54: {  	s6 =	simm.s32 @!p0 $0x3  }
0x55: {  	_ =	swait.ge @!p0 [sflag:s6], $0x2800  }
0x56: {  	[sflag:s6] =	ssyncset.done @!p0 $0x0  }
0x57: {  	[sflag:s6] =	ssyncadd.s32 @!p0 $0xFFFFD800  }
0x58: {  	[bflag:$0x0] =	sbarrier.arrive $0xFFFF  }
0x59: {  	s11 =	simm.s32 $0x0;
	s7 =	rddreg [dreg:$0xb]  }
0x5a: {  	[tilespmem:s11], [sflag:$0x3] =	stream.linear.gather [hbm4b:s7+s11], $0x50, $0x38;
	[tilespmem:$0x1B280] =	vst v63  }
0x5b: {  	_ =	swait.ge [sflag:s29], $0x50  }
0x5c: {  	[sflag:s29] =	ssyncset.done $0x0  }
0x5d: {  	s12 =	rddreg [dreg:$0xc];
	[sflag:s29] =	ssyncadd.s32 $0xFFFFFFB0  }
0x5e: {  	[tilespmem:s30], [sflag:$0x3] =	stream.linear.gather [hbm4b:s12+s11], $0x50, $0x38;
	[tilespmem:$0x1B280] =	vst v63  }
0x5f: {  	s6 =	sand.u32 $0x1, s11;
	_ =	swait.ge [sflag:s29], $0x50  }
0x60: {  	p1 =	seq.s32 s6, $0x1;
	[sflag:s29] =	ssyncset.done $0x0  }
0x61: {  	s6 =	sshrl.u32 @p1 s26, $0x3;
	[sflag:s29] =	ssyncadd.s32 $0xFFFFFFB0  }
0x62: {  	[tilespmem:s0], [sflag:$0x1] =	stream.indirect.gather [hbm4b:s4+s31], $0x80, s11, s31, $0xb8;
	[tilespmem:$0x1B280] =	vst v63  }
0x63: {  	s9 =	simm.s32 @p1 $0x4;
	s7 =	simm.s32 @p1 $0x0;
	s8 =	sadd.s32 @p1 s13, s6  }
0x64: {  	[tilespmem:s7], [sflag:$0x4] =	stream.linear.gather @p1 [hbm4b:s8+s7], $0x50, $0x38;
	[tilespmem:$0x1B280] =	vst v63  }
0x65: {  	_ =	swait.ge @p1 [sflag:s9], $0x50  }
0x66: {  	[sflag:s9] =	ssyncset.done @p1 $0x0  }
0x67: {  	s6 =	sadd.s32 @p1 s14, s6;
	s8 =	simm.s32 @p1 $0x100;
	[sflag:s9] =	ssyncadd.s32 @p1 $0xFFFFFFB0  }
0x68: {  	[tilespmem:s8], [sflag:$0x4] =	stream.linear.gather @p1 [hbm4b:s6+s7], $0x50, $0x38;
	[tilespmem:$0x1B280] =	vst v63  }
0x69: {  	_ =	swait.ge @p1 [sflag:s9], $0x50  }
0x6a: {  	s6 =	simm.s32 @p1 $0x2;
	[sflag:s9] =	ssyncset.done @p1 $0x0  }
0x6b: {  	s8 =	simm.s32 @p1 $0x50;
	[sflag:s9] =	ssyncadd.s32 @p1 $0xFFFFFFB0;
	s9 =	simm.s32 @p1 $0x200  }
0x6c: {  	[tilespmem:s9], [sflag:$0x1] =	stream.indirect.gather @p1 [hbm4b:s4+s8], $0x80, s7, s8, $0xb8;
	[tilespmem:$0x1B280] =	vst v63  }
0x6d: {  	_ =	swait.ge @p1 [sflag:s6], $0x2800  }
0x6e: {  	s10 =	simm.s32 @p1 $0x2A00;
	s7 =	sshrl.u32 @!p1 s26, $0x3;
	[sflag:s6] =	ssyncset.done @p1 $0x0  }
0x6f: {  	s9 =	sadd.s32 @!p1 s13, s7;
	[sflag:s6] =	ssyncadd.s32 @p1 $0xFFFFD800;
	s6 =	simm.s32 @p1 $0x180  }
0x70: {  	[spmem:s1] =	stream.indirect.scatter.add.f32 @p1 [tilespmem:s10], [sflag:$0x3], $0x80, s6, s8, $0xb8;
	[tilespmem:$0x1B280] =	vst v63  }
0x71: {  	s6 =	simm.s32 @!p1 $0x0;
	s10 =	simm.s32 @!p1 $0x80;
	s8 =	simm.s32 @!p1 $0x4  }
0x72: {  	[tilespmem:s10], [sflag:$0x4] =	stream.linear.gather @!p1 [hbm4b:s9+s6], $0x50, $0x38;
	[tilespmem:$0x1B280] =	vst v63  }
0x73: {  	_ =	swait.ge @!p1 [sflag:s8], $0x50  }
0x74: {  	[sflag:s8] =	ssyncset.done @!p1 $0x0  }
0x75: {  	s7 =	sadd.s32 @!p1 s14, s7;
	s9 =	simm.s32 @!p1 $0x180;
	[sflag:s8] =	ssyncadd.s32 @!p1 $0xFFFFFFB0  }
0x76: {  	[tilespmem:s9], [sflag:$0x4] =	stream.linear.gather @!p1 [hbm4b:s7+s6], $0x50, $0x38;
	[tilespmem:$0x1B280] =	vst v63  }
0x77: {  	_ =	swait.ge @!p1 [sflag:s8], $0x50  }
0x78: {  	s6 =	simm.s32 @!p1 $0x1;
	[sflag:s8] =	ssyncset.done @!p1 $0x0  }
0x79: {  	s7 =	simm.s32 @!p1 $0x50;
	s9 =	simm.s32 @!p1 $0x2A00;
	[sflag:s8] =	ssyncadd.s32 @!p1 $0xFFFFFFB0  }
0x7a: {  	[tilespmem:s9], [sflag:$0x2] =	stream.indirect.gather @!p1 [hbm4b:s4+s7], $0x80, s10, s7, $0xb8;
	[tilespmem:$0x1B280] =	vst v63  }
0x7b: {  	_ =	swait.ge @!p1 [sflag:s6], $0x2800  }
0x7c: {  	s23 =	simm.s32 $0x1;
	[sflag:s6] =	ssyncset.done @!p1 $0x0  }
0x7d: {  	s10 =	simm.s32 @!p1 $0x200;
	[sflag:s6] =	ssyncadd.s32 @!p1 $0xFFFFD800;
	s6 =	simm.s32 @!p1 $0x100  }
0x7e: {  	[spmem:s1] =	stream.indirect.scatter.add.f32 @!p1 [tilespmem:s10], [sflag:$0x4], $0x80, s6, s7, $0xb8;
	[tilespmem:$0x1B280] =	vst v63  }
0x7f: {  	s24 =	sand.u32 $0x1, s23;
	s8 =	simm.s32 @p1 $0x3;
	s7 =	simm.s32 $0x2  }
0x80: {  	p1 =	seq.s32 s24, $0x1;
	s6 =	sadd.s32 $0x50, s26;
	_ =	swait.ge [sflag:s8], $0x2800  }
0x81: {  	s11 =	sshrl.u32 @p1 s6, $0x3;
	s10 =	simm.s32 @p1 $0x0;
	[sflag:s8] =	ssyncset.done $0x0  }
.LBB2_4:
0x82: {  	s12 =	sadd.s32 @p1 s13, s11  }
0x83: {  	s23 =	simm.s32 @p1 $0x4;
	[sflag:s8] =	ssyncadd.s32 $0xFFFFD800;
	s9 =	smov.u32 s7  }
0x84: {  	[tilespmem:s10], [sflag:$0x4] =	stream.linear.gather @p1 [hbm4b:s12+s10], $0x50, $0x38;
	[tilespmem:$0x1B280] =	vst v63  }
0x85: {  	s7 =	sadd.s32 $0x1, s7;
	s8 =	sshrl.u32 @!p1 s6, $0x3;
	_ =	swait.ge @p1 [sflag:s23], $0x50  }
0x86: {  	s12 =	sadd.s32 @!p1 s13, s8;
	s24 =	sadd.s32 @!p1 s14, s8;
	[sflag:s23] =	ssyncset.done @p1 $0x0  }
0x87: {  	s8 =	sadd.s32 @p1 s14, s11;
	s11 =	simm.s32 @p1 $0x100;
	[sflag:s23] =	ssyncadd.s32 @p1 $0xFFFFFFB0  }
0x88: {  	[tilespmem:s11], [sflag:$0x4] =	stream.linear.gather @p1 [hbm4b:s8+s10], $0x50, $0x38;
	[tilespmem:$0x1B280] =	vst v63  }
0x89: {  	p2 =	sne.s32 s7, $0x7C;
	_ =	swait.ge @p1 [sflag:s23], $0x50  }
0x8a: {  	s8 =	simm.s32 @p1 $0x2;
	[sflag:s23] =	ssyncset.done @p1 $0x0  }
0x8b: {  	s11 =	simm.s32 @p1 $0x50;
	[sflag:s23] =	ssyncadd.s32 @p1 $0xFFFFFFB0;
	s23 =	simm.s32 @p1 $0x200  }
0x8c: {  	[tilespmem:s23], [sflag:$0x1] =	stream.indirect.gather @p1 [hbm4b:s4+s11], $0x80, s10, s11, $0xb8;
	[tilespmem:$0x1B280] =	vst v63  }
0x8d: {  	_ =	swait.ge @p1 [sflag:s8], $0x2800  }
0x8e: {  	[sflag:s8] =	ssyncset.done @p1 $0x0  }
0x8f: {  	s10 =	simm.s32 @p1 $0x2A00;
	[sflag:s8] =	ssyncadd.s32 @p1 $0xFFFFD800;
	s8 =	simm.s32 @p1 $0x180  }
0x90: {  	[spmem:s1] =	stream.indirect.scatter.add.f32 @p1 [tilespmem:s10], [sflag:$0x3], $0x80, s8, s11, $0xb8;
	[tilespmem:$0x1B280] =	vst v63  }
0x91: {  	s10 =	simm.s32 @!p1 $0x0;
	s11 =	simm.s32 @!p1 $0x80;
	s8 =	simm.s32 @!p1 $0x4  }
0x92: {  	[tilespmem:s11], [sflag:$0x4] =	stream.linear.gather @!p1 [hbm4b:s12+s10], $0x50, $0x38;
	[tilespmem:$0x1B280] =	vst v63  }
0x93: {  	_ =	swait.ge @!p1 [sflag:s8], $0x50  }
0x94: {  	[sflag:s8] =	ssyncset.done @!p1 $0x0  }
0x95: {  	s12 =	simm.s32 @!p1 $0x180;
	[sflag:s8] =	ssyncadd.s32 @!p1 $0xFFFFFFB0  }
0x96: {  	[tilespmem:s12], [sflag:$0x4] =	stream.linear.gather @!p1 [hbm4b:s24+s10], $0x50, $0x38;
	[tilespmem:$0x1B280] =	vst v63  }
0x97: {  	_ =	swait.ge @!p1 [sflag:s8], $0x50  }
0x98: {  	s10 =	simm.s32 @!p1 $0x1;
	[sflag:s8] =	ssyncset.done @!p1 $0x0  }
0x99: {  	s23 =	simm.s32 @!p1 $0x2A00;
	s12 =	simm.s32 @!p1 $0x50;
	[sflag:s8] =	ssyncadd.s32 @!p1 $0xFFFFFFB0  }
0x9a: {  	[tilespmem:s23], [sflag:$0x2] =	stream.indirect.gather @!p1 [hbm4b:s4+s12], $0x80, s11, s12, $0xb8;
	[tilespmem:$0x1B280] =	vst v63  }
0x9b: {  	s11 =	simm.s32 @!p1 $0x200;
	_ =	swait.ge @!p1 [sflag:s10], $0x2800  }
.Ltmp1:
0x9c: {  	s23 =	simm.s32 @!p1 $0x100;
	[sflag:s10] =	ssyncset.done @!p1 $0x0;
	(pc) =	sbr.rel @p2 .LBB2_4-.Ltmp1, $4  }
0x9d: {  	s9 =	sand.u32 $0x1, s9;
	s8 =	simm.s32 @p1 $0x3;
	[sflag:s10] =	ssyncadd.s32 @!p1 $0xFFFFD800  }
0x9e: {  	[spmem:s1] =	stream.indirect.scatter.add.f32 @!p1 [tilespmem:s11], [sflag:$0x4], $0x80, s23, s12, $0xb8;
	[tilespmem:$0x1B280] =	vst v63  }
0x9f: {  	s6 =	sadd.s32 $0x50, s6;
	p1 =	seq.s32 s9, $0x1;
	_ =	swait.ge [sflag:s8], $0x2800  }
0xa0: {  	s11 =	sshrl.u32 @p1 s6, $0x3;
	s10 =	simm.s32 @p1 $0x0;
	[sflag:s8] =	ssyncset.done $0x0  }
0xa1: {  	s7 =	sadd.s32 @p1 s13, s11;
	[sflag:s8] =	ssyncadd.s32 $0xFFFFD800;
	s8 =	simm.s32 @p1 $0x4  }
0xa2: {  	[tilespmem:s10], [sflag:$0x4] =	stream.linear.gather @p1 [hbm4b:s7+s10], $0x50, $0x38;
	[tilespmem:$0x1B280] =	vst v63  }
0xa3: {  	_ =	swait.ge @p1 [sflag:s8], $0x50  }
0xa4: {  	[sflag:s8] =	ssyncset.done @p1 $0x0  }
0xa5: {  	s9 =	simm.s32 @p1 $0x100;
	s7 =	sadd.s32 @p1 s14, s11;
	[sflag:s8] =	ssyncadd.s32 @p1 $0xFFFFFFB0  }
0xa6: {  	[tilespmem:s9], [sflag:$0x4] =	stream.linear.gather @p1 [hbm4b:s7+s10], $0x50, $0x38;
	[tilespmem:$0x1B280] =	vst v63  }
0xa7: {  	_ =	swait.ge @p1 [sflag:s8], $0x50  }
0xa8: {  	s7 =	simm.s32 @p1 $0x2;
	[sflag:s8] =	ssyncset.done @p1 $0x0  }
0xa9: {  	s9 =	simm.s32 @p1 $0x200;
	[sflag:s8] =	ssyncadd.s32 @p1 $0xFFFFFFB0;
	s8 =	simm.s32 @p1 $0x50  }
0xaa: {  	[tilespmem:s9], [sflag:$0x1] =	stream.indirect.gather @p1 [hbm4b:s4+s8], $0x80, s10, s8, $0xb8;
	[tilespmem:$0x1B280] =	vst v63  }
0xab: {  	s6 =	sshrl.u32 @!p1 s6, $0x3;
	_ =	swait.ge @p1 [sflag:s7], $0x2800  }
0xac: {  	s9 =	sadd.s32 @!p1 s13, s6;
	[sflag:s7] =	ssyncset.done @p1 $0x0  }
0xad: {  	s10 =	simm.s32 @p1 $0x2A00;
	[sflag:s7] =	ssyncadd.s32 @p1 $0xFFFFD800;
	s7 =	simm.s32 @p1 $0x180  }
0xae: {  	[spmem:s1] =	stream.indirect.scatter.add.f32 @p1 [tilespmem:s10], [sflag:$0x3], $0x80, s7, s8, $0xb8;
	[tilespmem:$0x1B280] =	vst v63  }
0xaf: {  	s7 =	simm.s32 @!p1 $0x0;
	s8 =	simm.s32 @!p1 $0x80;
	s10 =	simm.s32 @!p1 $0x4  }
0xb0: {  	[tilespmem:s8], [sflag:$0x4] =	stream.linear.gather @!p1 [hbm4b:s9+s7], $0x50, $0x38;
	[tilespmem:$0x1B280] =	vst v63  }
0xb1: {  	_ =	swait.ge @!p1 [sflag:s10], $0x50  }
0xb2: {  	[sflag:s10] =	ssyncset.done @!p1 $0x0  }
0xb3: {  	s6 =	sadd.s32 @!p1 s14, s6;
	s9 =	simm.s32 @!p1 $0x180;
	[sflag:s10] =	ssyncadd.s32 @!p1 $0xFFFFFFB0  }
0xb4: {  	[tilespmem:s9], [sflag:$0x4] =	stream.linear.gather @!p1 [hbm4b:s6+s7], $0x50, $0x38;
	[tilespmem:$0x1B280] =	vst v63  }
0xb5: {  	_ =	swait.ge @!p1 [sflag:s10], $0x50  }
0xb6: {  	[sflag:s10] =	ssyncset.done @!p1 $0x0  }
0xb7: {  	s6 =	simm.s32 @!p1 $0x50;
	s7 =	simm.s32 @!p1 $0x2A00;
	[sflag:s10] =	ssyncadd.s32 @!p1 $0xFFFFFFB0  }
0xb8: {  	[tilespmem:s7], [sflag:$0x2] =	stream.indirect.gather @!p1 [hbm4b:s4+s6], $0x80, s8, s6, $0xb8;
	[tilespmem:$0x1B280] =	vst v63  }
0xb9: {  	s7 =	simm.s32 @!p1 $0x1  }
0xba: {  	_ =	swait.ge @!p1 [sflag:s7], $0x2800  }
0xbb: {  	s10 =	simm.s32 @p1 $0x3;
	[sflag:s7] =	ssyncset.done @!p1 $0x0  }
0xbc: {  	s8 =	simm.s32 @!p1 $0x200;
	[sflag:s7] =	ssyncadd.s32 @!p1 $0xFFFFD800;
	s7 =	simm.s32 @!p1 $0x100  }
0xbd: {  	[spmem:s1] =	stream.indirect.scatter.add.f32 @!p1 [tilespmem:s8], [sflag:$0x4], $0x80, s7, s6, $0xb8;
	[tilespmem:$0x1B280] =	vst v63  }
0xbe: {  	_ =	swait.ge [sflag:s10], $0x2800  }
0xbf: {  	[sflag:s10] =	ssyncset.done $0x0  }
0xc0: {  	[sflag:s10] =	ssyncadd.s32 $0xFFFFD800  }
0xc1: {  	_ =	swait.ge [sflag:s3], $0x2800  }
0xc2: {  	[sflag:s3] =	ssyncset.done $0x0  }
0xc3: {  	[sflag:s3] =	ssyncadd.s32 $0xFFFFD800  }
0xc4: {  	[spmem:s1] =	stream.indirect.scatter.add.f32 [tilespmem:s0], [sflag:$0x4], $0x80, s30, s31, $0xb8;
	[tilespmem:$0x1B280] =	vst v63  }
0xc5: {  	_ =	swait.ge [sflag:s5], $0x2800  }
0xc6: {  	[sflag:s5] =	ssyncset.done $0x0  }
0xc7: {  	s12 =	stileid.u32;
	[sflag:s5] =	ssyncadd.s32 $0xFFFFD800  }
0xc8: {  	s6 =	sshll.u32 s12, $0x6;
	[bflag:$0x0] =	sbarrier.arrive $0xFFFF  }
0xc9: {  	s23 =	sshrl.u32 s15, $0x3;
	s6 =	sor.u32 $0x1C03, s6;
	s24 =	rddreg [dreg:$0x3]  }
0xca: {  	[hbm:s24], [sflag:s6] =	dma.local [spmem:s23], $0x500  }
0xcb: {  	_ =	swait.ge [sflag:s29], $0x500  }
0xcc: {  	[sflag:s29] =	ssyncset.done $0x0  }
0xcd: {  	s9 =	sshrl.u32 s16, $0x3;
	s10 =	rddreg [dreg:$0x4];
	[sflag:s29] =	ssyncadd.s32 $0xFFFFFB00  }
0xce: {  	[hbm:s10], [sflag:s6] =	dma.local [spmem:s9], $0x500  }
0xcf: {  	_ =	swait.ge [sflag:s29], $0x500  }
0xd0: {  	[sflag:s29] =	ssyncset.done $0x0  }
0xd1: {  	s11 =	sshrl.u32 s17, $0x3;
	s12 =	rddreg [dreg:$0x5];
	[sflag:s29] =	ssyncadd.s32 $0xFFFFFB00  }
0xd2: {  	[hbm:s12], [sflag:s6] =	dma.local [spmem:s11], $0x500  }
0xd3: {  	_ =	swait.ge [sflag:s29], $0x500  }
0xd4: {  	[sflag:s29] =	ssyncset.done $0x0  }
0xd5: {  	s23 =	sshrl.u32 s18, $0x3;
	s24 =	rddreg [dreg:$0x6];
	[sflag:s29] =	ssyncadd.s32 $0xFFFFFB00  }
0xd6: {  	[hbm:s24], [sflag:s6] =	dma.local [spmem:s23], $0x500  }
0xd7: {  	_ =	swait.ge [sflag:s29], $0x500  }
0xd8: {  	[sflag:s29] =	ssyncset.done $0x0  }
0xd9: {  	s9 =	sshrl.u32 s19, $0x3;
	s10 =	rddreg [dreg:$0x7];
	[sflag:s29] =	ssyncadd.s32 $0xFFFFFB00  }
0xda: {  	[hbm:s10], [sflag:s6] =	dma.local [spmem:s9], $0x500  }
0xdb: {  	_ =	swait.ge [sflag:s29], $0x500  }
0xdc: {  	[sflag:s29] =	ssyncset.done $0x0  }
0xdd: {  	s11 =	sshrl.u32 s20, $0x3;
	s12 =	rddreg [dreg:$0x8];
	[sflag:s29] =	ssyncadd.s32 $0xFFFFFB00  }
0xde: {  	[hbm:s12], [sflag:s6] =	dma.local [spmem:s11], $0x500  }
0xdf: {  	_ =	swait.ge [sflag:s29], $0x500  }
0xe0: {  	[sflag:s29] =	ssyncset.done $0x0  }
0xe1: {  	s23 =	sshrl.u32 s21, $0x3;
	s24 =	rddreg [dreg:$0x9];
	[sflag:s29] =	ssyncadd.s32 $0xFFFFFB00  }
0xe2: {  	[hbm:s24], [sflag:s6] =	dma.local [spmem:s23], $0x500  }
0xe3: {  	_ =	swait.ge [sflag:s29], $0x500  }
0xe4: {  	s2 =	sadd.s32 $0x1, s2;
	s7 =	sshrl.u32 @!p0 s22, $0x3;
	[sflag:s29] =	ssyncset.done $0x0  }
0xe5: {  	p1 =	sne.s32 s2, s25;
	s8 =	rddreg [dreg:$0xa];
	[sflag:s29] =	ssyncadd.s32 $0xFFFFFB00  }
0xe6: {  	[hbm:s8], [sflag:s6] =	dma.local @!p0 [spmem:s7], $0x500  }
.Ltmp2:
0xe7: {  	_ = 	snop;
	(pc) =	sbr.rel @p1 .LBB2_1-.Ltmp2, $4  }
0xe8: {  	s6 =	simm.s32 @!p0 $0x3  }
0xe9: {  	_ =	swait.ge @!p0 [sflag:s6], $0x500  }
0xea: {  	[sflag:s6] =	ssyncset.done @!p0 $0x0  }
0xeb: {  	[sflag:s6] =	ssyncadd.s32 @!p0 $0xFFFFFB00  }
0xec: {  	_ =	sfence.sel $0x180000  }
0xed: {  	[bflag:$0x0] =	sbarrier.arrive $0xFFFF  }
0xee: {  	_ =	strace $0x90000056  }
0xef: {  	s0 =	stileid.u32;
	[bflag:$0x2] =	sbarrier.arrive $0xFFFF  }
0xf0: {  	p0 =	sne.s32 s0, $0x0;
	s0 =	rddreg [dreg:$0x2]  }
0xf1: {  	s0 =	sadd.s32 @!p0 $0x100000, s0  }
0xf2: {  	[sflag:s0] =	ssyncadd.tile.s32 @!p0 $0x1;
	_ =	shalt  }
.Lfunc_end2:
_tile_overlayer_lowered:
.L_overlay_start_2:
0xf3: {  	(tag) =	ssettag $0x2  }
0xf4: {  	s0 =	rddreg [dreg:$0x0];
	s2 =	stileid.u32  }
0xf5: {  	s1 =	rddreg [dreg:$0x1];
	p0 =	sne.s32 s2, $0x0  }
0xf6: {  	s3 =	rddreg [dreg:$0x2];
	[bflag:$0x3] =	sbarrier.arrive $0xFFFF;
	s2 =	simm.s32 @!p0 $0x1C03  }
0xf7: {  	[timem:s3], [sflag:s2] =	dma.local @!p0 [hbm:s0], s1  }
0xf8: {  	s0 =	simm.s32 @!p0 $0x3  }
0xf9: {  	_ =	swait.ge @!p0 [sflag:s0], s1  }
0xfa: {  	s1 =	ssub.s32 @!p0 $0x0, s1;
	[sflag:s0] =	ssyncset.done @!p0 $0x0  }
0xfb: {  	[sflag:s0] =	ssyncadd.s32 @!p0 s1  }
0xfc: {  	[bflag:$0x3] =	sbarrier.arrive $0xFFFF  }
0xfd: {  	_ =	shalt  }

</sc_bundles>
